<compile_context>
chip_gen: v7x
topology: tpu7x:2x2x1
jax: 0.10.2.dev20260603
libtpu: 0.0.44.dev20260713+nightly
codegen_flags: <defaults>
</compile_context>

<pallas_src>
import jax
import jax.numpy as jnp
from jax import lax
from jax.experimental import pallas as pl
from jax.experimental.pallas import tpu as pltpu
from jax.experimental.pallas import tpu_sc as plsc

NC = 2
NS = 16
NW = NC * NS
BATCH = 128
ICH = 8


def _zero_loop(buf, feat):
    zero16 = jnp.zeros((16,), jnp.float32)

    @pl.loop(0, BATCH)
    def _(r):
        @pl.loop(0, feat, step=16)
        def _(cc):
            buf[r, pl.ds(cc, 16)] = zero16


def _zero_slice(zbuf, dest, base, rows_per_tile):
    n_full = rows_per_tile // BATCH
    rem = rows_per_tile % BATCH
    for kz in range(n_full):
        pltpu.sync_copy(zbuf, dest.at[pl.ds(base + kz * BATCH, BATCH)])
    if rem:
        pltpu.sync_copy(zbuf.at[pl.ds(0, rem)],
                        dest.at[pl.ds(base + n_full * BATCH, rem)])


def _make_sc_agg(n_pad, feat, r0, r1, ich):
    mesh = plsc.VectorSubcoreMesh(core_axis_name="c", subcore_axis_name="s")
    rows_per_tile = n_pad // NS

    def body(x_hbm, src_hbm, dst_hbm, parts_hbm, idx_src, idx_dst, rows0,
             rows1, accum, gsem0, gsem1, ssem0, ssem1):
        cid = lax.axis_index("c")
        sid = lax.axis_index("s")
        base = sid * rows_per_tile
        rows = (rows0, rows1)
        gsem = (gsem0, gsem1)
        ssem = (ssem0, ssem1)

        _zero_loop(rows0, feat)
        _zero_slice(rows0, accum, base, rows_per_tile)
        plsc.subcore_barrier()

        def edge_chunk(ibase):
            pltpu.sync_copy(src_hbm.at[pl.ds(ibase, ich)], idx_src)
            pltpu.sync_copy(dst_hbm.at[pl.ds(ibase, ich)], idx_dst)

            h_g = [None] * ich
            h_s = [None] * ich
            for j in range(min(2, ich)):
                h_g[j] = pltpu.async_copy(x_hbm.at[idx_src.at[j]],
                                          rows[j % 2], gsem[j % 2])
            for j in range(ich):
                h_g[j].wait()
                h_s[j] = pltpu.async_copy(rows[j % 2],
                                          accum.at[idx_dst.at[j]],
                                          ssem[j % 2], add=True)
                nj = j + 2
                if nj < ich:
                    h_s[j].wait()
                    h_g[nj] = pltpu.async_copy(x_hbm.at[idx_src.at[nj]],
                                               rows[nj % 2], gsem[nj % 2])
            for j in range(max(ich - 2, 0), ich):
                h_s[j].wait()

        @pl.when(cid == 0)
        def _():
            @pl.loop(0, r0 // ich)
            def _(ci):
                edge_chunk(sid * r0 + ci * ich)

        @pl.when(cid == 1)
        def _():
            @pl.loop(0, r1 // ich)
            def _(ci):
                edge_chunk(NS * r0 + sid * r1 + ci * ich)

        plsc.subcore_barrier()
        pltpu.sync_copy(accum.at[pl.ds(base, rows_per_tile)],
                        parts_hbm.at[cid, pl.ds(base, rows_per_tile)])

    return pl.kernel(
        body, mesh=mesh,
        out_type=jax.ShapeDtypeStruct((NC, n_pad, feat), jnp.float32),
        scratch_types=[
            pltpu.VMEM((ich, BATCH), jnp.int32),
            pltpu.VMEM((ich, BATCH), jnp.int32),
            pltpu.VMEM((BATCH, feat), jnp.float32),
            pltpu.VMEM((BATCH, feat), jnp.float32),
            pltpu.VMEM_SHARED((n_pad, feat), jnp.float32),
            pltpu.SemaphoreType.DMA,
            pltpu.SemaphoreType.DMA,
            pltpu.SemaphoreType.DMA,
            pltpu.SemaphoreType.DMA,
        ])


def _make_sc_deg(n_pad, idx_rows):
    mesh = plsc.VectorSubcoreMesh(core_axis_name="c", subcore_axis_name="s")
    rows_per_tile = n_pad // NS
    n_idx_chunks = idx_rows // ICH

    def body(dst_hbm, deg_hbm, idx_dst, ones_v, dega):
        cid = lax.axis_index("c")
        sid = lax.axis_index("s")
        wid = cid * NS + sid
        base = sid * rows_per_tile

        _zero_loop(ones_v, BATCH)
        _zero_slice(ones_v, dega, base, rows_per_tile)
        one16 = jnp.ones((16,), jnp.float32)

        @pl.loop(0, BATCH)
        def _(r):
            @pl.loop(0, BATCH, step=16)
            def _(cc):
                ones_v[r, pl.ds(cc, 16)] = one16

        plsc.subcore_barrier()

        @pl.loop(0, n_idx_chunks)
        def _(ci):
            ibase = wid * idx_rows + ci * ICH
            pltpu.sync_copy(dst_hbm.at[pl.ds(ibase, ICH)], idx_dst)

            @pl.loop(0, ICH)
            def _(j):
                pltpu.sync_copy(ones_v, dega.at[idx_dst.at[j]], add=True)

        plsc.subcore_barrier()
        pltpu.sync_copy(dega.at[pl.ds(base, rows_per_tile)],
                        deg_hbm.at[cid, pl.ds(base, rows_per_tile)])

    return pl.kernel(
        body, mesh=mesh,
        out_type=jax.ShapeDtypeStruct((NC, n_pad, BATCH), jnp.float32),
        scratch_types=[
            pltpu.VMEM((ICH, BATCH), jnp.int32),
            pltpu.VMEM((BATCH, BATCH), jnp.float32),
            pltpu.VMEM_SHARED((n_pad, BATCH), jnp.float32),
        ])


def _combine(x_p, p0, p1, d0, d1, w_self, w_neigh, b, relu):
    n_pad, feat = x_p.shape
    blk = n_pad // 16
    grid = (n_pad // blk,)

    def body(x_ref, p0_ref, p1_ref, d0_ref, d1_ref, ws_ref, wn_ref, b_ref,
             o_ref):
        deg = d0_ref[:, 0:1] + d1_ref[:, 0:1]
        inv = 1.0 / jnp.maximum(deg, 1.0)
        hn = (p0_ref[...] + p1_ref[...]) * inv
        out = jnp.dot(x_ref[...], ws_ref[...],
                      preferred_element_type=jnp.float32)
        out += jnp.dot(hn, wn_ref[...], preferred_element_type=jnp.float32)
        out += b_ref[...]
        if relu:
            out = jnp.where(out >= 0, out, 0.01 * out)
        o_ref[...] = out

    row_spec = pl.BlockSpec((blk, feat), lambda i: (i, 0))
    full = pl.BlockSpec((feat, feat), lambda i: (0, 0))
    bias_spec = pl.BlockSpec((1, feat), lambda i: (0, 0))
    return pl.pallas_call(
        body,
        grid=grid,
        in_specs=[row_spec, row_spec, row_spec, row_spec, row_spec, full,
                  full, bias_spec],
        out_specs=row_spec,
        out_shape=jax.ShapeDtypeStruct((n_pad, feat), jnp.float32),
    )(x_p, p0, p1, d0, d1, w_self, w_neigh, b.reshape(1, feat))


def kernel(x, edge_index, W1_self, W1_neigh, b1, W2_self, W2_neigh, b2,
           W3_self, W3_neigh, b3):
    n, feat = x.shape
    e = edge_index.shape[1]

    n_pad = -(-(n + 1) // (NS * 8)) * (NS * 8)
    idx_rows = -(-(-(-e // (NW * BATCH))) // ICH) * ICH
    e_pad = NW * idx_rows * BATCH

    x_p = jnp.pad(x, ((0, n_pad - n), (0, 0)))
    ei = edge_index.astype(jnp.int32)
    src2 = jnp.pad(ei[0], (0, e_pad - e)).reshape(e_pad // BATCH, BATCH)
    dst2 = jnp.pad(ei[1], (0, e_pad - e),
                   constant_values=n).reshape(e_pad // BATCH, BATCH)

    rows_pair = 2 * idx_rows
    r0 = (19 * rows_pair // 20) // ICH * ICH
    r1 = rows_pair - r0
    sc_agg = _make_sc_agg(n_pad, feat, r0, r1, ich=ICH)
    sc_deg = _make_sc_deg(n_pad, idx_rows)

    degs = sc_deg(dst2)
    d0, d1 = degs[0], degs[1]
    parts = sc_agg(x_p, src2, dst2)
    h = _combine(x_p, parts[0], parts[1], d0, d1, W1_self, W1_neigh, b1,
                 relu=True)
    parts = sc_agg(h, src2, dst2)
    h = _combine(h, parts[0], parts[1], d0, d1, W2_self, W2_neigh, b2,
                 relu=True)
    parts = sc_agg(h, src2, dst2)
    out = _combine(h, parts[0], parts[1], d0, d1, W3_self, W3_neigh, b3,
                   relu=False)
    return out[:n]

# --- scband reference (transcript-rebuilt; emitter-appended) ---
"""Pipeline reference for scband-trash-net-6923487282703 (READ-ONLY COPY).

The authoritative reference and input builder live on the scoring server;
editing this copy changes nothing except your own understanding.
"""

import jax, jax.numpy as jnp
import numpy as np


def _sage_conv(x, edge_index, W_self, W_neigh, b):
    # DGL SAGEConv with aggregator_type='mean':
    # h_neigh = mean_{src->dst} x[src];  out = x @ W_self + h_neigh @ W_neigh + b
    src = edge_index[0]
    dst = edge_index[1]
    N = x.shape[0]
    msg = jnp.take(x, src, axis=0)
    agg = jax.ops.segment_sum(msg, dst, num_segments=N)
    deg = jax.ops.segment_sum(jnp.ones((edge_index.shape[1],), dtype=x.dtype), dst, num_segments=N)
    h_neigh = agg / jnp.maximum(deg, 1.0)[:, None]
    return x @ W_self + h_neigh @ W_neigh + b


def setup_inputs(seed: int = 0) -> dict:
    key = jax.random.key(seed)
    ks = jax.random.split(key, 12)
    N, E = 10000, 320000
    in_feats, hid_feats, out_feats = 128, 128, 128
    x = jax.random.normal(ks[0], (N, in_feats), dtype=jnp.float32)
    edge_index = jax.random.randint(ks[1], (2, E), 0, N).astype(jnp.int64)
    s1 = 1.0 / np.sqrt(in_feats)
    s2 = 1.0 / np.sqrt(hid_feats)
    return {
        'x': x,
        'edge_index': edge_index,
        'W1_self': jax.random.normal(ks[2], (in_feats, hid_feats), dtype=jnp.float32) * s1,
        'W1_neigh': jax.random.normal(ks[3], (in_feats, hid_feats), dtype=jnp.float32) * s1,
        'b1': jnp.zeros((hid_feats,), dtype=jnp.float32),
        'W2_self': jax.random.normal(ks[4], (hid_feats, hid_feats), dtype=jnp.float32) * s2,
        'W2_neigh': jax.random.normal(ks[5], (hid_feats, hid_feats), dtype=jnp.float32) * s2,
        'b2': jnp.zeros((hid_feats,), dtype=jnp.float32),
        'W3_self': jax.random.normal(ks[6], (hid_feats, out_feats), dtype=jnp.float32) * s2,
        'W3_neigh': jax.random.normal(ks[7], (hid_feats, out_feats), dtype=jnp.float32) * s2,
        'b3': jnp.zeros((out_feats,), dtype=jnp.float32),
    }


def reference(x, edge_index, W1_self, W1_neigh, b1, W2_self, W2_neigh, b2, W3_self, W3_neigh, b3):
    h = _sage_conv(x, edge_index, W1_self, W1_neigh, b1)
    h = jax.nn.leaky_relu(h, negative_slope=0.01)
    h = _sage_conv(h, edge_index, W2_self, W2_neigh, b2)
    h = jax.nn.leaky_relu(h, negative_slope=0.01)
    h = _sage_conv(h, edge_index, W3_self, W3_neigh, b3)
    return h

if __name__ == "__main__":
    import jax
    _d = setup_inputs()
    print(jax.jit(kernel)(*tuple(_d.values())))

</pallas_src>

<mosaic_0001>
#map = affine_map<(d0, d1) -> (0, 0)>
#map1 = affine_map<(d0, d1) -> (0, 0, 0)>
module attributes {stable_mosaic.version = 14 : i64} {
  func.func @body(%arg0: i32, %arg1: i32, %arg2: memref<10112x128xf32, #tpu.memory_space<hbm>>, %arg3: memref<2560x128xi32, #tpu.memory_space<hbm>>, %arg4: memref<2560x128xi32, #tpu.memory_space<hbm>>, %arg5: memref<2x10112x128xf32, #tpu.memory_space<hbm>>, %arg6: memref<8x128xi32, #tpu.memory_space<vmem>>, %arg7: memref<8x128xi32, #tpu.memory_space<vmem>>, %arg8: memref<128x128xf32, #tpu.memory_space<vmem>>, %arg9: memref<128x128xf32, #tpu.memory_space<vmem>>, %arg10: memref<10112x128xf32, #tpu.memory_space<vmem_shared>>, %arg11: memref<!tpu.dma_semaphore, #tpu.memory_space<semaphore_mem>>, %arg12: memref<!tpu.dma_semaphore, #tpu.memory_space<semaphore_mem>>, %arg13: memref<!tpu.dma_semaphore, #tpu.memory_space<semaphore_mem>>, %arg14: memref<!tpu.dma_semaphore, #tpu.memory_space<semaphore_mem>>) attributes {dimension_semantics = [#tpu.dimension_semantics<core_parallel>, #tpu.dimension_semantics<subcore_parallel>], iteration_bounds = array<i64: 2, 16>, scalar_prefetch = 0 : i64, scratch_operands = 9 : i64, tpu.core_type = #tpu.core_type<sc_vector_subcore>, window_params = [{transform_indices = #map}, {transform_indices = #map}, {transform_indices = #map}, {transform_indices = #map1}]} {
    %mul3A = arith.constant 632 : i32
    %mul3A_0 = arith.muli %arg1, %mul3A : i32
    %broadcast_in_dim3A = arith.constant 0.000000e+00 : f32
    %broadcast_in_dim3A_1 = vector.broadcast %broadcast_in_dim3A : f32 to vector<16xf32>
    %scan3A = arith.constant 0 : i32
    %scan3A_2 = arith.constant 128 : i32
    %scan3A_3 = arith.addi %scan3A, %scan3A_2 : i32
    %scan3A_4 = arith.constant 1 : i32
    scf.for %scan3A_23 = %scan3A to %scan3A_3 step %scan3A_4  : i32 {
      %mul3A_24 = arith.constant 1 : i32
      %mul3A_25 = arith.muli %scan3A_23, %mul3A_24 : i32
      %add3A_26 = arith.constant 0 : i32
      %add3A_27 = arith.addi %add3A_26, %mul3A_25 : i32
      %scan3A_28 = arith.constant 0 : i32
      %scan3A_29 = arith.constant 8 : i32
      %scan3A_30 = arith.addi %scan3A_28, %scan3A_29 : i32
      %scan3A_31 = arith.constant 1 : i32
      scf.for %scan3A_33 = %scan3A_28 to %scan3A_30 step %scan3A_31  : i32 {
        %mul3A_34 = arith.constant 16 : i32
        %mul3A_35 = arith.muli %scan3A_33, %mul3A_34 : i32
        %add3A_36 = arith.constant 0 : i32
        %add3A_37 = arith.addi %add3A_36, %mul3A_35 : i32
        %swap3A = arith.index_cast %add3A_27 : i32 to index
        %swap3A_38 = arith.index_cast %add3A_37 : i32 to index
        %swap3A_39 = tpu.vector_load %arg8[%swap3A, %swap3A_38] {strides = array<i32>} : memref<128x128xf32, #tpu.memory_space<vmem>>, vector<1x16xf32>,
        %swap3A_40 = vector.shape_cast %swap3A_39 : vector<1x16xf32> to vector<16xf32>
        %swap3A_41 = vector.shape_cast %broadcast_in_dim3A_1 : vector<16xf32> to vector<1x16xf32>
        tpu.vector_store %arg8[%swap3A, %swap3A_38], %swap3A_41 {strides = array<i32>} : memref<128x128xf32, #tpu.memory_space<vmem>>, vector<1x16xf32>,
      }
      %scan3A_32 = arith.constant 8 : i32
    }
    %scan3A_5 = arith.constant 128 : i32
    %add3A = arith.constant 0 : i32
    %add3A_6 = arith.addi %mul3A_0, %add3A : i32
    "tpu.region"() ({
      %run_scoped3A = tpu.sem_alloc : memref<!tpu.dma_semaphore, #tpu.memory_space<semaphore_mem>>
      %dma_start3A = arith.constant 0 : i32
      %dma_start3A_23 = tpu.memref_slice %arg10[%add3A_6, %dma_start3A] : memref<10112x128xf32, #tpu.memory_space<vmem_shared>> -> memref<128x128xf32, #tpu.memory_space<vmem_shared>>
      %dma_start3A_24 = arith.constant 0 : i32
      %dma_start3A_25 = tpu.memref_slice %arg10[%add3A_6, %dma_start3A_24] : memref<10112x128xf32, #tpu.memory_space<vmem_shared>> -> memref<128x128xf32, #tpu.memory_space<vmem_shared>>
      tpu.enqueue_dma source(%arg8 : memref<128x128xf32, #tpu.memory_space<vmem>>) target(%dma_start3A_25 : memref<128x128xf32, #tpu.memory_space<vmem_shared>>) target_semaphore(%run_scoped3A : memref<!tpu.dma_semaphore, #tpu.memory_space<semaphore_mem>>)
      %dma_wait3A = arith.constant 0 : i32
      %dma_wait3A_26 = tpu.memref_slice %arg10[%add3A_6, %dma_wait3A] : memref<10112x128xf32, #tpu.memory_space<vmem_shared>> -> memref<128x128xf32, #tpu.memory_space<vmem_shared>>
      %dma_wait3A_27 = arith.constant 0 : i32
      %dma_wait3A_28 = tpu.memref_slice %arg10[%add3A_6, %dma_wait3A_27] : memref<10112x128xf32, #tpu.memory_space<vmem_shared>> -> memref<128x128xf32, #tpu.memory_space<vmem_shared>>
      tpu.wait_dma2 semaphore(%run_scoped3A : memref<!tpu.dma_semaphore, #tpu.memory_space<semaphore_mem>>) src(%arg8 : memref<128x128xf32, #tpu.memory_space<vmem>>) dst(%dma_wait3A_28 : memref<128x128xf32, #tpu.memory_space<vmem_shared>>)
      tpu.yield
    }) : () -> ()
    %add3A_7 = arith.constant 128 : i32
    %add3A_8 = arith.addi %mul3A_0, %add3A_7 : i32
    "tpu.region"() ({
      %run_scoped3A = tpu.sem_alloc : memref<!tpu.dma_semaphore, #tpu.memory_space<semaphore_mem>>
      %dma_start3A = arith.constant 0 : i32
      %dma_start3A_23 = tpu.memref_slice %arg10[%add3A_8, %dma_start3A] : memref<10112x128xf32, #tpu.memory_space<vmem_shared>> -> memref<128x128xf32, #tpu.memory_space<vmem_shared>>
      %dma_start3A_24 = arith.constant 0 : i32
      %dma_start3A_25 = tpu.memref_slice %arg10[%add3A_8, %dma_start3A_24] : memref<10112x128xf32, #tpu.memory_space<vmem_shared>> -> memref<128x128xf32, #tpu.memory_space<vmem_shared>>
      tpu.enqueue_dma source(%arg8 : memref<128x128xf32, #tpu.memory_space<vmem>>) target(%dma_start3A_25 : memref<128x128xf32, #tpu.memory_space<vmem_shared>>) target_semaphore(%run_scoped3A : memref<!tpu.dma_semaphore, #tpu.memory_space<semaphore_mem>>)
      %dma_wait3A = arith.constant 0 : i32
      %dma_wait3A_26 = tpu.memref_slice %arg10[%add3A_8, %dma_wait3A] : memref<10112x128xf32, #tpu.memory_space<vmem_shared>> -> memref<128x128xf32, #tpu.memory_space<vmem_shared>>
      %dma_wait3A_27 = arith.constant 0 : i32
      %dma_wait3A_28 = tpu.memref_slice %arg10[%add3A_8, %dma_wait3A_27] : memref<10112x128xf32, #tpu.memory_space<vmem_shared>> -> memref<128x128xf32, #tpu.memory_space<vmem_shared>>
      tpu.wait_dma2 semaphore(%run_scoped3A : memref<!tpu.dma_semaphore, #tpu.memory_space<semaphore_mem>>) src(%arg8 : memref<128x128xf32, #tpu.memory_space<vmem>>) dst(%dma_wait3A_28 : memref<128x128xf32, #tpu.memory_space<vmem_shared>>)
      tpu.yield
    }) : () -> ()
    %add3A_9 = arith.constant 256 : i32
    %add3A_10 = arith.addi %mul3A_0, %add3A_9 : i32
    "tpu.region"() ({
      %run_scoped3A = tpu.sem_alloc : memref<!tpu.dma_semaphore, #tpu.memory_space<semaphore_mem>>
      %dma_start3A = arith.constant 0 : i32
      %dma_start3A_23 = tpu.memref_slice %arg10[%add3A_10, %dma_start3A] : memref<10112x128xf32, #tpu.memory_space<vmem_shared>> -> memref<128x128xf32, #tpu.memory_space<vmem_shared>>
      %dma_start3A_24 = arith.constant 0 : i32
      %dma_start3A_25 = tpu.memref_slice %arg10[%add3A_10, %dma_start3A_24] : memref<10112x128xf32, #tpu.memory_space<vmem_shared>> -> memref<128x128xf32, #tpu.memory_space<vmem_shared>>
      tpu.enqueue_dma source(%arg8 : memref<128x128xf32, #tpu.memory_space<vmem>>) target(%dma_start3A_25 : memref<128x128xf32, #tpu.memory_space<vmem_shared>>) target_semaphore(%run_scoped3A : memref<!tpu.dma_semaphore, #tpu.memory_space<semaphore_mem>>)
      %dma_wait3A = arith.constant 0 : i32
      %dma_wait3A_26 = tpu.memref_slice %arg10[%add3A_10, %dma_wait3A] : memref<10112x128xf32, #tpu.memory_space<vmem_shared>> -> memref<128x128xf32, #tpu.memory_space<vmem_shared>>
      %dma_wait3A_27 = arith.constant 0 : i32
      %dma_wait3A_28 = tpu.memref_slice %arg10[%add3A_10, %dma_wait3A_27] : memref<10112x128xf32, #tpu.memory_space<vmem_shared>> -> memref<128x128xf32, #tpu.memory_space<vmem_shared>>
      tpu.wait_dma2 semaphore(%run_scoped3A : memref<!tpu.dma_semaphore, #tpu.memory_space<semaphore_mem>>) src(%arg8 : memref<128x128xf32, #tpu.memory_space<vmem>>) dst(%dma_wait3A_28 : memref<128x128xf32, #tpu.memory_space<vmem_shared>>)
      tpu.yield
    }) : () -> ()
    %add3A_11 = arith.constant 384 : i32
    %add3A_12 = arith.addi %mul3A_0, %add3A_11 : i32
    "tpu.region"() ({
      %run_scoped3A = tpu.sem_alloc : memref<!tpu.dma_semaphore, #tpu.memory_space<semaphore_mem>>
      %dma_start3A = arith.constant 0 : i32
      %dma_start3A_23 = tpu.memref_slice %arg10[%add3A_12, %dma_start3A] : memref<10112x128xf32, #tpu.memory_space<vmem_shared>> -> memref<128x128xf32, #tpu.memory_space<vmem_shared>>
      %dma_start3A_24 = arith.constant 0 : i32
      %dma_start3A_25 = tpu.memref_slice %arg10[%add3A_12, %dma_start3A_24] : memref<10112x128xf32, #tpu.memory_space<vmem_shared>> -> memref<128x128xf32, #tpu.memory_space<vmem_shared>>
      tpu.enqueue_dma source(%arg8 : memref<128x128xf32, #tpu.memory_space<vmem>>) target(%dma_start3A_25 : memref<128x128xf32, #tpu.memory_space<vmem_shared>>) target_semaphore(%run_scoped3A : memref<!tpu.dma_semaphore, #tpu.memory_space<semaphore_mem>>)
      %dma_wait3A = arith.constant 0 : i32
      %dma_wait3A_26 = tpu.memref_slice %arg10[%add3A_12, %dma_wait3A] : memref<10112x128xf32, #tpu.memory_space<vmem_shared>> -> memref<128x128xf32, #tpu.memory_space<vmem_shared>>
      %dma_wait3A_27 = arith.constant 0 : i32
      %dma_wait3A_28 = tpu.memref_slice %arg10[%add3A_12, %dma_wait3A_27] : memref<10112x128xf32, #tpu.memory_space<vmem_shared>> -> memref<128x128xf32, #tpu.memory_space<vmem_shared>>
      tpu.wait_dma2 semaphore(%run_scoped3A : memref<!tpu.dma_semaphore, #tpu.memory_space<semaphore_mem>>) src(%arg8 : memref<128x128xf32, #tpu.memory_space<vmem>>) dst(%dma_wait3A_28 : memref<128x128xf32, #tpu.memory_space<vmem_shared>>)
      tpu.yield
    }) : () -> ()
    %add3A_13 = arith.constant 512 : i32
    %add3A_14 = arith.addi %mul3A_0, %add3A_13 : i32
    "tpu.region"() ({
      %run_scoped3A = tpu.sem_alloc : memref<!tpu.dma_semaphore, #tpu.memory_space<semaphore_mem>>
      %dma_start3A = arith.constant 0 : i32
      %dma_start3A_23 = arith.constant 0 : i32
      %dma_start3A_24 = tpu.memref_slice %arg8[%dma_start3A, %dma_start3A_23] : memref<128x128xf32, #tpu.memory_space<vmem>> -> memref<120x128xf32, #tpu.memory_space<vmem>>
      %dma_start3A_25 = arith.constant 0 : i32
      %dma_start3A_26 = tpu.memref_slice %arg10[%add3A_14, %dma_start3A_25] : memref<10112x128xf32, #tpu.memory_space<vmem_shared>> -> memref<120x128xf32, #tpu.memory_space<vmem_shared>>
      %dma_start3A_27 = arith.constant 0 : i32
      %dma_start3A_28 = tpu.memref_slice %arg10[%add3A_14, %dma_start3A_27] : memref<10112x128xf32, #tpu.memory_space<vmem_shared>> -> memref<120x128xf32, #tpu.memory_space<vmem_shared>>
      %dma_start3A_29 = arith.constant 0 : i32
      %dma_start3A_30 = arith.constant 0 : i32
      %dma_start3A_31 = tpu.memref_slice %arg8[%dma_start3A_29, %dma_start3A_30] : memref<128x128xf32, #tpu.memory_space<vmem>> -> memref<120x128xf32, #tpu.memory_space<vmem>>
      tpu.enqueue_dma source(%dma_start3A_31 : memref<120x128xf32, #tpu.memory_space<vmem>>) target(%dma_start3A_28 : memref<120x128xf32, #tpu.memory_space<vmem_shared>>) target_semaphore(%run_scoped3A : memref<!tpu.dma_semaphore, #tpu.memory_space<semaphore_mem>>)
      %dma_wait3A = arith.constant 0 : i32
      %dma_wait3A_32 = arith.constant 0 : i32
      %dma_wait3A_33 = tpu.memref_slice %arg8[%dma_wait3A, %dma_wait3A_32] : memref<128x128xf32, #tpu.memory_space<vmem>> -> memref<120x128xf32, #tpu.memory_space<vmem>>
      %dma_wait3A_34 = arith.constant 0 : i32
      %dma_wait3A_35 = tpu.memref_slice %arg10[%add3A_14, %dma_wait3A_34] : memref<10112x128xf32, #tpu.memory_space<vmem_shared>> -> memref<120x128xf32, #tpu.memory_space<vmem_shared>>
      %dma_wait3A_36 = arith.constant 0 : i32
      %dma_wait3A_37 = tpu.memref_slice %arg10[%add3A_14, %dma_wait3A_36] : memref<10112x128xf32, #tpu.memory_space<vmem_shared>> -> memref<120x128xf32, #tpu.memory_space<vmem_shared>>
      %dma_wait3A_38 = arith.constant 0 : i32
      %dma_wait3A_39 = arith.constant 0 : i32
      %dma_wait3A_40 = tpu.memref_slice %arg8[%dma_wait3A_38, %dma_wait3A_39] : memref<128x128xf32, #tpu.memory_space<vmem>> -> memref<120x128xf32, #tpu.memory_space<vmem>>
      tpu.wait_dma2 semaphore(%run_scoped3A : memref<!tpu.dma_semaphore, #tpu.memory_space<semaphore_mem>>) src(%dma_wait3A_40 : memref<120x128xf32, #tpu.memory_space<vmem>>) dst(%dma_wait3A_37 : memref<120x128xf32, #tpu.memory_space<vmem_shared>>)
      tpu.yield
    }) : () -> ()
    %barrier3A = arith.constant 0 : index
    tpu.barrier barrier_id(%barrier3A)
    %eq3A = arith.constant 0 : i32
    %eq3A_15 = arith.cmpi eq, %arg0, %eq3A : i32
    %convert_element_type3A = arith.extui %eq3A_15 : i1 to i32
    %cond3A = arith.constant 0 : i32
    %cond3A_16 = arith.cmpi ne, %convert_element_type3A, %cond3A : i32
    scf.if %cond3A_16 {
      %scan3A_23 = arith.constant 0 : i32
      %scan3A_24 = arith.constant 19 : i32
      %scan3A_25 = arith.addi %scan3A_23, %scan3A_24 : i32
      %scan3A_26 = arith.constant 1 : i32
      scf.for %scan3A_28 = %scan3A_23 to %scan3A_25 step %scan3A_26  : i32 {
        %mul3A_29 = arith.constant 1 : i32
        %mul3A_30 = arith.muli %scan3A_28, %mul3A_29 : i32
        %add3A_31 = arith.constant 0 : i32
        %add3A_32 = arith.addi %add3A_31, %mul3A_30 : i32
        %mul3A_33 = arith.constant 152 : i32
        %mul3A_34 = arith.muli %arg1, %mul3A_33 : i32
        %mul3A_35 = arith.constant 8 : i32
        %mul3A_36 = arith.muli %add3A_32, %mul3A_35 : i32
        %add3A_37 = arith.addi %mul3A_34, %mul3A_36 : i32
        "tpu.region"() ({
          %run_scoped3A = tpu.sem_alloc : memref<!tpu.dma_semaphore, #tpu.memory_space<semaphore_mem>>
          %dma_start3A_260 = arith.constant 0 : i32
          %dma_start3A_261 = tpu.memref_slice %arg3[%add3A_37, %dma_start3A_260] : memref<2560x128xi32, #tpu.memory_space<hbm>> -> memref<8x128xi32, #tpu.memory_space<hbm>>
          %dma_start3A_262 = arith.constant 0 : i32
          %dma_start3A_263 = tpu.memref_slice %arg3[%add3A_37, %dma_start3A_262] : memref<2560x128xi32, #tpu.memory_space<hbm>> -> memref<8x128xi32, #tpu.memory_space<hbm>>
          tpu.enqueue_dma source(%dma_start3A_263 : memref<8x128xi32, #tpu.memory_space<hbm>>) target(%arg6 : memref<8x128xi32, #tpu.memory_space<vmem>>) target_semaphore(%run_scoped3A : memref<!tpu.dma_semaphore, #tpu.memory_space<semaphore_mem>>)
          %dma_wait3A_264 = arith.constant 0 : i32
          %dma_wait3A_265 = tpu.memref_slice %arg3[%add3A_37, %dma_wait3A_264] : memref<2560x128xi32, #tpu.memory_space<hbm>> -> memref<8x128xi32, #tpu.memory_space<hbm>>
          %dma_wait3A_266 = arith.constant 0 : i32
          %dma_wait3A_267 = tpu.memref_slice %arg3[%add3A_37, %dma_wait3A_266] : memref<2560x128xi32, #tpu.memory_space<hbm>> -> memref<8x128xi32, #tpu.memory_space<hbm>>
          tpu.wait_dma2 semaphore(%run_scoped3A : memref<!tpu.dma_semaphore, #tpu.memory_space<semaphore_mem>>) src(%dma_wait3A_267 : memref<8x128xi32, #tpu.memory_space<hbm>>) dst(%arg6 : memref<8x128xi32, #tpu.memory_space<vmem>>)
          tpu.yield
        }) : () -> ()
        "tpu.region"() ({
          %run_scoped3A = tpu.sem_alloc : memref<!tpu.dma_semaphore, #tpu.memory_space<semaphore_mem>>
          %dma_start3A_260 = arith.constant 0 : i32
          %dma_start3A_261 = tpu.memref_slice %arg4[%add3A_37, %dma_start3A_260] : memref<2560x128xi32, #tpu.memory_space<hbm>> -> memref<8x128xi32, #tpu.memory_space<hbm>>
          %dma_start3A_262 = arith.constant 0 : i32
          %dma_start3A_263 = tpu.memref_slice %arg4[%add3A_37, %dma_start3A_262] : memref<2560x128xi32, #tpu.memory_space<hbm>> -> memref<8x128xi32, #tpu.memory_space<hbm>>
          tpu.enqueue_dma source(%dma_start3A_263 : memref<8x128xi32, #tpu.memory_space<hbm>>) target(%arg7 : memref<8x128xi32, #tpu.memory_space<vmem>>) target_semaphore(%run_scoped3A : memref<!tpu.dma_semaphore, #tpu.memory_space<semaphore_mem>>)
          %dma_wait3A_264 = arith.constant 0 : i32
          %dma_wait3A_265 = tpu.memref_slice %arg4[%add3A_37, %dma_wait3A_264] : memref<2560x128xi32, #tpu.memory_space<hbm>> -> memref<8x128xi32, #tpu.memory_space<hbm>>
          %dma_wait3A_266 = arith.constant 0 : i32
          %dma_wait3A_267 = tpu.memref_slice %arg4[%add3A_37, %dma_wait3A_266] : memref<2560x128xi32, #tpu.memory_space<hbm>> -> memref<8x128xi32, #tpu.memory_space<hbm>>
          tpu.wait_dma2 semaphore(%run_scoped3A : memref<!tpu.dma_semaphore, #tpu.memory_space<semaphore_mem>>) src(%dma_wait3A_267 : memref<8x128xi32, #tpu.memory_space<hbm>>) dst(%arg7 : memref<8x128xi32, #tpu.memory_space<vmem>>)
          tpu.yield
        }) : () -> ()
        %dma_start3A = arith.constant 0 : i32
        %dma_start3A_38 = arith.constant 0 : i32
        %dma_start3A_39 = tpu.memref_slice %arg6[%dma_start3A, %dma_start3A_38] : memref<8x128xi32, #tpu.memory_space<vmem>> -> memref<1x128xi32, #tpu.memory_space<vmem>>
        %dma_start3A_40 = tpu.memref_squeeze %dma_start3A_39 : memref<1x128xi32, #tpu.memory_space<vmem>> -> memref<128xi32, #tpu.memory_space<vmem>>
        %dma_start3A_41 = arith.constant 0 : i32
        %dma_start3A_42 = arith.constant 0 : i32
        %dma_start3A_43 = tpu.memref_slice %arg2[%dma_start3A_41, %dma_start3A_42] : memref<10112x128xf32, #tpu.memory_space<hbm>> -> memref<10112x128xf32, #tpu.memory_space<hbm>>
        tpu.enqueue_indirect_dma source(%dma_start3A_43 : memref<10112x128xf32, #tpu.memory_space<hbm>>) target(%arg8 : memref<128x128xf32, #tpu.memory_space<vmem>>) offsets(%dma_start3A_40 : memref<128xi32, #tpu.memory_space<vmem>>) semaphore(%arg11 : memref<!tpu.dma_semaphore, #tpu.memory_space<semaphore_mem>>)
        %dma_start3A_44 = arith.constant 1 : i32
        %dma_start3A_45 = arith.constant 0 : i32
        %dma_start3A_46 = tpu.memref_slice %arg6[%dma_start3A_44, %dma_start3A_45] : memref<8x128xi32, #tpu.memory_space<vmem>> -> memref<1x128xi32, #tpu.memory_space<vmem>>
        %dma_start3A_47 = tpu.memref_squeeze %dma_start3A_46 : memref<1x128xi32, #tpu.memory_space<vmem>> -> memref<128xi32, #tpu.memory_space<vmem>>
        %dma_start3A_48 = arith.constant 0 : i32
        %dma_start3A_49 = arith.constant 0 : i32
        %dma_start3A_50 = tpu.memref_slice %arg2[%dma_start3A_48, %dma_start3A_49] : memref<10112x128xf32, #tpu.memory_space<hbm>> -> memref<10112x128xf32, #tpu.memory_space<hbm>>
        tpu.enqueue_indirect_dma source(%dma_start3A_50 : memref<10112x128xf32, #tpu.memory_space<hbm>>) target(%arg9 : memref<128x128xf32, #tpu.memory_space<vmem>>) offsets(%dma_start3A_47 : memref<128xi32, #tpu.memory_space<vmem>>) semaphore(%arg12 : memref<!tpu.dma_semaphore, #tpu.memory_space<semaphore_mem>>)
        %dma_wait3A = arith.constant 0 : i32
        %dma_wait3A_51 = arith.constant 0 : i32
        %dma_wait3A_52 = tpu.memref_slice %arg6[%dma_wait3A, %dma_wait3A_51] : memref<8x128xi32, #tpu.memory_space<vmem>> -> memref<1x128xi32, #tpu.memory_space<vmem>>
        %dma_wait3A_53 = tpu.memref_squeeze %dma_wait3A_52 : memref<1x128xi32, #tpu.memory_space<vmem>> -> memref<128xi32, #tpu.memory_space<vmem>>
        %dma_wait3A_54 = arith.constant 0 : i32
        %dma_wait3A_55 = arith.constant 0 : i32
        %dma_wait3A_56 = tpu.memref_slice %arg2[%dma_wait3A_54, %dma_wait3A_55] : memref<10112x128xf32, #tpu.memory_space<hbm>> -> memref<10112x128xf32, #tpu.memory_space<hbm>>
        tpu.wait_indirect_dma semaphore(%arg11 : memref<!tpu.dma_semaphore, #tpu.memory_space<semaphore_mem>>) src(%dma_wait3A_56 : memref<10112x128xf32, #tpu.memory_space<hbm>>) dst(%arg8 : memref<128x128xf32, #tpu.memory_space<vmem>>)
        %dma_start3A_57 = arith.constant 0 : i32
        %dma_start3A_58 = arith.constant 0 : i32
        %dma_start3A_59 = tpu.memref_slice %arg7[%dma_start3A_57, %dma_start3A_58] : memref<8x128xi32, #tpu.memory_space<vmem>> -> memref<1x128xi32, #tpu.memory_space<vmem>>
        %dma_start3A_60 = tpu.memref_squeeze %dma_start3A_59 : memref<1x128xi32, #tpu.memory_space<vmem>> -> memref<128xi32, #tpu.memory_space<vmem>>
        %dma_start3A_61 = arith.constant 0 : i32
        %dma_start3A_62 = arith.constant 0 : i32
        %dma_start3A_63 = tpu.memref_slice %arg10[%dma_start3A_61, %dma_start3A_62] : memref<10112x128xf32, #tpu.memory_space<vmem_shared>> -> memref<10112x128xf32, #tpu.memory_space<vmem_shared>>
        tpu.enqueue_indirect_dma source(%arg8 : memref<128x128xf32, #tpu.memory_space<vmem>>) target(%dma_start3A_63 : memref<10112x128xf32, #tpu.memory_space<vmem_shared>>) offsets(%dma_start3A_60 : memref<128xi32, #tpu.memory_space<vmem>>) semaphore(%arg13 : memref<!tpu.dma_semaphore, #tpu.memory_space<semaphore_mem>>) {add = true}
        %dma_wait3A_64 = arith.constant 0 : i32
        %dma_wait3A_65 = arith.constant 0 : i32
        %dma_wait3A_66 = tpu.memref_slice %arg7[%dma_wait3A_64, %dma_wait3A_65] : memref<8x128xi32, #tpu.memory_space<vmem>> -> memref<1x128xi32, #tpu.memory_space<vmem>>
        %dma_wait3A_67 = tpu.memref_squeeze %dma_wait3A_66 : memref<1x128xi32, #tpu.memory_space<vmem>> -> memref<128xi32, #tpu.memory_space<vmem>>
        %dma_wait3A_68 = arith.constant 0 : i32
        %dma_wait3A_69 = arith.constant 0 : i32
        %dma_wait3A_70 = tpu.memref_slice %arg10[%dma_wait3A_68, %dma_wait3A_69] : memref<10112x128xf32, #tpu.memory_space<vmem_shared>> -> memref<10112x128xf32, #tpu.memory_space<vmem_shared>>
        tpu.wait_indirect_dma semaphore(%arg13 : memref<!tpu.dma_semaphore, #tpu.memory_space<semaphore_mem>>) src(%arg8 : memref<128x128xf32, #tpu.memory_space<vmem>>) dst(%dma_wait3A_70 : memref<10112x128xf32, #tpu.memory_space<vmem_shared>>)
        %dma_start3A_71 = arith.constant 2 : i32
        %dma_start3A_72 = arith.constant 0 : i32
        %dma_start3A_73 = tpu.memref_slice %arg6[%dma_start3A_71, %dma_start3A_72] : memref<8x128xi32, #tpu.memory_space<vmem>> -> memref<1x128xi32, #tpu.memory_space<vmem>>
        %dma_start3A_74 = tpu.memref_squeeze %dma_start3A_73 : memref<1x128xi32, #tpu.memory_space<vmem>> -> memref<128xi32, #tpu.memory_space<vmem>>
        %dma_start3A_75 = arith.constant 0 : i32
        %dma_start3A_76 = arith.constant 0 : i32
        %dma_start3A_77 = tpu.memref_slice %arg2[%dma_start3A_75, %dma_start3A_76] : memref<10112x128xf32, #tpu.memory_space<hbm>> -> memref<10112x128xf32, #tpu.memory_space<hbm>>
        tpu.enqueue_indirect_dma source(%dma_start3A_77 : memref<10112x128xf32, #tpu.memory_space<hbm>>) target(%arg8 : memref<128x128xf32, #tpu.memory_space<vmem>>) offsets(%dma_start3A_74 : memref<128xi32, #tpu.memory_space<vmem>>) semaphore(%arg11 : memref<!tpu.dma_semaphore, #tpu.memory_space<semaphore_mem>>)
        %dma_wait3A_78 = arith.constant 1 : i32
        %dma_wait3A_79 = arith.constant 0 : i32
        %dma_wait3A_80 = tpu.memref_slice %arg6[%dma_wait3A_78, %dma_wait3A_79] : memref<8x128xi32, #tpu.memory_space<vmem>> -> memref<1x128xi32, #tpu.memory_space<vmem>>
        %dma_wait3A_81 = tpu.memref_squeeze %dma_wait3A_80 : memref<1x128xi32, #tpu.memory_space<vmem>> -> memref<128xi32, #tpu.memory_space<vmem>>
        %dma_wait3A_82 = arith.constant 0 : i32
        %dma_wait3A_83 = arith.constant 0 : i32
        %dma_wait3A_84 = tpu.memref_slice %arg2[%dma_wait3A_82, %dma_wait3A_83] : memref<10112x128xf32, #tpu.memory_space<hbm>> -> memref<10112x128xf32, #tpu.memory_space<hbm>>
        tpu.wait_indirect_dma semaphore(%arg12 : memref<!tpu.dma_semaphore, #tpu.memory_space<semaphore_mem>>) src(%dma_wait3A_84 : memref<10112x128xf32, #tpu.memory_space<hbm>>) dst(%arg9 : memref<128x128xf32, #tpu.memory_space<vmem>>)
        %dma_start3A_85 = arith.constant 1 : i32
        %dma_start3A_86 = arith.constant 0 : i32
        %dma_start3A_87 = tpu.memref_slice %arg7[%dma_start3A_85, %dma_start3A_86] : memref<8x128xi32, #tpu.memory_space<vmem>> -> memref<1x128xi32, #tpu.memory_space<vmem>>
        %dma_start3A_88 = tpu.memref_squeeze %dma_start3A_87 : memref<1x128xi32, #tpu.memory_space<vmem>> -> memref<128xi32, #tpu.memory_space<vmem>>
        %dma_start3A_89 = arith.constant 0 : i32
        %dma_start3A_90 = arith.constant 0 : i32
        %dma_start3A_91 = tpu.memref_slice %arg10[%dma_start3A_89, %dma_start3A_90] : memref<10112x128xf32, #tpu.memory_space<vmem_shared>> -> memref<10112x128xf32, #tpu.memory_space<vmem_shared>>
        tpu.enqueue_indirect_dma source(%arg9 : memref<128x128xf32, #tpu.memory_space<vmem>>) target(%dma_start3A_91 : memref<10112x128xf32, #tpu.memory_space<vmem_shared>>) offsets(%dma_start3A_88 : memref<128xi32, #tpu.memory_space<vmem>>) semaphore(%arg14 : memref<!tpu.dma_semaphore, #tpu.memory_space<semaphore_mem>>) {add = true}
        %dma_wait3A_92 = arith.constant 1 : i32
        %dma_wait3A_93 = arith.constant 0 : i32
        %dma_wait3A_94 = tpu.memref_slice %arg7[%dma_wait3A_92, %dma_wait3A_93] : memref<8x128xi32, #tpu.memory_space<vmem>> -> memref<1x128xi32, #tpu.memory_space<vmem>>
        %dma_wait3A_95 = tpu.memref_squeeze %dma_wait3A_94 : memref<1x128xi32, #tpu.memory_space<vmem>> -> memref<128xi32, #tpu.memory_space<vmem>>
        %dma_wait3A_96 = arith.constant 0 : i32
        %dma_wait3A_97 = arith.constant 0 : i32
        %dma_wait3A_98 = tpu.memref_slice %arg10[%dma_wait3A_96, %dma_wait3A_97] : memref<10112x128xf32, #tpu.memory_space<vmem_shared>> -> memref<10112x128xf32, #tpu.memory_space<vmem_shared>>
        tpu.wait_indirect_dma semaphore(%arg14 : memref<!tpu.dma_semaphore, #tpu.memory_space<semaphore_mem>>) src(%arg9 : memref<128x128xf32, #tpu.memory_space<vmem>>) dst(%dma_wait3A_98 : memref<10112x128xf32, #tpu.memory_space<vmem_shared>>)
        %dma_start3A_99 = arith.constant 3 : i32
        %dma_start3A_100 = arith.constant 0 : i32
        %dma_start3A_101 = tpu.memref_slice %arg6[%dma_start3A_99, %dma_start3A_100] : memref<8x128xi32, #tpu.memory_space<vmem>> -> memref<1x128xi32, #tpu.memory_space<vmem>>
        %dma_start3A_102 = tpu.memref_squeeze %dma_start3A_101 : memref<1x128xi32, #tpu.memory_space<vmem>> -> memref<128xi32, #tpu.memory_space<vmem>>
        %dma_start3A_103 = arith.constant 0 : i32
        %dma_start3A_104 = arith.constant 0 : i32
        %dma_start3A_105 = tpu.memref_slice %arg2[%dma_start3A_103, %dma_start3A_104] : memref<10112x128xf32, #tpu.memory_space<hbm>> -> memref<10112x128xf32, #tpu.memory_space<hbm>>
        tpu.enqueue_indirect_dma source(%dma_start3A_105 : memref<10112x128xf32, #tpu.memory_space<hbm>>) target(%arg9 : memref<128x128xf32, #tpu.memory_space<vmem>>) offsets(%dma_start3A_102 : memref<128xi32, #tpu.memory_space<vmem>>) semaphore(%arg12 : memref<!tpu.dma_semaphore, #tpu.memory_space<semaphore_mem>>)
        %dma_wait3A_106 = arith.constant 2 : i32
        %dma_wait3A_107 = arith.constant 0 : i32
        %dma_wait3A_108 = tpu.memref_slice %arg6[%dma_wait3A_106, %dma_wait3A_107] : memref<8x128xi32, #tpu.memory_space<vmem>> -> memref<1x128xi32, #tpu.memory_space<vmem>>
        %dma_wait3A_109 = tpu.memref_squeeze %dma_wait3A_108 : memref<1x128xi32, #tpu.memory_space<vmem>> -> memref<128xi32, #tpu.memory_space<vmem>>
        %dma_wait3A_110 = arith.constant 0 : i32
        %dma_wait3A_111 = arith.constant 0 : i32
        %dma_wait3A_112 = tpu.memref_slice %arg2[%dma_wait3A_110, %dma_wait3A_111] : memref<10112x128xf32, #tpu.memory_space<hbm>> -> memref<10112x128xf32, #tpu.memory_space<hbm>>
        tpu.wait_indirect_dma semaphore(%arg11 : memref<!tpu.dma_semaphore, #tpu.memory_space<semaphore_mem>>) src(%dma_wait3A_112 : memref<10112x128xf32, #tpu.memory_space<hbm>>) dst(%arg8 : memref<128x128xf32, #tpu.memory_space<vmem>>)
        %dma_start3A_113 = arith.constant 2 : i32
        %dma_start3A_114 = arith.constant 0 : i32
        %dma_start3A_115 = tpu.memref_slice %arg7[%dma_start3A_113, %dma_start3A_114] : memref<8x128xi32, #tpu.memory_space<vmem>> -> memref<1x128xi32, #tpu.memory_space<vmem>>
        %dma_start3A_116 = tpu.memref_squeeze %dma_start3A_115 : memref<1x128xi32, #tpu.memory_space<vmem>> -> memref<128xi32, #tpu.memory_space<vmem>>
        %dma_start3A_117 = arith.constant 0 : i32
        %dma_start3A_118 = arith.constant 0 : i32
        %dma_start3A_119 = tpu.memref_slice %arg10[%dma_start3A_117, %dma_start3A_118] : memref<10112x128xf32, #tpu.memory_space<vmem_shared>> -> memref<10112x128xf32, #tpu.memory_space<vmem_shared>>
        tpu.enqueue_indirect_dma source(%arg8 : memref<128x128xf32, #tpu.memory_space<vmem>>) target(%dma_start3A_119 : memref<10112x128xf32, #tpu.memory_space<vmem_shared>>) offsets(%dma_start3A_116 : memref<128xi32, #tpu.memory_space<vmem>>) semaphore(%arg13 : memref<!tpu.dma_semaphore, #tpu.memory_space<semaphore_mem>>) {add = true}
        %dma_wait3A_120 = arith.constant 2 : i32
        %dma_wait3A_121 = arith.constant 0 : i32
        %dma_wait3A_122 = tpu.memref_slice %arg7[%dma_wait3A_120, %dma_wait3A_121] : memref<8x128xi32, #tpu.memory_space<vmem>> -> memref<1x128xi32, #tpu.memory_space<vmem>>
        %dma_wait3A_123 = tpu.memref_squeeze %dma_wait3A_122 : memref<1x128xi32, #tpu.memory_space<vmem>> -> memref<128xi32, #tpu.memory_space<vmem>>
        %dma_wait3A_124 = arith.constant 0 : i32
        %dma_wait3A_125 = arith.constant 0 : i32
        %dma_wait3A_126 = tpu.memref_slice %arg10[%dma_wait3A_124, %dma_wait3A_125] : memref<10112x128xf32, #tpu.memory_space<vmem_shared>> -> memref<10112x128xf32, #tpu.memory_space<vmem_shared>>
        tpu.wait_indirect_dma semaphore(%arg13 : memref<!tpu.dma_semaphore, #tpu.memory_space<semaphore_mem>>) src(%arg8 : memref<128x128xf32, #tpu.memory_space<vmem>>) dst(%dma_wait3A_126 : memref<10112x128xf32, #tpu.memory_space<vmem_shared>>)
        %dma_start3A_127 = arith.constant 4 : i32
        %dma_start3A_128 = arith.constant 0 : i32
        %dma_start3A_129 = tpu.memref_slice %arg6[%dma_start3A_127, %dma_start3A_128] : memref<8x128xi32, #tpu.memory_space<vmem>> -> memref<1x128xi32, #tpu.memory_space<vmem>>
        %dma_start3A_130 = tpu.memref_squeeze %dma_start3A_129 : memref<1x128xi32, #tpu.memory_space<vmem>> -> memref<128xi32, #tpu.memory_space<vmem>>
        %dma_start3A_131 = arith.constant 0 : i32
        %dma_start3A_132 = arith.constant 0 : i32
        %dma_start3A_133 = tpu.memref_slice %arg2[%dma_start3A_131, %dma_start3A_132] : memref<10112x128xf32, #tpu.memory_space<hbm>> -> memref<10112x128xf32, #tpu.memory_space<hbm>>
        tpu.enqueue_indirect_dma source(%dma_start3A_133 : memref<10112x128xf32, #tpu.memory_space<hbm>>) target(%arg8 : memref<128x128xf32, #tpu.memory_space<vmem>>) offsets(%dma_start3A_130 : memref<128xi32, #tpu.memory_space<vmem>>) semaphore(%arg11 : memref<!tpu.dma_semaphore, #tpu.memory_space<semaphore_mem>>)
        %dma_wait3A_134 = arith.constant 3 : i32
        %dma_wait3A_135 = arith.constant 0 : i32
        %dma_wait3A_136 = tpu.memref_slice %arg6[%dma_wait3A_134, %dma_wait3A_135] : memref<8x128xi32, #tpu.memory_space<vmem>> -> memref<1x128xi32, #tpu.memory_space<vmem>>
        %dma_wait3A_137 = tpu.memref_squeeze %dma_wait3A_136 : memref<1x128xi32, #tpu.memory_space<vmem>> -> memref<128xi32, #tpu.memory_space<vmem>>
        %dma_wait3A_138 = arith.constant 0 : i32
        %dma_wait3A_139 = arith.constant 0 : i32
        %dma_wait3A_140 = tpu.memref_slice %arg2[%dma_wait3A_138, %dma_wait3A_139] : memref<10112x128xf32, #tpu.memory_space<hbm>> -> memref<10112x128xf32, #tpu.memory_space<hbm>>
        tpu.wait_indirect_dma semaphore(%arg12 : memref<!tpu.dma_semaphore, #tpu.memory_space<semaphore_mem>>) src(%dma_wait3A_140 : memref<10112x128xf32, #tpu.memory_space<hbm>>) dst(%arg9 : memref<128x128xf32, #tpu.memory_space<vmem>>)
        %dma_start3A_141 = arith.constant 3 : i32
        %dma_start3A_142 = arith.constant 0 : i32
        %dma_start3A_143 = tpu.memref_slice %arg7[%dma_start3A_141, %dma_start3A_142] : memref<8x128xi32, #tpu.memory_space<vmem>> -> memref<1x128xi32, #tpu.memory_space<vmem>>
        %dma_start3A_144 = tpu.memref_squeeze %dma_start3A_143 : memref<1x128xi32, #tpu.memory_space<vmem>> -> memref<128xi32, #tpu.memory_space<vmem>>
        %dma_start3A_145 = arith.constant 0 : i32
        %dma_start3A_146 = arith.constant 0 : i32
        %dma_start3A_147 = tpu.memref_slice %arg10[%dma_start3A_145, %dma_start3A_146] : memref<10112x128xf32, #tpu.memory_space<vmem_shared>> -> memref<10112x128xf32, #tpu.memory_space<vmem_shared>>
        tpu.enqueue_indirect_dma source(%arg9 : memref<128x128xf32, #tpu.memory_space<vmem>>) target(%dma_start3A_147 : memref<10112x128xf32, #tpu.memory_space<vmem_shared>>) offsets(%dma_start3A_144 : memref<128xi32, #tpu.memory_space<vmem>>) semaphore(%arg14 : memref<!tpu.dma_semaphore, #tpu.memory_space<semaphore_mem>>) {add = true}
        %dma_wait3A_148 = arith.constant 3 : i32
        %dma_wait3A_149 = arith.constant 0 : i32
        %dma_wait3A_150 = tpu.memref_slice %arg7[%dma_wait3A_148, %dma_wait3A_149] : memref<8x128xi32, #tpu.memory_space<vmem>> -> memref<1x128xi32, #tpu.memory_space<vmem>>
        %dma_wait3A_151 = tpu.memref_squeeze %dma_wait3A_150 : memref<1x128xi32, #tpu.memory_space<vmem>> -> memref<128xi32, #tpu.memory_space<vmem>>
        %dma_wait3A_152 = arith.constant 0 : i32
        %dma_wait3A_153 = arith.constant 0 : i32
        %dma_wait3A_154 = tpu.memref_slice %arg10[%dma_wait3A_152, %dma_wait3A_153] : memref<10112x128xf32, #tpu.memory_space<vmem_shared>> -> memref<10112x128xf32, #tpu.memory_space<vmem_shared>>
        tpu.wait_indirect_dma semaphore(%arg14 : memref<!tpu.dma_semaphore, #tpu.memory_space<semaphore_mem>>) src(%arg9 : memref<128x128xf32, #tpu.memory_space<vmem>>) dst(%dma_wait3A_154 : memref<10112x128xf32, #tpu.memory_space<vmem_shared>>)
        %dma_start3A_155 = arith.constant 5 : i32
        %dma_start3A_156 = arith.constant 0 : i32
        %dma_start3A_157 = tpu.memref_slice %arg6[%dma_start3A_155, %dma_start3A_156] : memref<8x128xi32, #tpu.memory_space<vmem>> -> memref<1x128xi32, #tpu.memory_space<vmem>>
        %dma_start3A_158 = tpu.memref_squeeze %dma_start3A_157 : memref<1x128xi32, #tpu.memory_space<vmem>> -> memref<128xi32, #tpu.memory_space<vmem>>
        %dma_start3A_159 = arith.constant 0 : i32
        %dma_start3A_160 = arith.constant 0 : i32
        %dma_start3A_161 = tpu.memref_slice %arg2[%dma_start3A_159, %dma_start3A_160] : memref<10112x128xf32, #tpu.memory_space<hbm>> -> memref<10112x128xf32, #tpu.memory_space<hbm>>
        tpu.enqueue_indirect_dma source(%dma_start3A_161 : memref<10112x128xf32, #tpu.memory_space<hbm>>) target(%arg9 : memref<128x128xf32, #tpu.memory_space<vmem>>) offsets(%dma_start3A_158 : memref<128xi32, #tpu.memory_space<vmem>>) semaphore(%arg12 : memref<!tpu.dma_semaphore, #tpu.memory_space<semaphore_mem>>)
        %dma_wait3A_162 = arith.constant 4 : i32
        %dma_wait3A_163 = arith.constant 0 : i32
        %dma_wait3A_164 = tpu.memref_slice %arg6[%dma_wait3A_162, %dma_wait3A_163] : memref<8x128xi32, #tpu.memory_space<vmem>> -> memref<1x128xi32, #tpu.memory_space<vmem>>
        %dma_wait3A_165 = tpu.memref_squeeze %dma_wait3A_164 : memref<1x128xi32, #tpu.memory_space<vmem>> -> memref<128xi32, #tpu.memory_space<vmem>>
        %dma_wait3A_166 = arith.constant 0 : i32
        %dma_wait3A_167 = arith.constant 0 : i32
        %dma_wait3A_168 = tpu.memref_slice %arg2[%dma_wait3A_166, %dma_wait3A_167] : memref<10112x128xf32, #tpu.memory_space<hbm>> -> memref<10112x128xf32, #tpu.memory_space<hbm>>
        tpu.wait_indirect_dma semaphore(%arg11 : memref<!tpu.dma_semaphore, #tpu.memory_space<semaphore_mem>>) src(%dma_wait3A_168 : memref<10112x128xf32, #tpu.memory_space<hbm>>) dst(%arg8 : memref<128x128xf32, #tpu.memory_space<vmem>>)
        %dma_start3A_169 = arith.constant 4 : i32
        %dma_start3A_170 = arith.constant 0 : i32
        %dma_start3A_171 = tpu.memref_slice %arg7[%dma_start3A_169, %dma_start3A_170] : memref<8x128xi32, #tpu.memory_space<vmem>> -> memref<1x128xi32, #tpu.memory_space<vmem>>
        %dma_start3A_172 = tpu.memref_squeeze %dma_start3A_171 : memref<1x128xi32, #tpu.memory_space<vmem>> -> memref<128xi32, #tpu.memory_space<vmem>>
        %dma_start3A_173 = arith.constant 0 : i32
        %dma_start3A_174 = arith.constant 0 : i32
        %dma_start3A_175 = tpu.memref_slice %arg10[%dma_start3A_173, %dma_start3A_174] : memref<10112x128xf32, #tpu.memory_space<vmem_shared>> -> memref<10112x128xf32, #tpu.memory_space<vmem_shared>>
        tpu.enqueue_indirect_dma source(%arg8 : memref<128x128xf32, #tpu.memory_space<vmem>>) target(%dma_start3A_175 : memref<10112x128xf32, #tpu.memory_space<vmem_shared>>) offsets(%dma_start3A_172 : memref<128xi32, #tpu.memory_space<vmem>>) semaphore(%arg13 : memref<!tpu.dma_semaphore, #tpu.memory_space<semaphore_mem>>) {add = true}
        %dma_wait3A_176 = arith.constant 4 : i32
        %dma_wait3A_177 = arith.constant 0 : i32
        %dma_wait3A_178 = tpu.memref_slice %arg7[%dma_wait3A_176, %dma_wait3A_177] : memref<8x128xi32, #tpu.memory_space<vmem>> -> memref<1x128xi32, #tpu.memory_space<vmem>>
        %dma_wait3A_179 = tpu.memref_squeeze %dma_wait3A_178 : memref<1x128xi32, #tpu.memory_space<vmem>> -> memref<128xi32, #tpu.memory_space<vmem>>
        %dma_wait3A_180 = arith.constant 0 : i32
        %dma_wait3A_181 = arith.constant 0 : i32
        %dma_wait3A_182 = tpu.memref_slice %arg10[%dma_wait3A_180, %dma_wait3A_181] : memref<10112x128xf32, #tpu.memory_space<vmem_shared>> -> memref<10112x128xf32, #tpu.memory_space<vmem_shared>>
        tpu.wait_indirect_dma semaphore(%arg13 : memref<!tpu.dma_semaphore, #tpu.memory_space<semaphore_mem>>) src(%arg8 : memref<128x128xf32, #tpu.memory_space<vmem>>) dst(%dma_wait3A_182 : memref<10112x128xf32, #tpu.memory_space<vmem_shared>>)
        %dma_start3A_183 = arith.constant 6 : i32
        %dma_start3A_184 = arith.constant 0 : i32
        %dma_start3A_185 = tpu.memref_slice %arg6[%dma_start3A_183, %dma_start3A_184] : memref<8x128xi32, #tpu.memory_space<vmem>> -> memref<1x128xi32, #tpu.memory_space<vmem>>
        %dma_start3A_186 = tpu.memref_squeeze %dma_start3A_185 : memref<1x128xi32, #tpu.memory_space<vmem>> -> memref<128xi32, #tpu.memory_space<vmem>>
        %dma_start3A_187 = arith.constant 0 : i32
        %dma_start3A_188 = arith.constant 0 : i32
        %dma_start3A_189 = tpu.memref_slice %arg2[%dma_start3A_187, %dma_start3A_188] : memref<10112x128xf32, #tpu.memory_space<hbm>> -> memref<10112x128xf32, #tpu.memory_space<hbm>>
        tpu.enqueue_indirect_dma source(%dma_start3A_189 : memref<10112x128xf32, #tpu.memory_space<hbm>>) target(%arg8 : memref<128x128xf32, #tpu.memory_space<vmem>>) offsets(%dma_start3A_186 : memref<128xi32, #tpu.memory_space<vmem>>) semaphore(%arg11 : memref<!tpu.dma_semaphore, #tpu.memory_space<semaphore_mem>>)
        %dma_wait3A_190 = arith.constant 5 : i32
        %dma_wait3A_191 = arith.constant 0 : i32
        %dma_wait3A_192 = tpu.memref_slice %arg6[%dma_wait3A_190, %dma_wait3A_191] : memref<8x128xi32, #tpu.memory_space<vmem>> -> memref<1x128xi32, #tpu.memory_space<vmem>>
        %dma_wait3A_193 = tpu.memref_squeeze %dma_wait3A_192 : memref<1x128xi32, #tpu.memory_space<vmem>> -> memref<128xi32, #tpu.memory_space<vmem>>
        %dma_wait3A_194 = arith.constant 0 : i32
        %dma_wait3A_195 = arith.constant 0 : i32
        %dma_wait3A_196 = tpu.memref_slice %arg2[%dma_wait3A_194, %dma_wait3A_195] : memref<10112x128xf32, #tpu.memory_space<hbm>> -> memref<10112x128xf32, #tpu.memory_space<hbm>>
        tpu.wait_indirect_dma semaphore(%arg12 : memref<!tpu.dma_semaphore, #tpu.memory_space<semaphore_mem>>) src(%dma_wait3A_196 : memref<10112x128xf32, #tpu.memory_space<hbm>>) dst(%arg9 : memref<128x128xf32, #tpu.memory_space<vmem>>)
        %dma_start3A_197 = arith.constant 5 : i32
        %dma_start3A_198 = arith.constant 0 : i32
        %dma_start3A_199 = tpu.memref_slice %arg7[%dma_start3A_197, %dma_start3A_198] : memref<8x128xi32, #tpu.memory_space<vmem>> -> memref<1x128xi32, #tpu.memory_space<vmem>>
        %dma_start3A_200 = tpu.memref_squeeze %dma_start3A_199 : memref<1x128xi32, #tpu.memory_space<vmem>> -> memref<128xi32, #tpu.memory_space<vmem>>
        %dma_start3A_201 = arith.constant 0 : i32
        %dma_start3A_202 = arith.constant 0 : i32
        %dma_start3A_203 = tpu.memref_slice %arg10[%dma_start3A_201, %dma_start3A_202] : memref<10112x128xf32, #tpu.memory_space<vmem_shared>> -> memref<10112x128xf32, #tpu.memory_space<vmem_shared>>
        tpu.enqueue_indirect_dma source(%arg9 : memref<128x128xf32, #tpu.memory_space<vmem>>) target(%dma_start3A_203 : memref<10112x128xf32, #tpu.memory_space<vmem_shared>>) offsets(%dma_start3A_200 : memref<128xi32, #tpu.memory_space<vmem>>) semaphore(%arg14 : memref<!tpu.dma_semaphore, #tpu.memory_space<semaphore_mem>>) {add = true}
        %dma_wait3A_204 = arith.constant 5 : i32
        %dma_wait3A_205 = arith.constant 0 : i32
        %dma_wait3A_206 = tpu.memref_slice %arg7[%dma_wait3A_204, %dma_wait3A_205] : memref<8x128xi32, #tpu.memory_space<vmem>> -> memref<1x128xi32, #tpu.memory_space<vmem>>
        %dma_wait3A_207 = tpu.memref_squeeze %dma_wait3A_206 : memref<1x128xi32, #tpu.memory_space<vmem>> -> memref<128xi32, #tpu.memory_space<vmem>>
        %dma_wait3A_208 = arith.constant 0 : i32
        %dma_wait3A_209 = arith.constant 0 : i32
        %dma_wait3A_210 = tpu.memref_slice %arg10[%dma_wait3A_208, %dma_wait3A_209] : memref<10112x128xf32, #tpu.memory_space<vmem_shared>> -> memref<10112x128xf32, #tpu.memory_space<vmem_shared>>
        tpu.wait_indirect_dma semaphore(%arg14 : memref<!tpu.dma_semaphore, #tpu.memory_space<semaphore_mem>>) src(%arg9 : memref<128x128xf32, #tpu.memory_space<vmem>>) dst(%dma_wait3A_210 : memref<10112x128xf32, #tpu.memory_space<vmem_shared>>)
        %dma_start3A_211 = arith.constant 7 : i32
        %dma_start3A_212 = arith.constant 0 : i32
        %dma_start3A_213 = tpu.memref_slice %arg6[%dma_start3A_211, %dma_start3A_212] : memref<8x128xi32, #tpu.memory_space<vmem>> -> memref<1x128xi32, #tpu.memory_space<vmem>>
        %dma_start3A_214 = tpu.memref_squeeze %dma_start3A_213 : memref<1x128xi32, #tpu.memory_space<vmem>> -> memref<128xi32, #tpu.memory_space<vmem>>
        %dma_start3A_215 = arith.constant 0 : i32
        %dma_start3A_216 = arith.constant 0 : i32
        %dma_start3A_217 = tpu.memref_slice %arg2[%dma_start3A_215, %dma_start3A_216] : memref<10112x128xf32, #tpu.memory_space<hbm>> -> memref<10112x128xf32, #tpu.memory_space<hbm>>
        tpu.enqueue_indirect_dma source(%dma_start3A_217 : memref<10112x128xf32, #tpu.memory_space<hbm>>) target(%arg9 : memref<128x128xf32, #tpu.memory_space<vmem>>) offsets(%dma_start3A_214 : memref<128xi32, #tpu.memory_space<vmem>>) semaphore(%arg12 : memref<!tpu.dma_semaphore, #tpu.memory_space<semaphore_mem>>)
        %dma_wait3A_218 = arith.constant 6 : i32
        %dma_wait3A_219 = arith.constant 0 : i32
        %dma_wait3A_220 = tpu.memref_slice %arg6[%dma_wait3A_218, %dma_wait3A_219] : memref<8x128xi32, #tpu.memory_space<vmem>> -> memref<1x128xi32, #tpu.memory_space<vmem>>
        %dma_wait3A_221 = tpu.memref_squeeze %dma_wait3A_220 : memref<1x128xi32, #tpu.memory_space<vmem>> -> memref<128xi32, #tpu.memory_space<vmem>>
        %dma_wait3A_222 = arith.constant 0 : i32
        %dma_wait3A_223 = arith.constant 0 : i32
        %dma_wait3A_224 = tpu.memref_slice %arg2[%dma_wait3A_222, %dma_wait3A_223] : memref<10112x128xf32, #tpu.memory_space<hbm>> -> memref<10112x128xf32, #tpu.memory_space<hbm>>
        tpu.wait_indirect_dma semaphore(%arg11 : memref<!tpu.dma_semaphore, #tpu.memory_space<semaphore_mem>>) src(%dma_wait3A_224 : memref<10112x128xf32, #tpu.memory_space<hbm>>) dst(%arg8 : memref<128x128xf32, #tpu.memory_space<vmem>>)
        %dma_start3A_225 = arith.constant 6 : i32
        %dma_start3A_226 = arith.constant 0 : i32
        %dma_start3A_227 = tpu.memref_slice %arg7[%dma_start3A_225, %dma_start3A_226] : memref<8x128xi32, #tpu.memory_space<vmem>> -> memref<1x128xi32, #tpu.memory_space<vmem>>
        %dma_start3A_228 = tpu.memref_squeeze %dma_start3A_227 : memref<1x128xi32, #tpu.memory_space<vmem>> -> memref<128xi32, #tpu.memory_space<vmem>>
        %dma_start3A_229 = arith.constant 0 : i32
        %dma_start3A_230 = arith.constant 0 : i32
        %dma_start3A_231 = tpu.memref_slice %arg10[%dma_start3A_229, %dma_start3A_230] : memref<10112x128xf32, #tpu.memory_space<vmem_shared>> -> memref<10112x128xf32, #tpu.memory_space<vmem_shared>>
        tpu.enqueue_indirect_dma source(%arg8 : memref<128x128xf32, #tpu.memory_space<vmem>>) target(%dma_start3A_231 : memref<10112x128xf32, #tpu.memory_space<vmem_shared>>) offsets(%dma_start3A_228 : memref<128xi32, #tpu.memory_space<vmem>>) semaphore(%arg13 : memref<!tpu.dma_semaphore, #tpu.memory_space<semaphore_mem>>) {add = true}
        %dma_wait3A_232 = arith.constant 7 : i32
        %dma_wait3A_233 = arith.constant 0 : i32
        %dma_wait3A_234 = tpu.memref_slice %arg6[%dma_wait3A_232, %dma_wait3A_233] : memref<8x128xi32, #tpu.memory_space<vmem>> -> memref<1x128xi32, #tpu.memory_space<vmem>>
        %dma_wait3A_235 = tpu.memref_squeeze %dma_wait3A_234 : memref<1x128xi32, #tpu.memory_space<vmem>> -> memref<128xi32, #tpu.memory_space<vmem>>
        %dma_wait3A_236 = arith.constant 0 : i32
        %dma_wait3A_237 = arith.constant 0 : i32
        %dma_wait3A_238 = tpu.memref_slice %arg2[%dma_wait3A_236, %dma_wait3A_237] : memref<10112x128xf32, #tpu.memory_space<hbm>> -> memref<10112x128xf32, #tpu.memory_space<hbm>>
        tpu.wait_indirect_dma semaphore(%arg12 : memref<!tpu.dma_semaphore, #tpu.memory_space<semaphore_mem>>) src(%dma_wait3A_238 : memref<10112x128xf32, #tpu.memory_space<hbm>>) dst(%arg9 : memref<128x128xf32, #tpu.memory_space<vmem>>)
        %dma_start3A_239 = arith.constant 7 : i32
        %dma_start3A_240 = arith.constant 0 : i32
        %dma_start3A_241 = tpu.memref_slice %arg7[%dma_start3A_239, %dma_start3A_240] : memref<8x128xi32, #tpu.memory_space<vmem>> -> memref<1x128xi32, #tpu.memory_space<vmem>>
        %dma_start3A_242 = tpu.memref_squeeze %dma_start3A_241 : memref<1x128xi32, #tpu.memory_space<vmem>> -> memref<128xi32, #tpu.memory_space<vmem>>
        %dma_start3A_243 = arith.constant 0 : i32
        %dma_start3A_244 = arith.constant 0 : i32
        %dma_start3A_245 = tpu.memref_slice %arg10[%dma_start3A_243, %dma_start3A_244] : memref<10112x128xf32, #tpu.memory_space<vmem_shared>> -> memref<10112x128xf32, #tpu.memory_space<vmem_shared>>
        tpu.enqueue_indirect_dma source(%arg9 : memref<128x128xf32, #tpu.memory_space<vmem>>) target(%dma_start3A_245 : memref<10112x128xf32, #tpu.memory_space<vmem_shared>>) offsets(%dma_start3A_242 : memref<128xi32, #tpu.memory_space<vmem>>) semaphore(%arg14 : memref<!tpu.dma_semaphore, #tpu.memory_space<semaphore_mem>>) {add = true}
        %dma_wait3A_246 = arith.constant 6 : i32
        %dma_wait3A_247 = arith.constant 0 : i32
        %dma_wait3A_248 = tpu.memref_slice %arg7[%dma_wait3A_246, %dma_wait3A_247] : memref<8x128xi32, #tpu.memory_space<vmem>> -> memref<1x128xi32, #tpu.memory_space<vmem>>
        %dma_wait3A_249 = tpu.memref_squeeze %dma_wait3A_248 : memref<1x128xi32, #tpu.memory_space<vmem>> -> memref<128xi32, #tpu.memory_space<vmem>>
        %dma_wait3A_250 = arith.constant 0 : i32
        %dma_wait3A_251 = arith.constant 0 : i32
        %dma_wait3A_252 = tpu.memref_slice %arg10[%dma_wait3A_250, %dma_wait3A_251] : memref<10112x128xf32, #tpu.memory_space<vmem_shared>> -> memref<10112x128xf32, #tpu.memory_space<vmem_shared>>
        tpu.wait_indirect_dma semaphore(%arg13 : memref<!tpu.dma_semaphore, #tpu.memory_space<semaphore_mem>>) src(%arg8 : memref<128x128xf32, #tpu.memory_space<vmem>>) dst(%dma_wait3A_252 : memref<10112x128xf32, #tpu.memory_space<vmem_shared>>)
        %dma_wait3A_253 = arith.constant 7 : i32
        %dma_wait3A_254 = arith.constant 0 : i32
        %dma_wait3A_255 = tpu.memref_slice %arg7[%dma_wait3A_253, %dma_wait3A_254] : memref<8x128xi32, #tpu.memory_space<vmem>> -> memref<1x128xi32, #tpu.memory_space<vmem>>
        %dma_wait3A_256 = tpu.memref_squeeze %dma_wait3A_255 : memref<1x128xi32, #tpu.memory_space<vmem>> -> memref<128xi32, #tpu.memory_space<vmem>>
        %dma_wait3A_257 = arith.constant 0 : i32
        %dma_wait3A_258 = arith.constant 0 : i32
        %dma_wait3A_259 = tpu.memref_slice %arg10[%dma_wait3A_257, %dma_wait3A_258] : memref<10112x128xf32, #tpu.memory_space<vmem_shared>> -> memref<10112x128xf32, #tpu.memory_space<vmem_shared>>
        tpu.wait_indirect_dma semaphore(%arg14 : memref<!tpu.dma_semaphore, #tpu.memory_space<semaphore_mem>>) src(%arg9 : memref<128x128xf32, #tpu.memory_space<vmem>>) dst(%dma_wait3A_259 : memref<10112x128xf32, #tpu.memory_space<vmem_shared>>)
      }
      %scan3A_27 = arith.constant 19 : i32
    } else {
    }
    %eq3A_17 = arith.constant 1 : i32
    %eq3A_18 = arith.cmpi eq, %arg0, %eq3A_17 : i32
    %convert_element_type3A_19 = arith.extui %eq3A_18 : i1 to i32
    %cond3A_20 = arith.constant 0 : i32
    %cond3A_21 = arith.cmpi ne, %convert_element_type3A_19, %cond3A_20 : i32
    scf.if %cond3A_21 {
      %scan3A_23 = arith.constant 0 : i32
      %mul3A_24 = arith.constant 1 : i32
      %mul3A_25 = arith.muli %scan3A_23, %mul3A_24 : i32
      %add3A_26 = arith.constant 0 : i32
      %add3A_27 = arith.addi %add3A_26, %mul3A_25 : i32
      %mul3A_28 = arith.constant 8 : i32
      %mul3A_29 = arith.muli %arg1, %mul3A_28 : i32
      %add3A_30 = arith.constant 2432 : i32
      %add3A_31 = arith.addi %add3A_30, %mul3A_29 : i32
      %mul3A_32 = arith.constant 8 : i32
      %mul3A_33 = arith.muli %add3A_27, %mul3A_32 : i32
      %add3A_34 = arith.addi %add3A_31, %mul3A_33 : i32
      "tpu.region"() ({
        %run_scoped3A = tpu.sem_alloc : memref<!tpu.dma_semaphore, #tpu.memory_space<semaphore_mem>>
        %dma_start3A_258 = arith.constant 0 : i32
        %dma_start3A_259 = tpu.memref_slice %arg3[%add3A_34, %dma_start3A_258] : memref<2560x128xi32, #tpu.memory_space<hbm>> -> memref<8x128xi32, #tpu.memory_space<hbm>>
        %dma_start3A_260 = arith.constant 0 : i32
        %dma_start3A_261 = tpu.memref_slice %arg3[%add3A_34, %dma_start3A_260] : memref<2560x128xi32, #tpu.memory_space<hbm>> -> memref<8x128xi32, #tpu.memory_space<hbm>>
        tpu.enqueue_dma source(%dma_start3A_261 : memref<8x128xi32, #tpu.memory_space<hbm>>) target(%arg6 : memref<8x128xi32, #tpu.memory_space<vmem>>) target_semaphore(%run_scoped3A : memref<!tpu.dma_semaphore, #tpu.memory_space<semaphore_mem>>)
        %dma_wait3A_262 = arith.constant 0 : i32
        %dma_wait3A_263 = tpu.memref_slice %arg3[%add3A_34, %dma_wait3A_262] : memref<2560x128xi32, #tpu.memory_space<hbm>> -> memref<8x128xi32, #tpu.memory_space<hbm>>
        %dma_wait3A_264 = arith.constant 0 : i32
        %dma_wait3A_265 = tpu.memref_slice %arg3[%add3A_34, %dma_wait3A_264] : memref<2560x128xi32, #tpu.memory_space<hbm>> -> memref<8x128xi32, #tpu.memory_space<hbm>>
        tpu.wait_dma2 semaphore(%run_scoped3A : memref<!tpu.dma_semaphore, #tpu.memory_space<semaphore_mem>>) src(%dma_wait3A_265 : memref<8x128xi32, #tpu.memory_space<hbm>>) dst(%arg6 : memref<8x128xi32, #tpu.memory_space<vmem>>)
        tpu.yield
      }) : () -> ()
      "tpu.region"() ({
        %run_scoped3A = tpu.sem_alloc : memref<!tpu.dma_semaphore, #tpu.memory_space<semaphore_mem>>
        %dma_start3A_258 = arith.constant 0 : i32
        %dma_start3A_259 = tpu.memref_slice %arg4[%add3A_34, %dma_start3A_258] : memref<2560x128xi32, #tpu.memory_space<hbm>> -> memref<8x128xi32, #tpu.memory_space<hbm>>
        %dma_start3A_260 = arith.constant 0 : i32
        %dma_start3A_261 = tpu.memref_slice %arg4[%add3A_34, %dma_start3A_260] : memref<2560x128xi32, #tpu.memory_space<hbm>> -> memref<8x128xi32, #tpu.memory_space<hbm>>
        tpu.enqueue_dma source(%dma_start3A_261 : memref<8x128xi32, #tpu.memory_space<hbm>>) target(%arg7 : memref<8x128xi32, #tpu.memory_space<vmem>>) target_semaphore(%run_scoped3A : memref<!tpu.dma_semaphore, #tpu.memory_space<semaphore_mem>>)
        %dma_wait3A_262 = arith.constant 0 : i32
        %dma_wait3A_263 = tpu.memref_slice %arg4[%add3A_34, %dma_wait3A_262] : memref<2560x128xi32, #tpu.memory_space<hbm>> -> memref<8x128xi32, #tpu.memory_space<hbm>>
        %dma_wait3A_264 = arith.constant 0 : i32
        %dma_wait3A_265 = tpu.memref_slice %arg4[%add3A_34, %dma_wait3A_264] : memref<2560x128xi32, #tpu.memory_space<hbm>> -> memref<8x128xi32, #tpu.memory_space<hbm>>
        tpu.wait_dma2 semaphore(%run_scoped3A : memref<!tpu.dma_semaphore, #tpu.memory_space<semaphore_mem>>) src(%dma_wait3A_265 : memref<8x128xi32, #tpu.memory_space<hbm>>) dst(%arg7 : memref<8x128xi32, #tpu.memory_space<vmem>>)
        tpu.yield
      }) : () -> ()
      %dma_start3A = arith.constant 0 : i32
      %dma_start3A_35 = arith.constant 0 : i32
      %dma_start3A_36 = tpu.memref_slice %arg6[%dma_start3A, %dma_start3A_35] : memref<8x128xi32, #tpu.memory_space<vmem>> -> memref<1x128xi32, #tpu.memory_space<vmem>>
      %dma_start3A_37 = tpu.memref_squeeze %dma_start3A_36 : memref<1x128xi32, #tpu.memory_space<vmem>> -> memref<128xi32, #tpu.memory_space<vmem>>
      %dma_start3A_38 = arith.constant 0 : i32
      %dma_start3A_39 = arith.constant 0 : i32
      %dma_start3A_40 = tpu.memref_slice %arg2[%dma_start3A_38, %dma_start3A_39] : memref<10112x128xf32, #tpu.memory_space<hbm>> -> memref<10112x128xf32, #tpu.memory_space<hbm>>
      tpu.enqueue_indirect_dma source(%dma_start3A_40 : memref<10112x128xf32, #tpu.memory_space<hbm>>) target(%arg8 : memref<128x128xf32, #tpu.memory_space<vmem>>) offsets(%dma_start3A_37 : memref<128xi32, #tpu.memory_space<vmem>>) semaphore(%arg11 : memref<!tpu.dma_semaphore, #tpu.memory_space<semaphore_mem>>)
      %dma_start3A_41 = arith.constant 1 : i32
      %dma_start3A_42 = arith.constant 0 : i32
      %dma_start3A_43 = tpu.memref_slice %arg6[%dma_start3A_41, %dma_start3A_42] : memref<8x128xi32, #tpu.memory_space<vmem>> -> memref<1x128xi32, #tpu.memory_space<vmem>>
      %dma_start3A_44 = tpu.memref_squeeze %dma_start3A_43 : memref<1x128xi32, #tpu.memory_space<vmem>> -> memref<128xi32, #tpu.memory_space<vmem>>
      %dma_start3A_45 = arith.constant 0 : i32
      %dma_start3A_46 = arith.constant 0 : i32
      %dma_start3A_47 = tpu.memref_slice %arg2[%dma_start3A_45, %dma_start3A_46] : memref<10112x128xf32, #tpu.memory_space<hbm>> -> memref<10112x128xf32, #tpu.memory_space<hbm>>
      tpu.enqueue_indirect_dma source(%dma_start3A_47 : memref<10112x128xf32, #tpu.memory_space<hbm>>) target(%arg9 : memref<128x128xf32, #tpu.memory_space<vmem>>) offsets(%dma_start3A_44 : memref<128xi32, #tpu.memory_space<vmem>>) semaphore(%arg12 : memref<!tpu.dma_semaphore, #tpu.memory_space<semaphore_mem>>)
      %dma_wait3A = arith.constant 0 : i32
      %dma_wait3A_48 = arith.constant 0 : i32
      %dma_wait3A_49 = tpu.memref_slice %arg6[%dma_wait3A, %dma_wait3A_48] : memref<8x128xi32, #tpu.memory_space<vmem>> -> memref<1x128xi32, #tpu.memory_space<vmem>>
      %dma_wait3A_50 = tpu.memref_squeeze %dma_wait3A_49 : memref<1x128xi32, #tpu.memory_space<vmem>> -> memref<128xi32, #tpu.memory_space<vmem>>
      %dma_wait3A_51 = arith.constant 0 : i32
      %dma_wait3A_52 = arith.constant 0 : i32
      %dma_wait3A_53 = tpu.memref_slice %arg2[%dma_wait3A_51, %dma_wait3A_52] : memref<10112x128xf32, #tpu.memory_space<hbm>> -> memref<10112x128xf32, #tpu.memory_space<hbm>>
      tpu.wait_indirect_dma semaphore(%arg11 : memref<!tpu.dma_semaphore, #tpu.memory_space<semaphore_mem>>) src(%dma_wait3A_53 : memref<10112x128xf32, #tpu.memory_space<hbm>>) dst(%arg8 : memref<128x128xf32, #tpu.memory_space<vmem>>)
      %dma_start3A_54 = arith.constant 0 : i32
      %dma_start3A_55 = arith.constant 0 : i32
      %dma_start3A_56 = tpu.memref_slice %arg7[%dma_start3A_54, %dma_start3A_55] : memref<8x128xi32, #tpu.memory_space<vmem>> -> memref<1x128xi32, #tpu.memory_space<vmem>>
      %dma_start3A_57 = tpu.memref_squeeze %dma_start3A_56 : memref<1x128xi32, #tpu.memory_space<vmem>> -> memref<128xi32, #tpu.memory_space<vmem>>
      %dma_start3A_58 = arith.constant 0 : i32
      %dma_start3A_59 = arith.constant 0 : i32
      %dma_start3A_60 = tpu.memref_slice %arg10[%dma_start3A_58, %dma_start3A_59] : memref<10112x128xf32, #tpu.memory_space<vmem_shared>> -> memref<10112x128xf32, #tpu.memory_space<vmem_shared>>
      tpu.enqueue_indirect_dma source(%arg8 : memref<128x128xf32, #tpu.memory_space<vmem>>) target(%dma_start3A_60 : memref<10112x128xf32, #tpu.memory_space<vmem_shared>>) offsets(%dma_start3A_57 : memref<128xi32, #tpu.memory_space<vmem>>) semaphore(%arg13 : memref<!tpu.dma_semaphore, #tpu.memory_space<semaphore_mem>>) {add = true}
      %dma_wait3A_61 = arith.constant 0 : i32
      %dma_wait3A_62 = arith.constant 0 : i32
      %dma_wait3A_63 = tpu.memref_slice %arg7[%dma_wait3A_61, %dma_wait3A_62] : memref<8x128xi32, #tpu.memory_space<vmem>> -> memref<1x128xi32, #tpu.memory_space<vmem>>
      %dma_wait3A_64 = tpu.memref_squeeze %dma_wait3A_63 : memref<1x128xi32, #tpu.memory_space<vmem>> -> memref<128xi32, #tpu.memory_space<vmem>>
      %dma_wait3A_65 = arith.constant 0 : i32
      %dma_wait3A_66 = arith.constant 0 : i32
      %dma_wait3A_67 = tpu.memref_slice %arg10[%dma_wait3A_65, %dma_wait3A_66] : memref<10112x128xf32, #tpu.memory_space<vmem_shared>> -> memref<10112x128xf32, #tpu.memory_space<vmem_shared>>
      tpu.wait_indirect_dma semaphore(%arg13 : memref<!tpu.dma_semaphore, #tpu.memory_space<semaphore_mem>>) src(%arg8 : memref<128x128xf32, #tpu.memory_space<vmem>>) dst(%dma_wait3A_67 : memref<10112x128xf32, #tpu.memory_space<vmem_shared>>)
      %dma_start3A_68 = arith.constant 2 : i32
      %dma_start3A_69 = arith.constant 0 : i32
      %dma_start3A_70 = tpu.memref_slice %arg6[%dma_start3A_68, %dma_start3A_69] : memref<8x128xi32, #tpu.memory_space<vmem>> -> memref<1x128xi32, #tpu.memory_space<vmem>>
      %dma_start3A_71 = tpu.memref_squeeze %dma_start3A_70 : memref<1x128xi32, #tpu.memory_space<vmem>> -> memref<128xi32, #tpu.memory_space<vmem>>
      %dma_start3A_72 = arith.constant 0 : i32
      %dma_start3A_73 = arith.constant 0 : i32
      %dma_start3A_74 = tpu.memref_slice %arg2[%dma_start3A_72, %dma_start3A_73] : memref<10112x128xf32, #tpu.memory_space<hbm>> -> memref<10112x128xf32, #tpu.memory_space<hbm>>
      tpu.enqueue_indirect_dma source(%dma_start3A_74 : memref<10112x128xf32, #tpu.memory_space<hbm>>) target(%arg8 : memref<128x128xf32, #tpu.memory_space<vmem>>) offsets(%dma_start3A_71 : memref<128xi32, #tpu.memory_space<vmem>>) semaphore(%arg11 : memref<!tpu.dma_semaphore, #tpu.memory_space<semaphore_mem>>)
      %dma_wait3A_75 = arith.constant 1 : i32
      %dma_wait3A_76 = arith.constant 0 : i32
      %dma_wait3A_77 = tpu.memref_slice %arg6[%dma_wait3A_75, %dma_wait3A_76] : memref<8x128xi32, #tpu.memory_space<vmem>> -> memref<1x128xi32, #tpu.memory_space<vmem>>
      %dma_wait3A_78 = tpu.memref_squeeze %dma_wait3A_77 : memref<1x128xi32, #tpu.memory_space<vmem>> -> memref<128xi32, #tpu.memory_space<vmem>>
      %dma_wait3A_79 = arith.constant 0 : i32
      %dma_wait3A_80 = arith.constant 0 : i32
      %dma_wait3A_81 = tpu.memref_slice %arg2[%dma_wait3A_79, %dma_wait3A_80] : memref<10112x128xf32, #tpu.memory_space<hbm>> -> memref<10112x128xf32, #tpu.memory_space<hbm>>
      tpu.wait_indirect_dma semaphore(%arg12 : memref<!tpu.dma_semaphore, #tpu.memory_space<semaphore_mem>>) src(%dma_wait3A_81 : memref<10112x128xf32, #tpu.memory_space<hbm>>) dst(%arg9 : memref<128x128xf32, #tpu.memory_space<vmem>>)
      %dma_start3A_82 = arith.constant 1 : i32
      %dma_start3A_83 = arith.constant 0 : i32
      %dma_start3A_84 = tpu.memref_slice %arg7[%dma_start3A_82, %dma_start3A_83] : memref<8x128xi32, #tpu.memory_space<vmem>> -> memref<1x128xi32, #tpu.memory_space<vmem>>
      %dma_start3A_85 = tpu.memref_squeeze %dma_start3A_84 : memref<1x128xi32, #tpu.memory_space<vmem>> -> memref<128xi32, #tpu.memory_space<vmem>>
      %dma_start3A_86 = arith.constant 0 : i32
      %dma_start3A_87 = arith.constant 0 : i32
      %dma_start3A_88 = tpu.memref_slice %arg10[%dma_start3A_86, %dma_start3A_87] : memref<10112x128xf32, #tpu.memory_space<vmem_shared>> -> memref<10112x128xf32, #tpu.memory_space<vmem_shared>>
      tpu.enqueue_indirect_dma source(%arg9 : memref<128x128xf32, #tpu.memory_space<vmem>>) target(%dma_start3A_88 : memref<10112x128xf32, #tpu.memory_space<vmem_shared>>) offsets(%dma_start3A_85 : memref<128xi32, #tpu.memory_space<vmem>>) semaphore(%arg14 : memref<!tpu.dma_semaphore, #tpu.memory_space<semaphore_mem>>) {add = true}
      %dma_wait3A_89 = arith.constant 1 : i32
      %dma_wait3A_90 = arith.constant 0 : i32
      %dma_wait3A_91 = tpu.memref_slice %arg7[%dma_wait3A_89, %dma_wait3A_90] : memref<8x128xi32, #tpu.memory_space<vmem>> -> memref<1x128xi32, #tpu.memory_space<vmem>>
      %dma_wait3A_92 = tpu.memref_squeeze %dma_wait3A_91 : memref<1x128xi32, #tpu.memory_space<vmem>> -> memref<128xi32, #tpu.memory_space<vmem>>
      %dma_wait3A_93 = arith.constant 0 : i32
      %dma_wait3A_94 = arith.constant 0 : i32
      %dma_wait3A_95 = tpu.memref_slice %arg10[%dma_wait3A_93, %dma_wait3A_94] : memref<10112x128xf32, #tpu.memory_space<vmem_shared>> -> memref<10112x128xf32, #tpu.memory_space<vmem_shared>>
      tpu.wait_indirect_dma semaphore(%arg14 : memref<!tpu.dma_semaphore, #tpu.memory_space<semaphore_mem>>) src(%arg9 : memref<128x128xf32, #tpu.memory_space<vmem>>) dst(%dma_wait3A_95 : memref<10112x128xf32, #tpu.memory_space<vmem_shared>>)
      %dma_start3A_96 = arith.constant 3 : i32
      %dma_start3A_97 = arith.constant 0 : i32
      %dma_start3A_98 = tpu.memref_slice %arg6[%dma_start3A_96, %dma_start3A_97] : memref<8x128xi32, #tpu.memory_space<vmem>> -> memref<1x128xi32, #tpu.memory_space<vmem>>
      %dma_start3A_99 = tpu.memref_squeeze %dma_start3A_98 : memref<1x128xi32, #tpu.memory_space<vmem>> -> memref<128xi32, #tpu.memory_space<vmem>>
      %dma_start3A_100 = arith.constant 0 : i32
      %dma_start3A_101 = arith.constant 0 : i32
      %dma_start3A_102 = tpu.memref_slice %arg2[%dma_start3A_100, %dma_start3A_101] : memref<10112x128xf32, #tpu.memory_space<hbm>> -> memref<10112x128xf32, #tpu.memory_space<hbm>>
      tpu.enqueue_indirect_dma source(%dma_start3A_102 : memref<10112x128xf32, #tpu.memory_space<hbm>>) target(%arg9 : memref<128x128xf32, #tpu.memory_space<vmem>>) offsets(%dma_start3A_99 : memref<128xi32, #tpu.memory_space<vmem>>) semaphore(%arg12 : memref<!tpu.dma_semaphore, #tpu.memory_space<semaphore_mem>>)
      %dma_wait3A_103 = arith.constant 2 : i32
      %dma_wait3A_104 = arith.constant 0 : i32
      %dma_wait3A_105 = tpu.memref_slice %arg6[%dma_wait3A_103, %dma_wait3A_104] : memref<8x128xi32, #tpu.memory_space<vmem>> -> memref<1x128xi32, #tpu.memory_space<vmem>>
      %dma_wait3A_106 = tpu.memref_squeeze %dma_wait3A_105 : memref<1x128xi32, #tpu.memory_space<vmem>> -> memref<128xi32, #tpu.memory_space<vmem>>
      %dma_wait3A_107 = arith.constant 0 : i32
      %dma_wait3A_108 = arith.constant 0 : i32
      %dma_wait3A_109 = tpu.memref_slice %arg2[%dma_wait3A_107, %dma_wait3A_108] : memref<10112x128xf32, #tpu.memory_space<hbm>> -> memref<10112x128xf32, #tpu.memory_space<hbm>>
      tpu.wait_indirect_dma semaphore(%arg11 : memref<!tpu.dma_semaphore, #tpu.memory_space<semaphore_mem>>) src(%dma_wait3A_109 : memref<10112x128xf32, #tpu.memory_space<hbm>>) dst(%arg8 : memref<128x128xf32, #tpu.memory_space<vmem>>)
      %dma_start3A_110 = arith.constant 2 : i32
      %dma_start3A_111 = arith.constant 0 : i32
      %dma_start3A_112 = tpu.memref_slice %arg7[%dma_start3A_110, %dma_start3A_111] : memref<8x128xi32, #tpu.memory_space<vmem>> -> memref<1x128xi32, #tpu.memory_space<vmem>>
      %dma_start3A_113 = tpu.memref_squeeze %dma_start3A_112 : memref<1x128xi32, #tpu.memory_space<vmem>> -> memref<128xi32, #tpu.memory_space<vmem>>
      %dma_start3A_114 = arith.constant 0 : i32
      %dma_start3A_115 = arith.constant 0 : i32
      %dma_start3A_116 = tpu.memref_slice %arg10[%dma_start3A_114, %dma_start3A_115] : memref<10112x128xf32, #tpu.memory_space<vmem_shared>> -> memref<10112x128xf32, #tpu.memory_space<vmem_shared>>
      tpu.enqueue_indirect_dma source(%arg8 : memref<128x128xf32, #tpu.memory_space<vmem>>) target(%dma_start3A_116 : memref<10112x128xf32, #tpu.memory_space<vmem_shared>>) offsets(%dma_start3A_113 : memref<128xi32, #tpu.memory_space<vmem>>) semaphore(%arg13 : memref<!tpu.dma_semaphore, #tpu.memory_space<semaphore_mem>>) {add = true}
      %dma_wait3A_117 = arith.constant 2 : i32
      %dma_wait3A_118 = arith.constant 0 : i32
      %dma_wait3A_119 = tpu.memref_slice %arg7[%dma_wait3A_117, %dma_wait3A_118] : memref<8x128xi32, #tpu.memory_space<vmem>> -> memref<1x128xi32, #tpu.memory_space<vmem>>
      %dma_wait3A_120 = tpu.memref_squeeze %dma_wait3A_119 : memref<1x128xi32, #tpu.memory_space<vmem>> -> memref<128xi32, #tpu.memory_space<vmem>>
      %dma_wait3A_121 = arith.constant 0 : i32
      %dma_wait3A_122 = arith.constant 0 : i32
      %dma_wait3A_123 = tpu.memref_slice %arg10[%dma_wait3A_121, %dma_wait3A_122] : memref<10112x128xf32, #tpu.memory_space<vmem_shared>> -> memref<10112x128xf32, #tpu.memory_space<vmem_shared>>
      tpu.wait_indirect_dma semaphore(%arg13 : memref<!tpu.dma_semaphore, #tpu.memory_space<semaphore_mem>>) src(%arg8 : memref<128x128xf32, #tpu.memory_space<vmem>>) dst(%dma_wait3A_123 : memref<10112x128xf32, #tpu.memory_space<vmem_shared>>)
      %dma_start3A_124 = arith.constant 4 : i32
      %dma_start3A_125 = arith.constant 0 : i32
      %dma_start3A_126 = tpu.memref_slice %arg6[%dma_start3A_124, %dma_start3A_125] : memref<8x128xi32, #tpu.memory_space<vmem>> -> memref<1x128xi32, #tpu.memory_space<vmem>>
      %dma_start3A_127 = tpu.memref_squeeze %dma_start3A_126 : memref<1x128xi32, #tpu.memory_space<vmem>> -> memref<128xi32, #tpu.memory_space<vmem>>
      %dma_start3A_128 = arith.constant 0 : i32
      %dma_start3A_129 = arith.constant 0 : i32
      %dma_start3A_130 = tpu.memref_slice %arg2[%dma_start3A_128, %dma_start3A_129] : memref<10112x128xf32, #tpu.memory_space<hbm>> -> memref<10112x128xf32, #tpu.memory_space<hbm>>
      tpu.enqueue_indirect_dma source(%dma_start3A_130 : memref<10112x128xf32, #tpu.memory_space<hbm>>) target(%arg8 : memref<128x128xf32, #tpu.memory_space<vmem>>) offsets(%dma_start3A_127 : memref<128xi32, #tpu.memory_space<vmem>>) semaphore(%arg11 : memref<!tpu.dma_semaphore, #tpu.memory_space<semaphore_mem>>)
      %dma_wait3A_131 = arith.constant 3 : i32
      %dma_wait3A_132 = arith.constant 0 : i32
      %dma_wait3A_133 = tpu.memref_slice %arg6[%dma_wait3A_131, %dma_wait3A_132] : memref<8x128xi32, #tpu.memory_space<vmem>> -> memref<1x128xi32, #tpu.memory_space<vmem>>
      %dma_wait3A_134 = tpu.memref_squeeze %dma_wait3A_133 : memref<1x128xi32, #tpu.memory_space<vmem>> -> memref<128xi32, #tpu.memory_space<vmem>>
      %dma_wait3A_135 = arith.constant 0 : i32
      %dma_wait3A_136 = arith.constant 0 : i32
      %dma_wait3A_137 = tpu.memref_slice %arg2[%dma_wait3A_135, %dma_wait3A_136] : memref<10112x128xf32, #tpu.memory_space<hbm>> -> memref<10112x128xf32, #tpu.memory_space<hbm>>
      tpu.wait_indirect_dma semaphore(%arg12 : memref<!tpu.dma_semaphore, #tpu.memory_space<semaphore_mem>>) src(%dma_wait3A_137 : memref<10112x128xf32, #tpu.memory_space<hbm>>) dst(%arg9 : memref<128x128xf32, #tpu.memory_space<vmem>>)
      %dma_start3A_138 = arith.constant 3 : i32
      %dma_start3A_139 = arith.constant 0 : i32
      %dma_start3A_140 = tpu.memref_slice %arg7[%dma_start3A_138, %dma_start3A_139] : memref<8x128xi32, #tpu.memory_space<vmem>> -> memref<1x128xi32, #tpu.memory_space<vmem>>
      %dma_start3A_141 = tpu.memref_squeeze %dma_start3A_140 : memref<1x128xi32, #tpu.memory_space<vmem>> -> memref<128xi32, #tpu.memory_space<vmem>>
      %dma_start3A_142 = arith.constant 0 : i32
      %dma_start3A_143 = arith.constant 0 : i32
      %dma_start3A_144 = tpu.memref_slice %arg10[%dma_start3A_142, %dma_start3A_143] : memref<10112x128xf32, #tpu.memory_space<vmem_shared>> -> memref<10112x128xf32, #tpu.memory_space<vmem_shared>>
      tpu.enqueue_indirect_dma source(%arg9 : memref<128x128xf32, #tpu.memory_space<vmem>>) target(%dma_start3A_144 : memref<10112x128xf32, #tpu.memory_space<vmem_shared>>) offsets(%dma_start3A_141 : memref<128xi32, #tpu.memory_space<vmem>>) semaphore(%arg14 : memref<!tpu.dma_semaphore, #tpu.memory_space<semaphore_mem>>) {add = true}
      %dma_wait3A_145 = arith.constant 3 : i32
      %dma_wait3A_146 = arith.constant 0 : i32
      %dma_wait3A_147 = tpu.memref_slice %arg7[%dma_wait3A_145, %dma_wait3A_146] : memref<8x128xi32, #tpu.memory_space<vmem>> -> memref<1x128xi32, #tpu.memory_space<vmem>>
      %dma_wait3A_148 = tpu.memref_squeeze %dma_wait3A_147 : memref<1x128xi32, #tpu.memory_space<vmem>> -> memref<128xi32, #tpu.memory_space<vmem>>
      %dma_wait3A_149 = arith.constant 0 : i32
      %dma_wait3A_150 = arith.constant 0 : i32
      %dma_wait3A_151 = tpu.memref_slice %arg10[%dma_wait3A_149, %dma_wait3A_150] : memref<10112x128xf32, #tpu.memory_space<vmem_shared>> -> memref<10112x128xf32, #tpu.memory_space<vmem_shared>>
      tpu.wait_indirect_dma semaphore(%arg14 : memref<!tpu.dma_semaphore, #tpu.memory_space<semaphore_mem>>) src(%arg9 : memref<128x128xf32, #tpu.memory_space<vmem>>) dst(%dma_wait3A_151 : memref<10112x128xf32, #tpu.memory_space<vmem_shared>>)
      %dma_start3A_152 = arith.constant 5 : i32
      %dma_start3A_153 = arith.constant 0 : i32
      %dma_start3A_154 = tpu.memref_slice %arg6[%dma_start3A_152, %dma_start3A_153] : memref<8x128xi32, #tpu.memory_space<vmem>> -> memref<1x128xi32, #tpu.memory_space<vmem>>
      %dma_start3A_155 = tpu.memref_squeeze %dma_start3A_154 : memref<1x128xi32, #tpu.memory_space<vmem>> -> memref<128xi32, #tpu.memory_space<vmem>>
      %dma_start3A_156 = arith.constant 0 : i32
      %dma_start3A_157 = arith.constant 0 : i32
      %dma_start3A_158 = tpu.memref_slice %arg2[%dma_start3A_156, %dma_start3A_157] : memref<10112x128xf32, #tpu.memory_space<hbm>> -> memref<10112x128xf32, #tpu.memory_space<hbm>>
      tpu.enqueue_indirect_dma source(%dma_start3A_158 : memref<10112x128xf32, #tpu.memory_space<hbm>>) target(%arg9 : memref<128x128xf32, #tpu.memory_space<vmem>>) offsets(%dma_start3A_155 : memref<128xi32, #tpu.memory_space<vmem>>) semaphore(%arg12 : memref<!tpu.dma_semaphore, #tpu.memory_space<semaphore_mem>>)
      %dma_wait3A_159 = arith.constant 4 : i32
      %dma_wait3A_160 = arith.constant 0 : i32
      %dma_wait3A_161 = tpu.memref_slice %arg6[%dma_wait3A_159, %dma_wait3A_160] : memref<8x128xi32, #tpu.memory_space<vmem>> -> memref<1x128xi32, #tpu.memory_space<vmem>>
      %dma_wait3A_162 = tpu.memref_squeeze %dma_wait3A_161 : memref<1x128xi32, #tpu.memory_space<vmem>> -> memref<128xi32, #tpu.memory_space<vmem>>
      %dma_wait3A_163 = arith.constant 0 : i32
      %dma_wait3A_164 = arith.constant 0 : i32
      %dma_wait3A_165 = tpu.memref_slice %arg2[%dma_wait3A_163, %dma_wait3A_164] : memref<10112x128xf32, #tpu.memory_space<hbm>> -> memref<10112x128xf32, #tpu.memory_space<hbm>>
      tpu.wait_indirect_dma semaphore(%arg11 : memref<!tpu.dma_semaphore, #tpu.memory_space<semaphore_mem>>) src(%dma_wait3A_165 : memref<10112x128xf32, #tpu.memory_space<hbm>>) dst(%arg8 : memref<128x128xf32, #tpu.memory_space<vmem>>)
      %dma_start3A_166 = arith.constant 4 : i32
      %dma_start3A_167 = arith.constant 0 : i32
      %dma_start3A_168 = tpu.memref_slice %arg7[%dma_start3A_166, %dma_start3A_167] : memref<8x128xi32, #tpu.memory_space<vmem>> -> memref<1x128xi32, #tpu.memory_space<vmem>>
      %dma_start3A_169 = tpu.memref_squeeze %dma_start3A_168 : memref<1x128xi32, #tpu.memory_space<vmem>> -> memref<128xi32, #tpu.memory_space<vmem>>
      %dma_start3A_170 = arith.constant 0 : i32
      %dma_start3A_171 = arith.constant 0 : i32
      %dma_start3A_172 = tpu.memref_slice %arg10[%dma_start3A_170, %dma_start3A_171] : memref<10112x128xf32, #tpu.memory_space<vmem_shared>> -> memref<10112x128xf32, #tpu.memory_space<vmem_shared>>
      tpu.enqueue_indirect_dma source(%arg8 : memref<128x128xf32, #tpu.memory_space<vmem>>) target(%dma_start3A_172 : memref<10112x128xf32, #tpu.memory_space<vmem_shared>>) offsets(%dma_start3A_169 : memref<128xi32, #tpu.memory_space<vmem>>) semaphore(%arg13 : memref<!tpu.dma_semaphore, #tpu.memory_space<semaphore_mem>>) {add = true}
      %dma_wait3A_173 = arith.constant 4 : i32
      %dma_wait3A_174 = arith.constant 0 : i32
      %dma_wait3A_175 = tpu.memref_slice %arg7[%dma_wait3A_173, %dma_wait3A_174] : memref<8x128xi32, #tpu.memory_space<vmem>> -> memref<1x128xi32, #tpu.memory_space<vmem>>
      %dma_wait3A_176 = tpu.memref_squeeze %dma_wait3A_175 : memref<1x128xi32, #tpu.memory_space<vmem>> -> memref<128xi32, #tpu.memory_space<vmem>>
      %dma_wait3A_177 = arith.constant 0 : i32
      %dma_wait3A_178 = arith.constant 0 : i32
      %dma_wait3A_179 = tpu.memref_slice %arg10[%dma_wait3A_177, %dma_wait3A_178] : memref<10112x128xf32, #tpu.memory_space<vmem_shared>> -> memref<10112x128xf32, #tpu.memory_space<vmem_shared>>
      tpu.wait_indirect_dma semaphore(%arg13 : memref<!tpu.dma_semaphore, #tpu.memory_space<semaphore_mem>>) src(%arg8 : memref<128x128xf32, #tpu.memory_space<vmem>>) dst(%dma_wait3A_179 : memref<10112x128xf32, #tpu.memory_space<vmem_shared>>)
      %dma_start3A_180 = arith.constant 6 : i32
      %dma_start3A_181 = arith.constant 0 : i32
      %dma_start3A_182 = tpu.memref_slice %arg6[%dma_start3A_180, %dma_start3A_181] : memref<8x128xi32, #tpu.memory_space<vmem>> -> memref<1x128xi32, #tpu.memory_space<vmem>>
      %dma_start3A_183 = tpu.memref_squeeze %dma_start3A_182 : memref<1x128xi32, #tpu.memory_space<vmem>> -> memref<128xi32, #tpu.memory_space<vmem>>
      %dma_start3A_184 = arith.constant 0 : i32
      %dma_start3A_185 = arith.constant 0 : i32
      %dma_start3A_186 = tpu.memref_slice %arg2[%dma_start3A_184, %dma_start3A_185] : memref<10112x128xf32, #tpu.memory_space<hbm>> -> memref<10112x128xf32, #tpu.memory_space<hbm>>
      tpu.enqueue_indirect_dma source(%dma_start3A_186 : memref<10112x128xf32, #tpu.memory_space<hbm>>) target(%arg8 : memref<128x128xf32, #tpu.memory_space<vmem>>) offsets(%dma_start3A_183 : memref<128xi32, #tpu.memory_space<vmem>>) semaphore(%arg11 : memref<!tpu.dma_semaphore, #tpu.memory_space<semaphore_mem>>)
      %dma_wait3A_187 = arith.constant 5 : i32
      %dma_wait3A_188 = arith.constant 0 : i32
      %dma_wait3A_189 = tpu.memref_slice %arg6[%dma_wait3A_187, %dma_wait3A_188] : memref<8x128xi32, #tpu.memory_space<vmem>> -> memref<1x128xi32, #tpu.memory_space<vmem>>
      %dma_wait3A_190 = tpu.memref_squeeze %dma_wait3A_189 : memref<1x128xi32, #tpu.memory_space<vmem>> -> memref<128xi32, #tpu.memory_space<vmem>>
      %dma_wait3A_191 = arith.constant 0 : i32
      %dma_wait3A_192 = arith.constant 0 : i32
      %dma_wait3A_193 = tpu.memref_slice %arg2[%dma_wait3A_191, %dma_wait3A_192] : memref<10112x128xf32, #tpu.memory_space<hbm>> -> memref<10112x128xf32, #tpu.memory_space<hbm>>
      tpu.wait_indirect_dma semaphore(%arg12 : memref<!tpu.dma_semaphore, #tpu.memory_space<semaphore_mem>>) src(%dma_wait3A_193 : memref<10112x128xf32, #tpu.memory_space<hbm>>) dst(%arg9 : memref<128x128xf32, #tpu.memory_space<vmem>>)
      %dma_start3A_194 = arith.constant 5 : i32
      %dma_start3A_195 = arith.constant 0 : i32
      %dma_start3A_196 = tpu.memref_slice %arg7[%dma_start3A_194, %dma_start3A_195] : memref<8x128xi32, #tpu.memory_space<vmem>> -> memref<1x128xi32, #tpu.memory_space<vmem>>
      %dma_start3A_197 = tpu.memref_squeeze %dma_start3A_196 : memref<1x128xi32, #tpu.memory_space<vmem>> -> memref<128xi32, #tpu.memory_space<vmem>>
      %dma_start3A_198 = arith.constant 0 : i32
      %dma_start3A_199 = arith.constant 0 : i32
      %dma_start3A_200 = tpu.memref_slice %arg10[%dma_start3A_198, %dma_start3A_199] : memref<10112x128xf32, #tpu.memory_space<vmem_shared>> -> memref<10112x128xf32, #tpu.memory_space<vmem_shared>>
      tpu.enqueue_indirect_dma source(%arg9 : memref<128x128xf32, #tpu.memory_space<vmem>>) target(%dma_start3A_200 : memref<10112x128xf32, #tpu.memory_space<vmem_shared>>) offsets(%dma_start3A_197 : memref<128xi32, #tpu.memory_space<vmem>>) semaphore(%arg14 : memref<!tpu.dma_semaphore, #tpu.memory_space<semaphore_mem>>) {add = true}
      %dma_wait3A_201 = arith.constant 5 : i32
      %dma_wait3A_202 = arith.constant 0 : i32
      %dma_wait3A_203 = tpu.memref_slice %arg7[%dma_wait3A_201, %dma_wait3A_202] : memref<8x128xi32, #tpu.memory_space<vmem>> -> memref<1x128xi32, #tpu.memory_space<vmem>>
      %dma_wait3A_204 = tpu.memref_squeeze %dma_wait3A_203 : memref<1x128xi32, #tpu.memory_space<vmem>> -> memref<128xi32, #tpu.memory_space<vmem>>
      %dma_wait3A_205 = arith.constant 0 : i32
      %dma_wait3A_206 = arith.constant 0 : i32
      %dma_wait3A_207 = tpu.memref_slice %arg10[%dma_wait3A_205, %dma_wait3A_206] : memref<10112x128xf32, #tpu.memory_space<vmem_shared>> -> memref<10112x128xf32, #tpu.memory_space<vmem_shared>>
      tpu.wait_indirect_dma semaphore(%arg14 : memref<!tpu.dma_semaphore, #tpu.memory_space<semaphore_mem>>) src(%arg9 : memref<128x128xf32, #tpu.memory_space<vmem>>) dst(%dma_wait3A_207 : memref<10112x128xf32, #tpu.memory_space<vmem_shared>>)
      %dma_start3A_208 = arith.constant 7 : i32
      %dma_start3A_209 = arith.constant 0 : i32
      %dma_start3A_210 = tpu.memref_slice %arg6[%dma_start3A_208, %dma_start3A_209] : memref<8x128xi32, #tpu.memory_space<vmem>> -> memref<1x128xi32, #tpu.memory_space<vmem>>
      %dma_start3A_211 = tpu.memref_squeeze %dma_start3A_210 : memref<1x128xi32, #tpu.memory_space<vmem>> -> memref<128xi32, #tpu.memory_space<vmem>>
      %dma_start3A_212 = arith.constant 0 : i32
      %dma_start3A_213 = arith.constant 0 : i32
      %dma_start3A_214 = tpu.memref_slice %arg2[%dma_start3A_212, %dma_start3A_213] : memref<10112x128xf32, #tpu.memory_space<hbm>> -> memref<10112x128xf32, #tpu.memory_space<hbm>>
      tpu.enqueue_indirect_dma source(%dma_start3A_214 : memref<10112x128xf32, #tpu.memory_space<hbm>>) target(%arg9 : memref<128x128xf32, #tpu.memory_space<vmem>>) offsets(%dma_start3A_211 : memref<128xi32, #tpu.memory_space<vmem>>) semaphore(%arg12 : memref<!tpu.dma_semaphore, #tpu.memory_space<semaphore_mem>>)
      %dma_wait3A_215 = arith.constant 6 : i32
      %dma_wait3A_216 = arith.constant 0 : i32
      %dma_wait3A_217 = tpu.memref_slice %arg6[%dma_wait3A_215, %dma_wait3A_216] : memref<8x128xi32, #tpu.memory_space<vmem>> -> memref<1x128xi32, #tpu.memory_space<vmem>>
      %dma_wait3A_218 = tpu.memref_squeeze %dma_wait3A_217 : memref<1x128xi32, #tpu.memory_space<vmem>> -> memref<128xi32, #tpu.memory_space<vmem>>
      %dma_wait3A_219 = arith.constant 0 : i32
      %dma_wait3A_220 = arith.constant 0 : i32
      %dma_wait3A_221 = tpu.memref_slice %arg2[%dma_wait3A_219, %dma_wait3A_220] : memref<10112x128xf32, #tpu.memory_space<hbm>> -> memref<10112x128xf32, #tpu.memory_space<hbm>>
      tpu.wait_indirect_dma semaphore(%arg11 : memref<!tpu.dma_semaphore, #tpu.memory_space<semaphore_mem>>) src(%dma_wait3A_221 : memref<10112x128xf32, #tpu.memory_space<hbm>>) dst(%arg8 : memref<128x128xf32, #tpu.memory_space<vmem>>)
      %dma_start3A_222 = arith.constant 6 : i32
      %dma_start3A_223 = arith.constant 0 : i32
      %dma_start3A_224 = tpu.memref_slice %arg7[%dma_start3A_222, %dma_start3A_223] : memref<8x128xi32, #tpu.memory_space<vmem>> -> memref<1x128xi32, #tpu.memory_space<vmem>>
      %dma_start3A_225 = tpu.memref_squeeze %dma_start3A_224 : memref<1x128xi32, #tpu.memory_space<vmem>> -> memref<128xi32, #tpu.memory_space<vmem>>
      %dma_start3A_226 = arith.constant 0 : i32
      %dma_start3A_227 = arith.constant 0 : i32
      %dma_start3A_228 = tpu.memref_slice %arg10[%dma_start3A_226, %dma_start3A_227] : memref<10112x128xf32, #tpu.memory_space<vmem_shared>> -> memref<10112x128xf32, #tpu.memory_space<vmem_shared>>
      tpu.enqueue_indirect_dma source(%arg8 : memref<128x128xf32, #tpu.memory_space<vmem>>) target(%dma_start3A_228 : memref<10112x128xf32, #tpu.memory_space<vmem_shared>>) offsets(%dma_start3A_225 : memref<128xi32, #tpu.memory_space<vmem>>) semaphore(%arg13 : memref<!tpu.dma_semaphore, #tpu.memory_space<semaphore_mem>>) {add = true}
      %dma_wait3A_229 = arith.constant 7 : i32
      %dma_wait3A_230 = arith.constant 0 : i32
      %dma_wait3A_231 = tpu.memref_slice %arg6[%dma_wait3A_229, %dma_wait3A_230] : memref<8x128xi32, #tpu.memory_space<vmem>> -> memref<1x128xi32, #tpu.memory_space<vmem>>
      %dma_wait3A_232 = tpu.memref_squeeze %dma_wait3A_231 : memref<1x128xi32, #tpu.memory_space<vmem>> -> memref<128xi32, #tpu.memory_space<vmem>>
      %dma_wait3A_233 = arith.constant 0 : i32
      %dma_wait3A_234 = arith.constant 0 : i32
      %dma_wait3A_235 = tpu.memref_slice %arg2[%dma_wait3A_233, %dma_wait3A_234] : memref<10112x128xf32, #tpu.memory_space<hbm>> -> memref<10112x128xf32, #tpu.memory_space<hbm>>
      tpu.wait_indirect_dma semaphore(%arg12 : memref<!tpu.dma_semaphore, #tpu.memory_space<semaphore_mem>>) src(%dma_wait3A_235 : memref<10112x128xf32, #tpu.memory_space<hbm>>) dst(%arg9 : memref<128x128xf32, #tpu.memory_space<vmem>>)
      %dma_start3A_236 = arith.constant 7 : i32
      %dma_start3A_237 = arith.constant 0 : i32
      %dma_start3A_238 = tpu.memref_slice %arg7[%dma_start3A_236, %dma_start3A_237] : memref<8x128xi32, #tpu.memory_space<vmem>> -> memref<1x128xi32, #tpu.memory_space<vmem>>
      %dma_start3A_239 = tpu.memref_squeeze %dma_start3A_238 : memref<1x128xi32, #tpu.memory_space<vmem>> -> memref<128xi32, #tpu.memory_space<vmem>>
      %dma_start3A_240 = arith.constant 0 : i32
      %dma_start3A_241 = arith.constant 0 : i32
      %dma_start3A_242 = tpu.memref_slice %arg10[%dma_start3A_240, %dma_start3A_241] : memref<10112x128xf32, #tpu.memory_space<vmem_shared>> -> memref<10112x128xf32, #tpu.memory_space<vmem_shared>>
      tpu.enqueue_indirect_dma source(%arg9 : memref<128x128xf32, #tpu.memory_space<vmem>>) target(%dma_start3A_242 : memref<10112x128xf32, #tpu.memory_space<vmem_shared>>) offsets(%dma_start3A_239 : memref<128xi32, #tpu.memory_space<vmem>>) semaphore(%arg14 : memref<!tpu.dma_semaphore, #tpu.memory_space<semaphore_mem>>) {add = true}
      %dma_wait3A_243 = arith.constant 6 : i32
      %dma_wait3A_244 = arith.constant 0 : i32
      %dma_wait3A_245 = tpu.memref_slice %arg7[%dma_wait3A_243, %dma_wait3A_244] : memref<8x128xi32, #tpu.memory_space<vmem>> -> memref<1x128xi32, #tpu.memory_space<vmem>>
      %dma_wait3A_246 = tpu.memref_squeeze %dma_wait3A_245 : memref<1x128xi32, #tpu.memory_space<vmem>> -> memref<128xi32, #tpu.memory_space<vmem>>
      %dma_wait3A_247 = arith.constant 0 : i32
      %dma_wait3A_248 = arith.constant 0 : i32
      %dma_wait3A_249 = tpu.memref_slice %arg10[%dma_wait3A_247, %dma_wait3A_248] : memref<10112x128xf32, #tpu.memory_space<vmem_shared>> -> memref<10112x128xf32, #tpu.memory_space<vmem_shared>>
      tpu.wait_indirect_dma semaphore(%arg13 : memref<!tpu.dma_semaphore, #tpu.memory_space<semaphore_mem>>) src(%arg8 : memref<128x128xf32, #tpu.memory_space<vmem>>) dst(%dma_wait3A_249 : memref<10112x128xf32, #tpu.memory_space<vmem_shared>>)
      %dma_wait3A_250 = arith.constant 7 : i32
      %dma_wait3A_251 = arith.constant 0 : i32
      %dma_wait3A_252 = tpu.memref_slice %arg7[%dma_wait3A_250, %dma_wait3A_251] : memref<8x128xi32, #tpu.memory_space<vmem>> -> memref<1x128xi32, #tpu.memory_space<vmem>>
      %dma_wait3A_253 = tpu.memref_squeeze %dma_wait3A_252 : memref<1x128xi32, #tpu.memory_space<vmem>> -> memref<128xi32, #tpu.memory_space<vmem>>
      %dma_wait3A_254 = arith.constant 0 : i32
      %dma_wait3A_255 = arith.constant 0 : i32
      %dma_wait3A_256 = tpu.memref_slice %arg10[%dma_wait3A_254, %dma_wait3A_255] : memref<10112x128xf32, #tpu.memory_space<vmem_shared>> -> memref<10112x128xf32, #tpu.memory_space<vmem_shared>>
      tpu.wait_indirect_dma semaphore(%arg14 : memref<!tpu.dma_semaphore, #tpu.memory_space<semaphore_mem>>) src(%arg9 : memref<128x128xf32, #tpu.memory_space<vmem>>) dst(%dma_wait3A_256 : memref<10112x128xf32, #tpu.memory_space<vmem_shared>>)
      %scan3A_257 = arith.constant 1 : i32
    } else {
    }
    %barrier3A_22 = arith.constant 0 : index
    tpu.barrier barrier_id(%barrier3A_22)
    "tpu.region"() ({
      %run_scoped3A = tpu.sem_alloc : memref<!tpu.dma_semaphore, #tpu.memory_space<semaphore_mem>>
      %dma_start3A = arith.constant 0 : i32
      %dma_start3A_23 = tpu.memref_slice %arg5[%arg0, %mul3A_0, %dma_start3A] : memref<2x10112x128xf32, #tpu.memory_space<hbm>> -> memref<1x632x128xf32, #tpu.memory_space<hbm>>
      %dma_start3A_24 = tpu.memref_squeeze %dma_start3A_23 : memref<1x632x128xf32, #tpu.memory_space<hbm>> -> memref<632x128xf32, #tpu.memory_space<hbm>>
      %dma_start3A_25 = arith.constant 0 : i32
      %dma_start3A_26 = tpu.memref_slice %arg10[%mul3A_0, %dma_start3A_25] : memref<10112x128xf32, #tpu.memory_space<vmem_shared>> -> memref<632x128xf32, #tpu.memory_space<vmem_shared>>
      tpu.enqueue_dma source(%dma_start3A_26 : memref<632x128xf32, #tpu.memory_space<vmem_shared>>) target(%dma_start3A_24 : memref<632x128xf32, #tpu.memory_space<hbm>>) target_semaphore(%run_scoped3A : memref<!tpu.dma_semaphore, #tpu.memory_space<semaphore_mem>>)
      %dma_wait3A = arith.constant 0 : i32
      %dma_wait3A_27 = tpu.memref_slice %arg5[%arg0, %mul3A_0, %dma_wait3A] : memref<2x10112x128xf32, #tpu.memory_space<hbm>> -> memref<1x632x128xf32, #tpu.memory_space<hbm>>
      %dma_wait3A_28 = tpu.memref_squeeze %dma_wait3A_27 : memref<1x632x128xf32, #tpu.memory_space<hbm>> -> memref<632x128xf32, #tpu.memory_space<hbm>>
      %dma_wait3A_29 = arith.constant 0 : i32
      %dma_wait3A_30 = tpu.memref_slice %arg10[%mul3A_0, %dma_wait3A_29] : memref<10112x128xf32, #tpu.memory_space<vmem_shared>> -> memref<632x128xf32, #tpu.memory_space<vmem_shared>>
      tpu.wait_dma2 semaphore(%run_scoped3A : memref<!tpu.dma_semaphore, #tpu.memory_space<semaphore_mem>>) src(%dma_wait3A_30 : memref<632x128xf32, #tpu.memory_space<vmem_shared>>) dst(%dma_wait3A_28 : memref<632x128xf32, #tpu.memory_space<hbm>>)
      tpu.yield
    }) : () -> ()
    return
  }
}

#map = affine_map<(d0, d1) -> (0, 0)>
#map1 = affine_map<(d0, d1) -> (0, 0, 0)>
module attributes {stable_mosaic.version = 14 : i64} {
  func.func @body(%arg0: i32, %arg1: i32, %arg2: memref<2560x128xi32, #tpu.memory_space<hbm>>, %arg3: memref<2x10112x128xf32, #tpu.memory_space<hbm>>, %arg4: memref<8x128xi32, #tpu.memory_space<vmem>>, %arg5: memref<128x128xf32, #tpu.memory_space<vmem>>, %arg6: memref<10112x128xf32, #tpu.memory_space<vmem_shared>>) attributes {dimension_semantics = [#tpu.dimension_semantics<core_parallel>, #tpu.dimension_semantics<subcore_parallel>], iteration_bounds = array<i64: 2, 16>, scalar_prefetch = 0 : i64, scratch_operands = 3 : i64, tpu.core_type = #tpu.core_type<sc_vector_subcore>, window_params = [{transform_indices = #map}, {transform_indices = #map1}]} {
    %mul3A = arith.constant 16 : i32
    %mul3A_0 = arith.muli %arg0, %mul3A : i32
    %add3A = arith.addi %mul3A_0, %arg1 : i32
    %mul3A_1 = arith.constant 632 : i32
    %mul3A_2 = arith.muli %arg1, %mul3A_1 : i32
    %broadcast_in_dim3A = arith.constant 0.000000e+00 : f32
    %broadcast_in_dim3A_3 = vector.broadcast %broadcast_in_dim3A : f32 to vector<16xf32>
    %scan3A = arith.constant 0 : i32
    %scan3A_4 = arith.constant 128 : i32
    %scan3A_5 = arith.addi %scan3A, %scan3A_4 : i32
    %scan3A_6 = arith.constant 1 : i32
    scf.for %scan3A_31 = %scan3A to %scan3A_5 step %scan3A_6  : i32 {
      %mul3A_32 = arith.constant 1 : i32
      %mul3A_33 = arith.muli %scan3A_31, %mul3A_32 : i32
      %add3A_34 = arith.constant 0 : i32
      %add3A_35 = arith.addi %add3A_34, %mul3A_33 : i32
      %scan3A_36 = arith.constant 0 : i32
      %scan3A_37 = arith.constant 8 : i32
      %scan3A_38 = arith.addi %scan3A_36, %scan3A_37 : i32
      %scan3A_39 = arith.constant 1 : i32
      scf.for %scan3A_41 = %scan3A_36 to %scan3A_38 step %scan3A_39  : i32 {
        %mul3A_42 = arith.constant 16 : i32
        %mul3A_43 = arith.muli %scan3A_41, %mul3A_42 : i32
        %add3A_44 = arith.constant 0 : i32
        %add3A_45 = arith.addi %add3A_44, %mul3A_43 : i32
        %swap3A = arith.index_cast %add3A_35 : i32 to index
        %swap3A_46 = arith.index_cast %add3A_45 : i32 to index
        %swap3A_47 = tpu.vector_load %arg5[%swap3A, %swap3A_46] {strides = array<i32>} : memref<128x128xf32, #tpu.memory_space<vmem>>, vector<1x16xf32>,
        %swap3A_48 = vector.shape_cast %swap3A_47 : vector<1x16xf32> to vector<16xf32>
        %swap3A_49 = vector.shape_cast %broadcast_in_dim3A_3 : vector<16xf32> to vector<1x16xf32>
        tpu.vector_store %arg5[%swap3A, %swap3A_46], %swap3A_49 {strides = array<i32>} : memref<128x128xf32, #tpu.memory_space<vmem>>, vector<1x16xf32>,
      }
      %scan3A_40 = arith.constant 8 : i32
    }
    %scan3A_7 = arith.constant 128 : i32
    %add3A_8 = arith.constant 0 : i32
    %add3A_9 = arith.addi %mul3A_2, %add3A_8 : i32
    "tpu.region"() ({
      %run_scoped3A = tpu.sem_alloc : memref<!tpu.dma_semaphore, #tpu.memory_space<semaphore_mem>>
      %dma_start3A = arith.constant 0 : i32
      %dma_start3A_31 = tpu.memref_slice %arg6[%add3A_9, %dma_start3A] : memref<10112x128xf32, #tpu.memory_space<vmem_shared>> -> memref<128x128xf32, #tpu.memory_space<vmem_shared>>
      %dma_start3A_32 = arith.constant 0 : i32
      %dma_start3A_33 = tpu.memref_slice %arg6[%add3A_9, %dma_start3A_32] : memref<10112x128xf32, #tpu.memory_space<vmem_shared>> -> memref<128x128xf32, #tpu.memory_space<vmem_shared>>
      tpu.enqueue_dma source(%arg5 : memref<128x128xf32, #tpu.memory_space<vmem>>) target(%dma_start3A_33 : memref<128x128xf32, #tpu.memory_space<vmem_shared>>) target_semaphore(%run_scoped3A : memref<!tpu.dma_semaphore, #tpu.memory_space<semaphore_mem>>)
      %dma_wait3A = arith.constant 0 : i32
      %dma_wait3A_34 = tpu.memref_slice %arg6[%add3A_9, %dma_wait3A] : memref<10112x128xf32, #tpu.memory_space<vmem_shared>> -> memref<128x128xf32, #tpu.memory_space<vmem_shared>>
      %dma_wait3A_35 = arith.constant 0 : i32
      %dma_wait3A_36 = tpu.memref_slice %arg6[%add3A_9, %dma_wait3A_35] : memref<10112x128xf32, #tpu.memory_space<vmem_shared>> -> memref<128x128xf32, #tpu.memory_space<vmem_shared>>
      tpu.wait_dma2 semaphore(%run_scoped3A : memref<!tpu.dma_semaphore, #tpu.memory_space<semaphore_mem>>) src(%arg5 : memref<128x128xf32, #tpu.memory_space<vmem>>) dst(%dma_wait3A_36 : memref<128x128xf32, #tpu.memory_space<vmem_shared>>)
      tpu.yield
    }) : () -> ()
    %add3A_10 = arith.constant 128 : i32
    %add3A_11 = arith.addi %mul3A_2, %add3A_10 : i32
    "tpu.region"() ({
      %run_scoped3A = tpu.sem_alloc : memref<!tpu.dma_semaphore, #tpu.memory_space<semaphore_mem>>
      %dma_start3A = arith.constant 0 : i32
      %dma_start3A_31 = tpu.memref_slice %arg6[%add3A_11, %dma_start3A] : memref<10112x128xf32, #tpu.memory_space<vmem_shared>> -> memref<128x128xf32, #tpu.memory_space<vmem_shared>>
      %dma_start3A_32 = arith.constant 0 : i32
      %dma_start3A_33 = tpu.memref_slice %arg6[%add3A_11, %dma_start3A_32] : memref<10112x128xf32, #tpu.memory_space<vmem_shared>> -> memref<128x128xf32, #tpu.memory_space<vmem_shared>>
      tpu.enqueue_dma source(%arg5 : memref<128x128xf32, #tpu.memory_space<vmem>>) target(%dma_start3A_33 : memref<128x128xf32, #tpu.memory_space<vmem_shared>>) target_semaphore(%run_scoped3A : memref<!tpu.dma_semaphore, #tpu.memory_space<semaphore_mem>>)
      %dma_wait3A = arith.constant 0 : i32
      %dma_wait3A_34 = tpu.memref_slice %arg6[%add3A_11, %dma_wait3A] : memref<10112x128xf32, #tpu.memory_space<vmem_shared>> -> memref<128x128xf32, #tpu.memory_space<vmem_shared>>
      %dma_wait3A_35 = arith.constant 0 : i32
      %dma_wait3A_36 = tpu.memref_slice %arg6[%add3A_11, %dma_wait3A_35] : memref<10112x128xf32, #tpu.memory_space<vmem_shared>> -> memref<128x128xf32, #tpu.memory_space<vmem_shared>>
      tpu.wait_dma2 semaphore(%run_scoped3A : memref<!tpu.dma_semaphore, #tpu.memory_space<semaphore_mem>>) src(%arg5 : memref<128x128xf32, #tpu.memory_space<vmem>>) dst(%dma_wait3A_36 : memref<128x128xf32, #tpu.memory_space<vmem_shared>>)
      tpu.yield
    }) : () -> ()
    %add3A_12 = arith.constant 256 : i32
    %add3A_13 = arith.addi %mul3A_2, %add3A_12 : i32
    "tpu.region"() ({
      %run_scoped3A = tpu.sem_alloc : memref<!tpu.dma_semaphore, #tpu.memory_space<semaphore_mem>>
      %dma_start3A = arith.constant 0 : i32
      %dma_start3A_31 = tpu.memref_slice %arg6[%add3A_13, %dma_start3A] : memref<10112x128xf32, #tpu.memory_space<vmem_shared>> -> memref<128x128xf32, #tpu.memory_space<vmem_shared>>
      %dma_start3A_32 = arith.constant 0 : i32
      %dma_start3A_33 = tpu.memref_slice %arg6[%add3A_13, %dma_start3A_32] : memref<10112x128xf32, #tpu.memory_space<vmem_shared>> -> memref<128x128xf32, #tpu.memory_space<vmem_shared>>
      tpu.enqueue_dma source(%arg5 : memref<128x128xf32, #tpu.memory_space<vmem>>) target(%dma_start3A_33 : memref<128x128xf32, #tpu.memory_space<vmem_shared>>) target_semaphore(%run_scoped3A : memref<!tpu.dma_semaphore, #tpu.memory_space<semaphore_mem>>)
      %dma_wait3A = arith.constant 0 : i32
      %dma_wait3A_34 = tpu.memref_slice %arg6[%add3A_13, %dma_wait3A] : memref<10112x128xf32, #tpu.memory_space<vmem_shared>> -> memref<128x128xf32, #tpu.memory_space<vmem_shared>>
      %dma_wait3A_35 = arith.constant 0 : i32
      %dma_wait3A_36 = tpu.memref_slice %arg6[%add3A_13, %dma_wait3A_35] : memref<10112x128xf32, #tpu.memory_space<vmem_shared>> -> memref<128x128xf32, #tpu.memory_space<vmem_shared>>
      tpu.wait_dma2 semaphore(%run_scoped3A : memref<!tpu.dma_semaphore, #tpu.memory_space<semaphore_mem>>) src(%arg5 : memref<128x128xf32, #tpu.memory_space<vmem>>) dst(%dma_wait3A_36 : memref<128x128xf32, #tpu.memory_space<vmem_shared>>)
      tpu.yield
    }) : () -> ()
    %add3A_14 = arith.constant 384 : i32
    %add3A_15 = arith.addi %mul3A_2, %add3A_14 : i32
    "tpu.region"() ({
      %run_scoped3A = tpu.sem_alloc : memref<!tpu.dma_semaphore, #tpu.memory_space<semaphore_mem>>
      %dma_start3A = arith.constant 0 : i32
      %dma_start3A_31 = tpu.memref_slice %arg6[%add3A_15, %dma_start3A] : memref<10112x128xf32, #tpu.memory_space<vmem_shared>> -> memref<128x128xf32, #tpu.memory_space<vmem_shared>>
      %dma_start3A_32 = arith.constant 0 : i32
      %dma_start3A_33 = tpu.memref_slice %arg6[%add3A_15, %dma_start3A_32] : memref<10112x128xf32, #tpu.memory_space<vmem_shared>> -> memref<128x128xf32, #tpu.memory_space<vmem_shared>>
      tpu.enqueue_dma source(%arg5 : memref<128x128xf32, #tpu.memory_space<vmem>>) target(%dma_start3A_33 : memref<128x128xf32, #tpu.memory_space<vmem_shared>>) target_semaphore(%run_scoped3A : memref<!tpu.dma_semaphore, #tpu.memory_space<semaphore_mem>>)
      %dma_wait3A = arith.constant 0 : i32
      %dma_wait3A_34 = tpu.memref_slice %arg6[%add3A_15, %dma_wait3A] : memref<10112x128xf32, #tpu.memory_space<vmem_shared>> -> memref<128x128xf32, #tpu.memory_space<vmem_shared>>
      %dma_wait3A_35 = arith.constant 0 : i32
      %dma_wait3A_36 = tpu.memref_slice %arg6[%add3A_15, %dma_wait3A_35] : memref<10112x128xf32, #tpu.memory_space<vmem_shared>> -> memref<128x128xf32, #tpu.memory_space<vmem_shared>>
      tpu.wait_dma2 semaphore(%run_scoped3A : memref<!tpu.dma_semaphore, #tpu.memory_space<semaphore_mem>>) src(%arg5 : memref<128x128xf32, #tpu.memory_space<vmem>>) dst(%dma_wait3A_36 : memref<128x128xf32, #tpu.memory_space<vmem_shared>>)
      tpu.yield
    }) : () -> ()
    %add3A_16 = arith.constant 512 : i32
    %add3A_17 = arith.addi %mul3A_2, %add3A_16 : i32
    "tpu.region"() ({
      %run_scoped3A = tpu.sem_alloc : memref<!tpu.dma_semaphore, #tpu.memory_space<semaphore_mem>>
      %dma_start3A = arith.constant 0 : i32
      %dma_start3A_31 = arith.constant 0 : i32
      %dma_start3A_32 = tpu.memref_slice %arg5[%dma_start3A, %dma_start3A_31] : memref<128x128xf32, #tpu.memory_space<vmem>> -> memref<120x128xf32, #tpu.memory_space<vmem>>
      %dma_start3A_33 = arith.constant 0 : i32
      %dma_start3A_34 = tpu.memref_slice %arg6[%add3A_17, %dma_start3A_33] : memref<10112x128xf32, #tpu.memory_space<vmem_shared>> -> memref<120x128xf32, #tpu.memory_space<vmem_shared>>
      %dma_start3A_35 = arith.constant 0 : i32
      %dma_start3A_36 = tpu.memref_slice %arg6[%add3A_17, %dma_start3A_35] : memref<10112x128xf32, #tpu.memory_space<vmem_shared>> -> memref<120x128xf32, #tpu.memory_space<vmem_shared>>
      %dma_start3A_37 = arith.constant 0 : i32
      %dma_start3A_38 = arith.constant 0 : i32
      %dma_start3A_39 = tpu.memref_slice %arg5[%dma_start3A_37, %dma_start3A_38] : memref<128x128xf32, #tpu.memory_space<vmem>> -> memref<120x128xf32, #tpu.memory_space<vmem>>
      tpu.enqueue_dma source(%dma_start3A_39 : memref<120x128xf32, #tpu.memory_space<vmem>>) target(%dma_start3A_36 : memref<120x128xf32, #tpu.memory_space<vmem_shared>>) target_semaphore(%run_scoped3A : memref<!tpu.dma_semaphore, #tpu.memory_space<semaphore_mem>>)
      %dma_wait3A = arith.constant 0 : i32
      %dma_wait3A_40 = arith.constant 0 : i32
      %dma_wait3A_41 = tpu.memref_slice %arg5[%dma_wait3A, %dma_wait3A_40] : memref<128x128xf32, #tpu.memory_space<vmem>> -> memref<120x128xf32, #tpu.memory_space<vmem>>
      %dma_wait3A_42 = arith.constant 0 : i32
      %dma_wait3A_43 = tpu.memref_slice %arg6[%add3A_17, %dma_wait3A_42] : memref<10112x128xf32, #tpu.memory_space<vmem_shared>> -> memref<120x128xf32, #tpu.memory_space<vmem_shared>>
      %dma_wait3A_44 = arith.constant 0 : i32
      %dma_wait3A_45 = tpu.memref_slice %arg6[%add3A_17, %dma_wait3A_44] : memref<10112x128xf32, #tpu.memory_space<vmem_shared>> -> memref<120x128xf32, #tpu.memory_space<vmem_shared>>
      %dma_wait3A_46 = arith.constant 0 : i32
      %dma_wait3A_47 = arith.constant 0 : i32
      %dma_wait3A_48 = tpu.memref_slice %arg5[%dma_wait3A_46, %dma_wait3A_47] : memref<128x128xf32, #tpu.memory_space<vmem>> -> memref<120x128xf32, #tpu.memory_space<vmem>>
      tpu.wait_dma2 semaphore(%run_scoped3A : memref<!tpu.dma_semaphore, #tpu.memory_space<semaphore_mem>>) src(%dma_wait3A_48 : memref<120x128xf32, #tpu.memory_space<vmem>>) dst(%dma_wait3A_45 : memref<120x128xf32, #tpu.memory_space<vmem_shared>>)
      tpu.yield
    }) : () -> ()
    %broadcast_in_dim3A_18 = arith.constant 1.000000e+00 : f32
    %broadcast_in_dim3A_19 = vector.broadcast %broadcast_in_dim3A_18 : f32 to vector<16xf32>
    %scan3A_20 = arith.constant 0 : i32
    %scan3A_21 = arith.constant 128 : i32
    %scan3A_22 = arith.addi %scan3A_20, %scan3A_21 : i32
    %scan3A_23 = arith.constant 1 : i32
    scf.for %scan3A_31 = %scan3A_20 to %scan3A_22 step %scan3A_23  : i32 {
      %mul3A_32 = arith.constant 1 : i32
      %mul3A_33 = arith.muli %scan3A_31, %mul3A_32 : i32
      %add3A_34 = arith.constant 0 : i32
      %add3A_35 = arith.addi %add3A_34, %mul3A_33 : i32
      %scan3A_36 = arith.constant 0 : i32
      %scan3A_37 = arith.constant 8 : i32
      %scan3A_38 = arith.addi %scan3A_36, %scan3A_37 : i32
      %scan3A_39 = arith.constant 1 : i32
      scf.for %scan3A_41 = %scan3A_36 to %scan3A_38 step %scan3A_39  : i32 {
        %mul3A_42 = arith.constant 16 : i32
        %mul3A_43 = arith.muli %scan3A_41, %mul3A_42 : i32
        %add3A_44 = arith.constant 0 : i32
        %add3A_45 = arith.addi %add3A_44, %mul3A_43 : i32
        %swap3A = arith.index_cast %add3A_35 : i32 to index
        %swap3A_46 = arith.index_cast %add3A_45 : i32 to index
        %swap3A_47 = tpu.vector_load %arg5[%swap3A, %swap3A_46] {strides = array<i32>} : memref<128x128xf32, #tpu.memory_space<vmem>>, vector<1x16xf32>,
        %swap3A_48 = vector.shape_cast %swap3A_47 : vector<1x16xf32> to vector<16xf32>
        %swap3A_49 = vector.shape_cast %broadcast_in_dim3A_19 : vector<16xf32> to vector<1x16xf32>
        tpu.vector_store %arg5[%swap3A, %swap3A_46], %swap3A_49 {strides = array<i32>} : memref<128x128xf32, #tpu.memory_space<vmem>>, vector<1x16xf32>,
      }
      %scan3A_40 = arith.constant 8 : i32
    }
    %scan3A_24 = arith.constant 128 : i32
    %barrier3A = arith.constant 0 : index
    tpu.barrier barrier_id(%barrier3A)
    %scan3A_25 = arith.constant 0 : i32
    %scan3A_26 = arith.constant 10 : i32
    %scan3A_27 = arith.addi %scan3A_25, %scan3A_26 : i32
    %scan3A_28 = arith.constant 1 : i32
    scf.for %scan3A_31 = %scan3A_25 to %scan3A_27 step %scan3A_28  : i32 {
      %mul3A_32 = arith.constant 1 : i32
      %mul3A_33 = arith.muli %scan3A_31, %mul3A_32 : i32
      %add3A_34 = arith.constant 0 : i32
      %add3A_35 = arith.addi %add3A_34, %mul3A_33 : i32
      %mul3A_36 = arith.constant 80 : i32
      %mul3A_37 = arith.muli %add3A, %mul3A_36 : i32
      %mul3A_38 = arith.constant 8 : i32
      %mul3A_39 = arith.muli %add3A_35, %mul3A_38 : i32
      %add3A_40 = arith.addi %mul3A_37, %mul3A_39 : i32
      "tpu.region"() ({
        %run_scoped3A = tpu.sem_alloc : memref<!tpu.dma_semaphore, #tpu.memory_space<semaphore_mem>>
        %dma_start3A = arith.constant 0 : i32
        %dma_start3A_46 = tpu.memref_slice %arg2[%add3A_40, %dma_start3A] : memref<2560x128xi32, #tpu.memory_space<hbm>> -> memref<8x128xi32, #tpu.memory_space<hbm>>
        %dma_start3A_47 = arith.constant 0 : i32
        %dma_start3A_48 = tpu.memref_slice %arg2[%add3A_40, %dma_start3A_47] : memref<2560x128xi32, #tpu.memory_space<hbm>> -> memref<8x128xi32, #tpu.memory_space<hbm>>
        tpu.enqueue_dma source(%dma_start3A_48 : memref<8x128xi32, #tpu.memory_space<hbm>>) target(%arg4 : memref<8x128xi32, #tpu.memory_space<vmem>>) target_semaphore(%run_scoped3A : memref<!tpu.dma_semaphore, #tpu.memory_space<semaphore_mem>>)
        %dma_wait3A = arith.constant 0 : i32
        %dma_wait3A_49 = tpu.memref_slice %arg2[%add3A_40, %dma_wait3A] : memref<2560x128xi32, #tpu.memory_space<hbm>> -> memref<8x128xi32, #tpu.memory_space<hbm>>
        %dma_wait3A_50 = arith.constant 0 : i32
        %dma_wait3A_51 = tpu.memref_slice %arg2[%add3A_40, %dma_wait3A_50] : memref<2560x128xi32, #tpu.memory_space<hbm>> -> memref<8x128xi32, #tpu.memory_space<hbm>>
        tpu.wait_dma2 semaphore(%run_scoped3A : memref<!tpu.dma_semaphore, #tpu.memory_space<semaphore_mem>>) src(%dma_wait3A_51 : memref<8x128xi32, #tpu.memory_space<hbm>>) dst(%arg4 : memref<8x128xi32, #tpu.memory_space<vmem>>)
        tpu.yield
      }) : () -> ()
      %scan3A_41 = arith.constant 0 : i32
      %scan3A_42 = arith.constant 8 : i32
      %scan3A_43 = arith.addi %scan3A_41, %scan3A_42 : i32
      %scan3A_44 = arith.constant 1 : i32
      scf.for %scan3A_46 = %scan3A_41 to %scan3A_43 step %scan3A_44  : i32 {
        %mul3A_47 = arith.constant 1 : i32
        %mul3A_48 = arith.muli %scan3A_46, %mul3A_47 : i32
        %add3A_49 = arith.constant 0 : i32
        %add3A_50 = arith.addi %add3A_49, %mul3A_48 : i32
        "tpu.region"() ({
          %run_scoped3A = tpu.sem_alloc : memref<!tpu.dma_semaphore, #tpu.memory_space<semaphore_mem>>
          %dma_start3A = arith.constant 0 : i32
          %dma_start3A_51 = tpu.memref_slice %arg4[%add3A_50, %dma_start3A] : memref<8x128xi32, #tpu.memory_space<vmem>> -> memref<1x128xi32, #tpu.memory_space<vmem>>
          %dma_start3A_52 = tpu.memref_squeeze %dma_start3A_51 : memref<1x128xi32, #tpu.memory_space<vmem>> -> memref<128xi32, #tpu.memory_space<vmem>>
          %dma_start3A_53 = arith.constant 0 : i32
          %dma_start3A_54 = arith.constant 0 : i32
          %dma_start3A_55 = tpu.memref_slice %arg6[%dma_start3A_53, %dma_start3A_54] : memref<10112x128xf32, #tpu.memory_space<vmem_shared>> -> memref<10112x128xf32, #tpu.memory_space<vmem_shared>>
          tpu.enqueue_indirect_dma source(%arg5 : memref<128x128xf32, #tpu.memory_space<vmem>>) target(%dma_start3A_55 : memref<10112x128xf32, #tpu.memory_space<vmem_shared>>) offsets(%dma_start3A_52 : memref<128xi32, #tpu.memory_space<vmem>>) semaphore(%run_scoped3A : memref<!tpu.dma_semaphore, #tpu.memory_space<semaphore_mem>>) {add = true}
          %dma_wait3A = arith.constant 0 : i32
          %dma_wait3A_56 = tpu.memref_slice %arg4[%add3A_50, %dma_wait3A] : memref<8x128xi32, #tpu.memory_space<vmem>> -> memref<1x128xi32, #tpu.memory_space<vmem>>
          %dma_wait3A_57 = tpu.memref_squeeze %dma_wait3A_56 : memref<1x128xi32, #tpu.memory_space<vmem>> -> memref<128xi32, #tpu.memory_space<vmem>>
          %dma_wait3A_58 = arith.constant 0 : i32
          %dma_wait3A_59 = arith.constant 0 : i32
          %dma_wait3A_60 = tpu.memref_slice %arg6[%dma_wait3A_58, %dma_wait3A_59] : memref<10112x128xf32, #tpu.memory_space<vmem_shared>> -> memref<10112x128xf32, #tpu.memory_space<vmem_shared>>
          tpu.wait_indirect_dma semaphore(%run_scoped3A : memref<!tpu.dma_semaphore, #tpu.memory_space<semaphore_mem>>) src(%arg5 : memref<128x128xf32, #tpu.memory_space<vmem>>) dst(%dma_wait3A_60 : memref<10112x128xf32, #tpu.memory_space<vmem_shared>>)
          tpu.yield
        }) : () -> ()
      }
      %scan3A_45 = arith.constant 8 : i32
    }
    %scan3A_29 = arith.constant 10 : i32
    %barrier3A_30 = arith.constant 0 : index
    tpu.barrier barrier_id(%barrier3A_30)
    "tpu.region"() ({
      %run_scoped3A = tpu.sem_alloc : memref<!tpu.dma_semaphore, #tpu.memory_space<semaphore_mem>>
      %dma_start3A = arith.constant 0 : i32
      %dma_start3A_31 = tpu.memref_slice %arg3[%arg0, %mul3A_2, %dma_start3A] : memref<2x10112x128xf32, #tpu.memory_space<hbm>> -> memref<1x632x128xf32, #tpu.memory_space<hbm>>
      %dma_start3A_32 = tpu.memref_squeeze %dma_start3A_31 : memref<1x632x128xf32, #tpu.memory_space<hbm>> -> memref<632x128xf32, #tpu.memory_space<hbm>>
      %dma_start3A_33 = arith.constant 0 : i32
      %dma_start3A_34 = tpu.memref_slice %arg6[%mul3A_2, %dma_start3A_33] : memref<10112x128xf32, #tpu.memory_space<vmem_shared>> -> memref<632x128xf32, #tpu.memory_space<vmem_shared>>
      tpu.enqueue_dma source(%dma_start3A_34 : memref<632x128xf32, #tpu.memory_space<vmem_shared>>) target(%dma_start3A_32 : memref<632x128xf32, #tpu.memory_space<hbm>>) target_semaphore(%run_scoped3A : memref<!tpu.dma_semaphore, #tpu.memory_space<semaphore_mem>>)
      %dma_wait3A = arith.constant 0 : i32
      %dma_wait3A_35 = tpu.memref_slice %arg3[%arg0, %mul3A_2, %dma_wait3A] : memref<2x10112x128xf32, #tpu.memory_space<hbm>> -> memref<1x632x128xf32, #tpu.memory_space<hbm>>
      %dma_wait3A_36 = tpu.memref_squeeze %dma_wait3A_35 : memref<1x632x128xf32, #tpu.memory_space<hbm>> -> memref<632x128xf32, #tpu.memory_space<hbm>>
      %dma_wait3A_37 = arith.constant 0 : i32
      %dma_wait3A_38 = tpu.memref_slice %arg6[%mul3A_2, %dma_wait3A_37] : memref<10112x128xf32, #tpu.memory_space<vmem_shared>> -> memref<632x128xf32, #tpu.memory_space<vmem_shared>>
      tpu.wait_dma2 semaphore(%run_scoped3A : memref<!tpu.dma_semaphore, #tpu.memory_space<semaphore_mem>>) src(%dma_wait3A_38 : memref<632x128xf32, #tpu.memory_space<vmem_shared>>) dst(%dma_wait3A_36 : memref<632x128xf32, #tpu.memory_space<hbm>>)
      tpu.yield
    }) : () -> ()
    return
  }
}

#map = affine_map<(d0, d1) -> (0, 0)>
#map1 = affine_map<(d0, d1) -> (0, 0, 0)>
module attributes {stable_mosaic.version = 14 : i64} {
  func.func @body(%arg0: i32, %arg1: i32, %arg2: memref<10112x128xf32, #tpu.memory_space<hbm>>, %arg3: memref<2560x128xi32, #tpu.memory_space<hbm>>, %arg4: memref<2560x128xi32, #tpu.memory_space<hbm>>, %arg5: memref<2x10112x128xf32, #tpu.memory_space<hbm>>, %arg6: memref<8x128xi32, #tpu.memory_space<vmem>>, %arg7: memref<8x128xi32, #tpu.memory_space<vmem>>, %arg8: memref<128x128xf32, #tpu.memory_space<vmem>>, %arg9: memref<128x128xf32, #tpu.memory_space<vmem>>, %arg10: memref<10112x128xf32, #tpu.memory_space<vmem_shared>>, %arg11: memref<!tpu.dma_semaphore, #tpu.memory_space<semaphore_mem>>, %arg12: memref<!tpu.dma_semaphore, #tpu.memory_space<semaphore_mem>>, %arg13: memref<!tpu.dma_semaphore, #tpu.memory_space<semaphore_mem>>, %arg14: memref<!tpu.dma_semaphore, #tpu.memory_space<semaphore_mem>>) attributes {dimension_semantics = [#tpu.dimension_semantics<core_parallel>, #tpu.dimension_semantics<subcore_parallel>], iteration_bounds = array<i64: 2, 16>, scalar_prefetch = 0 : i64, scratch_operands = 9 : i64, tpu.core_type = #tpu.core_type<sc_vector_subcore>, window_params = [{transform_indices = #map}, {transform_indices = #map}, {transform_indices = #map}, {transform_indices = #map1}]} {
    %mul3A = arith.constant 632 : i32
    %mul3A_0 = arith.muli %arg1, %mul3A : i32
    %broadcast_in_dim3A = arith.constant 0.000000e+00 : f32
    %broadcast_in_dim3A_1 = vector.broadcast %broadcast_in_dim3A : f32 to vector<16xf32>
    %scan3A = arith.constant 0 : i32
    %scan3A_2 = arith.constant 128 : i32
    %scan3A_3 = arith.addi %scan3A, %scan3A_2 : i32
    %scan3A_4 = arith.constant 1 : i32
    scf.for %scan3A_23 = %scan3A to %scan3A_3 step %scan3A_4  : i32 {
      %mul3A_24 = arith.constant 1 : i32
      %mul3A_25 = arith.muli %scan3A_23, %mul3A_24 : i32
      %add3A_26 = arith.constant 0 : i32
      %add3A_27 = arith.addi %add3A_26, %mul3A_25 : i32
      %scan3A_28 = arith.constant 0 : i32
      %scan3A_29 = arith.constant 8 : i32
      %scan3A_30 = arith.addi %scan3A_28, %scan3A_29 : i32
      %scan3A_31 = arith.constant 1 : i32
      scf.for %scan3A_33 = %scan3A_28 to %scan3A_30 step %scan3A_31  : i32 {
        %mul3A_34 = arith.constant 16 : i32
        %mul3A_35 = arith.muli %scan3A_33, %mul3A_34 : i32
        %add3A_36 = arith.constant 0 : i32
        %add3A_37 = arith.addi %add3A_36, %mul3A_35 : i32
        %swap3A = arith.index_cast %add3A_27 : i32 to index
        %swap3A_38 = arith.index_cast %add3A_37 : i32 to index
        %swap3A_39 = tpu.vector_load %arg8[%swap3A, %swap3A_38] {strides = array<i32>} : memref<128x128xf32, #tpu.memory_space<vmem>>, vector<1x16xf32>,
        %swap3A_40 = vector.shape_cast %swap3A_39 : vector<1x16xf32> to vector<16xf32>
        %swap3A_41 = vector.shape_cast %broadcast_in_dim3A_1 : vector<16xf32> to vector<1x16xf32>
        tpu.vector_store %arg8[%swap3A, %swap3A_38], %swap3A_41 {strides = array<i32>} : memref<128x128xf32, #tpu.memory_space<vmem>>, vector<1x16xf32>,
      }
      %scan3A_32 = arith.constant 8 : i32
    }
    %scan3A_5 = arith.constant 128 : i32
    %add3A = arith.constant 0 : i32
    %add3A_6 = arith.addi %mul3A_0, %add3A : i32
    "tpu.region"() ({
      %run_scoped3A = tpu.sem_alloc : memref<!tpu.dma_semaphore, #tpu.memory_space<semaphore_mem>>
      %dma_start3A = arith.constant 0 : i32
      %dma_start3A_23 = tpu.memref_slice %arg10[%add3A_6, %dma_start3A] : memref<10112x128xf32, #tpu.memory_space<vmem_shared>> -> memref<128x128xf32, #tpu.memory_space<vmem_shared>>
      %dma_start3A_24 = arith.constant 0 : i32
      %dma_start3A_25 = tpu.memref_slice %arg10[%add3A_6, %dma_start3A_24] : memref<10112x128xf32, #tpu.memory_space<vmem_shared>> -> memref<128x128xf32, #tpu.memory_space<vmem_shared>>
      tpu.enqueue_dma source(%arg8 : memref<128x128xf32, #tpu.memory_space<vmem>>) target(%dma_start3A_25 : memref<128x128xf32, #tpu.memory_space<vmem_shared>>) target_semaphore(%run_scoped3A : memref<!tpu.dma_semaphore, #tpu.memory_space<semaphore_mem>>)
      %dma_wait3A = arith.constant 0 : i32
      %dma_wait3A_26 = tpu.memref_slice %arg10[%add3A_6, %dma_wait3A] : memref<10112x128xf32, #tpu.memory_space<vmem_shared>> -> memref<128x128xf32, #tpu.memory_space<vmem_shared>>
      %dma_wait3A_27 = arith.constant 0 : i32
      %dma_wait3A_28 = tpu.memref_slice %arg10[%add3A_6, %dma_wait3A_27] : memref<10112x128xf32, #tpu.memory_space<vmem_shared>> -> memref<128x128xf32, #tpu.memory_space<vmem_shared>>
      tpu.wait_dma2 semaphore(%run_scoped3A : memref<!tpu.dma_semaphore, #tpu.memory_space<semaphore_mem>>) src(%arg8 : memref<128x128xf32, #tpu.memory_space<vmem>>) dst(%dma_wait3A_28 : memref<128x128xf32, #tpu.memory_space<vmem_shared>>)
      tpu.yield
    }) : () -> ()
    %add3A_7 = arith.constant 128 : i32
    %add3A_8 = arith.addi %mul3A_0, %add3A_7 : i32
    "tpu.region"() ({
      %run_scoped3A = tpu.sem_alloc : memref<!tpu.dma_semaphore, #tpu.memory_space<semaphore_mem>>
      %dma_start3A = arith.constant 0 : i32
      %dma_start3A_23 = tpu.memref_slice %arg10[%add3A_8, %dma_start3A] : memref<10112x128xf32, #tpu.memory_space<vmem_shared>> -> memref<128x128xf32, #tpu.memory_space<vmem_shared>>
      %dma_start3A_24 = arith.constant 0 : i32
      %dma_start3A_25 = tpu.memref_slice %arg10[%add3A_8, %dma_start3A_24] : memref<10112x128xf32, #tpu.memory_space<vmem_shared>> -> memref<128x128xf32, #tpu.memory_space<vmem_shared>>
      tpu.enqueue_dma source(%arg8 : memref<128x128xf32, #tpu.memory_space<vmem>>) target(%dma_start3A_25 : memref<128x128xf32, #tpu.memory_space<vmem_shared>>) target_semaphore(%run_scoped3A : memref<!tpu.dma_semaphore, #tpu.memory_space<semaphore_mem>>)
      %dma_wait3A = arith.constant 0 : i32
      %dma_wait3A_26 = tpu.memref_slice %arg10[%add3A_8, %dma_wait3A] : memref<10112x128xf32, #tpu.memory_space<vmem_shared>> -> memref<128x128xf32, #tpu.memory_space<vmem_shared>>
      %dma_wait3A_27 = arith.constant 0 : i32
      %dma_wait3A_28 = tpu.memref_slice %arg10[%add3A_8, %dma_wait3A_27] : memref<10112x128xf32, #tpu.memory_space<vmem_shared>> -> memref<128x128xf32, #tpu.memory_space<vmem_shared>>
      tpu.wait_dma2 semaphore(%run_scoped3A : memref<!tpu.dma_semaphore, #tpu.memory_space<semaphore_mem>>) src(%arg8 : memref<128x128xf32, #tpu.memory_space<vmem>>) dst(%dma_wait3A_28 : memref<128x128xf32, #tpu.memory_space<vmem_shared>>)
      tpu.yield
    }) : () -> ()
    %add3A_9 = arith.constant 256 : i32
    %add3A_10 = arith.addi %mul3A_0, %add3A_9 : i32
    "tpu.region"() ({
      %run_scoped3A = tpu.sem_alloc : memref<!tpu.dma_semaphore, #tpu.memory_space<semaphore_mem>>
      %dma_start3A = arith.constant 0 : i32
      %dma_start3A_23 = tpu.memref_slice %arg10[%add3A_10, %dma_start3A] : memref<10112x128xf32, #tpu.memory_space<vmem_shared>> -> memref<128x128xf32, #tpu.memory_space<vmem_shared>>
      %dma_start3A_24 = arith.constant 0 : i32
      %dma_start3A_25 = tpu.memref_slice %arg10[%add3A_10, %dma_start3A_24] : memref<10112x128xf32, #tpu.memory_space<vmem_shared>> -> memref<128x128xf32, #tpu.memory_space<vmem_shared>>
      tpu.enqueue_dma source(%arg8 : memref<128x128xf32, #tpu.memory_space<vmem>>) target(%dma_start3A_25 : memref<128x128xf32, #tpu.memory_space<vmem_shared>>) target_semaphore(%run_scoped3A : memref<!tpu.dma_semaphore, #tpu.memory_space<semaphore_mem>>)
      %dma_wait3A = arith.constant 0 : i32
      %dma_wait3A_26 = tpu.memref_slice %arg10[%add3A_10, %dma_wait3A] : memref<10112x128xf32, #tpu.memory_space<vmem_shared>> -> memref<128x128xf32, #tpu.memory_space<vmem_shared>>
      %dma_wait3A_27 = arith.constant 0 : i32
      %dma_wait3A_28 = tpu.memref_slice %arg10[%add3A_10, %dma_wait3A_27] : memref<10112x128xf32, #tpu.memory_space<vmem_shared>> -> memref<128x128xf32, #tpu.memory_space<vmem_shared>>
      tpu.wait_dma2 semaphore(%run_scoped3A : memref<!tpu.dma_semaphore, #tpu.memory_space<semaphore_mem>>) src(%arg8 : memref<128x128xf32, #tpu.memory_space<vmem>>) dst(%dma_wait3A_28 : memref<128x128xf32, #tpu.memory_space<vmem_shared>>)
      tpu.yield
    }) : () -> ()
    %add3A_11 = arith.constant 384 : i32
    %add3A_12 = arith.addi %mul3A_0, %add3A_11 : i32
    "tpu.region"() ({
      %run_scoped3A = tpu.sem_alloc : memref<!tpu.dma_semaphore, #tpu.memory_space<semaphore_mem>>
      %dma_start3A = arith.constant 0 : i32
      %dma_start3A_23 = tpu.memref_slice %arg10[%add3A_12, %dma_start3A] : memref<10112x128xf32, #tpu.memory_space<vmem_shared>> -> memref<128x128xf32, #tpu.memory_space<vmem_shared>>
      %dma_start3A_24 = arith.constant 0 : i32
      %dma_start3A_25 = tpu.memref_slice %arg10[%add3A_12, %dma_start3A_24] : memref<10112x128xf32, #tpu.memory_space<vmem_shared>> -> memref<128x128xf32, #tpu.memory_space<vmem_shared>>
      tpu.enqueue_dma source(%arg8 : memref<128x128xf32, #tpu.memory_space<vmem>>) target(%dma_start3A_25 : memref<128x128xf32, #tpu.memory_space<vmem_shared>>) target_semaphore(%run_scoped3A : memref<!tpu.dma_semaphore, #tpu.memory_space<semaphore_mem>>)
      %dma_wait3A = arith.constant 0 : i32
      %dma_wait3A_26 = tpu.memref_slice %arg10[%add3A_12, %dma_wait3A] : memref<10112x128xf32, #tpu.memory_space<vmem_shared>> -> memref<128x128xf32, #tpu.memory_space<vmem_shared>>
      %dma_wait3A_27 = arith.constant 0 : i32
      %dma_wait3A_28 = tpu.memref_slice %arg10[%add3A_12, %dma_wait3A_27] : memref<10112x128xf32, #tpu.memory_space<vmem_shared>> -> memref<128x128xf32, #tpu.memory_space<vmem_shared>>
      tpu.wait_dma2 semaphore(%run_scoped3A : memref<!tpu.dma_semaphore, #tpu.memory_space<semaphore_mem>>) src(%arg8 : memref<128x128xf32, #tpu.memory_space<vmem>>) dst(%dma_wait3A_28 : memref<128x128xf32, #tpu.memory_space<vmem_shared>>)
      tpu.yield
    }) : () -> ()
    %add3A_13 = arith.constant 512 : i32
    %add3A_14 = arith.addi %mul3A_0, %add3A_13 : i32
    "tpu.region"() ({
      %run_scoped3A = tpu.sem_alloc : memref<!tpu.dma_semaphore, #tpu.memory_space<semaphore_mem>>
      %dma_start3A = arith.constant 0 : i32
      %dma_start3A_23 = arith.constant 0 : i32
      %dma_start3A_24 = tpu.memref_slice %arg8[%dma_start3A, %dma_start3A_23] : memref<128x128xf32, #tpu.memory_space<vmem>> -> memref<120x128xf32, #tpu.memory_space<vmem>>
      %dma_start3A_25 = arith.constant 0 : i32
      %dma_start3A_26 = tpu.memref_slice %arg10[%add3A_14, %dma_start3A_25] : memref<10112x128xf32, #tpu.memory_space<vmem_shared>> -> memref<120x128xf32, #tpu.memory_space<vmem_shared>>
      %dma_start3A_27 = arith.constant 0 : i32
      %dma_start3A_28 = tpu.memref_slice %arg10[%add3A_14, %dma_start3A_27] : memref<10112x128xf32, #tpu.memory_space<vmem_shared>> -> memref<120x128xf32, #tpu.memory_space<vmem_shared>>
      %dma_start3A_29 = arith.constant 0 : i32
      %dma_start3A_30 = arith.constant 0 : i32
      %dma_start3A_31 = tpu.memref_slice %arg8[%dma_start3A_29, %dma_start3A_30] : memref<128x128xf32, #tpu.memory_space<vmem>> -> memref<120x128xf32, #tpu.memory_space<vmem>>
      tpu.enqueue_dma source(%dma_start3A_31 : memref<120x128xf32, #tpu.memory_space<vmem>>) target(%dma_start3A_28 : memref<120x128xf32, #tpu.memory_space<vmem_shared>>) target_semaphore(%run_scoped3A : memref<!tpu.dma_semaphore, #tpu.memory_space<semaphore_mem>>)
      %dma_wait3A = arith.constant 0 : i32
      %dma_wait3A_32 = arith.constant 0 : i32
      %dma_wait3A_33 = tpu.memref_slice %arg8[%dma_wait3A, %dma_wait3A_32] : memref<128x128xf32, #tpu.memory_space<vmem>> -> memref<120x128xf32, #tpu.memory_space<vmem>>
      %dma_wait3A_34 = arith.constant 0 : i32
      %dma_wait3A_35 = tpu.memref_slice %arg10[%add3A_14, %dma_wait3A_34] : memref<10112x128xf32, #tpu.memory_space<vmem_shared>> -> memref<120x128xf32, #tpu.memory_space<vmem_shared>>
      %dma_wait3A_36 = arith.constant 0 : i32
      %dma_wait3A_37 = tpu.memref_slice %arg10[%add3A_14, %dma_wait3A_36] : memref<10112x128xf32, #tpu.memory_space<vmem_shared>> -> memref<120x128xf32, #tpu.memory_space<vmem_shared>>
      %dma_wait3A_38 = arith.constant 0 : i32
      %dma_wait3A_39 = arith.constant 0 : i32
      %dma_wait3A_40 = tpu.memref_slice %arg8[%dma_wait3A_38, %dma_wait3A_39] : memref<128x128xf32, #tpu.memory_space<vmem>> -> memref<120x128xf32, #tpu.memory_space<vmem>>
      tpu.wait_dma2 semaphore(%run_scoped3A : memref<!tpu.dma_semaphore, #tpu.memory_space<semaphore_mem>>) src(%dma_wait3A_40 : memref<120x128xf32, #tpu.memory_space<vmem>>) dst(%dma_wait3A_37 : memref<120x128xf32, #tpu.memory_space<vmem_shared>>)
      tpu.yield
    }) : () -> ()
    %barrier3A = arith.constant 0 : index
    tpu.barrier barrier_id(%barrier3A)
    %eq3A = arith.constant 0 : i32
    %eq3A_15 = arith.cmpi eq, %arg0, %eq3A : i32
    %convert_element_type3A = arith.extui %eq3A_15 : i1 to i32
    %cond3A = arith.constant 0 : i32
    %cond3A_16 = arith.cmpi ne, %convert_element_type3A, %cond3A : i32
    scf.if %cond3A_16 {
      %scan3A_23 = arith.constant 0 : i32
      %scan3A_24 = arith.constant 19 : i32
      %scan3A_25 = arith.addi %scan3A_23, %scan3A_24 : i32
      %scan3A_26 = arith.constant 1 : i32
      scf.for %scan3A_28 = %scan3A_23 to %scan3A_25 step %scan3A_26  : i32 {
        %mul3A_29 = arith.constant 1 : i32
        %mul3A_30 = arith.muli %scan3A_28, %mul3A_29 : i32
        %add3A_31 = arith.constant 0 : i32
        %add3A_32 = arith.addi %add3A_31, %mul3A_30 : i32
        %mul3A_33 = arith.constant 152 : i32
        %mul3A_34 = arith.muli %arg1, %mul3A_33 : i32
        %mul3A_35 = arith.constant 8 : i32
        %mul3A_36 = arith.muli %add3A_32, %mul3A_35 : i32
        %add3A_37 = arith.addi %mul3A_34, %mul3A_36 : i32
        "tpu.region"() ({
          %run_scoped3A = tpu.sem_alloc : memref<!tpu.dma_semaphore, #tpu.memory_space<semaphore_mem>>
          %dma_start3A_260 = arith.constant 0 : i32
          %dma_start3A_261 = tpu.memref_slice %arg3[%add3A_37, %dma_start3A_260] : memref<2560x128xi32, #tpu.memory_space<hbm>> -> memref<8x128xi32, #tpu.memory_space<hbm>>
          %dma_start3A_262 = arith.constant 0 : i32
          %dma_start3A_263 = tpu.memref_slice %arg3[%add3A_37, %dma_start3A_262] : memref<2560x128xi32, #tpu.memory_space<hbm>> -> memref<8x128xi32, #tpu.memory_space<hbm>>
          tpu.enqueue_dma source(%dma_start3A_263 : memref<8x128xi32, #tpu.memory_space<hbm>>) target(%arg6 : memref<8x128xi32, #tpu.memory_space<vmem>>) target_semaphore(%run_scoped3A : memref<!tpu.dma_semaphore, #tpu.memory_space<semaphore_mem>>)
          %dma_wait3A_264 = arith.constant 0 : i32
          %dma_wait3A_265 = tpu.memref_slice %arg3[%add3A_37, %dma_wait3A_264] : memref<2560x128xi32, #tpu.memory_space<hbm>> -> memref<8x128xi32, #tpu.memory_space<hbm>>
          %dma_wait3A_266 = arith.constant 0 : i32
          %dma_wait3A_267 = tpu.memref_slice %arg3[%add3A_37, %dma_wait3A_266] : memref<2560x128xi32, #tpu.memory_space<hbm>> -> memref<8x128xi32, #tpu.memory_space<hbm>>
          tpu.wait_dma2 semaphore(%run_scoped3A : memref<!tpu.dma_semaphore, #tpu.memory_space<semaphore_mem>>) src(%dma_wait3A_267 : memref<8x128xi32, #tpu.memory_space<hbm>>) dst(%arg6 : memref<8x128xi32, #tpu.memory_space<vmem>>)
          tpu.yield
        }) : () -> ()
        "tpu.region"() ({
          %run_scoped3A = tpu.sem_alloc : memref<!tpu.dma_semaphore, #tpu.memory_space<semaphore_mem>>
          %dma_start3A_260 = arith.constant 0 : i32
          %dma_start3A_261 = tpu.memref_slice %arg4[%add3A_37, %dma_start3A_260] : memref<2560x128xi32, #tpu.memory_space<hbm>> -> memref<8x128xi32, #tpu.memory_space<hbm>>
          %dma_start3A_262 = arith.constant 0 : i32
          %dma_start3A_263 = tpu.memref_slice %arg4[%add3A_37, %dma_start3A_262] : memref<2560x128xi32, #tpu.memory_space<hbm>> -> memref<8x128xi32, #tpu.memory_space<hbm>>
          tpu.enqueue_dma source(%dma_start3A_263 : memref<8x128xi32, #tpu.memory_space<hbm>>) target(%arg7 : memref<8x128xi32, #tpu.memory_space<vmem>>) target_semaphore(%run_scoped3A : memref<!tpu.dma_semaphore, #tpu.memory_space<semaphore_mem>>)
          %dma_wait3A_264 = arith.constant 0 : i32
          %dma_wait3A_265 = tpu.memref_slice %arg4[%add3A_37, %dma_wait3A_264] : memref<2560x128xi32, #tpu.memory_space<hbm>> -> memref<8x128xi32, #tpu.memory_space<hbm>>
          %dma_wait3A_266 = arith.constant 0 : i32
          %dma_wait3A_267 = tpu.memref_slice %arg4[%add3A_37, %dma_wait3A_266] : memref<2560x128xi32, #tpu.memory_space<hbm>> -> memref<8x128xi32, #tpu.memory_space<hbm>>
          tpu.wait_dma2 semaphore(%run_scoped3A : memref<!tpu.dma_semaphore, #tpu.memory_space<semaphore_mem>>) src(%dma_wait3A_267 : memref<8x128xi32, #tpu.memory_space<hbm>>) dst(%arg7 : memref<8x128xi32, #tpu.memory_space<vmem>>)
          tpu.yield
        }) : () -> ()
        %dma_start3A = arith.constant 0 : i32
        %dma_start3A_38 = arith.constant 0 : i32
        %dma_start3A_39 = tpu.memref_slice %arg6[%dma_start3A, %dma_start3A_38] : memref<8x128xi32, #tpu.memory_space<vmem>> -> memref<1x128xi32, #tpu.memory_space<vmem>>
        %dma_start3A_40 = tpu.memref_squeeze %dma_start3A_39 : memref<1x128xi32, #tpu.memory_space<vmem>> -> memref<128xi32, #tpu.memory_space<vmem>>
        %dma_start3A_41 = arith.constant 0 : i32
        %dma_start3A_42 = arith.constant 0 : i32
        %dma_start3A_43 = tpu.memref_slice %arg2[%dma_start3A_41, %dma_start3A_42] : memref<10112x128xf32, #tpu.memory_space<hbm>> -> memref<10112x128xf32, #tpu.memory_space<hbm>>
        tpu.enqueue_indirect_dma source(%dma_start3A_43 : memref<10112x128xf32, #tpu.memory_space<hbm>>) target(%arg8 : memref<128x128xf32, #tpu.memory_space<vmem>>) offsets(%dma_start3A_40 : memref<128xi32, #tpu.memory_space<vmem>>) semaphore(%arg11 : memref<!tpu.dma_semaphore, #tpu.memory_space<semaphore_mem>>)
        %dma_start3A_44 = arith.constant 1 : i32
        %dma_start3A_45 = arith.constant 0 : i32
        %dma_start3A_46 = tpu.memref_slice %arg6[%dma_start3A_44, %dma_start3A_45] : memref<8x128xi32, #tpu.memory_space<vmem>> -> memref<1x128xi32, #tpu.memory_space<vmem>>
        %dma_start3A_47 = tpu.memref_squeeze %dma_start3A_46 : memref<1x128xi32, #tpu.memory_space<vmem>> -> memref<128xi32, #tpu.memory_space<vmem>>
        %dma_start3A_48 = arith.constant 0 : i32
        %dma_start3A_49 = arith.constant 0 : i32
        %dma_start3A_50 = tpu.memref_slice %arg2[%dma_start3A_48, %dma_start3A_49] : memref<10112x128xf32, #tpu.memory_space<hbm>> -> memref<10112x128xf32, #tpu.memory_space<hbm>>
        tpu.enqueue_indirect_dma source(%dma_start3A_50 : memref<10112x128xf32, #tpu.memory_space<hbm>>) target(%arg9 : memref<128x128xf32, #tpu.memory_space<vmem>>) offsets(%dma_start3A_47 : memref<128xi32, #tpu.memory_space<vmem>>) semaphore(%arg12 : memref<!tpu.dma_semaphore, #tpu.memory_space<semaphore_mem>>)
        %dma_wait3A = arith.constant 0 : i32
        %dma_wait3A_51 = arith.constant 0 : i32
        %dma_wait3A_52 = tpu.memref_slice %arg6[%dma_wait3A, %dma_wait3A_51] : memref<8x128xi32, #tpu.memory_space<vmem>> -> memref<1x128xi32, #tpu.memory_space<vmem>>
        %dma_wait3A_53 = tpu.memref_squeeze %dma_wait3A_52 : memref<1x128xi32, #tpu.memory_space<vmem>> -> memref<128xi32, #tpu.memory_space<vmem>>
        %dma_wait3A_54 = arith.constant 0 : i32
        %dma_wait3A_55 = arith.constant 0 : i32
        %dma_wait3A_56 = tpu.memref_slice %arg2[%dma_wait3A_54, %dma_wait3A_55] : memref<10112x128xf32, #tpu.memory_space<hbm>> -> memref<10112x128xf32, #tpu.memory_space<hbm>>
        tpu.wait_indirect_dma semaphore(%arg11 : memref<!tpu.dma_semaphore, #tpu.memory_space<semaphore_mem>>) src(%dma_wait3A_56 : memref<10112x128xf32, #tpu.memory_space<hbm>>) dst(%arg8 : memref<128x128xf32, #tpu.memory_space<vmem>>)
        %dma_start3A_57 = arith.constant 0 : i32
        %dma_start3A_58 = arith.constant 0 : i32
        %dma_start3A_59 = tpu.memref_slice %arg7[%dma_start3A_57, %dma_start3A_58] : memref<8x128xi32, #tpu.memory_space<vmem>> -> memref<1x128xi32, #tpu.memory_space<vmem>>
        %dma_start3A_60 = tpu.memref_squeeze %dma_start3A_59 : memref<1x128xi32, #tpu.memory_space<vmem>> -> memref<128xi32, #tpu.memory_space<vmem>>
        %dma_start3A_61 = arith.constant 0 : i32
        %dma_start3A_62 = arith.constant 0 : i32
        %dma_start3A_63 = tpu.memref_slice %arg10[%dma_start3A_61, %dma_start3A_62] : memref<10112x128xf32, #tpu.memory_space<vmem_shared>> -> memref<10112x128xf32, #tpu.memory_space<vmem_shared>>
        tpu.enqueue_indirect_dma source(%arg8 : memref<128x128xf32, #tpu.memory_space<vmem>>) target(%dma_start3A_63 : memref<10112x128xf32, #tpu.memory_space<vmem_shared>>) offsets(%dma_start3A_60 : memref<128xi32, #tpu.memory_space<vmem>>) semaphore(%arg13 : memref<!tpu.dma_semaphore, #tpu.memory_space<semaphore_mem>>) {add = true}
        %dma_wait3A_64 = arith.constant 0 : i32
        %dma_wait3A_65 = arith.constant 0 : i32
        %dma_wait3A_66 = tpu.memref_slice %arg7[%dma_wait3A_64, %dma_wait3A_65] : memref<8x128xi32, #tpu.memory_space<vmem>> -> memref<1x128xi32, #tpu.memory_space<vmem>>
        %dma_wait3A_67 = tpu.memref_squeeze %dma_wait3A_66 : memref<1x128xi32, #tpu.memory_space<vmem>> -> memref<128xi32, #tpu.memory_space<vmem>>
        %dma_wait3A_68 = arith.constant 0 : i32
        %dma_wait3A_69 = arith.constant 0 : i32
        %dma_wait3A_70 = tpu.memref_slice %arg10[%dma_wait3A_68, %dma_wait3A_69] : memref<10112x128xf32, #tpu.memory_space<vmem_shared>> -> memref<10112x128xf32, #tpu.memory_space<vmem_shared>>
        tpu.wait_indirect_dma semaphore(%arg13 : memref<!tpu.dma_semaphore, #tpu.memory_space<semaphore_mem>>) src(%arg8 : memref<128x128xf32, #tpu.memory_space<vmem>>) dst(%dma_wait3A_70 : memref<10112x128xf32, #tpu.memory_space<vmem_shared>>)
        %dma_start3A_71 = arith.constant 2 : i32
        %dma_start3A_72 = arith.constant 0 : i32
        %dma_start3A_73 = tpu.memref_slice %arg6[%dma_start3A_71, %dma_start3A_72] : memref<8x128xi32, #tpu.memory_space<vmem>> -> memref<1x128xi32, #tpu.memory_space<vmem>>
        %dma_start3A_74 = tpu.memref_squeeze %dma_start3A_73 : memref<1x128xi32, #tpu.memory_space<vmem>> -> memref<128xi32, #tpu.memory_space<vmem>>
        %dma_start3A_75 = arith.constant 0 : i32
        %dma_start3A_76 = arith.constant 0 : i32
        %dma_start3A_77 = tpu.memref_slice %arg2[%dma_start3A_75, %dma_start3A_76] : memref<10112x128xf32, #tpu.memory_space<hbm>> -> memref<10112x128xf32, #tpu.memory_space<hbm>>
        tpu.enqueue_indirect_dma source(%dma_start3A_77 : memref<10112x128xf32, #tpu.memory_space<hbm>>) target(%arg8 : memref<128x128xf32, #tpu.memory_space<vmem>>) offsets(%dma_start3A_74 : memref<128xi32, #tpu.memory_space<vmem>>) semaphore(%arg11 : memref<!tpu.dma_semaphore, #tpu.memory_space<semaphore_mem>>)
        %dma_wait3A_78 = arith.constant 1 : i32
        %dma_wait3A_79 = arith.constant 0 : i32
        %dma_wait3A_80 = tpu.memref_slice %arg6[%dma_wait3A_78, %dma_wait3A_79] : memref<8x128xi32, #tpu.memory_space<vmem>> -> memref<1x128xi32, #tpu.memory_space<vmem>>
        %dma_wait3A_81 = tpu.memref_squeeze %dma_wait3A_80 : memref<1x128xi32, #tpu.memory_space<vmem>> -> memref<128xi32, #tpu.memory_space<vmem>>
        %dma_wait3A_82 = arith.constant 0 : i32
        %dma_wait3A_83 = arith.constant 0 : i32
        %dma_wait3A_84 = tpu.memref_slice %arg2[%dma_wait3A_82, %dma_wait3A_83] : memref<10112x128xf32, #tpu.memory_space<hbm>> -> memref<10112x128xf32, #tpu.memory_space<hbm>>
        tpu.wait_indirect_dma semaphore(%arg12 : memref<!tpu.dma_semaphore, #tpu.memory_space<semaphore_mem>>) src(%dma_wait3A_84 : memref<10112x128xf32, #tpu.memory_space<hbm>>) dst(%arg9 : memref<128x128xf32, #tpu.memory_space<vmem>>)
        %dma_start3A_85 = arith.constant 1 : i32
        %dma_start3A_86 = arith.constant 0 : i32
        %dma_start3A_87 = tpu.memref_slice %arg7[%dma_start3A_85, %dma_start3A_86] : memref<8x128xi32, #tpu.memory_space<vmem>> -> memref<1x128xi32, #tpu.memory_space<vmem>>
        %dma_start3A_88 = tpu.memref_squeeze %dma_start3A_87 : memref<1x128xi32, #tpu.memory_space<vmem>> -> memref<128xi32, #tpu.memory_space<vmem>>
        %dma_start3A_89 = arith.constant 0 : i32
        %dma_start3A_90 = arith.constant 0 : i32
        %dma_start3A_91 = tpu.memref_slice %arg10[%dma_start3A_89, %dma_start3A_90] : memref<10112x128xf32, #tpu.memory_space<vmem_shared>> -> memref<10112x128xf32, #tpu.memory_space<vmem_shared>>
        tpu.enqueue_indirect_dma source(%arg9 : memref<128x128xf32, #tpu.memory_space<vmem>>) target(%dma_start3A_91 : memref<10112x128xf32, #tpu.memory_space<vmem_shared>>) offsets(%dma_start3A_88 : memref<128xi32, #tpu.memory_space<vmem>>) semaphore(%arg14 : memref<!tpu.dma_semaphore, #tpu.memory_space<semaphore_mem>>) {add = true}
        %dma_wait3A_92 = arith.constant 1 : i32
        %dma_wait3A_93 = arith.constant 0 : i32
        %dma_wait3A_94 = tpu.memref_slice %arg7[%dma_wait3A_92, %dma_wait3A_93] : memref<8x128xi32, #tpu.memory_space<vmem>> -> memref<1x128xi32, #tpu.memory_space<vmem>>
        %dma_wait3A_95 = tpu.memref_squeeze %dma_wait3A_94 : memref<1x128xi32, #tpu.memory_space<vmem>> -> memref<128xi32, #tpu.memory_space<vmem>>
        %dma_wait3A_96 = arith.constant 0 : i32
        %dma_wait3A_97 = arith.constant 0 : i32
        %dma_wait3A_98 = tpu.memref_slice %arg10[%dma_wait3A_96, %dma_wait3A_97] : memref<10112x128xf32, #tpu.memory_space<vmem_shared>> -> memref<10112x128xf32, #tpu.memory_space<vmem_shared>>
        tpu.wait_indirect_dma semaphore(%arg14 : memref<!tpu.dma_semaphore, #tpu.memory_space<semaphore_mem>>) src(%arg9 : memref<128x128xf32, #tpu.memory_space<vmem>>) dst(%dma_wait3A_98 : memref<10112x128xf32, #tpu.memory_space<vmem_shared>>)
        %dma_start3A_99 = arith.constant 3 : i32
        %dma_start3A_100 = arith.constant 0 : i32
        %dma_start3A_101 = tpu.memref_slice %arg6[%dma_start3A_99, %dma_start3A_100] : memref<8x128xi32, #tpu.memory_space<vmem>> -> memref<1x128xi32, #tpu.memory_space<vmem>>
        %dma_start3A_102 = tpu.memref_squeeze %dma_start3A_101 : memref<1x128xi32, #tpu.memory_space<vmem>> -> memref<128xi32, #tpu.memory_space<vmem>>
        %dma_start3A_103 = arith.constant 0 : i32
        %dma_start3A_104 = arith.constant 0 : i32
        %dma_start3A_105 = tpu.memref_slice %arg2[%dma_start3A_103, %dma_start3A_104] : memref<10112x128xf32, #tpu.memory_space<hbm>> -> memref<10112x128xf32, #tpu.memory_space<hbm>>
        tpu.enqueue_indirect_dma source(%dma_start3A_105 : memref<10112x128xf32, #tpu.memory_space<hbm>>) target(%arg9 : memref<128x128xf32, #tpu.memory_space<vmem>>) offsets(%dma_start3A_102 : memref<128xi32, #tpu.memory_space<vmem>>) semaphore(%arg12 : memref<!tpu.dma_semaphore, #tpu.memory_space<semaphore_mem>>)
        %dma_wait3A_106 = arith.constant 2 : i32
        %dma_wait3A_107 = arith.constant 0 : i32
        %dma_wait3A_108 = tpu.memref_slice %arg6[%dma_wait3A_106, %dma_wait3A_107] : memref<8x128xi32, #tpu.memory_space<vmem>> -> memref<1x128xi32, #tpu.memory_space<vmem>>
        %dma_wait3A_109 = tpu.memref_squeeze %dma_wait3A_108 : memref<1x128xi32, #tpu.memory_space<vmem>> -> memref<128xi32, #tpu.memory_space<vmem>>
        %dma_wait3A_110 = arith.constant 0 : i32
        %dma_wait3A_111 = arith.constant 0 : i32
        %dma_wait3A_112 = tpu.memref_slice %arg2[%dma_wait3A_110, %dma_wait3A_111] : memref<10112x128xf32, #tpu.memory_space<hbm>> -> memref<10112x128xf32, #tpu.memory_space<hbm>>
        tpu.wait_indirect_dma semaphore(%arg11 : memref<!tpu.dma_semaphore, #tpu.memory_space<semaphore_mem>>) src(%dma_wait3A_112 : memref<10112x128xf32, #tpu.memory_space<hbm>>) dst(%arg8 : memref<128x128xf32, #tpu.memory_space<vmem>>)
        %dma_start3A_113 = arith.constant 2 : i32
        %dma_start3A_114 = arith.constant 0 : i32
        %dma_start3A_115 = tpu.memref_slice %arg7[%dma_start3A_113, %dma_start3A_114] : memref<8x128xi32, #tpu.memory_space<vmem>> -> memref<1x128xi32, #tpu.memory_space<vmem>>
        %dma_start3A_116 = tpu.memref_squeeze %dma_start3A_115 : memref<1x128xi32, #tpu.memory_space<vmem>> -> memref<128xi32, #tpu.memory_space<vmem>>
        %dma_start3A_117 = arith.constant 0 : i32
        %dma_start3A_118 = arith.constant 0 : i32
        %dma_start3A_119 = tpu.memref_slice %arg10[%dma_start3A_117, %dma_start3A_118] : memref<10112x128xf32, #tpu.memory_space<vmem_shared>> -> memref<10112x128xf32, #tpu.memory_space<vmem_shared>>
        tpu.enqueue_indirect_dma source(%arg8 : memref<128x128xf32, #tpu.memory_space<vmem>>) target(%dma_start3A_119 : memref<10112x128xf32, #tpu.memory_space<vmem_shared>>) offsets(%dma_start3A_116 : memref<128xi32, #tpu.memory_space<vmem>>) semaphore(%arg13 : memref<!tpu.dma_semaphore, #tpu.memory_space<semaphore_mem>>) {add = true}
        %dma_wait3A_120 = arith.constant 2 : i32
        %dma_wait3A_121 = arith.constant 0 : i32
        %dma_wait3A_122 = tpu.memref_slice %arg7[%dma_wait3A_120, %dma_wait3A_121] : memref<8x128xi32, #tpu.memory_space<vmem>> -> memref<1x128xi32, #tpu.memory_space<vmem>>
        %dma_wait3A_123 = tpu.memref_squeeze %dma_wait3A_122 : memref<1x128xi32, #tpu.memory_space<vmem>> -> memref<128xi32, #tpu.memory_space<vmem>>
        %dma_wait3A_124 = arith.constant 0 : i32
        %dma_wait3A_125 = arith.constant 0 : i32
        %dma_wait3A_126 = tpu.memref_slice %arg10[%dma_wait3A_124, %dma_wait3A_125] : memref<10112x128xf32, #tpu.memory_space<vmem_shared>> -> memref<10112x128xf32, #tpu.memory_space<vmem_shared>>
        tpu.wait_indirect_dma semaphore(%arg13 : memref<!tpu.dma_semaphore, #tpu.memory_space<semaphore_mem>>) src(%arg8 : memref<128x128xf32, #tpu.memory_space<vmem>>) dst(%dma_wait3A_126 : memref<10112x128xf32, #tpu.memory_space<vmem_shared>>)
        %dma_start3A_127 = arith.constant 4 : i32
        %dma_start3A_128 = arith.constant 0 : i32
        %dma_start3A_129 = tpu.memref_slice %arg6[%dma_start3A_127, %dma_start3A_128] : memref<8x128xi32, #tpu.memory_space<vmem>> -> memref<1x128xi32, #tpu.memory_space<vmem>>
        %dma_start3A_130 = tpu.memref_squeeze %dma_start3A_129 : memref<1x128xi32, #tpu.memory_space<vmem>> -> memref<128xi32, #tpu.memory_space<vmem>>
        %dma_start3A_131 = arith.constant 0 : i32
        %dma_start3A_132 = arith.constant 0 : i32
        %dma_start3A_133 = tpu.memref_slice %arg2[%dma_start3A_131, %dma_start3A_132] : memref<10112x128xf32, #tpu.memory_space<hbm>> -> memref<10112x128xf32, #tpu.memory_space<hbm>>
        tpu.enqueue_indirect_dma source(%dma_start3A_133 : memref<10112x128xf32, #tpu.memory_space<hbm>>) target(%arg8 : memref<128x128xf32, #tpu.memory_space<vmem>>) offsets(%dma_start3A_130 : memref<128xi32, #tpu.memory_space<vmem>>) semaphore(%arg11 : memref<!tpu.dma_semaphore, #tpu.memory_space<semaphore_mem>>)
        %dma_wait3A_134 = arith.constant 3 : i32
        %dma_wait3A_135 = arith.constant 0 : i32
        %dma_wait3A_136 = tpu.memref_slice %arg6[%dma_wait3A_134, %dma_wait3A_135] : memref<8x128xi32, #tpu.memory_space<vmem>> -> memref<1x128xi32, #tpu.memory_space<vmem>>
        %dma_wait3A_137 = tpu.memref_squeeze %dma_wait3A_136 : memref<1x128xi32, #tpu.memory_space<vmem>> -> memref<128xi32, #tpu.memory_space<vmem>>
        %dma_wait3A_138 = arith.constant 0 : i32
        %dma_wait3A_139 = arith.constant 0 : i32
        %dma_wait3A_140 = tpu.memref_slice %arg2[%dma_wait3A_138, %dma_wait3A_139] : memref<10112x128xf32, #tpu.memory_space<hbm>> -> memref<10112x128xf32, #tpu.memory_space<hbm>>
        tpu.wait_indirect_dma semaphore(%arg12 : memref<!tpu.dma_semaphore, #tpu.memory_space<semaphore_mem>>) src(%dma_wait3A_140 : memref<10112x128xf32, #tpu.memory_space<hbm>>) dst(%arg9 : memref<128x128xf32, #tpu.memory_space<vmem>>)
        %dma_start3A_141 = arith.constant 3 : i32
        %dma_start3A_142 = arith.constant 0 : i32
        %dma_start3A_143 = tpu.memref_slice %arg7[%dma_start3A_141, %dma_start3A_142] : memref<8x128xi32, #tpu.memory_space<vmem>> -> memref<1x128xi32, #tpu.memory_space<vmem>>
        %dma_start3A_144 = tpu.memref_squeeze %dma_start3A_143 : memref<1x128xi32, #tpu.memory_space<vmem>> -> memref<128xi32, #tpu.memory_space<vmem>>
        %dma_start3A_145 = arith.constant 0 : i32
        %dma_start3A_146 = arith.constant 0 : i32
        %dma_start3A_147 = tpu.memref_slice %arg10[%dma_start3A_145, %dma_start3A_146] : memref<10112x128xf32, #tpu.memory_space<vmem_shared>> -> memref<10112x128xf32, #tpu.memory_space<vmem_shared>>
        tpu.enqueue_indirect_dma source(%arg9 : memref<128x128xf32, #tpu.memory_space<vmem>>) target(%dma_start3A_147 : memref<10112x128xf32, #tpu.memory_space<vmem_shared>>) offsets(%dma_start3A_144 : memref<128xi32, #tpu.memory_space<vmem>>) semaphore(%arg14 : memref<!tpu.dma_semaphore, #tpu.memory_space<semaphore_mem>>) {add = true}
        %dma_wait3A_148 = arith.constant 3 : i32
        %dma_wait3A_149 = arith.constant 0 : i32
        %dma_wait3A_150 = tpu.memref_slice %arg7[%dma_wait3A_148, %dma_wait3A_149] : memref<8x128xi32, #tpu.memory_space<vmem>> -> memref<1x128xi32, #tpu.memory_space<vmem>>
        %dma_wait3A_151 = tpu.memref_squeeze %dma_wait3A_150 : memref<1x128xi32, #tpu.memory_space<vmem>> -> memref<128xi32, #tpu.memory_space<vmem>>
        %dma_wait3A_152 = arith.constant 0 : i32
        %dma_wait3A_153 = arith.constant 0 : i32
        %dma_wait3A_154 = tpu.memref_slice %arg10[%dma_wait3A_152, %dma_wait3A_153] : memref<10112x128xf32, #tpu.memory_space<vmem_shared>> -> memref<10112x128xf32, #tpu.memory_space<vmem_shared>>
        tpu.wait_indirect_dma semaphore(%arg14 : memref<!tpu.dma_semaphore, #tpu.memory_space<semaphore_mem>>) src(%arg9 : memref<128x128xf32, #tpu.memory_space<vmem>>) dst(%dma_wait3A_154 : memref<10112x128xf32, #tpu.memory_space<vmem_shared>>)
        %dma_start3A_155 = arith.constant 5 : i32
        %dma_start3A_156 = arith.constant 0 : i32
        %dma_start3A_157 = tpu.memref_slice %arg6[%dma_start3A_155, %dma_start3A_156] : memref<8x128xi32, #tpu.memory_space<vmem>> -> memref<1x128xi32, #tpu.memory_space<vmem>>
        %dma_start3A_158 = tpu.memref_squeeze %dma_start3A_157 : memref<1x128xi32, #tpu.memory_space<vmem>> -> memref<128xi32, #tpu.memory_space<vmem>>
        %dma_start3A_159 = arith.constant 0 : i32
        %dma_start3A_160 = arith.constant 0 : i32
        %dma_start3A_161 = tpu.memref_slice %arg2[%dma_start3A_159, %dma_start3A_160] : memref<10112x128xf32, #tpu.memory_space<hbm>> -> memref<10112x128xf32, #tpu.memory_space<hbm>>
        tpu.enqueue_indirect_dma source(%dma_start3A_161 : memref<10112x128xf32, #tpu.memory_space<hbm>>) target(%arg9 : memref<128x128xf32, #tpu.memory_space<vmem>>) offsets(%dma_start3A_158 : memref<128xi32, #tpu.memory_space<vmem>>) semaphore(%arg12 : memref<!tpu.dma_semaphore, #tpu.memory_space<semaphore_mem>>)
        %dma_wait3A_162 = arith.constant 4 : i32
        %dma_wait3A_163 = arith.constant 0 : i32
        %dma_wait3A_164 = tpu.memref_slice %arg6[%dma_wait3A_162, %dma_wait3A_163] : memref<8x128xi32, #tpu.memory_space<vmem>> -> memref<1x128xi32, #tpu.memory_space<vmem>>
        %dma_wait3A_165 = tpu.memref_squeeze %dma_wait3A_164 : memref<1x128xi32, #tpu.memory_space<vmem>> -> memref<128xi32, #tpu.memory_space<vmem>>
        %dma_wait3A_166 = arith.constant 0 : i32
        %dma_wait3A_167 = arith.constant 0 : i32
        %dma_wait3A_168 = tpu.memref_slice %arg2[%dma_wait3A_166, %dma_wait3A_167] : memref<10112x128xf32, #tpu.memory_space<hbm>> -> memref<10112x128xf32, #tpu.memory_space<hbm>>
        tpu.wait_indirect_dma semaphore(%arg11 : memref<!tpu.dma_semaphore, #tpu.memory_space<semaphore_mem>>) src(%dma_wait3A_168 : memref<10112x128xf32, #tpu.memory_space<hbm>>) dst(%arg8 : memref<128x128xf32, #tpu.memory_space<vmem>>)
        %dma_start3A_169 = arith.constant 4 : i32
        %dma_start3A_170 = arith.constant 0 : i32
        %dma_start3A_171 = tpu.memref_slice %arg7[%dma_start3A_169, %dma_start3A_170] : memref<8x128xi32, #tpu.memory_space<vmem>> -> memref<1x128xi32, #tpu.memory_space<vmem>>
        %dma_start3A_172 = tpu.memref_squeeze %dma_start3A_171 : memref<1x128xi32, #tpu.memory_space<vmem>> -> memref<128xi32, #tpu.memory_space<vmem>>
        %dma_start3A_173 = arith.constant 0 : i32
        %dma_start3A_174 = arith.constant 0 : i32
        %dma_start3A_175 = tpu.memref_slice %arg10[%dma_start3A_173, %dma_start3A_174] : memref<10112x128xf32, #tpu.memory_space<vmem_shared>> -> memref<10112x128xf32, #tpu.memory_space<vmem_shared>>
        tpu.enqueue_indirect_dma source(%arg8 : memref<128x128xf32, #tpu.memory_space<vmem>>) target(%dma_start3A_175 : memref<10112x128xf32, #tpu.memory_space<vmem_shared>>) offsets(%dma_start3A_172 : memref<128xi32, #tpu.memory_space<vmem>>) semaphore(%arg13 : memref<!tpu.dma_semaphore, #tpu.memory_space<semaphore_mem>>) {add = true}
        %dma_wait3A_176 = arith.constant 4 : i32
        %dma_wait3A_177 = arith.constant 0 : i32
        %dma_wait3A_178 = tpu.memref_slice %arg7[%dma_wait3A_176, %dma_wait3A_177] : memref<8x128xi32, #tpu.memory_space<vmem>> -> memref<1x128xi32, #tpu.memory_space<vmem>>
        %dma_wait3A_179 = tpu.memref_squeeze %dma_wait3A_178 : memref<1x128xi32, #tpu.memory_space<vmem>> -> memref<128xi32, #tpu.memory_space<vmem>>
        %dma_wait3A_180 = arith.constant 0 : i32
        %dma_wait3A_181 = arith.constant 0 : i32
        %dma_wait3A_182 = tpu.memref_slice %arg10[%dma_wait3A_180, %dma_wait3A_181] : memref<10112x128xf32, #tpu.memory_space<vmem_shared>> -> memref<10112x128xf32, #tpu.memory_space<vmem_shared>>
        tpu.wait_indirect_dma semaphore(%arg13 : memref<!tpu.dma_semaphore, #tpu.memory_space<semaphore_mem>>) src(%arg8 : memref<128x128xf32, #tpu.memory_space<vmem>>) dst(%dma_wait3A_182 : memref<10112x128xf32, #tpu.memory_space<vmem_shared>>)
        %dma_start3A_183 = arith.constant 6 : i32
        %dma_start3A_184 = arith.constant 0 : i32
        %dma_start3A_185 = tpu.memref_slice %arg6[%dma_start3A_183, %dma_start3A_184] : memref<8x128xi32, #tpu.memory_space<vmem>> -> memref<1x128xi32, #tpu.memory_space<vmem>>
        %dma_start3A_186 = tpu.memref_squeeze %dma_start3A_185 : memref<1x128xi32, #tpu.memory_space<vmem>> -> memref<128xi32, #tpu.memory_space<vmem>>
        %dma_start3A_187 = arith.constant 0 : i32
        %dma_start3A_188 = arith.constant 0 : i32
        %dma_start3A_189 = tpu.memref_slice %arg2[%dma_start3A_187, %dma_start3A_188] : memref<10112x128xf32, #tpu.memory_space<hbm>> -> memref<10112x128xf32, #tpu.memory_space<hbm>>
        tpu.enqueue_indirect_dma source(%dma_start3A_189 : memref<10112x128xf32, #tpu.memory_space<hbm>>) target(%arg8 : memref<128x128xf32, #tpu.memory_space<vmem>>) offsets(%dma_start3A_186 : memref<128xi32, #tpu.memory_space<vmem>>) semaphore(%arg11 : memref<!tpu.dma_semaphore, #tpu.memory_space<semaphore_mem>>)
        %dma_wait3A_190 = arith.constant 5 : i32
        %dma_wait3A_191 = arith.constant 0 : i32
        %dma_wait3A_192 = tpu.memref_slice %arg6[%dma_wait3A_190, %dma_wait3A_191] : memref<8x128xi32, #tpu.memory_space<vmem>> -> memref<1x128xi32, #tpu.memory_space<vmem>>
        %dma_wait3A_193 = tpu.memref_squeeze %dma_wait3A_192 : memref<1x128xi32, #tpu.memory_space<vmem>> -> memref<128xi32, #tpu.memory_space<vmem>>
        %dma_wait3A_194 = arith.constant 0 : i32
        %dma_wait3A_195 = arith.constant 0 : i32
        %dma_wait3A_196 = tpu.memref_slice %arg2[%dma_wait3A_194, %dma_wait3A_195] : memref<10112x128xf32, #tpu.memory_space<hbm>> -> memref<10112x128xf32, #tpu.memory_space<hbm>>
        tpu.wait_indirect_dma semaphore(%arg12 : memref<!tpu.dma_semaphore, #tpu.memory_space<semaphore_mem>>) src(%dma_wait3A_196 : memref<10112x128xf32, #tpu.memory_space<hbm>>) dst(%arg9 : memref<128x128xf32, #tpu.memory_space<vmem>>)
        %dma_start3A_197 = arith.constant 5 : i32
        %dma_start3A_198 = arith.constant 0 : i32
        %dma_start3A_199 = tpu.memref_slice %arg7[%dma_start3A_197, %dma_start3A_198] : memref<8x128xi32, #tpu.memory_space<vmem>> -> memref<1x128xi32, #tpu.memory_space<vmem>>
        %dma_start3A_200 = tpu.memref_squeeze %dma_start3A_199 : memref<1x128xi32, #tpu.memory_space<vmem>> -> memref<128xi32, #tpu.memory_space<vmem>>
        %dma_start3A_201 = arith.constant 0 : i32
        %dma_start3A_202 = arith.constant 0 : i32
        %dma_start3A_203 = tpu.memref_slice %arg10[%dma_start3A_201, %dma_start3A_202] : memref<10112x128xf32, #tpu.memory_space<vmem_shared>> -> memref<10112x128xf32, #tpu.memory_space<vmem_shared>>
        tpu.enqueue_indirect_dma source(%arg9 : memref<128x128xf32, #tpu.memory_space<vmem>>) target(%dma_start3A_203 : memref<10112x128xf32, #tpu.memory_space<vmem_shared>>) offsets(%dma_start3A_200 : memref<128xi32, #tpu.memory_space<vmem>>) semaphore(%arg14 : memref<!tpu.dma_semaphore, #tpu.memory_space<semaphore_mem>>) {add = true}
        %dma_wait3A_204 = arith.constant 5 : i32
        %dma_wait3A_205 = arith.constant 0 : i32
        %dma_wait3A_206 = tpu.memref_slice %arg7[%dma_wait3A_204, %dma_wait3A_205] : memref<8x128xi32, #tpu.memory_space<vmem>> -> memref<1x128xi32, #tpu.memory_space<vmem>>
        %dma_wait3A_207 = tpu.memref_squeeze %dma_wait3A_206 : memref<1x128xi32, #tpu.memory_space<vmem>> -> memref<128xi32, #tpu.memory_space<vmem>>
        %dma_wait3A_208 = arith.constant 0 : i32
        %dma_wait3A_209 = arith.constant 0 : i32
        %dma_wait3A_210 = tpu.memref_slice %arg10[%dma_wait3A_208, %dma_wait3A_209] : memref<10112x128xf32, #tpu.memory_space<vmem_shared>> -> memref<10112x128xf32, #tpu.memory_space<vmem_shared>>
        tpu.wait_indirect_dma semaphore(%arg14 : memref<!tpu.dma_semaphore, #tpu.memory_space<semaphore_mem>>) src(%arg9 : memref<128x128xf32, #tpu.memory_space<vmem>>) dst(%dma_wait3A_210 : memref<10112x128xf32, #tpu.memory_space<vmem_shared>>)
        %dma_start3A_211 = arith.constant 7 : i32
        %dma_start3A_212 = arith.constant 0 : i32
        %dma_start3A_213 = tpu.memref_slice %arg6[%dma_start3A_211, %dma_start3A_212] : memref<8x128xi32, #tpu.memory_space<vmem>> -> memref<1x128xi32, #tpu.memory_space<vmem>>
        %dma_start3A_214 = tpu.memref_squeeze %dma_start3A_213 : memref<1x128xi32, #tpu.memory_space<vmem>> -> memref<128xi32, #tpu.memory_space<vmem>>
        %dma_start3A_215 = arith.constant 0 : i32
        %dma_start3A_216 = arith.constant 0 : i32
        %dma_start3A_217 = tpu.memref_slice %arg2[%dma_start3A_215, %dma_start3A_216] : memref<10112x128xf32, #tpu.memory_space<hbm>> -> memref<10112x128xf32, #tpu.memory_space<hbm>>
        tpu.enqueue_indirect_dma source(%dma_start3A_217 : memref<10112x128xf32, #tpu.memory_space<hbm>>) target(%arg9 : memref<128x128xf32, #tpu.memory_space<vmem>>) offsets(%dma_start3A_214 : memref<128xi32, #tpu.memory_space<vmem>>) semaphore(%arg12 : memref<!tpu.dma_semaphore, #tpu.memory_space<semaphore_mem>>)
        %dma_wait3A_218 = arith.constant 6 : i32
        %dma_wait3A_219 = arith.constant 0 : i32
        %dma_wait3A_220 = tpu.memref_slice %arg6[%dma_wait3A_218, %dma_wait3A_219] : memref<8x128xi32, #tpu.memory_space<vmem>> -> memref<1x128xi32, #tpu.memory_space<vmem>>
        %dma_wait3A_221 = tpu.memref_squeeze %dma_wait3A_220 : memref<1x128xi32, #tpu.memory_space<vmem>> -> memref<128xi32, #tpu.memory_space<vmem>>
        %dma_wait3A_222 = arith.constant 0 : i32
        %dma_wait3A_223 = arith.constant 0 : i32
        %dma_wait3A_224 = tpu.memref_slice %arg2[%dma_wait3A_222, %dma_wait3A_223] : memref<10112x128xf32, #tpu.memory_space<hbm>> -> memref<10112x128xf32, #tpu.memory_space<hbm>>
        tpu.wait_indirect_dma semaphore(%arg11 : memref<!tpu.dma_semaphore, #tpu.memory_space<semaphore_mem>>) src(%dma_wait3A_224 : memref<10112x128xf32, #tpu.memory_space<hbm>>) dst(%arg8 : memref<128x128xf32, #tpu.memory_space<vmem>>)
        %dma_start3A_225 = arith.constant 6 : i32
        %dma_start3A_226 = arith.constant 0 : i32
        %dma_start3A_227 = tpu.memref_slice %arg7[%dma_start3A_225, %dma_start3A_226] : memref<8x128xi32, #tpu.memory_space<vmem>> -> memref<1x128xi32, #tpu.memory_space<vmem>>
        %dma_start3A_228 = tpu.memref_squeeze %dma_start3A_227 : memref<1x128xi32, #tpu.memory_space<vmem>> -> memref<128xi32, #tpu.memory_space<vmem>>
        %dma_start3A_229 = arith.constant 0 : i32
        %dma_start3A_230 = arith.constant 0 : i32
        %dma_start3A_231 = tpu.memref_slice %arg10[%dma_start3A_229, %dma_start3A_230] : memref<10112x128xf32, #tpu.memory_space<vmem_shared>> -> memref<10112x128xf32, #tpu.memory_space<vmem_shared>>
        tpu.enqueue_indirect_dma source(%arg8 : memref<128x128xf32, #tpu.memory_space<vmem>>) target(%dma_start3A_231 : memref<10112x128xf32, #tpu.memory_space<vmem_shared>>) offsets(%dma_start3A_228 : memref<128xi32, #tpu.memory_space<vmem>>) semaphore(%arg13 : memref<!tpu.dma_semaphore, #tpu.memory_space<semaphore_mem>>) {add = true}
        %dma_wait3A_232 = arith.constant 7 : i32
        %dma_wait3A_233 = arith.constant 0 : i32
        %dma_wait3A_234 = tpu.memref_slice %arg6[%dma_wait3A_232, %dma_wait3A_233] : memref<8x128xi32, #tpu.memory_space<vmem>> -> memref<1x128xi32, #tpu.memory_space<vmem>>
        %dma_wait3A_235 = tpu.memref_squeeze %dma_wait3A_234 : memref<1x128xi32, #tpu.memory_space<vmem>> -> memref<128xi32, #tpu.memory_space<vmem>>
        %dma_wait3A_236 = arith.constant 0 : i32
        %dma_wait3A_237 = arith.constant 0 : i32
        %dma_wait3A_238 = tpu.memref_slice %arg2[%dma_wait3A_236, %dma_wait3A_237] : memref<10112x128xf32, #tpu.memory_space<hbm>> -> memref<10112x128xf32, #tpu.memory_space<hbm>>
        tpu.wait_indirect_dma semaphore(%arg12 : memref<!tpu.dma_semaphore, #tpu.memory_space<semaphore_mem>>) src(%dma_wait3A_238 : memref<10112x128xf32, #tpu.memory_space<hbm>>) dst(%arg9 : memref<128x128xf32, #tpu.memory_space<vmem>>)
        %dma_start3A_239 = arith.constant 7 : i32
        %dma_start3A_240 = arith.constant 0 : i32
        %dma_start3A_241 = tpu.memref_slice %arg7[%dma_start3A_239, %dma_start3A_240] : memref<8x128xi32, #tpu.memory_space<vmem>> -> memref<1x128xi32, #tpu.memory_space<vmem>>
        %dma_start3A_242 = tpu.memref_squeeze %dma_start3A_241 : memref<1x128xi32, #tpu.memory_space<vmem>> -> memref<128xi32, #tpu.memory_space<vmem>>
        %dma_start3A_243 = arith.constant 0 : i32
        %dma_start3A_244 = arith.constant 0 : i32
        %dma_start3A_245 = tpu.memref_slice %arg10[%dma_start3A_243, %dma_start3A_244] : memref<10112x128xf32, #tpu.memory_space<vmem_shared>> -> memref<10112x128xf32, #tpu.memory_space<vmem_shared>>
        tpu.enqueue_indirect_dma source(%arg9 : memref<128x128xf32, #tpu.memory_space<vmem>>) target(%dma_start3A_245 : memref<10112x128xf32, #tpu.memory_space<vmem_shared>>) offsets(%dma_start3A_242 : memref<128xi32, #tpu.memory_space<vmem>>) semaphore(%arg14 : memref<!tpu.dma_semaphore, #tpu.memory_space<semaphore_mem>>) {add = true}
        %dma_wait3A_246 = arith.constant 6 : i32
        %dma_wait3A_247 = arith.constant 0 : i32
        %dma_wait3A_248 = tpu.memref_slice %arg7[%dma_wait3A_246, %dma_wait3A_247] : memref<8x128xi32, #tpu.memory_space<vmem>> -> memref<1x128xi32, #tpu.memory_space<vmem>>
        %dma_wait3A_249 = tpu.memref_squeeze %dma_wait3A_248 : memref<1x128xi32, #tpu.memory_space<vmem>> -> memref<128xi32, #tpu.memory_space<vmem>>
        %dma_wait3A_250 = arith.constant 0 : i32
        %dma_wait3A_251 = arith.constant 0 : i32
        %dma_wait3A_252 = tpu.memref_slice %arg10[%dma_wait3A_250, %dma_wait3A_251] : memref<10112x128xf32, #tpu.memory_space<vmem_shared>> -> memref<10112x128xf32, #tpu.memory_space<vmem_shared>>
        tpu.wait_indirect_dma semaphore(%arg13 : memref<!tpu.dma_semaphore, #tpu.memory_space<semaphore_mem>>) src(%arg8 : memref<128x128xf32, #tpu.memory_space<vmem>>) dst(%dma_wait3A_252 : memref<10112x128xf32, #tpu.memory_space<vmem_shared>>)
        %dma_wait3A_253 = arith.constant 7 : i32
        %dma_wait3A_254 = arith.constant 0 : i32
        %dma_wait3A_255 = tpu.memref_slice %arg7[%dma_wait3A_253, %dma_wait3A_254] : memref<8x128xi32, #tpu.memory_space<vmem>> -> memref<1x128xi32, #tpu.memory_space<vmem>>
        %dma_wait3A_256 = tpu.memref_squeeze %dma_wait3A_255 : memref<1x128xi32, #tpu.memory_space<vmem>> -> memref<128xi32, #tpu.memory_space<vmem>>
        %dma_wait3A_257 = arith.constant 0 : i32
        %dma_wait3A_258 = arith.constant 0 : i32
        %dma_wait3A_259 = tpu.memref_slice %arg10[%dma_wait3A_257, %dma_wait3A_258] : memref<10112x128xf32, #tpu.memory_space<vmem_shared>> -> memref<10112x128xf32, #tpu.memory_space<vmem_shared>>
        tpu.wait_indirect_dma semaphore(%arg14 : memref<!tpu.dma_semaphore, #tpu.memory_space<semaphore_mem>>) src(%arg9 : memref<128x128xf32, #tpu.memory_space<vmem>>) dst(%dma_wait3A_259 : memref<10112x128xf32, #tpu.memory_space<vmem_shared>>)
      }
      %scan3A_27 = arith.constant 19 : i32
    } else {
    }
    %eq3A_17 = arith.constant 1 : i32
    %eq3A_18 = arith.cmpi eq, %arg0, %eq3A_17 : i32
    %convert_element_type3A_19 = arith.extui %eq3A_18 : i1 to i32
    %cond3A_20 = arith.constant 0 : i32
    %cond3A_21 = arith.cmpi ne, %convert_element_type3A_19, %cond3A_20 : i32
    scf.if %cond3A_21 {
      %scan3A_23 = arith.constant 0 : i32
      %mul3A_24 = arith.constant 1 : i32
      %mul3A_25 = arith.muli %scan3A_23, %mul3A_24 : i32
      %add3A_26 = arith.constant 0 : i32
      %add3A_27 = arith.addi %add3A_26, %mul3A_25 : i32
      %mul3A_28 = arith.constant 8 : i32
      %mul3A_29 = arith.muli %arg1, %mul3A_28 : i32
      %add3A_30 = arith.constant 2432 : i32
      %add3A_31 = arith.addi %add3A_30, %mul3A_29 : i32
      %mul3A_32 = arith.constant 8 : i32
      %mul3A_33 = arith.muli %add3A_27, %mul3A_32 : i32
      %add3A_34 = arith.addi %add3A_31, %mul3A_33 : i32
      "tpu.region"() ({
        %run_scoped3A = tpu.sem_alloc : memref<!tpu.dma_semaphore, #tpu.memory_space<semaphore_mem>>
        %dma_start3A_258 = arith.constant 0 : i32
        %dma_start3A_259 = tpu.memref_slice %arg3[%add3A_34, %dma_start3A_258] : memref<2560x128xi32, #tpu.memory_space<hbm>> -> memref<8x128xi32, #tpu.memory_space<hbm>>
        %dma_start3A_260 = arith.constant 0 : i32
        %dma_start3A_261 = tpu.memref_slice %arg3[%add3A_34, %dma_start3A_260] : memref<2560x128xi32, #tpu.memory_space<hbm>> -> memref<8x128xi32, #tpu.memory_space<hbm>>
        tpu.enqueue_dma source(%dma_start3A_261 : memref<8x128xi32, #tpu.memory_space<hbm>>) target(%arg6 : memref<8x128xi32, #tpu.memory_space<vmem>>) target_semaphore(%run_scoped3A : memref<!tpu.dma_semaphore, #tpu.memory_space<semaphore_mem>>)
        %dma_wait3A_262 = arith.constant 0 : i32
        %dma_wait3A_263 = tpu.memref_slice %arg3[%add3A_34, %dma_wait3A_262] : memref<2560x128xi32, #tpu.memory_space<hbm>> -> memref<8x128xi32, #tpu.memory_space<hbm>>
        %dma_wait3A_264 = arith.constant 0 : i32
        %dma_wait3A_265 = tpu.memref_slice %arg3[%add3A_34, %dma_wait3A_264] : memref<2560x128xi32, #tpu.memory_space<hbm>> -> memref<8x128xi32, #tpu.memory_space<hbm>>
        tpu.wait_dma2 semaphore(%run_scoped3A : memref<!tpu.dma_semaphore, #tpu.memory_space<semaphore_mem>>) src(%dma_wait3A_265 : memref<8x128xi32, #tpu.memory_space<hbm>>) dst(%arg6 : memref<8x128xi32, #tpu.memory_space<vmem>>)
        tpu.yield
      }) : () -> ()
      "tpu.region"() ({
        %run_scoped3A = tpu.sem_alloc : memref<!tpu.dma_semaphore, #tpu.memory_space<semaphore_mem>>
        %dma_start3A_258 = arith.constant 0 : i32
        %dma_start3A_259 = tpu.memref_slice %arg4[%add3A_34, %dma_start3A_258] : memref<2560x128xi32, #tpu.memory_space<hbm>> -> memref<8x128xi32, #tpu.memory_space<hbm>>
        %dma_start3A_260 = arith.constant 0 : i32
        %dma_start3A_261 = tpu.memref_slice %arg4[%add3A_34, %dma_start3A_260] : memref<2560x128xi32, #tpu.memory_space<hbm>> -> memref<8x128xi32, #tpu.memory_space<hbm>>
        tpu.enqueue_dma source(%dma_start3A_261 : memref<8x128xi32, #tpu.memory_space<hbm>>) target(%arg7 : memref<8x128xi32, #tpu.memory_space<vmem>>) target_semaphore(%run_scoped3A : memref<!tpu.dma_semaphore, #tpu.memory_space<semaphore_mem>>)
        %dma_wait3A_262 = arith.constant 0 : i32
        %dma_wait3A_263 = tpu.memref_slice %arg4[%add3A_34, %dma_wait3A_262] : memref<2560x128xi32, #tpu.memory_space<hbm>> -> memref<8x128xi32, #tpu.memory_space<hbm>>
        %dma_wait3A_264 = arith.constant 0 : i32
        %dma_wait3A_265 = tpu.memref_slice %arg4[%add3A_34, %dma_wait3A_264] : memref<2560x128xi32, #tpu.memory_space<hbm>> -> memref<8x128xi32, #tpu.memory_space<hbm>>
        tpu.wait_dma2 semaphore(%run_scoped3A : memref<!tpu.dma_semaphore, #tpu.memory_space<semaphore_mem>>) src(%dma_wait3A_265 : memref<8x128xi32, #tpu.memory_space<hbm>>) dst(%arg7 : memref<8x128xi32, #tpu.memory_space<vmem>>)
        tpu.yield
      }) : () -> ()
      %dma_start3A = arith.constant 0 : i32
      %dma_start3A_35 = arith.constant 0 : i32
      %dma_start3A_36 = tpu.memref_slice %arg6[%dma_start3A, %dma_start3A_35] : memref<8x128xi32, #tpu.memory_space<vmem>> -> memref<1x128xi32, #tpu.memory_space<vmem>>
      %dma_start3A_37 = tpu.memref_squeeze %dma_start3A_36 : memref<1x128xi32, #tpu.memory_space<vmem>> -> memref<128xi32, #tpu.memory_space<vmem>>
      %dma_start3A_38 = arith.constant 0 : i32
      %dma_start3A_39 = arith.constant 0 : i32
      %dma_start3A_40 = tpu.memref_slice %arg2[%dma_start3A_38, %dma_start3A_39] : memref<10112x128xf32, #tpu.memory_space<hbm>> -> memref<10112x128xf32, #tpu.memory_space<hbm>>
      tpu.enqueue_indirect_dma source(%dma_start3A_40 : memref<10112x128xf32, #tpu.memory_space<hbm>>) target(%arg8 : memref<128x128xf32, #tpu.memory_space<vmem>>) offsets(%dma_start3A_37 : memref<128xi32, #tpu.memory_space<vmem>>) semaphore(%arg11 : memref<!tpu.dma_semaphore, #tpu.memory_space<semaphore_mem>>)
      %dma_start3A_41 = arith.constant 1 : i32
      %dma_start3A_42 = arith.constant 0 : i32
      %dma_start3A_43 = tpu.memref_slice %arg6[%dma_start3A_41, %dma_start3A_42] : memref<8x128xi32, #tpu.memory_space<vmem>> -> memref<1x128xi32, #tpu.memory_space<vmem>>
      %dma_start3A_44 = tpu.memref_squeeze %dma_start3A_43 : memref<1x128xi32, #tpu.memory_space<vmem>> -> memref<128xi32, #tpu.memory_space<vmem>>
      %dma_start3A_45 = arith.constant 0 : i32
      %dma_start3A_46 = arith.constant 0 : i32
      %dma_start3A_47 = tpu.memref_slice %arg2[%dma_start3A_45, %dma_start3A_46] : memref<10112x128xf32, #tpu.memory_space<hbm>> -> memref<10112x128xf32, #tpu.memory_space<hbm>>
      tpu.enqueue_indirect_dma source(%dma_start3A_47 : memref<10112x128xf32, #tpu.memory_space<hbm>>) target(%arg9 : memref<128x128xf32, #tpu.memory_space<vmem>>) offsets(%dma_start3A_44 : memref<128xi32, #tpu.memory_space<vmem>>) semaphore(%arg12 : memref<!tpu.dma_semaphore, #tpu.memory_space<semaphore_mem>>)
      %dma_wait3A = arith.constant 0 : i32
      %dma_wait3A_48 = arith.constant 0 : i32
      %dma_wait3A_49 = tpu.memref_slice %arg6[%dma_wait3A, %dma_wait3A_48] : memref<8x128xi32, #tpu.memory_space<vmem>> -> memref<1x128xi32, #tpu.memory_space<vmem>>
      %dma_wait3A_50 = tpu.memref_squeeze %dma_wait3A_49 : memref<1x128xi32, #tpu.memory_space<vmem>> -> memref<128xi32, #tpu.memory_space<vmem>>
      %dma_wait3A_51 = arith.constant 0 : i32
      %dma_wait3A_52 = arith.constant 0 : i32
      %dma_wait3A_53 = tpu.memref_slice %arg2[%dma_wait3A_51, %dma_wait3A_52] : memref<10112x128xf32, #tpu.memory_space<hbm>> -> memref<10112x128xf32, #tpu.memory_space<hbm>>
      tpu.wait_indirect_dma semaphore(%arg11 : memref<!tpu.dma_semaphore, #tpu.memory_space<semaphore_mem>>) src(%dma_wait3A_53 : memref<10112x128xf32, #tpu.memory_space<hbm>>) dst(%arg8 : memref<128x128xf32, #tpu.memory_space<vmem>>)
      %dma_start3A_54 = arith.constant 0 : i32
      %dma_start3A_55 = arith.constant 0 : i32
      %dma_start3A_56 = tpu.memref_slice %arg7[%dma_start3A_54, %dma_start3A_55] : memref<8x128xi32, #tpu.memory_space<vmem>> -> memref<1x128xi32, #tpu.memory_space<vmem>>
      %dma_start3A_57 = tpu.memref_squeeze %dma_start3A_56 : memref<1x128xi32, #tpu.memory_space<vmem>> -> memref<128xi32, #tpu.memory_space<vmem>>
      %dma_start3A_58 = arith.constant 0 : i32
      %dma_start3A_59 = arith.constant 0 : i32
      %dma_start3A_60 = tpu.memref_slice %arg10[%dma_start3A_58, %dma_start3A_59] : memref<10112x128xf32, #tpu.memory_space<vmem_shared>> -> memref<10112x128xf32, #tpu.memory_space<vmem_shared>>
      tpu.enqueue_indirect_dma source(%arg8 : memref<128x128xf32, #tpu.memory_space<vmem>>) target(%dma_start3A_60 : memref<10112x128xf32, #tpu.memory_space<vmem_shared>>) offsets(%dma_start3A_57 : memref<128xi32, #tpu.memory_space<vmem>>) semaphore(%arg13 : memref<!tpu.dma_semaphore, #tpu.memory_space<semaphore_mem>>) {add = true}
      %dma_wait3A_61 = arith.constant 0 : i32
      %dma_wait3A_62 = arith.constant 0 : i32
      %dma_wait3A_63 = tpu.memref_slice %arg7[%dma_wait3A_61, %dma_wait3A_62] : memref<8x128xi32, #tpu.memory_space<vmem>> -> memref<1x128xi32, #tpu.memory_space<vmem>>
      %dma_wait3A_64 = tpu.memref_squeeze %dma_wait3A_63 : memref<1x128xi32, #tpu.memory_space<vmem>> -> memref<128xi32, #tpu.memory_space<vmem>>
      %dma_wait3A_65 = arith.constant 0 : i32
      %dma_wait3A_66 = arith.constant 0 : i32
      %dma_wait3A_67 = tpu.memref_slice %arg10[%dma_wait3A_65, %dma_wait3A_66] : memref<10112x128xf32, #tpu.memory_space<vmem_shared>> -> memref<10112x128xf32, #tpu.memory_space<vmem_shared>>
      tpu.wait_indirect_dma semaphore(%arg13 : memref<!tpu.dma_semaphore, #tpu.memory_space<semaphore_mem>>) src(%arg8 : memref<128x128xf32, #tpu.memory_space<vmem>>) dst(%dma_wait3A_67 : memref<10112x128xf32, #tpu.memory_space<vmem_shared>>)
      %dma_start3A_68 = arith.constant 2 : i32
      %dma_start3A_69 = arith.constant 0 : i32
      %dma_start3A_70 = tpu.memref_slice %arg6[%dma_start3A_68, %dma_start3A_69] : memref<8x128xi32, #tpu.memory_space<vmem>> -> memref<1x128xi32, #tpu.memory_space<vmem>>
      %dma_start3A_71 = tpu.memref_squeeze %dma_start3A_70 : memref<1x128xi32, #tpu.memory_space<vmem>> -> memref<128xi32, #tpu.memory_space<vmem>>
      %dma_start3A_72 = arith.constant 0 : i32
      %dma_start3A_73 = arith.constant 0 : i32
      %dma_start3A_74 = tpu.memref_slice %arg2[%dma_start3A_72, %dma_start3A_73] : memref<10112x128xf32, #tpu.memory_space<hbm>> -> memref<10112x128xf32, #tpu.memory_space<hbm>>
      tpu.enqueue_indirect_dma source(%dma_start3A_74 : memref<10112x128xf32, #tpu.memory_space<hbm>>) target(%arg8 : memref<128x128xf32, #tpu.memory_space<vmem>>) offsets(%dma_start3A_71 : memref<128xi32, #tpu.memory_space<vmem>>) semaphore(%arg11 : memref<!tpu.dma_semaphore, #tpu.memory_space<semaphore_mem>>)
      %dma_wait3A_75 = arith.constant 1 : i32
      %dma_wait3A_76 = arith.constant 0 : i32
      %dma_wait3A_77 = tpu.memref_slice %arg6[%dma_wait3A_75, %dma_wait3A_76] : memref<8x128xi32, #tpu.memory_space<vmem>> -> memref<1x128xi32, #tpu.memory_space<vmem>>
      %dma_wait3A_78 = tpu.memref_squeeze %dma_wait3A_77 : memref<1x128xi32, #tpu.memory_space<vmem>> -> memref<128xi32, #tpu.memory_space<vmem>>
      %dma_wait3A_79 = arith.constant 0 : i32
      %dma_wait3A_80 = arith.constant 0 : i32
      %dma_wait3A_81 = tpu.memref_slice %arg2[%dma_wait3A_79, %dma_wait3A_80] : memref<10112x128xf32, #tpu.memory_space<hbm>> -> memref<10112x128xf32, #tpu.memory_space<hbm>>
      tpu.wait_indirect_dma semaphore(%arg12 : memref<!tpu.dma_semaphore, #tpu.memory_space<semaphore_mem>>) src(%dma_wait3A_81 : memref<10112x128xf32, #tpu.memory_space<hbm>>) dst(%arg9 : memref<128x128xf32, #tpu.memory_space<vmem>>)
      %dma_start3A_82 = arith.constant 1 : i32
      %dma_start3A_83 = arith.constant 0 : i32
      %dma_start3A_84 = tpu.memref_slice %arg7[%dma_start3A_82, %dma_start3A_83] : memref<8x128xi32, #tpu.memory_space<vmem>> -> memref<1x128xi32, #tpu.memory_space<vmem>>
      %dma_start3A_85 = tpu.memref_squeeze %dma_start3A_84 : memref<1x128xi32, #tpu.memory_space<vmem>> -> memref<128xi32, #tpu.memory_space<vmem>>
      %dma_start3A_86 = arith.constant 0 : i32
      %dma_start3A_87 = arith.constant 0 : i32
      %dma_start3A_88 = tpu.memref_slice %arg10[%dma_start3A_86, %dma_start3A_87] : memref<10112x128xf32, #tpu.memory_space<vmem_shared>> -> memref<10112x128xf32, #tpu.memory_space<vmem_shared>>
      tpu.enqueue_indirect_dma source(%arg9 : memref<128x128xf32, #tpu.memory_space<vmem>>) target(%dma_start3A_88 : memref<10112x128xf32, #tpu.memory_space<vmem_shared>>) offsets(%dma_start3A_85 : memref<128xi32, #tpu.memory_space<vmem>>) semaphore(%arg14 : memref<!tpu.dma_semaphore, #tpu.memory_space<semaphore_mem>>) {add = true}
      %dma_wait3A_89 = arith.constant 1 : i32
      %dma_wait3A_90 = arith.constant 0 : i32
      %dma_wait3A_91 = tpu.memref_slice %arg7[%dma_wait3A_89, %dma_wait3A_90] : memref<8x128xi32, #tpu.memory_space<vmem>> -> memref<1x128xi32, #tpu.memory_space<vmem>>
      %dma_wait3A_92 = tpu.memref_squeeze %dma_wait3A_91 : memref<1x128xi32, #tpu.memory_space<vmem>> -> memref<128xi32, #tpu.memory_space<vmem>>
      %dma_wait3A_93 = arith.constant 0 : i32
      %dma_wait3A_94 = arith.constant 0 : i32
      %dma_wait3A_95 = tpu.memref_slice %arg10[%dma_wait3A_93, %dma_wait3A_94] : memref<10112x128xf32, #tpu.memory_space<vmem_shared>> -> memref<10112x128xf32, #tpu.memory_space<vmem_shared>>
      tpu.wait_indirect_dma semaphore(%arg14 : memref<!tpu.dma_semaphore, #tpu.memory_space<semaphore_mem>>) src(%arg9 : memref<128x128xf32, #tpu.memory_space<vmem>>) dst(%dma_wait3A_95 : memref<10112x128xf32, #tpu.memory_space<vmem_shared>>)
      %dma_start3A_96 = arith.constant 3 : i32
      %dma_start3A_97 = arith.constant 0 : i32
      %dma_start3A_98 = tpu.memref_slice %arg6[%dma_start3A_96, %dma_start3A_97] : memref<8x128xi32, #tpu.memory_space<vmem>> -> memref<1x128xi32, #tpu.memory_space<vmem>>
      %dma_start3A_99 = tpu.memref_squeeze %dma_start3A_98 : memref<1x128xi32, #tpu.memory_space<vmem>> -> memref<128xi32, #tpu.memory_space<vmem>>
      %dma_start3A_100 = arith.constant 0 : i32
      %dma_start3A_101 = arith.constant 0 : i32
      %dma_start3A_102 = tpu.memref_slice %arg2[%dma_start3A_100, %dma_start3A_101] : memref<10112x128xf32, #tpu.memory_space<hbm>> -> memref<10112x128xf32, #tpu.memory_space<hbm>>
      tpu.enqueue_indirect_dma source(%dma_start3A_102 : memref<10112x128xf32, #tpu.memory_space<hbm>>) target(%arg9 : memref<128x128xf32, #tpu.memory_space<vmem>>) offsets(%dma_start3A_99 : memref<128xi32, #tpu.memory_space<vmem>>) semaphore(%arg12 : memref<!tpu.dma_semaphore, #tpu.memory_space<semaphore_mem>>)
      %dma_wait3A_103 = arith.constant 2 : i32
      %dma_wait3A_104 = arith.constant 0 : i32
      %dma_wait3A_105 = tpu.memref_slice %arg6[%dma_wait3A_103, %dma_wait3A_104] : memref<8x128xi32, #tpu.memory_space<vmem>> -> memref<1x128xi32, #tpu.memory_space<vmem>>
      %dma_wait3A_106 = tpu.memref_squeeze %dma_wait3A_105 : memref<1x128xi32, #tpu.memory_space<vmem>> -> memref<128xi32, #tpu.memory_space<vmem>>
      %dma_wait3A_107 = arith.constant 0 : i32
      %dma_wait3A_108 = arith.constant 0 : i32
      %dma_wait3A_109 = tpu.memref_slice %arg2[%dma_wait3A_107, %dma_wait3A_108] : memref<10112x128xf32, #tpu.memory_space<hbm>> -> memref<10112x128xf32, #tpu.memory_space<hbm>>
      tpu.wait_indirect_dma semaphore(%arg11 : memref<!tpu.dma_semaphore, #tpu.memory_space<semaphore_mem>>) src(%dma_wait3A_109 : memref<10112x128xf32, #tpu.memory_space<hbm>>) dst(%arg8 : memref<128x128xf32, #tpu.memory_space<vmem>>)
      %dma_start3A_110 = arith.constant 2 : i32
      %dma_start3A_111 = arith.constant 0 : i32
      %dma_start3A_112 = tpu.memref_slice %arg7[%dma_start3A_110, %dma_start3A_111] : memref<8x128xi32, #tpu.memory_space<vmem>> -> memref<1x128xi32, #tpu.memory_space<vmem>>
      %dma_start3A_113 = tpu.memref_squeeze %dma_start3A_112 : memref<1x128xi32, #tpu.memory_space<vmem>> -> memref<128xi32, #tpu.memory_space<vmem>>
      %dma_start3A_114 = arith.constant 0 : i32
      %dma_start3A_115 = arith.constant 0 : i32
      %dma_start3A_116 = tpu.memref_slice %arg10[%dma_start3A_114, %dma_start3A_115] : memref<10112x128xf32, #tpu.memory_space<vmem_shared>> -> memref<10112x128xf32, #tpu.memory_space<vmem_shared>>
      tpu.enqueue_indirect_dma source(%arg8 : memref<128x128xf32, #tpu.memory_space<vmem>>) target(%dma_start3A_116 : memref<10112x128xf32, #tpu.memory_space<vmem_shared>>) offsets(%dma_start3A_113 : memref<128xi32, #tpu.memory_space<vmem>>) semaphore(%arg13 : memref<!tpu.dma_semaphore, #tpu.memory_space<semaphore_mem>>) {add = true}
      %dma_wait3A_117 = arith.constant 2 : i32
      %dma_wait3A_118 = arith.constant 0 : i32
      %dma_wait3A_119 = tpu.memref_slice %arg7[%dma_wait3A_117, %dma_wait3A_118] : memref<8x128xi32, #tpu.memory_space<vmem>> -> memref<1x128xi32, #tpu.memory_space<vmem>>
      %dma_wait3A_120 = tpu.memref_squeeze %dma_wait3A_119 : memref<1x128xi32, #tpu.memory_space<vmem>> -> memref<128xi32, #tpu.memory_space<vmem>>
      %dma_wait3A_121 = arith.constant 0 : i32
      %dma_wait3A_122 = arith.constant 0 : i32
      %dma_wait3A_123 = tpu.memref_slice %arg10[%dma_wait3A_121, %dma_wait3A_122] : memref<10112x128xf32, #tpu.memory_space<vmem_shared>> -> memref<10112x128xf32, #tpu.memory_space<vmem_shared>>
      tpu.wait_indirect_dma semaphore(%arg13 : memref<!tpu.dma_semaphore, #tpu.memory_space<semaphore_mem>>) src(%arg8 : memref<128x128xf32, #tpu.memory_space<vmem>>) dst(%dma_wait3A_123 : memref<10112x128xf32, #tpu.memory_space<vmem_shared>>)
      %dma_start3A_124 = arith.constant 4 : i32
      %dma_start3A_125 = arith.constant 0 : i32
      %dma_start3A_126 = tpu.memref_slice %arg6[%dma_start3A_124, %dma_start3A_125] : memref<8x128xi32, #tpu.memory_space<vmem>> -> memref<1x128xi32, #tpu.memory_space<vmem>>
      %dma_start3A_127 = tpu.memref_squeeze %dma_start3A_126 : memref<1x128xi32, #tpu.memory_space<vmem>> -> memref<128xi32, #tpu.memory_space<vmem>>
      %dma_start3A_128 = arith.constant 0 : i32
      %dma_start3A_129 = arith.constant 0 : i32
      %dma_start3A_130 = tpu.memref_slice %arg2[%dma_start3A_128, %dma_start3A_129] : memref<10112x128xf32, #tpu.memory_space<hbm>> -> memref<10112x128xf32, #tpu.memory_space<hbm>>
      tpu.enqueue_indirect_dma source(%dma_start3A_130 : memref<10112x128xf32, #tpu.memory_space<hbm>>) target(%arg8 : memref<128x128xf32, #tpu.memory_space<vmem>>) offsets(%dma_start3A_127 : memref<128xi32, #tpu.memory_space<vmem>>) semaphore(%arg11 : memref<!tpu.dma_semaphore, #tpu.memory_space<semaphore_mem>>)
      %dma_wait3A_131 = arith.constant 3 : i32
      %dma_wait3A_132 = arith.constant 0 : i32
      %dma_wait3A_133 = tpu.memref_slice %arg6[%dma_wait3A_131, %dma_wait3A_132] : memref<8x128xi32, #tpu.memory_space<vmem>> -> memref<1x128xi32, #tpu.memory_space<vmem>>
      %dma_wait3A_134 = tpu.memref_squeeze %dma_wait3A_133 : memref<1x128xi32, #tpu.memory_space<vmem>> -> memref<128xi32, #tpu.memory_space<vmem>>
      %dma_wait3A_135 = arith.constant 0 : i32
      %dma_wait3A_136 = arith.constant 0 : i32
      %dma_wait3A_137 = tpu.memref_slice %arg2[%dma_wait3A_135, %dma_wait3A_136] : memref<10112x128xf32, #tpu.memory_space<hbm>> -> memref<10112x128xf32, #tpu.memory_space<hbm>>
      tpu.wait_indirect_dma semaphore(%arg12 : memref<!tpu.dma_semaphore, #tpu.memory_space<semaphore_mem>>) src(%dma_wait3A_137 : memref<10112x128xf32, #tpu.memory_space<hbm>>) dst(%arg9 : memref<128x128xf32, #tpu.memory_space<vmem>>)
      %dma_start3A_138 = arith.constant 3 : i32
      %dma_start3A_139 = arith.constant 0 : i32
      %dma_start3A_140 = tpu.memref_slice %arg7[%dma_start3A_138, %dma_start3A_139] : memref<8x128xi32, #tpu.memory_space<vmem>> -> memref<1x128xi32, #tpu.memory_space<vmem>>
      %dma_start3A_141 = tpu.memref_squeeze %dma_start3A_140 : memref<1x128xi32, #tpu.memory_space<vmem>> -> memref<128xi32, #tpu.memory_space<vmem>>
      %dma_start3A_142 = arith.constant 0 : i32
      %dma_start3A_143 = arith.constant 0 : i32
      %dma_start3A_144 = tpu.memref_slice %arg10[%dma_start3A_142, %dma_start3A_143] : memref<10112x128xf32, #tpu.memory_space<vmem_shared>> -> memref<10112x128xf32, #tpu.memory_space<vmem_shared>>
      tpu.enqueue_indirect_dma source(%arg9 : memref<128x128xf32, #tpu.memory_space<vmem>>) target(%dma_start3A_144 : memref<10112x128xf32, #tpu.memory_space<vmem_shared>>) offsets(%dma_start3A_141 : memref<128xi32, #tpu.memory_space<vmem>>) semaphore(%arg14 : memref<!tpu.dma_semaphore, #tpu.memory_space<semaphore_mem>>) {add = true}
      %dma_wait3A_145 = arith.constant 3 : i32
      %dma_wait3A_146 = arith.constant 0 : i32
      %dma_wait3A_147 = tpu.memref_slice %arg7[%dma_wait3A_145, %dma_wait3A_146] : memref<8x128xi32, #tpu.memory_space<vmem>> -> memref<1x128xi32, #tpu.memory_space<vmem>>
      %dma_wait3A_148 = tpu.memref_squeeze %dma_wait3A_147 : memref<1x128xi32, #tpu.memory_space<vmem>> -> memref<128xi32, #tpu.memory_space<vmem>>
      %dma_wait3A_149 = arith.constant 0 : i32
      %dma_wait3A_150 = arith.constant 0 : i32
      %dma_wait3A_151 = tpu.memref_slice %arg10[%dma_wait3A_149, %dma_wait3A_150] : memref<10112x128xf32, #tpu.memory_space<vmem_shared>> -> memref<10112x128xf32, #tpu.memory_space<vmem_shared>>
      tpu.wait_indirect_dma semaphore(%arg14 : memref<!tpu.dma_semaphore, #tpu.memory_space<semaphore_mem>>) src(%arg9 : memref<128x128xf32, #tpu.memory_space<vmem>>) dst(%dma_wait3A_151 : memref<10112x128xf32, #tpu.memory_space<vmem_shared>>)
      %dma_start3A_152 = arith.constant 5 : i32
      %dma_start3A_153 = arith.constant 0 : i32
      %dma_start3A_154 = tpu.memref_slice %arg6[%dma_start3A_152, %dma_start3A_153] : memref<8x128xi32, #tpu.memory_space<vmem>> -> memref<1x128xi32, #tpu.memory_space<vmem>>
      %dma_start3A_155 = tpu.memref_squeeze %dma_start3A_154 : memref<1x128xi32, #tpu.memory_space<vmem>> -> memref<128xi32, #tpu.memory_space<vmem>>
      %dma_start3A_156 = arith.constant 0 : i32
      %dma_start3A_157 = arith.constant 0 : i32
      %dma_start3A_158 = tpu.memref_slice %arg2[%dma_start3A_156, %dma_start3A_157] : memref<10112x128xf32, #tpu.memory_space<hbm>> -> memref<10112x128xf32, #tpu.memory_space<hbm>>
      tpu.enqueue_indirect_dma source(%dma_start3A_158 : memref<10112x128xf32, #tpu.memory_space<hbm>>) target(%arg9 : memref<128x128xf32, #tpu.memory_space<vmem>>) offsets(%dma_start3A_155 : memref<128xi32, #tpu.memory_space<vmem>>) semaphore(%arg12 : memref<!tpu.dma_semaphore, #tpu.memory_space<semaphore_mem>>)
      %dma_wait3A_159 = arith.constant 4 : i32
      %dma_wait3A_160 = arith.constant 0 : i32
      %dma_wait3A_161 = tpu.memref_slice %arg6[%dma_wait3A_159, %dma_wait3A_160] : memref<8x128xi32, #tpu.memory_space<vmem>> -> memref<1x128xi32, #tpu.memory_space<vmem>>
      %dma_wait3A_162 = tpu.memref_squeeze %dma_wait3A_161 : memref<1x128xi32, #tpu.memory_space<vmem>> -> memref<128xi32, #tpu.memory_space<vmem>>
      %dma_wait3A_163 = arith.constant 0 : i32
      %dma_wait3A_164 = arith.constant 0 : i32
      %dma_wait3A_165 = tpu.memref_slice %arg2[%dma_wait3A_163, %dma_wait3A_164] : memref<10112x128xf32, #tpu.memory_space<hbm>> -> memref<10112x128xf32, #tpu.memory_space<hbm>>
      tpu.wait_indirect_dma semaphore(%arg11 : memref<!tpu.dma_semaphore, #tpu.memory_space<semaphore_mem>>) src(%dma_wait3A_165 : memref<10112x128xf32, #tpu.memory_space<hbm>>) dst(%arg8 : memref<128x128xf32, #tpu.memory_space<vmem>>)
      %dma_start3A_166 = arith.constant 4 : i32
      %dma_start3A_167 = arith.constant 0 : i32
      %dma_start3A_168 = tpu.memref_slice %arg7[%dma_start3A_166, %dma_start3A_167] : memref<8x128xi32, #tpu.memory_space<vmem>> -> memref<1x128xi32, #tpu.memory_space<vmem>>
      %dma_start3A_169 = tpu.memref_squeeze %dma_start3A_168 : memref<1x128xi32, #tpu.memory_space<vmem>> -> memref<128xi32, #tpu.memory_space<vmem>>
      %dma_start3A_170 = arith.constant 0 : i32
      %dma_start3A_171 = arith.constant 0 : i32
      %dma_start3A_172 = tpu.memref_slice %arg10[%dma_start3A_170, %dma_start3A_171] : memref<10112x128xf32, #tpu.memory_space<vmem_shared>> -> memref<10112x128xf32, #tpu.memory_space<vmem_shared>>
      tpu.enqueue_indirect_dma source(%arg8 : memref<128x128xf32, #tpu.memory_space<vmem>>) target(%dma_start3A_172 : memref<10112x128xf32, #tpu.memory_space<vmem_shared>>) offsets(%dma_start3A_169 : memref<128xi32, #tpu.memory_space<vmem>>) semaphore(%arg13 : memref<!tpu.dma_semaphore, #tpu.memory_space<semaphore_mem>>) {add = true}
      %dma_wait3A_173 = arith.constant 4 : i32
      %dma_wait3A_174 = arith.constant 0 : i32
      %dma_wait3A_175 = tpu.memref_slice %arg7[%dma_wait3A_173, %dma_wait3A_174] : memref<8x128xi32, #tpu.memory_space<vmem>> -> memref<1x128xi32, #tpu.memory_space<vmem>>
      %dma_wait3A_176 = tpu.memref_squeeze %dma_wait3A_175 : memref<1x128xi32, #tpu.memory_space<vmem>> -> memref<128xi32, #tpu.memory_space<vmem>>
      %dma_wait3A_177 = arith.constant 0 : i32
      %dma_wait3A_178 = arith.constant 0 : i32
      %dma_wait3A_179 = tpu.memref_slice %arg10[%dma_wait3A_177, %dma_wait3A_178] : memref<10112x128xf32, #tpu.memory_space<vmem_shared>> -> memref<10112x128xf32, #tpu.memory_space<vmem_shared>>
      tpu.wait_indirect_dma semaphore(%arg13 : memref<!tpu.dma_semaphore, #tpu.memory_space<semaphore_mem>>) src(%arg8 : memref<128x128xf32, #tpu.memory_space<vmem>>) dst(%dma_wait3A_179 : memref<10112x128xf32, #tpu.memory_space<vmem_shared>>)
      %dma_start3A_180 = arith.constant 6 : i32
      %dma_start3A_181 = arith.constant 0 : i32
      %dma_start3A_182 = tpu.memref_slice %arg6[%dma_start3A_180, %dma_start3A_181] : memref<8x128xi32, #tpu.memory_space<vmem>> -> memref<1x128xi32, #tpu.memory_space<vmem>>
      %dma_start3A_183 = tpu.memref_squeeze %dma_start3A_182 : memref<1x128xi32, #tpu.memory_space<vmem>> -> memref<128xi32, #tpu.memory_space<vmem>>
      %dma_start3A_184 = arith.constant 0 : i32
      %dma_start3A_185 = arith.constant 0 : i32
      %dma_start3A_186 = tpu.memref_slice %arg2[%dma_start3A_184, %dma_start3A_185] : memref<10112x128xf32, #tpu.memory_space<hbm>> -> memref<10112x128xf32, #tpu.memory_space<hbm>>
      tpu.enqueue_indirect_dma source(%dma_start3A_186 : memref<10112x128xf32, #tpu.memory_space<hbm>>) target(%arg8 : memref<128x128xf32, #tpu.memory_space<vmem>>) offsets(%dma_start3A_183 : memref<128xi32, #tpu.memory_space<vmem>>) semaphore(%arg11 : memref<!tpu.dma_semaphore, #tpu.memory_space<semaphore_mem>>)
      %dma_wait3A_187 = arith.constant 5 : i32
      %dma_wait3A_188 = arith.constant 0 : i32
      %dma_wait3A_189 = tpu.memref_slice %arg6[%dma_wait3A_187, %dma_wait3A_188] : memref<8x128xi32, #tpu.memory_space<vmem>> -> memref<1x128xi32, #tpu.memory_space<vmem>>
      %dma_wait3A_190 = tpu.memref_squeeze %dma_wait3A_189 : memref<1x128xi32, #tpu.memory_space<vmem>> -> memref<128xi32, #tpu.memory_space<vmem>>
      %dma_wait3A_191 = arith.constant 0 : i32
      %dma_wait3A_192 = arith.constant 0 : i32
      %dma_wait3A_193 = tpu.memref_slice %arg2[%dma_wait3A_191, %dma_wait3A_192] : memref<10112x128xf32, #tpu.memory_space<hbm>> -> memref<10112x128xf32, #tpu.memory_space<hbm>>
      tpu.wait_indirect_dma semaphore(%arg12 : memref<!tpu.dma_semaphore, #tpu.memory_space<semaphore_mem>>) src(%dma_wait3A_193 : memref<10112x128xf32, #tpu.memory_space<hbm>>) dst(%arg9 : memref<128x128xf32, #tpu.memory_space<vmem>>)
      %dma_start3A_194 = arith.constant 5 : i32
      %dma_start3A_195 = arith.constant 0 : i32
      %dma_start3A_196 = tpu.memref_slice %arg7[%dma_start3A_194, %dma_start3A_195] : memref<8x128xi32, #tpu.memory_space<vmem>> -> memref<1x128xi32, #tpu.memory_space<vmem>>
      %dma_start3A_197 = tpu.memref_squeeze %dma_start3A_196 : memref<1x128xi32, #tpu.memory_space<vmem>> -> memref<128xi32, #tpu.memory_space<vmem>>
      %dma_start3A_198 = arith.constant 0 : i32
      %dma_start3A_199 = arith.constant 0 : i32
      %dma_start3A_200 = tpu.memref_slice %arg10[%dma_start3A_198, %dma_start3A_199] : memref<10112x128xf32, #tpu.memory_space<vmem_shared>> -> memref<10112x128xf32, #tpu.memory_space<vmem_shared>>
      tpu.enqueue_indirect_dma source(%arg9 : memref<128x128xf32, #tpu.memory_space<vmem>>) target(%dma_start3A_200 : memref<10112x128xf32, #tpu.memory_space<vmem_shared>>) offsets(%dma_start3A_197 : memref<128xi32, #tpu.memory_space<vmem>>) semaphore(%arg14 : memref<!tpu.dma_semaphore, #tpu.memory_space<semaphore_mem>>) {add = true}
      %dma_wait3A_201 = arith.constant 5 : i32
      %dma_wait3A_202 = arith.constant 0 : i32
      %dma_wait3A_203 = tpu.memref_slice %arg7[%dma_wait3A_201, %dma_wait3A_202] : memref<8x128xi32, #tpu.memory_space<vmem>> -> memref<1x128xi32, #tpu.memory_space<vmem>>
      %dma_wait3A_204 = tpu.memref_squeeze %dma_wait3A_203 : memref<1x128xi32, #tpu.memory_space<vmem>> -> memref<128xi32, #tpu.memory_space<vmem>>
      %dma_wait3A_205 = arith.constant 0 : i32
      %dma_wait3A_206 = arith.constant 0 : i32
      %dma_wait3A_207 = tpu.memref_slice %arg10[%dma_wait3A_205, %dma_wait3A_206] : memref<10112x128xf32, #tpu.memory_space<vmem_shared>> -> memref<10112x128xf32, #tpu.memory_space<vmem_shared>>
      tpu.wait_indirect_dma semaphore(%arg14 : memref<!tpu.dma_semaphore, #tpu.memory_space<semaphore_mem>>) src(%arg9 : memref<128x128xf32, #tpu.memory_space<vmem>>) dst(%dma_wait3A_207 : memref<10112x128xf32, #tpu.memory_space<vmem_shared>>)
      %dma_start3A_208 = arith.constant 7 : i32
      %dma_start3A_209 = arith.constant 0 : i32
      %dma_start3A_210 = tpu.memref_slice %arg6[%dma_start3A_208, %dma_start3A_209] : memref<8x128xi32, #tpu.memory_space<vmem>> -> memref<1x128xi32, #tpu.memory_space<vmem>>
      %dma_start3A_211 = tpu.memref_squeeze %dma_start3A_210 : memref<1x128xi32, #tpu.memory_space<vmem>> -> memref<128xi32, #tpu.memory_space<vmem>>
      %dma_start3A_212 = arith.constant 0 : i32
      %dma_start3A_213 = arith.constant 0 : i32
      %dma_start3A_214 = tpu.memref_slice %arg2[%dma_start3A_212, %dma_start3A_213] : memref<10112x128xf32, #tpu.memory_space<hbm>> -> memref<10112x128xf32, #tpu.memory_space<hbm>>
      tpu.enqueue_indirect_dma source(%dma_start3A_214 : memref<10112x128xf32, #tpu.memory_space<hbm>>) target(%arg9 : memref<128x128xf32, #tpu.memory_space<vmem>>) offsets(%dma_start3A_211 : memref<128xi32, #tpu.memory_space<vmem>>) semaphore(%arg12 : memref<!tpu.dma_semaphore, #tpu.memory_space<semaphore_mem>>)
      %dma_wait3A_215 = arith.constant 6 : i32
      %dma_wait3A_216 = arith.constant 0 : i32
      %dma_wait3A_217 = tpu.memref_slice %arg6[%dma_wait3A_215, %dma_wait3A_216] : memref<8x128xi32, #tpu.memory_space<vmem>> -> memref<1x128xi32, #tpu.memory_space<vmem>>
      %dma_wait3A_218 = tpu.memref_squeeze %dma_wait3A_217 : memref<1x128xi32, #tpu.memory_space<vmem>> -> memref<128xi32, #tpu.memory_space<vmem>>
      %dma_wait3A_219 = arith.constant 0 : i32
      %dma_wait3A_220 = arith.constant 0 : i32
      %dma_wait3A_221 = tpu.memref_slice %arg2[%dma_wait3A_219, %dma_wait3A_220] : memref<10112x128xf32, #tpu.memory_space<hbm>> -> memref<10112x128xf32, #tpu.memory_space<hbm>>
      tpu.wait_indirect_dma semaphore(%arg11 : memref<!tpu.dma_semaphore, #tpu.memory_space<semaphore_mem>>) src(%dma_wait3A_221 : memref<10112x128xf32, #tpu.memory_space<hbm>>) dst(%arg8 : memref<128x128xf32, #tpu.memory_space<vmem>>)
      %dma_start3A_222 = arith.constant 6 : i32
      %dma_start3A_223 = arith.constant 0 : i32
      %dma_start3A_224 = tpu.memref_slice %arg7[%dma_start3A_222, %dma_start3A_223] : memref<8x128xi32, #tpu.memory_space<vmem>> -> memref<1x128xi32, #tpu.memory_space<vmem>>
      %dma_start3A_225 = tpu.memref_squeeze %dma_start3A_224 : memref<1x128xi32, #tpu.memory_space<vmem>> -> memref<128xi32, #tpu.memory_space<vmem>>
      %dma_start3A_226 = arith.constant 0 : i32
      %dma_start3A_227 = arith.constant 0 : i32
      %dma_start3A_228 = tpu.memref_slice %arg10[%dma_start3A_226, %dma_start3A_227] : memref<10112x128xf32, #tpu.memory_space<vmem_shared>> -> memref<10112x128xf32, #tpu.memory_space<vmem_shared>>
      tpu.enqueue_indirect_dma source(%arg8 : memref<128x128xf32, #tpu.memory_space<vmem>>) target(%dma_start3A_228 : memref<10112x128xf32, #tpu.memory_space<vmem_shared>>) offsets(%dma_start3A_225 : memref<128xi32, #tpu.memory_space<vmem>>) semaphore(%arg13 : memref<!tpu.dma_semaphore, #tpu.memory_space<semaphore_mem>>) {add = true}
      %dma_wait3A_229 = arith.constant 7 : i32
      %dma_wait3A_230 = arith.constant 0 : i32
      %dma_wait3A_231 = tpu.memref_slice %arg6[%dma_wait3A_229, %dma_wait3A_230] : memref<8x128xi32, #tpu.memory_space<vmem>> -> memref<1x128xi32, #tpu.memory_space<vmem>>
      %dma_wait3A_232 = tpu.memref_squeeze %dma_wait3A_231 : memref<1x128xi32, #tpu.memory_space<vmem>> -> memref<128xi32, #tpu.memory_space<vmem>>
      %dma_wait3A_233 = arith.constant 0 : i32
      %dma_wait3A_234 = arith.constant 0 : i32
      %dma_wait3A_235 = tpu.memref_slice %arg2[%dma_wait3A_233, %dma_wait3A_234] : memref<10112x128xf32, #tpu.memory_space<hbm>> -> memref<10112x128xf32, #tpu.memory_space<hbm>>
      tpu.wait_indirect_dma semaphore(%arg12 : memref<!tpu.dma_semaphore, #tpu.memory_space<semaphore_mem>>) src(%dma_wait3A_235 : memref<10112x128xf32, #tpu.memory_space<hbm>>) dst(%arg9 : memref<128x128xf32, #tpu.memory_space<vmem>>)
      %dma_start3A_236 = arith.constant 7 : i32
      %dma_start3A_237 = arith.constant 0 : i32
      %dma_start3A_238 = tpu.memref_slice %arg7[%dma_start3A_236, %dma_start3A_237] : memref<8x128xi32, #tpu.memory_space<vmem>> -> memref<1x128xi32, #tpu.memory_space<vmem>>
      %dma_start3A_239 = tpu.memref_squeeze %dma_start3A_238 : memref<1x128xi32, #tpu.memory_space<vmem>> -> memref<128xi32, #tpu.memory_space<vmem>>
      %dma_start3A_240 = arith.constant 0 : i32
      %dma_start3A_241 = arith.constant 0 : i32
      %dma_start3A_242 = tpu.memref_slice %arg10[%dma_start3A_240, %dma_start3A_241] : memref<10112x128xf32, #tpu.memory_space<vmem_shared>> -> memref<10112x128xf32, #tpu.memory_space<vmem_shared>>
      tpu.enqueue_indirect_dma source(%arg9 : memref<128x128xf32, #tpu.memory_space<vmem>>) target(%dma_start3A_242 : memref<10112x128xf32, #tpu.memory_space<vmem_shared>>) offsets(%dma_start3A_239 : memref<128xi32, #tpu.memory_space<vmem>>) semaphore(%arg14 : memref<!tpu.dma_semaphore, #tpu.memory_space<semaphore_mem>>) {add = true}
      %dma_wait3A_243 = arith.constant 6 : i32
      %dma_wait3A_244 = arith.constant 0 : i32
      %dma_wait3A_245 = tpu.memref_slice %arg7[%dma_wait3A_243, %dma_wait3A_244] : memref<8x128xi32, #tpu.memory_space<vmem>> -> memref<1x128xi32, #tpu.memory_space<vmem>>
      %dma_wait3A_246 = tpu.memref_squeeze %dma_wait3A_245 : memref<1x128xi32, #tpu.memory_space<vmem>> -> memref<128xi32, #tpu.memory_space<vmem>>
      %dma_wait3A_247 = arith.constant 0 : i32
      %dma_wait3A_248 = arith.constant 0 : i32
      %dma_wait3A_249 = tpu.memref_slice %arg10[%dma_wait3A_247, %dma_wait3A_248] : memref<10112x128xf32, #tpu.memory_space<vmem_shared>> -> memref<10112x128xf32, #tpu.memory_space<vmem_shared>>
      tpu.wait_indirect_dma semaphore(%arg13 : memref<!tpu.dma_semaphore, #tpu.memory_space<semaphore_mem>>) src(%arg8 : memref<128x128xf32, #tpu.memory_space<vmem>>) dst(%dma_wait3A_249 : memref<10112x128xf32, #tpu.memory_space<vmem_shared>>)
      %dma_wait3A_250 = arith.constant 7 : i32
      %dma_wait3A_251 = arith.constant 0 : i32
      %dma_wait3A_252 = tpu.memref_slice %arg7[%dma_wait3A_250, %dma_wait3A_251] : memref<8x128xi32, #tpu.memory_space<vmem>> -> memref<1x128xi32, #tpu.memory_space<vmem>>
      %dma_wait3A_253 = tpu.memref_squeeze %dma_wait3A_252 : memref<1x128xi32, #tpu.memory_space<vmem>> -> memref<128xi32, #tpu.memory_space<vmem>>
      %dma_wait3A_254 = arith.constant 0 : i32
      %dma_wait3A_255 = arith.constant 0 : i32
      %dma_wait3A_256 = tpu.memref_slice %arg10[%dma_wait3A_254, %dma_wait3A_255] : memref<10112x128xf32, #tpu.memory_space<vmem_shared>> -> memref<10112x128xf32, #tpu.memory_space<vmem_shared>>
      tpu.wait_indirect_dma semaphore(%arg14 : memref<!tpu.dma_semaphore, #tpu.memory_space<semaphore_mem>>) src(%arg9 : memref<128x128xf32, #tpu.memory_space<vmem>>) dst(%dma_wait3A_256 : memref<10112x128xf32, #tpu.memory_space<vmem_shared>>)
      %scan3A_257 = arith.constant 1 : i32
    } else {
    }
    %barrier3A_22 = arith.constant 0 : index
    tpu.barrier barrier_id(%barrier3A_22)
    "tpu.region"() ({
      %run_scoped3A = tpu.sem_alloc : memref<!tpu.dma_semaphore, #tpu.memory_space<semaphore_mem>>
      %dma_start3A = arith.constant 0 : i32
      %dma_start3A_23 = tpu.memref_slice %arg5[%arg0, %mul3A_0, %dma_start3A] : memref<2x10112x128xf32, #tpu.memory_space<hbm>> -> memref<1x632x128xf32, #tpu.memory_space<hbm>>
      %dma_start3A_24 = tpu.memref_squeeze %dma_start3A_23 : memref<1x632x128xf32, #tpu.memory_space<hbm>> -> memref<632x128xf32, #tpu.memory_space<hbm>>
      %dma_start3A_25 = arith.constant 0 : i32
      %dma_start3A_26 = tpu.memref_slice %arg10[%mul3A_0, %dma_start3A_25] : memref<10112x128xf32, #tpu.memory_space<vmem_shared>> -> memref<632x128xf32, #tpu.memory_space<vmem_shared>>
      tpu.enqueue_dma source(%dma_start3A_26 : memref<632x128xf32, #tpu.memory_space<vmem_shared>>) target(%dma_start3A_24 : memref<632x128xf32, #tpu.memory_space<hbm>>) target_semaphore(%run_scoped3A : memref<!tpu.dma_semaphore, #tpu.memory_space<semaphore_mem>>)
      %dma_wait3A = arith.constant 0 : i32
      %dma_wait3A_27 = tpu.memref_slice %arg5[%arg0, %mul3A_0, %dma_wait3A] : memref<2x10112x128xf32, #tpu.memory_space<hbm>> -> memref<1x632x128xf32, #tpu.memory_space<hbm>>
      %dma_wait3A_28 = tpu.memref_squeeze %dma_wait3A_27 : memref<1x632x128xf32, #tpu.memory_space<hbm>> -> memref<632x128xf32, #tpu.memory_space<hbm>>
      %dma_wait3A_29 = arith.constant 0 : i32
      %dma_wait3A_30 = tpu.memref_slice %arg10[%mul3A_0, %dma_wait3A_29] : memref<10112x128xf32, #tpu.memory_space<vmem_shared>> -> memref<632x128xf32, #tpu.memory_space<vmem_shared>>
      tpu.wait_dma2 semaphore(%run_scoped3A : memref<!tpu.dma_semaphore, #tpu.memory_space<semaphore_mem>>) src(%dma_wait3A_30 : memref<632x128xf32, #tpu.memory_space<vmem_shared>>) dst(%dma_wait3A_28 : memref<632x128xf32, #tpu.memory_space<hbm>>)
      tpu.yield
    }) : () -> ()
    return
  }
}

#map = affine_map<(d0, d1) -> (0, 0)>
#map1 = affine_map<(d0, d1) -> (0, 0, 0)>
module attributes {stable_mosaic.version = 14 : i64} {
  func.func @body(%arg0: i32, %arg1: i32, %arg2: memref<10112x128xf32, #tpu.memory_space<hbm>>, %arg3: memref<2560x128xi32, #tpu.memory_space<hbm>>, %arg4: memref<2560x128xi32, #tpu.memory_space<hbm>>, %arg5: memref<2x10112x128xf32, #tpu.memory_space<hbm>>, %arg6: memref<8x128xi32, #tpu.memory_space<vmem>>, %arg7: memref<8x128xi32, #tpu.memory_space<vmem>>, %arg8: memref<128x128xf32, #tpu.memory_space<vmem>>, %arg9: memref<128x128xf32, #tpu.memory_space<vmem>>, %arg10: memref<10112x128xf32, #tpu.memory_space<vmem_shared>>, %arg11: memref<!tpu.dma_semaphore, #tpu.memory_space<semaphore_mem>>, %arg12: memref<!tpu.dma_semaphore, #tpu.memory_space<semaphore_mem>>, %arg13: memref<!tpu.dma_semaphore, #tpu.memory_space<semaphore_mem>>, %arg14: memref<!tpu.dma_semaphore, #tpu.memory_space<semaphore_mem>>) attributes {dimension_semantics = [#tpu.dimension_semantics<core_parallel>, #tpu.dimension_semantics<subcore_parallel>], iteration_bounds = array<i64: 2, 16>, scalar_prefetch = 0 : i64, scratch_operands = 9 : i64, tpu.core_type = #tpu.core_type<sc_vector_subcore>, window_params = [{transform_indices = #map}, {transform_indices = #map}, {transform_indices = #map}, {transform_indices = #map1}]} {
    %mul3A = arith.constant 632 : i32
    %mul3A_0 = arith.muli %arg1, %mul3A : i32
    %broadcast_in_dim3A = arith.constant 0.000000e+00 : f32
    %broadcast_in_dim3A_1 = vector.broadcast %broadcast_in_dim3A : f32 to vector<16xf32>
    %scan3A = arith.constant 0 : i32
    %scan3A_2 = arith.constant 128 : i32
    %scan3A_3 = arith.addi %scan3A, %scan3A_2 : i32
    %scan3A_4 = arith.constant 1 : i32
    scf.for %scan3A_23 = %scan3A to %scan3A_3 step %scan3A_4  : i32 {
      %mul3A_24 = arith.constant 1 : i32
      %mul3A_25 = arith.muli %scan3A_23, %mul3A_24 : i32
      %add3A_26 = arith.constant 0 : i32
      %add3A_27 = arith.addi %add3A_26, %mul3A_25 : i32
      %scan3A_28 = arith.constant 0 : i32
      %scan3A_29 = arith.constant 8 : i32
      %scan3A_30 = arith.addi %scan3A_28, %scan3A_29 : i32
      %scan3A_31 = arith.constant 1 : i32
      scf.for %scan3A_33 = %scan3A_28 to %scan3A_30 step %scan3A_31  : i32 {
        %mul3A_34 = arith.constant 16 : i32
        %mul3A_35 = arith.muli %scan3A_33, %mul3A_34 : i32
        %add3A_36 = arith.constant 0 : i32
        %add3A_37 = arith.addi %add3A_36, %mul3A_35 : i32
        %swap3A = arith.index_cast %add3A_27 : i32 to index
        %swap3A_38 = arith.index_cast %add3A_37 : i32 to index
        %swap3A_39 = tpu.vector_load %arg8[%swap3A, %swap3A_38] {strides = array<i32>} : memref<128x128xf32, #tpu.memory_space<vmem>>, vector<1x16xf32>,
        %swap3A_40 = vector.shape_cast %swap3A_39 : vector<1x16xf32> to vector<16xf32>
        %swap3A_41 = vector.shape_cast %broadcast_in_dim3A_1 : vector<16xf32> to vector<1x16xf32>
        tpu.vector_store %arg8[%swap3A, %swap3A_38], %swap3A_41 {strides = array<i32>} : memref<128x128xf32, #tpu.memory_space<vmem>>, vector<1x16xf32>,
      }
      %scan3A_32 = arith.constant 8 : i32
    }
    %scan3A_5 = arith.constant 128 : i32
    %add3A = arith.constant 0 : i32
    %add3A_6 = arith.addi %mul3A_0, %add3A : i32
    "tpu.region"() ({
      %run_scoped3A = tpu.sem_alloc : memref<!tpu.dma_semaphore, #tpu.memory_space<semaphore_mem>>
      %dma_start3A = arith.constant 0 : i32
      %dma_start3A_23 = tpu.memref_slice %arg10[%add3A_6, %dma_start3A] : memref<10112x128xf32, #tpu.memory_space<vmem_shared>> -> memref<128x128xf32, #tpu.memory_space<vmem_shared>>
      %dma_start3A_24 = arith.constant 0 : i32
      %dma_start3A_25 = tpu.memref_slice %arg10[%add3A_6, %dma_start3A_24] : memref<10112x128xf32, #tpu.memory_space<vmem_shared>> -> memref<128x128xf32, #tpu.memory_space<vmem_shared>>
      tpu.enqueue_dma source(%arg8 : memref<128x128xf32, #tpu.memory_space<vmem>>) target(%dma_start3A_25 : memref<128x128xf32, #tpu.memory_space<vmem_shared>>) target_semaphore(%run_scoped3A : memref<!tpu.dma_semaphore, #tpu.memory_space<semaphore_mem>>)
      %dma_wait3A = arith.constant 0 : i32
      %dma_wait3A_26 = tpu.memref_slice %arg10[%add3A_6, %dma_wait3A] : memref<10112x128xf32, #tpu.memory_space<vmem_shared>> -> memref<128x128xf32, #tpu.memory_space<vmem_shared>>
      %dma_wait3A_27 = arith.constant 0 : i32
      %dma_wait3A_28 = tpu.memref_slice %arg10[%add3A_6, %dma_wait3A_27] : memref<10112x128xf32, #tpu.memory_space<vmem_shared>> -> memref<128x128xf32, #tpu.memory_space<vmem_shared>>
      tpu.wait_dma2 semaphore(%run_scoped3A : memref<!tpu.dma_semaphore, #tpu.memory_space<semaphore_mem>>) src(%arg8 : memref<128x128xf32, #tpu.memory_space<vmem>>) dst(%dma_wait3A_28 : memref<128x128xf32, #tpu.memory_space<vmem_shared>>)
      tpu.yield
    }) : () -> ()
    %add3A_7 = arith.constant 128 : i32
    %add3A_8 = arith.addi %mul3A_0, %add3A_7 : i32
    "tpu.region"() ({
      %run_scoped3A = tpu.sem_alloc : memref<!tpu.dma_semaphore, #tpu.memory_space<semaphore_mem>>
      %dma_start3A = arith.constant 0 : i32
      %dma_start3A_23 = tpu.memref_slice %arg10[%add3A_8, %dma_start3A] : memref<10112x128xf32, #tpu.memory_space<vmem_shared>> -> memref<128x128xf32, #tpu.memory_space<vmem_shared>>
      %dma_start3A_24 = arith.constant 0 : i32
      %dma_start3A_25 = tpu.memref_slice %arg10[%add3A_8, %dma_start3A_24] : memref<10112x128xf32, #tpu.memory_space<vmem_shared>> -> memref<128x128xf32, #tpu.memory_space<vmem_shared>>
      tpu.enqueue_dma source(%arg8 : memref<128x128xf32, #tpu.memory_space<vmem>>) target(%dma_start3A_25 : memref<128x128xf32, #tpu.memory_space<vmem_shared>>) target_semaphore(%run_scoped3A : memref<!tpu.dma_semaphore, #tpu.memory_space<semaphore_mem>>)
      %dma_wait3A = arith.constant 0 : i32
      %dma_wait3A_26 = tpu.memref_slice %arg10[%add3A_8, %dma_wait3A] : memref<10112x128xf32, #tpu.memory_space<vmem_shared>> -> memref<128x128xf32, #tpu.memory_space<vmem_shared>>
      %dma_wait3A_27 = arith.constant 0 : i32
      %dma_wait3A_28 = tpu.memref_slice %arg10[%add3A_8, %dma_wait3A_27] : memref<10112x128xf32, #tpu.memory_space<vmem_shared>> -> memref<128x128xf32, #tpu.memory_space<vmem_shared>>
      tpu.wait_dma2 semaphore(%run_scoped3A : memref<!tpu.dma_semaphore, #tpu.memory_space<semaphore_mem>>) src(%arg8 : memref<128x128xf32, #tpu.memory_space<vmem>>) dst(%dma_wait3A_28 : memref<128x128xf32, #tpu.memory_space<vmem_shared>>)
      tpu.yield
    }) : () -> ()
    %add3A_9 = arith.constant 256 : i32
    %add3A_10 = arith.addi %mul3A_0, %add3A_9 : i32
    "tpu.region"() ({
      %run_scoped3A = tpu.sem_alloc : memref<!tpu.dma_semaphore, #tpu.memory_space<semaphore_mem>>
      %dma_start3A = arith.constant 0 : i32
      %dma_start3A_23 = tpu.memref_slice %arg10[%add3A_10, %dma_start3A] : memref<10112x128xf32, #tpu.memory_space<vmem_shared>> -> memref<128x128xf32, #tpu.memory_space<vmem_shared>>
      %dma_start3A_24 = arith.constant 0 : i32
      %dma_start3A_25 = tpu.memref_slice %arg10[%add3A_10, %dma_start3A_24] : memref<10112x128xf32, #tpu.memory_space<vmem_shared>> -> memref<128x128xf32, #tpu.memory_space<vmem_shared>>
      tpu.enqueue_dma source(%arg8 : memref<128x128xf32, #tpu.memory_space<vmem>>) target(%dma_start3A_25 : memref<128x128xf32, #tpu.memory_space<vmem_shared>>) target_semaphore(%run_scoped3A : memref<!tpu.dma_semaphore, #tpu.memory_space<semaphore_mem>>)
      %dma_wait3A = arith.constant 0 : i32
      %dma_wait3A_26 = tpu.memref_slice %arg10[%add3A_10, %dma_wait3A] : memref<10112x128xf32, #tpu.memory_space<vmem_shared>> -> memref<128x128xf32, #tpu.memory_space<vmem_shared>>
      %dma_wait3A_27 = arith.constant 0 : i32
      %dma_wait3A_28 = tpu.memref_slice %arg10[%add3A_10, %dma_wait3A_27] : memref<10112x128xf32, #tpu.memory_space<vmem_shared>> -> memref<128x128xf32, #tpu.memory_space<vmem_shared>>
      tpu.wait_dma2 semaphore(%run_scoped3A : memref<!tpu.dma_semaphore, #tpu.memory_space<semaphore_mem>>) src(%arg8 : memref<128x128xf32, #tpu.memory_space<vmem>>) dst(%dma_wait3A_28 : memref<128x128xf32, #tpu.memory_space<vmem_shared>>)
      tpu.yield
    }) : () -> ()
    %add3A_11 = arith.constant 384 : i32
    %add3A_12 = arith.addi %mul3A_0, %add3A_11 : i32
    "tpu.region"() ({
      %run_scoped3A = tpu.sem_alloc : memref<!tpu.dma_semaphore, #tpu.memory_space<semaphore_mem>>
      %dma_start3A = arith.constant 0 : i32
      %dma_start3A_23 = tpu.memref_slice %arg10[%add3A_12, %dma_start3A] : memref<10112x128xf32, #tpu.memory_space<vmem_shared>> -> memref<128x128xf32, #tpu.memory_space<vmem_shared>>
      %dma_start3A_24 = arith.constant 0 : i32
      %dma_start3A_25 = tpu.memref_slice %arg10[%add3A_12, %dma_start3A_24] : memref<10112x128xf32, #tpu.memory_space<vmem_shared>> -> memref<128x128xf32, #tpu.memory_space<vmem_shared>>
      tpu.enqueue_dma source(%arg8 : memref<128x128xf32, #tpu.memory_space<vmem>>) target(%dma_start3A_25 : memref<128x128xf32, #tpu.memory_space<vmem_shared>>) target_semaphore(%run_scoped3A : memref<!tpu.dma_semaphore, #tpu.memory_space<semaphore_mem>>)
      %dma_wait3A = arith.constant 0 : i32
      %dma_wait3A_26 = tpu.memref_slice %arg10[%add3A_12, %dma_wait3A] : memref<10112x128xf32, #tpu.memory_space<vmem_shared>> -> memref<128x128xf32, #tpu.memory_space<vmem_shared>>
      %dma_wait3A_27 = arith.constant 0 : i32
      %dma_wait3A_28 = tpu.memref_slice %arg10[%add3A_12, %dma_wait3A_27] : memref<10112x128xf32, #tpu.memory_space<vmem_shared>> -> memref<128x128xf32, #tpu.memory_space<vmem_shared>>
      tpu.wait_dma2 semaphore(%run_scoped3A : memref<!tpu.dma_semaphore, #tpu.memory_space<semaphore_mem>>) src(%arg8 : memref<128x128xf32, #tpu.memory_space<vmem>>) dst(%dma_wait3A_28 : memref<128x128xf32, #tpu.memory_space<vmem_shared>>)
      tpu.yield
    }) : () -> ()
    %add3A_13 = arith.constant 512 : i32
    %add3A_14 = arith.addi %mul3A_0, %add3A_13 : i32
    "tpu.region"() ({
      %run_scoped3A = tpu.sem_alloc : memref<!tpu.dma_semaphore, #tpu.memory_space<semaphore_mem>>
      %dma_start3A = arith.constant 0 : i32
      %dma_start3A_23 = arith.constant 0 : i32
      %dma_start3A_24 = tpu.memref_slice %arg8[%dma_start3A, %dma_start3A_23] : memref<128x128xf32, #tpu.memory_space<vmem>> -> memref<120x128xf32, #tpu.memory_space<vmem>>
      %dma_start3A_25 = arith.constant 0 : i32
      %dma_start3A_26 = tpu.memref_slice %arg10[%add3A_14, %dma_start3A_25] : memref<10112x128xf32, #tpu.memory_space<vmem_shared>> -> memref<120x128xf32, #tpu.memory_space<vmem_shared>>
      %dma_start3A_27 = arith.constant 0 : i32
      %dma_start3A_28 = tpu.memref_slice %arg10[%add3A_14, %dma_start3A_27] : memref<10112x128xf32, #tpu.memory_space<vmem_shared>> -> memref<120x128xf32, #tpu.memory_space<vmem_shared>>
      %dma_start3A_29 = arith.constant 0 : i32
      %dma_start3A_30 = arith.constant 0 : i32
      %dma_start3A_31 = tpu.memref_slice %arg8[%dma_start3A_29, %dma_start3A_30] : memref<128x128xf32, #tpu.memory_space<vmem>> -> memref<120x128xf32, #tpu.memory_space<vmem>>
      tpu.enqueue_dma source(%dma_start3A_31 : memref<120x128xf32, #tpu.memory_space<vmem>>) target(%dma_start3A_28 : memref<120x128xf32, #tpu.memory_space<vmem_shared>>) target_semaphore(%run_scoped3A : memref<!tpu.dma_semaphore, #tpu.memory_space<semaphore_mem>>)
      %dma_wait3A = arith.constant 0 : i32
      %dma_wait3A_32 = arith.constant 0 : i32
      %dma_wait3A_33 = tpu.memref_slice %arg8[%dma_wait3A, %dma_wait3A_32] : memref<128x128xf32, #tpu.memory_space<vmem>> -> memref<120x128xf32, #tpu.memory_space<vmem>>
      %dma_wait3A_34 = arith.constant 0 : i32
      %dma_wait3A_35 = tpu.memref_slice %arg10[%add3A_14, %dma_wait3A_34] : memref<10112x128xf32, #tpu.memory_space<vmem_shared>> -> memref<120x128xf32, #tpu.memory_space<vmem_shared>>
      %dma_wait3A_36 = arith.constant 0 : i32
      %dma_wait3A_37 = tpu.memref_slice %arg10[%add3A_14, %dma_wait3A_36] : memref<10112x128xf32, #tpu.memory_space<vmem_shared>> -> memref<120x128xf32, #tpu.memory_space<vmem_shared>>
      %dma_wait3A_38 = arith.constant 0 : i32
      %dma_wait3A_39 = arith.constant 0 : i32
      %dma_wait3A_40 = tpu.memref_slice %arg8[%dma_wait3A_38, %dma_wait3A_39] : memref<128x128xf32, #tpu.memory_space<vmem>> -> memref<120x128xf32, #tpu.memory_space<vmem>>
      tpu.wait_dma2 semaphore(%run_scoped3A : memref<!tpu.dma_semaphore, #tpu.memory_space<semaphore_mem>>) src(%dma_wait3A_40 : memref<120x128xf32, #tpu.memory_space<vmem>>) dst(%dma_wait3A_37 : memref<120x128xf32, #tpu.memory_space<vmem_shared>>)
      tpu.yield
    }) : () -> ()
    %barrier3A = arith.constant 0 : index
    tpu.barrier barrier_id(%barrier3A)
    %eq3A = arith.constant 0 : i32
    %eq3A_15 = arith.cmpi eq, %arg0, %eq3A : i32
    %convert_element_type3A = arith.extui %eq3A_15 : i1 to i32
    %cond3A = arith.constant 0 : i32
    %cond3A_16 = arith.cmpi ne, %convert_element_type3A, %cond3A : i32
    scf.if %cond3A_16 {
      %scan3A_23 = arith.constant 0 : i32
      %scan3A_24 = arith.constant 19 : i32
      %scan3A_25 = arith.addi %scan3A_23, %scan3A_24 : i32
      %scan3A_26 = arith.constant 1 : i32
      scf.for %scan3A_28 = %scan3A_23 to %scan3A_25 step %scan3A_26  : i32 {
        %mul3A_29 = arith.constant 1 : i32
        %mul3A_30 = arith.muli %scan3A_28, %mul3A_29 : i32
        %add3A_31 = arith.constant 0 : i32
        %add3A_32 = arith.addi %add3A_31, %mul3A_30 : i32
        %mul3A_33 = arith.constant 152 : i32
        %mul3A_34 = arith.muli %arg1, %mul3A_33 : i32
        %mul3A_35 = arith.constant 8 : i32
        %mul3A_36 = arith.muli %add3A_32, %mul3A_35 : i32
        %add3A_37 = arith.addi %mul3A_34, %mul3A_36 : i32
        "tpu.region"() ({
          %run_scoped3A = tpu.sem_alloc : memref<!tpu.dma_semaphore, #tpu.memory_space<semaphore_mem>>
          %dma_start3A_260 = arith.constant 0 : i32
          %dma_start3A_261 = tpu.memref_slice %arg3[%add3A_37, %dma_start3A_260] : memref<2560x128xi32, #tpu.memory_space<hbm>> -> memref<8x128xi32, #tpu.memory_space<hbm>>
          %dma_start3A_262 = arith.constant 0 : i32
          %dma_start3A_263 = tpu.memref_slice %arg3[%add3A_37, %dma_start3A_262] : memref<2560x128xi32, #tpu.memory_space<hbm>> -> memref<8x128xi32, #tpu.memory_space<hbm>>
          tpu.enqueue_dma source(%dma_start3A_263 : memref<8x128xi32, #tpu.memory_space<hbm>>) target(%arg6 : memref<8x128xi32, #tpu.memory_space<vmem>>) target_semaphore(%run_scoped3A : memref<!tpu.dma_semaphore, #tpu.memory_space<semaphore_mem>>)
          %dma_wait3A_264 = arith.constant 0 : i32
          %dma_wait3A_265 = tpu.memref_slice %arg3[%add3A_37, %dma_wait3A_264] : memref<2560x128xi32, #tpu.memory_space<hbm>> -> memref<8x128xi32, #tpu.memory_space<hbm>>
          %dma_wait3A_266 = arith.constant 0 : i32
          %dma_wait3A_267 = tpu.memref_slice %arg3[%add3A_37, %dma_wait3A_266] : memref<2560x128xi32, #tpu.memory_space<hbm>> -> memref<8x128xi32, #tpu.memory_space<hbm>>
          tpu.wait_dma2 semaphore(%run_scoped3A : memref<!tpu.dma_semaphore, #tpu.memory_space<semaphore_mem>>) src(%dma_wait3A_267 : memref<8x128xi32, #tpu.memory_space<hbm>>) dst(%arg6 : memref<8x128xi32, #tpu.memory_space<vmem>>)
          tpu.yield
        }) : () -> ()
        "tpu.region"() ({
          %run_scoped3A = tpu.sem_alloc : memref<!tpu.dma_semaphore, #tpu.memory_space<semaphore_mem>>
          %dma_start3A_260 = arith.constant 0 : i32
          %dma_start3A_261 = tpu.memref_slice %arg4[%add3A_37, %dma_start3A_260] : memref<2560x128xi32, #tpu.memory_space<hbm>> -> memref<8x128xi32, #tpu.memory_space<hbm>>
          %dma_start3A_262 = arith.constant 0 : i32
          %dma_start3A_263 = tpu.memref_slice %arg4[%add3A_37, %dma_start3A_262] : memref<2560x128xi32, #tpu.memory_space<hbm>> -> memref<8x128xi32, #tpu.memory_space<hbm>>
          tpu.enqueue_dma source(%dma_start3A_263 : memref<8x128xi32, #tpu.memory_space<hbm>>) target(%arg7 : memref<8x128xi32, #tpu.memory_space<vmem>>) target_semaphore(%run_scoped3A : memref<!tpu.dma_semaphore, #tpu.memory_space<semaphore_mem>>)
          %dma_wait3A_264 = arith.constant 0 : i32
          %dma_wait3A_265 = tpu.memref_slice %arg4[%add3A_37, %dma_wait3A_264] : memref<2560x128xi32, #tpu.memory_space<hbm>> -> memref<8x128xi32, #tpu.memory_space<hbm>>
          %dma_wait3A_266 = arith.constant 0 : i32
          %dma_wait3A_267 = tpu.memref_slice %arg4[%add3A_37, %dma_wait3A_266] : memref<2560x128xi32, #tpu.memory_space<hbm>> -> memref<8x128xi32, #tpu.memory_space<hbm>>
          tpu.wait_dma2 semaphore(%run_scoped3A : memref<!tpu.dma_semaphore, #tpu.memory_space<semaphore_mem>>) src(%dma_wait3A_267 : memref<8x128xi32, #tpu.memory_space<hbm>>) dst(%arg7 : memref<8x128xi32, #tpu.memory_space<vmem>>)
          tpu.yield
        }) : () -> ()
        %dma_start3A = arith.constant 0 : i32
        %dma_start3A_38 = arith.constant 0 : i32
        %dma_start3A_39 = tpu.memref_slice %arg6[%dma_start3A, %dma_start3A_38] : memref<8x128xi32, #tpu.memory_space<vmem>> -> memref<1x128xi32, #tpu.memory_space<vmem>>
        %dma_start3A_40 = tpu.memref_squeeze %dma_start3A_39 : memref<1x128xi32, #tpu.memory_space<vmem>> -> memref<128xi32, #tpu.memory_space<vmem>>
        %dma_start3A_41 = arith.constant 0 : i32
        %dma_start3A_42 = arith.constant 0 : i32
        %dma_start3A_43 = tpu.memref_slice %arg2[%dma_start3A_41, %dma_start3A_42] : memref<10112x128xf32, #tpu.memory_space<hbm>> -> memref<10112x128xf32, #tpu.memory_space<hbm>>
        tpu.enqueue_indirect_dma source(%dma_start3A_43 : memref<10112x128xf32, #tpu.memory_space<hbm>>) target(%arg8 : memref<128x128xf32, #tpu.memory_space<vmem>>) offsets(%dma_start3A_40 : memref<128xi32, #tpu.memory_space<vmem>>) semaphore(%arg11 : memref<!tpu.dma_semaphore, #tpu.memory_space<semaphore_mem>>)
        %dma_start3A_44 = arith.constant 1 : i32
        %dma_start3A_45 = arith.constant 0 : i32
        %dma_start3A_46 = tpu.memref_slice %arg6[%dma_start3A_44, %dma_start3A_45] : memref<8x128xi32, #tpu.memory_space<vmem>> -> memref<1x128xi32, #tpu.memory_space<vmem>>
        %dma_start3A_47 = tpu.memref_squeeze %dma_start3A_46 : memref<1x128xi32, #tpu.memory_space<vmem>> -> memref<128xi32, #tpu.memory_space<vmem>>
        %dma_start3A_48 = arith.constant 0 : i32
        %dma_start3A_49 = arith.constant 0 : i32
        %dma_start3A_50 = tpu.memref_slice %arg2[%dma_start3A_48, %dma_start3A_49] : memref<10112x128xf32, #tpu.memory_space<hbm>> -> memref<10112x128xf32, #tpu.memory_space<hbm>>
        tpu.enqueue_indirect_dma source(%dma_start3A_50 : memref<10112x128xf32, #tpu.memory_space<hbm>>) target(%arg9 : memref<128x128xf32, #tpu.memory_space<vmem>>) offsets(%dma_start3A_47 : memref<128xi32, #tpu.memory_space<vmem>>) semaphore(%arg12 : memref<!tpu.dma_semaphore, #tpu.memory_space<semaphore_mem>>)
        %dma_wait3A = arith.constant 0 : i32
        %dma_wait3A_51 = arith.constant 0 : i32
        %dma_wait3A_52 = tpu.memref_slice %arg6[%dma_wait3A, %dma_wait3A_51] : memref<8x128xi32, #tpu.memory_space<vmem>> -> memref<1x128xi32, #tpu.memory_space<vmem>>
        %dma_wait3A_53 = tpu.memref_squeeze %dma_wait3A_52 : memref<1x128xi32, #tpu.memory_space<vmem>> -> memref<128xi32, #tpu.memory_space<vmem>>
        %dma_wait3A_54 = arith.constant 0 : i32
        %dma_wait3A_55 = arith.constant 0 : i32
        %dma_wait3A_56 = tpu.memref_slice %arg2[%dma_wait3A_54, %dma_wait3A_55] : memref<10112x128xf32, #tpu.memory_space<hbm>> -> memref<10112x128xf32, #tpu.memory_space<hbm>>
        tpu.wait_indirect_dma semaphore(%arg11 : memref<!tpu.dma_semaphore, #tpu.memory_space<semaphore_mem>>) src(%dma_wait3A_56 : memref<10112x128xf32, #tpu.memory_space<hbm>>) dst(%arg8 : memref<128x128xf32, #tpu.memory_space<vmem>>)
        %dma_start3A_57 = arith.constant 0 : i32
        %dma_start3A_58 = arith.constant 0 : i32
        %dma_start3A_59 = tpu.memref_slice %arg7[%dma_start3A_57, %dma_start3A_58] : memref<8x128xi32, #tpu.memory_space<vmem>> -> memref<1x128xi32, #tpu.memory_space<vmem>>
        %dma_start3A_60 = tpu.memref_squeeze %dma_start3A_59 : memref<1x128xi32, #tpu.memory_space<vmem>> -> memref<128xi32, #tpu.memory_space<vmem>>
        %dma_start3A_61 = arith.constant 0 : i32
        %dma_start3A_62 = arith.constant 0 : i32
        %dma_start3A_63 = tpu.memref_slice %arg10[%dma_start3A_61, %dma_start3A_62] : memref<10112x128xf32, #tpu.memory_space<vmem_shared>> -> memref<10112x128xf32, #tpu.memory_space<vmem_shared>>
        tpu.enqueue_indirect_dma source(%arg8 : memref<128x128xf32, #tpu.memory_space<vmem>>) target(%dma_start3A_63 : memref<10112x128xf32, #tpu.memory_space<vmem_shared>>) offsets(%dma_start3A_60 : memref<128xi32, #tpu.memory_space<vmem>>) semaphore(%arg13 : memref<!tpu.dma_semaphore, #tpu.memory_space<semaphore_mem>>) {add = true}
        %dma_wait3A_64 = arith.constant 0 : i32
        %dma_wait3A_65 = arith.constant 0 : i32
        %dma_wait3A_66 = tpu.memref_slice %arg7[%dma_wait3A_64, %dma_wait3A_65] : memref<8x128xi32, #tpu.memory_space<vmem>> -> memref<1x128xi32, #tpu.memory_space<vmem>>
        %dma_wait3A_67 = tpu.memref_squeeze %dma_wait3A_66 : memref<1x128xi32, #tpu.memory_space<vmem>> -> memref<128xi32, #tpu.memory_space<vmem>>
        %dma_wait3A_68 = arith.constant 0 : i32
        %dma_wait3A_69 = arith.constant 0 : i32
        %dma_wait3A_70 = tpu.memref_slice %arg10[%dma_wait3A_68, %dma_wait3A_69] : memref<10112x128xf32, #tpu.memory_space<vmem_shared>> -> memref<10112x128xf32, #tpu.memory_space<vmem_shared>>
        tpu.wait_indirect_dma semaphore(%arg13 : memref<!tpu.dma_semaphore, #tpu.memory_space<semaphore_mem>>) src(%arg8 : memref<128x128xf32, #tpu.memory_space<vmem>>) dst(%dma_wait3A_70 : memref<10112x128xf32, #tpu.memory_space<vmem_shared>>)
        %dma_start3A_71 = arith.constant 2 : i32
        %dma_start3A_72 = arith.constant 0 : i32
        %dma_start3A_73 = tpu.memref_slice %arg6[%dma_start3A_71, %dma_start3A_72] : memref<8x128xi32, #tpu.memory_space<vmem>> -> memref<1x128xi32, #tpu.memory_space<vmem>>
        %dma_start3A_74 = tpu.memref_squeeze %dma_start3A_73 : memref<1x128xi32, #tpu.memory_space<vmem>> -> memref<128xi32, #tpu.memory_space<vmem>>
        %dma_start3A_75 = arith.constant 0 : i32
        %dma_start3A_76 = arith.constant 0 : i32
        %dma_start3A_77 = tpu.memref_slice %arg2[%dma_start3A_75, %dma_start3A_76] : memref<10112x128xf32, #tpu.memory_space<hbm>> -> memref<10112x128xf32, #tpu.memory_space<hbm>>
        tpu.enqueue_indirect_dma source(%dma_start3A_77 : memref<10112x128xf32, #tpu.memory_space<hbm>>) target(%arg8 : memref<128x128xf32, #tpu.memory_space<vmem>>) offsets(%dma_start3A_74 : memref<128xi32, #tpu.memory_space<vmem>>) semaphore(%arg11 : memref<!tpu.dma_semaphore, #tpu.memory_space<semaphore_mem>>)
        %dma_wait3A_78 = arith.constant 1 : i32
        %dma_wait3A_79 = arith.constant 0 : i32
        %dma_wait3A_80 = tpu.memref_slice %arg6[%dma_wait3A_78, %dma_wait3A_79] : memref<8x128xi32, #tpu.memory_space<vmem>> -> memref<1x128xi32, #tpu.memory_space<vmem>>
        %dma_wait3A_81 = tpu.memref_squeeze %dma_wait3A_80 : memref<1x128xi32, #tpu.memory_space<vmem>> -> memref<128xi32, #tpu.memory_space<vmem>>
        %dma_wait3A_82 = arith.constant 0 : i32
        %dma_wait3A_83 = arith.constant 0 : i32
        %dma_wait3A_84 = tpu.memref_slice %arg2[%dma_wait3A_82, %dma_wait3A_83] : memref<10112x128xf32, #tpu.memory_space<hbm>> -> memref<10112x128xf32, #tpu.memory_space<hbm>>
        tpu.wait_indirect_dma semaphore(%arg12 : memref<!tpu.dma_semaphore, #tpu.memory_space<semaphore_mem>>) src(%dma_wait3A_84 : memref<10112x128xf32, #tpu.memory_space<hbm>>) dst(%arg9 : memref<128x128xf32, #tpu.memory_space<vmem>>)
        %dma_start3A_85 = arith.constant 1 : i32
        %dma_start3A_86 = arith.constant 0 : i32
        %dma_start3A_87 = tpu.memref_slice %arg7[%dma_start3A_85, %dma_start3A_86] : memref<8x128xi32, #tpu.memory_space<vmem>> -> memref<1x128xi32, #tpu.memory_space<vmem>>
        %dma_start3A_88 = tpu.memref_squeeze %dma_start3A_87 : memref<1x128xi32, #tpu.memory_space<vmem>> -> memref<128xi32, #tpu.memory_space<vmem>>
        %dma_start3A_89 = arith.constant 0 : i32
        %dma_start3A_90 = arith.constant 0 : i32
        %dma_start3A_91 = tpu.memref_slice %arg10[%dma_start3A_89, %dma_start3A_90] : memref<10112x128xf32, #tpu.memory_space<vmem_shared>> -> memref<10112x128xf32, #tpu.memory_space<vmem_shared>>
        tpu.enqueue_indirect_dma source(%arg9 : memref<128x128xf32, #tpu.memory_space<vmem>>) target(%dma_start3A_91 : memref<10112x128xf32, #tpu.memory_space<vmem_shared>>) offsets(%dma_start3A_88 : memref<128xi32, #tpu.memory_space<vmem>>) semaphore(%arg14 : memref<!tpu.dma_semaphore, #tpu.memory_space<semaphore_mem>>) {add = true}
        %dma_wait3A_92 = arith.constant 1 : i32
        %dma_wait3A_93 = arith.constant 0 : i32
        %dma_wait3A_94 = tpu.memref_slice %arg7[%dma_wait3A_92, %dma_wait3A_93] : memref<8x128xi32, #tpu.memory_space<vmem>> -> memref<1x128xi32, #tpu.memory_space<vmem>>
        %dma_wait3A_95 = tpu.memref_squeeze %dma_wait3A_94 : memref<1x128xi32, #tpu.memory_space<vmem>> -> memref<128xi32, #tpu.memory_space<vmem>>
        %dma_wait3A_96 = arith.constant 0 : i32
        %dma_wait3A_97 = arith.constant 0 : i32
        %dma_wait3A_98 = tpu.memref_slice %arg10[%dma_wait3A_96, %dma_wait3A_97] : memref<10112x128xf32, #tpu.memory_space<vmem_shared>> -> memref<10112x128xf32, #tpu.memory_space<vmem_shared>>
        tpu.wait_indirect_dma semaphore(%arg14 : memref<!tpu.dma_semaphore, #tpu.memory_space<semaphore_mem>>) src(%arg9 : memref<128x128xf32, #tpu.memory_space<vmem>>) dst(%dma_wait3A_98 : memref<10112x128xf32, #tpu.memory_space<vmem_shared>>)
        %dma_start3A_99 = arith.constant 3 : i32
        %dma_start3A_100 = arith.constant 0 : i32
        %dma_start3A_101 = tpu.memref_slice %arg6[%dma_start3A_99, %dma_start3A_100] : memref<8x128xi32, #tpu.memory_space<vmem>> -> memref<1x128xi32, #tpu.memory_space<vmem>>
        %dma_start3A_102 = tpu.memref_squeeze %dma_start3A_101 : memref<1x128xi32, #tpu.memory_space<vmem>> -> memref<128xi32, #tpu.memory_space<vmem>>
        %dma_start3A_103 = arith.constant 0 : i32
        %dma_start3A_104 = arith.constant 0 : i32
        %dma_start3A_105 = tpu.memref_slice %arg2[%dma_start3A_103, %dma_start3A_104] : memref<10112x128xf32, #tpu.memory_space<hbm>> -> memref<10112x128xf32, #tpu.memory_space<hbm>>
        tpu.enqueue_indirect_dma source(%dma_start3A_105 : memref<10112x128xf32, #tpu.memory_space<hbm>>) target(%arg9 : memref<128x128xf32, #tpu.memory_space<vmem>>) offsets(%dma_start3A_102 : memref<128xi32, #tpu.memory_space<vmem>>) semaphore(%arg12 : memref<!tpu.dma_semaphore, #tpu.memory_space<semaphore_mem>>)
        %dma_wait3A_106 = arith.constant 2 : i32
        %dma_wait3A_107 = arith.constant 0 : i32
        %dma_wait3A_108 = tpu.memref_slice %arg6[%dma_wait3A_106, %dma_wait3A_107] : memref<8x128xi32, #tpu.memory_space<vmem>> -> memref<1x128xi32, #tpu.memory_space<vmem>>
        %dma_wait3A_109 = tpu.memref_squeeze %dma_wait3A_108 : memref<1x128xi32, #tpu.memory_space<vmem>> -> memref<128xi32, #tpu.memory_space<vmem>>
        %dma_wait3A_110 = arith.constant 0 : i32
        %dma_wait3A_111 = arith.constant 0 : i32
        %dma_wait3A_112 = tpu.memref_slice %arg2[%dma_wait3A_110, %dma_wait3A_111] : memref<10112x128xf32, #tpu.memory_space<hbm>> -> memref<10112x128xf32, #tpu.memory_space<hbm>>
        tpu.wait_indirect_dma semaphore(%arg11 : memref<!tpu.dma_semaphore, #tpu.memory_space<semaphore_mem>>) src(%dma_wait3A_112 : memref<10112x128xf32, #tpu.memory_space<hbm>>) dst(%arg8 : memref<128x128xf32, #tpu.memory_space<vmem>>)
        %dma_start3A_113 = arith.constant 2 : i32
        %dma_start3A_114 = arith.constant 0 : i32
        %dma_start3A_115 = tpu.memref_slice %arg7[%dma_start3A_113, %dma_start3A_114] : memref<8x128xi32, #tpu.memory_space<vmem>> -> memref<1x128xi32, #tpu.memory_space<vmem>>
        %dma_start3A_116 = tpu.memref_squeeze %dma_start3A_115 : memref<1x128xi32, #tpu.memory_space<vmem>> -> memref<128xi32, #tpu.memory_space<vmem>>
        %dma_start3A_117 = arith.constant 0 : i32
        %dma_start3A_118 = arith.constant 0 : i32
        %dma_start3A_119 = tpu.memref_slice %arg10[%dma_start3A_117, %dma_start3A_118] : memref<10112x128xf32, #tpu.memory_space<vmem_shared>> -> memref<10112x128xf32, #tpu.memory_space<vmem_shared>>
        tpu.enqueue_indirect_dma source(%arg8 : memref<128x128xf32, #tpu.memory_space<vmem>>) target(%dma_start3A_119 : memref<10112x128xf32, #tpu.memory_space<vmem_shared>>) offsets(%dma_start3A_116 : memref<128xi32, #tpu.memory_space<vmem>>) semaphore(%arg13 : memref<!tpu.dma_semaphore, #tpu.memory_space<semaphore_mem>>) {add = true}
        %dma_wait3A_120 = arith.constant 2 : i32
        %dma_wait3A_121 = arith.constant 0 : i32
        %dma_wait3A_122 = tpu.memref_slice %arg7[%dma_wait3A_120, %dma_wait3A_121] : memref<8x128xi32, #tpu.memory_space<vmem>> -> memref<1x128xi32, #tpu.memory_space<vmem>>
        %dma_wait3A_123 = tpu.memref_squeeze %dma_wait3A_122 : memref<1x128xi32, #tpu.memory_space<vmem>> -> memref<128xi32, #tpu.memory_space<vmem>>
        %dma_wait3A_124 = arith.constant 0 : i32
        %dma_wait3A_125 = arith.constant 0 : i32
        %dma_wait3A_126 = tpu.memref_slice %arg10[%dma_wait3A_124, %dma_wait3A_125] : memref<10112x128xf32, #tpu.memory_space<vmem_shared>> -> memref<10112x128xf32, #tpu.memory_space<vmem_shared>>
        tpu.wait_indirect_dma semaphore(%arg13 : memref<!tpu.dma_semaphore, #tpu.memory_space<semaphore_mem>>) src(%arg8 : memref<128x128xf32, #tpu.memory_space<vmem>>) dst(%dma_wait3A_126 : memref<10112x128xf32, #tpu.memory_space<vmem_shared>>)
        %dma_start3A_127 = arith.constant 4 : i32
        %dma_start3A_128 = arith.constant 0 : i32
        %dma_start3A_129 = tpu.memref_slice %arg6[%dma_start3A_127, %dma_start3A_128] : memref<8x128xi32, #tpu.memory_space<vmem>> -> memref<1x128xi32, #tpu.memory_space<vmem>>
        %dma_start3A_130 = tpu.memref_squeeze %dma_start3A_129 : memref<1x128xi32, #tpu.memory_space<vmem>> -> memref<128xi32, #tpu.memory_space<vmem>>
        %dma_start3A_131 = arith.constant 0 : i32
        %dma_start3A_132 = arith.constant 0 : i32
        %dma_start3A_133 = tpu.memref_slice %arg2[%dma_start3A_131, %dma_start3A_132] : memref<10112x128xf32, #tpu.memory_space<hbm>> -> memref<10112x128xf32, #tpu.memory_space<hbm>>
        tpu.enqueue_indirect_dma source(%dma_start3A_133 : memref<10112x128xf32, #tpu.memory_space<hbm>>) target(%arg8 : memref<128x128xf32, #tpu.memory_space<vmem>>) offsets(%dma_start3A_130 : memref<128xi32, #tpu.memory_space<vmem>>) semaphore(%arg11 : memref<!tpu.dma_semaphore, #tpu.memory_space<semaphore_mem>>)
        %dma_wait3A_134 = arith.constant 3 : i32
        %dma_wait3A_135 = arith.constant 0 : i32
        %dma_wait3A_136 = tpu.memref_slice %arg6[%dma_wait3A_134, %dma_wait3A_135] : memref<8x128xi32, #tpu.memory_space<vmem>> -> memref<1x128xi32, #tpu.memory_space<vmem>>
        %dma_wait3A_137 = tpu.memref_squeeze %dma_wait3A_136 : memref<1x128xi32, #tpu.memory_space<vmem>> -> memref<128xi32, #tpu.memory_space<vmem>>
        %dma_wait3A_138 = arith.constant 0 : i32
        %dma_wait3A_139 = arith.constant 0 : i32
        %dma_wait3A_140 = tpu.memref_slice %arg2[%dma_wait3A_138, %dma_wait3A_139] : memref<10112x128xf32, #tpu.memory_space<hbm>> -> memref<10112x128xf32, #tpu.memory_space<hbm>>
        tpu.wait_indirect_dma semaphore(%arg12 : memref<!tpu.dma_semaphore, #tpu.memory_space<semaphore_mem>>) src(%dma_wait3A_140 : memref<10112x128xf32, #tpu.memory_space<hbm>>) dst(%arg9 : memref<128x128xf32, #tpu.memory_space<vmem>>)
        %dma_start3A_141 = arith.constant 3 : i32
        %dma_start3A_142 = arith.constant 0 : i32
        %dma_start3A_143 = tpu.memref_slice %arg7[%dma_start3A_141, %dma_start3A_142] : memref<8x128xi32, #tpu.memory_space<vmem>> -> memref<1x128xi32, #tpu.memory_space<vmem>>
        %dma_start3A_144 = tpu.memref_squeeze %dma_start3A_143 : memref<1x128xi32, #tpu.memory_space<vmem>> -> memref<128xi32, #tpu.memory_space<vmem>>
        %dma_start3A_145 = arith.constant 0 : i32
        %dma_start3A_146 = arith.constant 0 : i32
        %dma_start3A_147 = tpu.memref_slice %arg10[%dma_start3A_145, %dma_start3A_146] : memref<10112x128xf32, #tpu.memory_space<vmem_shared>> -> memref<10112x128xf32, #tpu.memory_space<vmem_shared>>
        tpu.enqueue_indirect_dma source(%arg9 : memref<128x128xf32, #tpu.memory_space<vmem>>) target(%dma_start3A_147 : memref<10112x128xf32, #tpu.memory_space<vmem_shared>>) offsets(%dma_start3A_144 : memref<128xi32, #tpu.memory_space<vmem>>) semaphore(%arg14 : memref<!tpu.dma_semaphore, #tpu.memory_space<semaphore_mem>>) {add = true}
        %dma_wait3A_148 = arith.constant 3 : i32
        %dma_wait3A_149 = arith.constant 0 : i32
        %dma_wait3A_150 = tpu.memref_slice %arg7[%dma_wait3A_148, %dma_wait3A_149] : memref<8x128xi32, #tpu.memory_space<vmem>> -> memref<1x128xi32, #tpu.memory_space<vmem>>
        %dma_wait3A_151 = tpu.memref_squeeze %dma_wait3A_150 : memref<1x128xi32, #tpu.memory_space<vmem>> -> memref<128xi32, #tpu.memory_space<vmem>>
        %dma_wait3A_152 = arith.constant 0 : i32
        %dma_wait3A_153 = arith.constant 0 : i32
        %dma_wait3A_154 = tpu.memref_slice %arg10[%dma_wait3A_152, %dma_wait3A_153] : memref<10112x128xf32, #tpu.memory_space<vmem_shared>> -> memref<10112x128xf32, #tpu.memory_space<vmem_shared>>
        tpu.wait_indirect_dma semaphore(%arg14 : memref<!tpu.dma_semaphore, #tpu.memory_space<semaphore_mem>>) src(%arg9 : memref<128x128xf32, #tpu.memory_space<vmem>>) dst(%dma_wait3A_154 : memref<10112x128xf32, #tpu.memory_space<vmem_shared>>)
        %dma_start3A_155 = arith.constant 5 : i32
        %dma_start3A_156 = arith.constant 0 : i32
        %dma_start3A_157 = tpu.memref_slice %arg6[%dma_start3A_155, %dma_start3A_156] : memref<8x128xi32, #tpu.memory_space<vmem>> -> memref<1x128xi32, #tpu.memory_space<vmem>>
        %dma_start3A_158 = tpu.memref_squeeze %dma_start3A_157 : memref<1x128xi32, #tpu.memory_space<vmem>> -> memref<128xi32, #tpu.memory_space<vmem>>
        %dma_start3A_159 = arith.constant 0 : i32
        %dma_start3A_160 = arith.constant 0 : i32
        %dma_start3A_161 = tpu.memref_slice %arg2[%dma_start3A_159, %dma_start3A_160] : memref<10112x128xf32, #tpu.memory_space<hbm>> -> memref<10112x128xf32, #tpu.memory_space<hbm>>
        tpu.enqueue_indirect_dma source(%dma_start3A_161 : memref<10112x128xf32, #tpu.memory_space<hbm>>) target(%arg9 : memref<128x128xf32, #tpu.memory_space<vmem>>) offsets(%dma_start3A_158 : memref<128xi32, #tpu.memory_space<vmem>>) semaphore(%arg12 : memref<!tpu.dma_semaphore, #tpu.memory_space<semaphore_mem>>)
        %dma_wait3A_162 = arith.constant 4 : i32
        %dma_wait3A_163 = arith.constant 0 : i32
        %dma_wait3A_164 = tpu.memref_slice %arg6[%dma_wait3A_162, %dma_wait3A_163] : memref<8x128xi32, #tpu.memory_space<vmem>> -> memref<1x128xi32, #tpu.memory_space<vmem>>
        %dma_wait3A_165 = tpu.memref_squeeze %dma_wait3A_164 : memref<1x128xi32, #tpu.memory_space<vmem>> -> memref<128xi32, #tpu.memory_space<vmem>>
        %dma_wait3A_166 = arith.constant 0 : i32
        %dma_wait3A_167 = arith.constant 0 : i32
        %dma_wait3A_168 = tpu.memref_slice %arg2[%dma_wait3A_166, %dma_wait3A_167] : memref<10112x128xf32, #tpu.memory_space<hbm>> -> memref<10112x128xf32, #tpu.memory_space<hbm>>
        tpu.wait_indirect_dma semaphore(%arg11 : memref<!tpu.dma_semaphore, #tpu.memory_space<semaphore_mem>>) src(%dma_wait3A_168 : memref<10112x128xf32, #tpu.memory_space<hbm>>) dst(%arg8 : memref<128x128xf32, #tpu.memory_space<vmem>>)
        %dma_start3A_169 = arith.constant 4 : i32
        %dma_start3A_170 = arith.constant 0 : i32
        %dma_start3A_171 = tpu.memref_slice %arg7[%dma_start3A_169, %dma_start3A_170] : memref<8x128xi32, #tpu.memory_space<vmem>> -> memref<1x128xi32, #tpu.memory_space<vmem>>
        %dma_start3A_172 = tpu.memref_squeeze %dma_start3A_171 : memref<1x128xi32, #tpu.memory_space<vmem>> -> memref<128xi32, #tpu.memory_space<vmem>>
        %dma_start3A_173 = arith.constant 0 : i32
        %dma_start3A_174 = arith.constant 0 : i32
        %dma_start3A_175 = tpu.memref_slice %arg10[%dma_start3A_173, %dma_start3A_174] : memref<10112x128xf32, #tpu.memory_space<vmem_shared>> -> memref<10112x128xf32, #tpu.memory_space<vmem_shared>>
        tpu.enqueue_indirect_dma source(%arg8 : memref<128x128xf32, #tpu.memory_space<vmem>>) target(%dma_start3A_175 : memref<10112x128xf32, #tpu.memory_space<vmem_shared>>) offsets(%dma_start3A_172 : memref<128xi32, #tpu.memory_space<vmem>>) semaphore(%arg13 : memref<!tpu.dma_semaphore, #tpu.memory_space<semaphore_mem>>) {add = true}
        %dma_wait3A_176 = arith.constant 4 : i32
        %dma_wait3A_177 = arith.constant 0 : i32
        %dma_wait3A_178 = tpu.memref_slice %arg7[%dma_wait3A_176, %dma_wait3A_177] : memref<8x128xi32, #tpu.memory_space<vmem>> -> memref<1x128xi32, #tpu.memory_space<vmem>>
        %dma_wait3A_179 = tpu.memref_squeeze %dma_wait3A_178 : memref<1x128xi32, #tpu.memory_space<vmem>> -> memref<128xi32, #tpu.memory_space<vmem>>
        %dma_wait3A_180 = arith.constant 0 : i32
        %dma_wait3A_181 = arith.constant 0 : i32
        %dma_wait3A_182 = tpu.memref_slice %arg10[%dma_wait3A_180, %dma_wait3A_181] : memref<10112x128xf32, #tpu.memory_space<vmem_shared>> -> memref<10112x128xf32, #tpu.memory_space<vmem_shared>>
        tpu.wait_indirect_dma semaphore(%arg13 : memref<!tpu.dma_semaphore, #tpu.memory_space<semaphore_mem>>) src(%arg8 : memref<128x128xf32, #tpu.memory_space<vmem>>) dst(%dma_wait3A_182 : memref<10112x128xf32, #tpu.memory_space<vmem_shared>>)
        %dma_start3A_183 = arith.constant 6 : i32
        %dma_start3A_184 = arith.constant 0 : i32
        %dma_start3A_185 = tpu.memref_slice %arg6[%dma_start3A_183, %dma_start3A_184] : memref<8x128xi32, #tpu.memory_space<vmem>> -> memref<1x128xi32, #tpu.memory_space<vmem>>
        %dma_start3A_186 = tpu.memref_squeeze %dma_start3A_185 : memref<1x128xi32, #tpu.memory_space<vmem>> -> memref<128xi32, #tpu.memory_space<vmem>>
        %dma_start3A_187 = arith.constant 0 : i32
        %dma_start3A_188 = arith.constant 0 : i32
        %dma_start3A_189 = tpu.memref_slice %arg2[%dma_start3A_187, %dma_start3A_188] : memref<10112x128xf32, #tpu.memory_space<hbm>> -> memref<10112x128xf32, #tpu.memory_space<hbm>>
        tpu.enqueue_indirect_dma source(%dma_start3A_189 : memref<10112x128xf32, #tpu.memory_space<hbm>>) target(%arg8 : memref<128x128xf32, #tpu.memory_space<vmem>>) offsets(%dma_start3A_186 : memref<128xi32, #tpu.memory_space<vmem>>) semaphore(%arg11 : memref<!tpu.dma_semaphore, #tpu.memory_space<semaphore_mem>>)
        %dma_wait3A_190 = arith.constant 5 : i32
        %dma_wait3A_191 = arith.constant 0 : i32
        %dma_wait3A_192 = tpu.memref_slice %arg6[%dma_wait3A_190, %dma_wait3A_191] : memref<8x128xi32, #tpu.memory_space<vmem>> -> memref<1x128xi32, #tpu.memory_space<vmem>>
        %dma_wait3A_193 = tpu.memref_squeeze %dma_wait3A_192 : memref<1x128xi32, #tpu.memory_space<vmem>> -> memref<128xi32, #tpu.memory_space<vmem>>
        %dma_wait3A_194 = arith.constant 0 : i32
        %dma_wait3A_195 = arith.constant 0 : i32
        %dma_wait3A_196 = tpu.memref_slice %arg2[%dma_wait3A_194, %dma_wait3A_195] : memref<10112x128xf32, #tpu.memory_space<hbm>> -> memref<10112x128xf32, #tpu.memory_space<hbm>>
        tpu.wait_indirect_dma semaphore(%arg12 : memref<!tpu.dma_semaphore, #tpu.memory_space<semaphore_mem>>) src(%dma_wait3A_196 : memref<10112x128xf32, #tpu.memory_space<hbm>>) dst(%arg9 : memref<128x128xf32, #tpu.memory_space<vmem>>)
        %dma_start3A_197 = arith.constant 5 : i32
        %dma_start3A_198 = arith.constant 0 : i32
        %dma_start3A_199 = tpu.memref_slice %arg7[%dma_start3A_197, %dma_start3A_198] : memref<8x128xi32, #tpu.memory_space<vmem>> -> memref<1x128xi32, #tpu.memory_space<vmem>>
        %dma_start3A_200 = tpu.memref_squeeze %dma_start3A_199 : memref<1x128xi32, #tpu.memory_space<vmem>> -> memref<128xi32, #tpu.memory_space<vmem>>
        %dma_start3A_201 = arith.constant 0 : i32
        %dma_start3A_202 = arith.constant 0 : i32
        %dma_start3A_203 = tpu.memref_slice %arg10[%dma_start3A_201, %dma_start3A_202] : memref<10112x128xf32, #tpu.memory_space<vmem_shared>> -> memref<10112x128xf32, #tpu.memory_space<vmem_shared>>
        tpu.enqueue_indirect_dma source(%arg9 : memref<128x128xf32, #tpu.memory_space<vmem>>) target(%dma_start3A_203 : memref<10112x128xf32, #tpu.memory_space<vmem_shared>>) offsets(%dma_start3A_200 : memref<128xi32, #tpu.memory_space<vmem>>) semaphore(%arg14 : memref<!tpu.dma_semaphore, #tpu.memory_space<semaphore_mem>>) {add = true}
        %dma_wait3A_204 = arith.constant 5 : i32
        %dma_wait3A_205 = arith.constant 0 : i32
        %dma_wait3A_206 = tpu.memref_slice %arg7[%dma_wait3A_204, %dma_wait3A_205] : memref<8x128xi32, #tpu.memory_space<vmem>> -> memref<1x128xi32, #tpu.memory_space<vmem>>
        %dma_wait3A_207 = tpu.memref_squeeze %dma_wait3A_206 : memref<1x128xi32, #tpu.memory_space<vmem>> -> memref<128xi32, #tpu.memory_space<vmem>>
        %dma_wait3A_208 = arith.constant 0 : i32
        %dma_wait3A_209 = arith.constant 0 : i32
        %dma_wait3A_210 = tpu.memref_slice %arg10[%dma_wait3A_208, %dma_wait3A_209] : memref<10112x128xf32, #tpu.memory_space<vmem_shared>> -> memref<10112x128xf32, #tpu.memory_space<vmem_shared>>
        tpu.wait_indirect_dma semaphore(%arg14 : memref<!tpu.dma_semaphore, #tpu.memory_space<semaphore_mem>>) src(%arg9 : memref<128x128xf32, #tpu.memory_space<vmem>>) dst(%dma_wait3A_210 : memref<10112x128xf32, #tpu.memory_space<vmem_shared>>)
        %dma_start3A_211 = arith.constant 7 : i32
        %dma_start3A_212 = arith.constant 0 : i32
        %dma_start3A_213 = tpu.memref_slice %arg6[%dma_start3A_211, %dma_start3A_212] : memref<8x128xi32, #tpu.memory_space<vmem>> -> memref<1x128xi32, #tpu.memory_space<vmem>>
        %dma_start3A_214 = tpu.memref_squeeze %dma_start3A_213 : memref<1x128xi32, #tpu.memory_space<vmem>> -> memref<128xi32, #tpu.memory_space<vmem>>
        %dma_start3A_215 = arith.constant 0 : i32
        %dma_start3A_216 = arith.constant 0 : i32
        %dma_start3A_217 = tpu.memref_slice %arg2[%dma_start3A_215, %dma_start3A_216] : memref<10112x128xf32, #tpu.memory_space<hbm>> -> memref<10112x128xf32, #tpu.memory_space<hbm>>
        tpu.enqueue_indirect_dma source(%dma_start3A_217 : memref<10112x128xf32, #tpu.memory_space<hbm>>) target(%arg9 : memref<128x128xf32, #tpu.memory_space<vmem>>) offsets(%dma_start3A_214 : memref<128xi32, #tpu.memory_space<vmem>>) semaphore(%arg12 : memref<!tpu.dma_semaphore, #tpu.memory_space<semaphore_mem>>)
        %dma_wait3A_218 = arith.constant 6 : i32
        %dma_wait3A_219 = arith.constant 0 : i32
        %dma_wait3A_220 = tpu.memref_slice %arg6[%dma_wait3A_218, %dma_wait3A_219] : memref<8x128xi32, #tpu.memory_space<vmem>> -> memref<1x128xi32, #tpu.memory_space<vmem>>
        %dma_wait3A_221 = tpu.memref_squeeze %dma_wait3A_220 : memref<1x128xi32, #tpu.memory_space<vmem>> -> memref<128xi32, #tpu.memory_space<vmem>>
        %dma_wait3A_222 = arith.constant 0 : i32
        %dma_wait3A_223 = arith.constant 0 : i32
        %dma_wait3A_224 = tpu.memref_slice %arg2[%dma_wait3A_222, %dma_wait3A_223] : memref<10112x128xf32, #tpu.memory_space<hbm>> -> memref<10112x128xf32, #tpu.memory_space<hbm>>
        tpu.wait_indirect_dma semaphore(%arg11 : memref<!tpu.dma_semaphore, #tpu.memory_space<semaphore_mem>>) src(%dma_wait3A_224 : memref<10112x128xf32, #tpu.memory_space<hbm>>) dst(%arg8 : memref<128x128xf32, #tpu.memory_space<vmem>>)
        %dma_start3A_225 = arith.constant 6 : i32
        %dma_start3A_226 = arith.constant 0 : i32
        %dma_start3A_227 = tpu.memref_slice %arg7[%dma_start3A_225, %dma_start3A_226] : memref<8x128xi32, #tpu.memory_space<vmem>> -> memref<1x128xi32, #tpu.memory_space<vmem>>
        %dma_start3A_228 = tpu.memref_squeeze %dma_start3A_227 : memref<1x128xi32, #tpu.memory_space<vmem>> -> memref<128xi32, #tpu.memory_space<vmem>>
        %dma_start3A_229 = arith.constant 0 : i32
        %dma_start3A_230 = arith.constant 0 : i32
        %dma_start3A_231 = tpu.memref_slice %arg10[%dma_start3A_229, %dma_start3A_230] : memref<10112x128xf32, #tpu.memory_space<vmem_shared>> -> memref<10112x128xf32, #tpu.memory_space<vmem_shared>>
        tpu.enqueue_indirect_dma source(%arg8 : memref<128x128xf32, #tpu.memory_space<vmem>>) target(%dma_start3A_231 : memref<10112x128xf32, #tpu.memory_space<vmem_shared>>) offsets(%dma_start3A_228 : memref<128xi32, #tpu.memory_space<vmem>>) semaphore(%arg13 : memref<!tpu.dma_semaphore, #tpu.memory_space<semaphore_mem>>) {add = true}
        %dma_wait3A_232 = arith.constant 7 : i32
        %dma_wait3A_233 = arith.constant 0 : i32
        %dma_wait3A_234 = tpu.memref_slice %arg6[%dma_wait3A_232, %dma_wait3A_233] : memref<8x128xi32, #tpu.memory_space<vmem>> -> memref<1x128xi32, #tpu.memory_space<vmem>>
        %dma_wait3A_235 = tpu.memref_squeeze %dma_wait3A_234 : memref<1x128xi32, #tpu.memory_space<vmem>> -> memref<128xi32, #tpu.memory_space<vmem>>
        %dma_wait3A_236 = arith.constant 0 : i32
        %dma_wait3A_237 = arith.constant 0 : i32
        %dma_wait3A_238 = tpu.memref_slice %arg2[%dma_wait3A_236, %dma_wait3A_237] : memref<10112x128xf32, #tpu.memory_space<hbm>> -> memref<10112x128xf32, #tpu.memory_space<hbm>>
        tpu.wait_indirect_dma semaphore(%arg12 : memref<!tpu.dma_semaphore, #tpu.memory_space<semaphore_mem>>) src(%dma_wait3A_238 : memref<10112x128xf32, #tpu.memory_space<hbm>>) dst(%arg9 : memref<128x128xf32, #tpu.memory_space<vmem>>)
        %dma_start3A_239 = arith.constant 7 : i32
        %dma_start3A_240 = arith.constant 0 : i32
        %dma_start3A_241 = tpu.memref_slice %arg7[%dma_start3A_239, %dma_start3A_240] : memref<8x128xi32, #tpu.memory_space<vmem>> -> memref<1x128xi32, #tpu.memory_space<vmem>>
        %dma_start3A_242 = tpu.memref_squeeze %dma_start3A_241 : memref<1x128xi32, #tpu.memory_space<vmem>> -> memref<128xi32, #tpu.memory_space<vmem>>
        %dma_start3A_243 = arith.constant 0 : i32
        %dma_start3A_244 = arith.constant 0 : i32
        %dma_start3A_245 = tpu.memref_slice %arg10[%dma_start3A_243, %dma_start3A_244] : memref<10112x128xf32, #tpu.memory_space<vmem_shared>> -> memref<10112x128xf32, #tpu.memory_space<vmem_shared>>
        tpu.enqueue_indirect_dma source(%arg9 : memref<128x128xf32, #tpu.memory_space<vmem>>) target(%dma_start3A_245 : memref<10112x128xf32, #tpu.memory_space<vmem_shared>>) offsets(%dma_start3A_242 : memref<128xi32, #tpu.memory_space<vmem>>) semaphore(%arg14 : memref<!tpu.dma_semaphore, #tpu.memory_space<semaphore_mem>>) {add = true}
        %dma_wait3A_246 = arith.constant 6 : i32
        %dma_wait3A_247 = arith.constant 0 : i32
        %dma_wait3A_248 = tpu.memref_slice %arg7[%dma_wait3A_246, %dma_wait3A_247] : memref<8x128xi32, #tpu.memory_space<vmem>> -> memref<1x128xi32, #tpu.memory_space<vmem>>
        %dma_wait3A_249 = tpu.memref_squeeze %dma_wait3A_248 : memref<1x128xi32, #tpu.memory_space<vmem>> -> memref<128xi32, #tpu.memory_space<vmem>>
        %dma_wait3A_250 = arith.constant 0 : i32
        %dma_wait3A_251 = arith.constant 0 : i32
        %dma_wait3A_252 = tpu.memref_slice %arg10[%dma_wait3A_250, %dma_wait3A_251] : memref<10112x128xf32, #tpu.memory_space<vmem_shared>> -> memref<10112x128xf32, #tpu.memory_space<vmem_shared>>
        tpu.wait_indirect_dma semaphore(%arg13 : memref<!tpu.dma_semaphore, #tpu.memory_space<semaphore_mem>>) src(%arg8 : memref<128x128xf32, #tpu.memory_space<vmem>>) dst(%dma_wait3A_252 : memref<10112x128xf32, #tpu.memory_space<vmem_shared>>)
        %dma_wait3A_253 = arith.constant 7 : i32
        %dma_wait3A_254 = arith.constant 0 : i32
        %dma_wait3A_255 = tpu.memref_slice %arg7[%dma_wait3A_253, %dma_wait3A_254] : memref<8x128xi32, #tpu.memory_space<vmem>> -> memref<1x128xi32, #tpu.memory_space<vmem>>
        %dma_wait3A_256 = tpu.memref_squeeze %dma_wait3A_255 : memref<1x128xi32, #tpu.memory_space<vmem>> -> memref<128xi32, #tpu.memory_space<vmem>>
        %dma_wait3A_257 = arith.constant 0 : i32
        %dma_wait3A_258 = arith.constant 0 : i32
        %dma_wait3A_259 = tpu.memref_slice %arg10[%dma_wait3A_257, %dma_wait3A_258] : memref<10112x128xf32, #tpu.memory_space<vmem_shared>> -> memref<10112x128xf32, #tpu.memory_space<vmem_shared>>
        tpu.wait_indirect_dma semaphore(%arg14 : memref<!tpu.dma_semaphore, #tpu.memory_space<semaphore_mem>>) src(%arg9 : memref<128x128xf32, #tpu.memory_space<vmem>>) dst(%dma_wait3A_259 : memref<10112x128xf32, #tpu.memory_space<vmem_shared>>)
      }
      %scan3A_27 = arith.constant 19 : i32
    } else {
    }
    %eq3A_17 = arith.constant 1 : i32
    %eq3A_18 = arith.cmpi eq, %arg0, %eq3A_17 : i32
    %convert_element_type3A_19 = arith.extui %eq3A_18 : i1 to i32
    %cond3A_20 = arith.constant 0 : i32
    %cond3A_21 = arith.cmpi ne, %convert_element_type3A_19, %cond3A_20 : i32
    scf.if %cond3A_21 {
      %scan3A_23 = arith.constant 0 : i32
      %mul3A_24 = arith.constant 1 : i32
      %mul3A_25 = arith.muli %scan3A_23, %mul3A_24 : i32
      %add3A_26 = arith.constant 0 : i32
      %add3A_27 = arith.addi %add3A_26, %mul3A_25 : i32
      %mul3A_28 = arith.constant 8 : i32
      %mul3A_29 = arith.muli %arg1, %mul3A_28 : i32
      %add3A_30 = arith.constant 2432 : i32
      %add3A_31 = arith.addi %add3A_30, %mul3A_29 : i32
      %mul3A_32 = arith.constant 8 : i32
      %mul3A_33 = arith.muli %add3A_27, %mul3A_32 : i32
      %add3A_34 = arith.addi %add3A_31, %mul3A_33 : i32
      "tpu.region"() ({
        %run_scoped3A = tpu.sem_alloc : memref<!tpu.dma_semaphore, #tpu.memory_space<semaphore_mem>>
        %dma_start3A_258 = arith.constant 0 : i32
        %dma_start3A_259 = tpu.memref_slice %arg3[%add3A_34, %dma_start3A_258] : memref<2560x128xi32, #tpu.memory_space<hbm>> -> memref<8x128xi32, #tpu.memory_space<hbm>>
        %dma_start3A_260 = arith.constant 0 : i32
        %dma_start3A_261 = tpu.memref_slice %arg3[%add3A_34, %dma_start3A_260] : memref<2560x128xi32, #tpu.memory_space<hbm>> -> memref<8x128xi32, #tpu.memory_space<hbm>>
        tpu.enqueue_dma source(%dma_start3A_261 : memref<8x128xi32, #tpu.memory_space<hbm>>) target(%arg6 : memref<8x128xi32, #tpu.memory_space<vmem>>) target_semaphore(%run_scoped3A : memref<!tpu.dma_semaphore, #tpu.memory_space<semaphore_mem>>)
        %dma_wait3A_262 = arith.constant 0 : i32
        %dma_wait3A_263 = tpu.memref_slice %arg3[%add3A_34, %dma_wait3A_262] : memref<2560x128xi32, #tpu.memory_space<hbm>> -> memref<8x128xi32, #tpu.memory_space<hbm>>
        %dma_wait3A_264 = arith.constant 0 : i32
        %dma_wait3A_265 = tpu.memref_slice %arg3[%add3A_34, %dma_wait3A_264] : memref<2560x128xi32, #tpu.memory_space<hbm>> -> memref<8x128xi32, #tpu.memory_space<hbm>>
        tpu.wait_dma2 semaphore(%run_scoped3A : memref<!tpu.dma_semaphore, #tpu.memory_space<semaphore_mem>>) src(%dma_wait3A_265 : memref<8x128xi32, #tpu.memory_space<hbm>>) dst(%arg6 : memref<8x128xi32, #tpu.memory_space<vmem>>)
        tpu.yield
      }) : () -> ()
      "tpu.region"() ({
        %run_scoped3A = tpu.sem_alloc : memref<!tpu.dma_semaphore, #tpu.memory_space<semaphore_mem>>
        %dma_start3A_258 = arith.constant 0 : i32
        %dma_start3A_259 = tpu.memref_slice %arg4[%add3A_34, %dma_start3A_258] : memref<2560x128xi32, #tpu.memory_space<hbm>> -> memref<8x128xi32, #tpu.memory_space<hbm>>
        %dma_start3A_260 = arith.constant 0 : i32
        %dma_start3A_261 = tpu.memref_slice %arg4[%add3A_34, %dma_start3A_260] : memref<2560x128xi32, #tpu.memory_space<hbm>> -> memref<8x128xi32, #tpu.memory_space<hbm>>
        tpu.enqueue_dma source(%dma_start3A_261 : memref<8x128xi32, #tpu.memory_space<hbm>>) target(%arg7 : memref<8x128xi32, #tpu.memory_space<vmem>>) target_semaphore(%run_scoped3A : memref<!tpu.dma_semaphore, #tpu.memory_space<semaphore_mem>>)
        %dma_wait3A_262 = arith.constant 0 : i32
        %dma_wait3A_263 = tpu.memref_slice %arg4[%add3A_34, %dma_wait3A_262] : memref<2560x128xi32, #tpu.memory_space<hbm>> -> memref<8x128xi32, #tpu.memory_space<hbm>>
        %dma_wait3A_264 = arith.constant 0 : i32
        %dma_wait3A_265 = tpu.memref_slice %arg4[%add3A_34, %dma_wait3A_264] : memref<2560x128xi32, #tpu.memory_space<hbm>> -> memref<8x128xi32, #tpu.memory_space<hbm>>
        tpu.wait_dma2 semaphore(%run_scoped3A : memref<!tpu.dma_semaphore, #tpu.memory_space<semaphore_mem>>) src(%dma_wait3A_265 : memref<8x128xi32, #tpu.memory_space<hbm>>) dst(%arg7 : memref<8x128xi32, #tpu.memory_space<vmem>>)
        tpu.yield
      }) : () -> ()
      %dma_start3A = arith.constant 0 : i32
      %dma_start3A_35 = arith.constant 0 : i32
      %dma_start3A_36 = tpu.memref_slice %arg6[%dma_start3A, %dma_start3A_35] : memref<8x128xi32, #tpu.memory_space<vmem>> -> memref<1x128xi32, #tpu.memory_space<vmem>>
      %dma_start3A_37 = tpu.memref_squeeze %dma_start3A_36 : memref<1x128xi32, #tpu.memory_space<vmem>> -> memref<128xi32, #tpu.memory_space<vmem>>
      %dma_start3A_38 = arith.constant 0 : i32
      %dma_start3A_39 = arith.constant 0 : i32
      %dma_start3A_40 = tpu.memref_slice %arg2[%dma_start3A_38, %dma_start3A_39] : memref<10112x128xf32, #tpu.memory_space<hbm>> -> memref<10112x128xf32, #tpu.memory_space<hbm>>
      tpu.enqueue_indirect_dma source(%dma_start3A_40 : memref<10112x128xf32, #tpu.memory_space<hbm>>) target(%arg8 : memref<128x128xf32, #tpu.memory_space<vmem>>) offsets(%dma_start3A_37 : memref<128xi32, #tpu.memory_space<vmem>>) semaphore(%arg11 : memref<!tpu.dma_semaphore, #tpu.memory_space<semaphore_mem>>)
      %dma_start3A_41 = arith.constant 1 : i32
      %dma_start3A_42 = arith.constant 0 : i32
      %dma_start3A_43 = tpu.memref_slice %arg6[%dma_start3A_41, %dma_start3A_42] : memref<8x128xi32, #tpu.memory_space<vmem>> -> memref<1x128xi32, #tpu.memory_space<vmem>>
      %dma_start3A_44 = tpu.memref_squeeze %dma_start3A_43 : memref<1x128xi32, #tpu.memory_space<vmem>> -> memref<128xi32, #tpu.memory_space<vmem>>
      %dma_start3A_45 = arith.constant 0 : i32
      %dma_start3A_46 = arith.constant 0 : i32
      %dma_start3A_47 = tpu.memref_slice %arg2[%dma_start3A_45, %dma_start3A_46] : memref<10112x128xf32, #tpu.memory_space<hbm>> -> memref<10112x128xf32, #tpu.memory_space<hbm>>
      tpu.enqueue_indirect_dma source(%dma_start3A_47 : memref<10112x128xf32, #tpu.memory_space<hbm>>) target(%arg9 : memref<128x128xf32, #tpu.memory_space<vmem>>) offsets(%dma_start3A_44 : memref<128xi32, #tpu.memory_space<vmem>>) semaphore(%arg12 : memref<!tpu.dma_semaphore, #tpu.memory_space<semaphore_mem>>)
      %dma_wait3A = arith.constant 0 : i32
      %dma_wait3A_48 = arith.constant 0 : i32
      %dma_wait3A_49 = tpu.memref_slice %arg6[%dma_wait3A, %dma_wait3A_48] : memref<8x128xi32, #tpu.memory_space<vmem>> -> memref<1x128xi32, #tpu.memory_space<vmem>>
      %dma_wait3A_50 = tpu.memref_squeeze %dma_wait3A_49 : memref<1x128xi32, #tpu.memory_space<vmem>> -> memref<128xi32, #tpu.memory_space<vmem>>
      %dma_wait3A_51 = arith.constant 0 : i32
      %dma_wait3A_52 = arith.constant 0 : i32
      %dma_wait3A_53 = tpu.memref_slice %arg2[%dma_wait3A_51, %dma_wait3A_52] : memref<10112x128xf32, #tpu.memory_space<hbm>> -> memref<10112x128xf32, #tpu.memory_space<hbm>>
      tpu.wait_indirect_dma semaphore(%arg11 : memref<!tpu.dma_semaphore, #tpu.memory_space<semaphore_mem>>) src(%dma_wait3A_53 : memref<10112x128xf32, #tpu.memory_space<hbm>>) dst(%arg8 : memref<128x128xf32, #tpu.memory_space<vmem>>)
      %dma_start3A_54 = arith.constant 0 : i32
      %dma_start3A_55 = arith.constant 0 : i32
      %dma_start3A_56 = tpu.memref_slice %arg7[%dma_start3A_54, %dma_start3A_55] : memref<8x128xi32, #tpu.memory_space<vmem>> -> memref<1x128xi32, #tpu.memory_space<vmem>>
      %dma_start3A_57 = tpu.memref_squeeze %dma_start3A_56 : memref<1x128xi32, #tpu.memory_space<vmem>> -> memref<128xi32, #tpu.memory_space<vmem>>
      %dma_start3A_58 = arith.constant 0 : i32
      %dma_start3A_59 = arith.constant 0 : i32
      %dma_start3A_60 = tpu.memref_slice %arg10[%dma_start3A_58, %dma_start3A_59] : memref<10112x128xf32, #tpu.memory_space<vmem_shared>> -> memref<10112x128xf32, #tpu.memory_space<vmem_shared>>
      tpu.enqueue_indirect_dma source(%arg8 : memref<128x128xf32, #tpu.memory_space<vmem>>) target(%dma_start3A_60 : memref<10112x128xf32, #tpu.memory_space<vmem_shared>>) offsets(%dma_start3A_57 : memref<128xi32, #tpu.memory_space<vmem>>) semaphore(%arg13 : memref<!tpu.dma_semaphore, #tpu.memory_space<semaphore_mem>>) {add = true}
      %dma_wait3A_61 = arith.constant 0 : i32
      %dma_wait3A_62 = arith.constant 0 : i32
      %dma_wait3A_63 = tpu.memref_slice %arg7[%dma_wait3A_61, %dma_wait3A_62] : memref<8x128xi32, #tpu.memory_space<vmem>> -> memref<1x128xi32, #tpu.memory_space<vmem>>
      %dma_wait3A_64 = tpu.memref_squeeze %dma_wait3A_63 : memref<1x128xi32, #tpu.memory_space<vmem>> -> memref<128xi32, #tpu.memory_space<vmem>>
      %dma_wait3A_65 = arith.constant 0 : i32
      %dma_wait3A_66 = arith.constant 0 : i32
      %dma_wait3A_67 = tpu.memref_slice %arg10[%dma_wait3A_65, %dma_wait3A_66] : memref<10112x128xf32, #tpu.memory_space<vmem_shared>> -> memref<10112x128xf32, #tpu.memory_space<vmem_shared>>
      tpu.wait_indirect_dma semaphore(%arg13 : memref<!tpu.dma_semaphore, #tpu.memory_space<semaphore_mem>>) src(%arg8 : memref<128x128xf32, #tpu.memory_space<vmem>>) dst(%dma_wait3A_67 : memref<10112x128xf32, #tpu.memory_space<vmem_shared>>)
      %dma_start3A_68 = arith.constant 2 : i32
      %dma_start3A_69 = arith.constant 0 : i32
      %dma_start3A_70 = tpu.memref_slice %arg6[%dma_start3A_68, %dma_start3A_69] : memref<8x128xi32, #tpu.memory_space<vmem>> -> memref<1x128xi32, #tpu.memory_space<vmem>>
      %dma_start3A_71 = tpu.memref_squeeze %dma_start3A_70 : memref<1x128xi32, #tpu.memory_space<vmem>> -> memref<128xi32, #tpu.memory_space<vmem>>
      %dma_start3A_72 = arith.constant 0 : i32
      %dma_start3A_73 = arith.constant 0 : i32
      %dma_start3A_74 = tpu.memref_slice %arg2[%dma_start3A_72, %dma_start3A_73] : memref<10112x128xf32, #tpu.memory_space<hbm>> -> memref<10112x128xf32, #tpu.memory_space<hbm>>
      tpu.enqueue_indirect_dma source(%dma_start3A_74 : memref<10112x128xf32, #tpu.memory_space<hbm>>) target(%arg8 : memref<128x128xf32, #tpu.memory_space<vmem>>) offsets(%dma_start3A_71 : memref<128xi32, #tpu.memory_space<vmem>>) semaphore(%arg11 : memref<!tpu.dma_semaphore, #tpu.memory_space<semaphore_mem>>)
      %dma_wait3A_75 = arith.constant 1 : i32
      %dma_wait3A_76 = arith.constant 0 : i32
      %dma_wait3A_77 = tpu.memref_slice %arg6[%dma_wait3A_75, %dma_wait3A_76] : memref<8x128xi32, #tpu.memory_space<vmem>> -> memref<1x128xi32, #tpu.memory_space<vmem>>
      %dma_wait3A_78 = tpu.memref_squeeze %dma_wait3A_77 : memref<1x128xi32, #tpu.memory_space<vmem>> -> memref<128xi32, #tpu.memory_space<vmem>>
      %dma_wait3A_79 = arith.constant 0 : i32
      %dma_wait3A_80 = arith.constant 0 : i32
      %dma_wait3A_81 = tpu.memref_slice %arg2[%dma_wait3A_79, %dma_wait3A_80] : memref<10112x128xf32, #tpu.memory_space<hbm>> -> memref<10112x128xf32, #tpu.memory_space<hbm>>
      tpu.wait_indirect_dma semaphore(%arg12 : memref<!tpu.dma_semaphore, #tpu.memory_space<semaphore_mem>>) src(%dma_wait3A_81 : memref<10112x128xf32, #tpu.memory_space<hbm>>) dst(%arg9 : memref<128x128xf32, #tpu.memory_space<vmem>>)
      %dma_start3A_82 = arith.constant 1 : i32
      %dma_start3A_83 = arith.constant 0 : i32
      %dma_start3A_84 = tpu.memref_slice %arg7[%dma_start3A_82, %dma_start3A_83] : memref<8x128xi32, #tpu.memory_space<vmem>> -> memref<1x128xi32, #tpu.memory_space<vmem>>
      %dma_start3A_85 = tpu.memref_squeeze %dma_start3A_84 : memref<1x128xi32, #tpu.memory_space<vmem>> -> memref<128xi32, #tpu.memory_space<vmem>>
      %dma_start3A_86 = arith.constant 0 : i32
      %dma_start3A_87 = arith.constant 0 : i32
      %dma_start3A_88 = tpu.memref_slice %arg10[%dma_start3A_86, %dma_start3A_87] : memref<10112x128xf32, #tpu.memory_space<vmem_shared>> -> memref<10112x128xf32, #tpu.memory_space<vmem_shared>>
      tpu.enqueue_indirect_dma source(%arg9 : memref<128x128xf32, #tpu.memory_space<vmem>>) target(%dma_start3A_88 : memref<10112x128xf32, #tpu.memory_space<vmem_shared>>) offsets(%dma_start3A_85 : memref<128xi32, #tpu.memory_space<vmem>>) semaphore(%arg14 : memref<!tpu.dma_semaphore, #tpu.memory_space<semaphore_mem>>) {add = true}
      %dma_wait3A_89 = arith.constant 1 : i32
      %dma_wait3A_90 = arith.constant 0 : i32
      %dma_wait3A_91 = tpu.memref_slice %arg7[%dma_wait3A_89, %dma_wait3A_90] : memref<8x128xi32, #tpu.memory_space<vmem>> -> memref<1x128xi32, #tpu.memory_space<vmem>>
      %dma_wait3A_92 = tpu.memref_squeeze %dma_wait3A_91 : memref<1x128xi32, #tpu.memory_space<vmem>> -> memref<128xi32, #tpu.memory_space<vmem>>
      %dma_wait3A_93 = arith.constant 0 : i32
      %dma_wait3A_94 = arith.constant 0 : i32
      %dma_wait3A_95 = tpu.memref_slice %arg10[%dma_wait3A_93, %dma_wait3A_94] : memref<10112x128xf32, #tpu.memory_space<vmem_shared>> -> memref<10112x128xf32, #tpu.memory_space<vmem_shared>>
      tpu.wait_indirect_dma semaphore(%arg14 : memref<!tpu.dma_semaphore, #tpu.memory_space<semaphore_mem>>) src(%arg9 : memref<128x128xf32, #tpu.memory_space<vmem>>) dst(%dma_wait3A_95 : memref<10112x128xf32, #tpu.memory_space<vmem_shared>>)
      %dma_start3A_96 = arith.constant 3 : i32
      %dma_start3A_97 = arith.constant 0 : i32
      %dma_start3A_98 = tpu.memref_slice %arg6[%dma_start3A_96, %dma_start3A_97] : memref<8x128xi32, #tpu.memory_space<vmem>> -> memref<1x128xi32, #tpu.memory_space<vmem>>
      %dma_start3A_99 = tpu.memref_squeeze %dma_start3A_98 : memref<1x128xi32, #tpu.memory_space<vmem>> -> memref<128xi32, #tpu.memory_space<vmem>>
      %dma_start3A_100 = arith.constant 0 : i32
      %dma_start3A_101 = arith.constant 0 : i32
      %dma_start3A_102 = tpu.memref_slice %arg2[%dma_start3A_100, %dma_start3A_101] : memref<10112x128xf32, #tpu.memory_space<hbm>> -> memref<10112x128xf32, #tpu.memory_space<hbm>>
      tpu.enqueue_indirect_dma source(%dma_start3A_102 : memref<10112x128xf32, #tpu.memory_space<hbm>>) target(%arg9 : memref<128x128xf32, #tpu.memory_space<vmem>>) offsets(%dma_start3A_99 : memref<128xi32, #tpu.memory_space<vmem>>) semaphore(%arg12 : memref<!tpu.dma_semaphore, #tpu.memory_space<semaphore_mem>>)
      %dma_wait3A_103 = arith.constant 2 : i32
      %dma_wait3A_104 = arith.constant 0 : i32
      %dma_wait3A_105 = tpu.memref_slice %arg6[%dma_wait3A_103, %dma_wait3A_104] : memref<8x128xi32, #tpu.memory_space<vmem>> -> memref<1x128xi32, #tpu.memory_space<vmem>>
      %dma_wait3A_106 = tpu.memref_squeeze %dma_wait3A_105 : memref<1x128xi32, #tpu.memory_space<vmem>> -> memref<128xi32, #tpu.memory_space<vmem>>
      %dma_wait3A_107 = arith.constant 0 : i32
      %dma_wait3A_108 = arith.constant 0 : i32
      %dma_wait3A_109 = tpu.memref_slice %arg2[%dma_wait3A_107, %dma_wait3A_108] : memref<10112x128xf32, #tpu.memory_space<hbm>> -> memref<10112x128xf32, #tpu.memory_space<hbm>>
      tpu.wait_indirect_dma semaphore(%arg11 : memref<!tpu.dma_semaphore, #tpu.memory_space<semaphore_mem>>) src(%dma_wait3A_109 : memref<10112x128xf32, #tpu.memory_space<hbm>>) dst(%arg8 : memref<128x128xf32, #tpu.memory_space<vmem>>)
      %dma_start3A_110 = arith.constant 2 : i32
      %dma_start3A_111 = arith.constant 0 : i32
      %dma_start3A_112 = tpu.memref_slice %arg7[%dma_start3A_110, %dma_start3A_111] : memref<8x128xi32, #tpu.memory_space<vmem>> -> memref<1x128xi32, #tpu.memory_space<vmem>>
      %dma_start3A_113 = tpu.memref_squeeze %dma_start3A_112 : memref<1x128xi32, #tpu.memory_space<vmem>> -> memref<128xi32, #tpu.memory_space<vmem>>
      %dma_start3A_114 = arith.constant 0 : i32
      %dma_start3A_115 = arith.constant 0 : i32
      %dma_start3A_116 = tpu.memref_slice %arg10[%dma_start3A_114, %dma_start3A_115] : memref<10112x128xf32, #tpu.memory_space<vmem_shared>> -> memref<10112x128xf32, #tpu.memory_space<vmem_shared>>
      tpu.enqueue_indirect_dma source(%arg8 : memref<128x128xf32, #tpu.memory_space<vmem>>) target(%dma_start3A_116 : memref<10112x128xf32, #tpu.memory_space<vmem_shared>>) offsets(%dma_start3A_113 : memref<128xi32, #tpu.memory_space<vmem>>) semaphore(%arg13 : memref<!tpu.dma_semaphore, #tpu.memory_space<semaphore_mem>>) {add = true}
      %dma_wait3A_117 = arith.constant 2 : i32
      %dma_wait3A_118 = arith.constant 0 : i32
      %dma_wait3A_119 = tpu.memref_slice %arg7[%dma_wait3A_117, %dma_wait3A_118] : memref<8x128xi32, #tpu.memory_space<vmem>> -> memref<1x128xi32, #tpu.memory_space<vmem>>
      %dma_wait3A_120 = tpu.memref_squeeze %dma_wait3A_119 : memref<1x128xi32, #tpu.memory_space<vmem>> -> memref<128xi32, #tpu.memory_space<vmem>>
      %dma_wait3A_121 = arith.constant 0 : i32
      %dma_wait3A_122 = arith.constant 0 : i32
      %dma_wait3A_123 = tpu.memref_slice %arg10[%dma_wait3A_121, %dma_wait3A_122] : memref<10112x128xf32, #tpu.memory_space<vmem_shared>> -> memref<10112x128xf32, #tpu.memory_space<vmem_shared>>
      tpu.wait_indirect_dma semaphore(%arg13 : memref<!tpu.dma_semaphore, #tpu.memory_space<semaphore_mem>>) src(%arg8 : memref<128x128xf32, #tpu.memory_space<vmem>>) dst(%dma_wait3A_123 : memref<10112x128xf32, #tpu.memory_space<vmem_shared>>)
      %dma_start3A_124 = arith.constant 4 : i32
      %dma_start3A_125 = arith.constant 0 : i32
      %dma_start3A_126 = tpu.memref_slice %arg6[%dma_start3A_124, %dma_start3A_125] : memref<8x128xi32, #tpu.memory_space<vmem>> -> memref<1x128xi32, #tpu.memory_space<vmem>>
      %dma_start3A_127 = tpu.memref_squeeze %dma_start3A_126 : memref<1x128xi32, #tpu.memory_space<vmem>> -> memref<128xi32, #tpu.memory_space<vmem>>
      %dma_start3A_128 = arith.constant 0 : i32
      %dma_start3A_129 = arith.constant 0 : i32
      %dma_start3A_130 = tpu.memref_slice %arg2[%dma_start3A_128, %dma_start3A_129] : memref<10112x128xf32, #tpu.memory_space<hbm>> -> memref<10112x128xf32, #tpu.memory_space<hbm>>
      tpu.enqueue_indirect_dma source(%dma_start3A_130 : memref<10112x128xf32, #tpu.memory_space<hbm>>) target(%arg8 : memref<128x128xf32, #tpu.memory_space<vmem>>) offsets(%dma_start3A_127 : memref<128xi32, #tpu.memory_space<vmem>>) semaphore(%arg11 : memref<!tpu.dma_semaphore, #tpu.memory_space<semaphore_mem>>)
      %dma_wait3A_131 = arith.constant 3 : i32
      %dma_wait3A_132 = arith.constant 0 : i32
      %dma_wait3A_133 = tpu.memref_slice %arg6[%dma_wait3A_131, %dma_wait3A_132] : memref<8x128xi32, #tpu.memory_space<vmem>> -> memref<1x128xi32, #tpu.memory_space<vmem>>
      %dma_wait3A_134 = tpu.memref_squeeze %dma_wait3A_133 : memref<1x128xi32, #tpu.memory_space<vmem>> -> memref<128xi32, #tpu.memory_space<vmem>>
      %dma_wait3A_135 = arith.constant 0 : i32
      %dma_wait3A_136 = arith.constant 0 : i32
      %dma_wait3A_137 = tpu.memref_slice %arg2[%dma_wait3A_135, %dma_wait3A_136] : memref<10112x128xf32, #tpu.memory_space<hbm>> -> memref<10112x128xf32, #tpu.memory_space<hbm>>
      tpu.wait_indirect_dma semaphore(%arg12 : memref<!tpu.dma_semaphore, #tpu.memory_space<semaphore_mem>>) src(%dma_wait3A_137 : memref<10112x128xf32, #tpu.memory_space<hbm>>) dst(%arg9 : memref<128x128xf32, #tpu.memory_space<vmem>>)
      %dma_start3A_138 = arith.constant 3 : i32
      %dma_start3A_139 = arith.constant 0 : i32
      %dma_start3A_140 = tpu.memref_slice %arg7[%dma_start3A_138, %dma_start3A_139] : memref<8x128xi32, #tpu.memory_space<vmem>> -> memref<1x128xi32, #tpu.memory_space<vmem>>
      %dma_start3A_141 = tpu.memref_squeeze %dma_start3A_140 : memref<1x128xi32, #tpu.memory_space<vmem>> -> memref<128xi32, #tpu.memory_space<vmem>>
      %dma_start3A_142 = arith.constant 0 : i32
      %dma_start3A_143 = arith.constant 0 : i32
      %dma_start3A_144 = tpu.memref_slice %arg10[%dma_start3A_142, %dma_start3A_143] : memref<10112x128xf32, #tpu.memory_space<vmem_shared>> -> memref<10112x128xf32, #tpu.memory_space<vmem_shared>>
      tpu.enqueue_indirect_dma source(%arg9 : memref<128x128xf32, #tpu.memory_space<vmem>>) target(%dma_start3A_144 : memref<10112x128xf32, #tpu.memory_space<vmem_shared>>) offsets(%dma_start3A_141 : memref<128xi32, #tpu.memory_space<vmem>>) semaphore(%arg14 : memref<!tpu.dma_semaphore, #tpu.memory_space<semaphore_mem>>) {add = true}
      %dma_wait3A_145 = arith.constant 3 : i32
      %dma_wait3A_146 = arith.constant 0 : i32
      %dma_wait3A_147 = tpu.memref_slice %arg7[%dma_wait3A_145, %dma_wait3A_146] : memref<8x128xi32, #tpu.memory_space<vmem>> -> memref<1x128xi32, #tpu.memory_space<vmem>>
      %dma_wait3A_148 = tpu.memref_squeeze %dma_wait3A_147 : memref<1x128xi32, #tpu.memory_space<vmem>> -> memref<128xi32, #tpu.memory_space<vmem>>
      %dma_wait3A_149 = arith.constant 0 : i32
      %dma_wait3A_150 = arith.constant 0 : i32
      %dma_wait3A_151 = tpu.memref_slice %arg10[%dma_wait3A_149, %dma_wait3A_150] : memref<10112x128xf32, #tpu.memory_space<vmem_shared>> -> memref<10112x128xf32, #tpu.memory_space<vmem_shared>>
      tpu.wait_indirect_dma semaphore(%arg14 : memref<!tpu.dma_semaphore, #tpu.memory_space<semaphore_mem>>) src(%arg9 : memref<128x128xf32, #tpu.memory_space<vmem>>) dst(%dma_wait3A_151 : memref<10112x128xf32, #tpu.memory_space<vmem_shared>>)
      %dma_start3A_152 = arith.constant 5 : i32
      %dma_start3A_153 = arith.constant 0 : i32
      %dma_start3A_154 = tpu.memref_slice %arg6[%dma_start3A_152, %dma_start3A_153] : memref<8x128xi32, #tpu.memory_space<vmem>> -> memref<1x128xi32, #tpu.memory_space<vmem>>
      %dma_start3A_155 = tpu.memref_squeeze %dma_start3A_154 : memref<1x128xi32, #tpu.memory_space<vmem>> -> memref<128xi32, #tpu.memory_space<vmem>>
      %dma_start3A_156 = arith.constant 0 : i32
      %dma_start3A_157 = arith.constant 0 : i32
      %dma_start3A_158 = tpu.memref_slice %arg2[%dma_start3A_156, %dma_start3A_157] : memref<10112x128xf32, #tpu.memory_space<hbm>> -> memref<10112x128xf32, #tpu.memory_space<hbm>>
      tpu.enqueue_indirect_dma source(%dma_start3A_158 : memref<10112x128xf32, #tpu.memory_space<hbm>>) target(%arg9 : memref<128x128xf32, #tpu.memory_space<vmem>>) offsets(%dma_start3A_155 : memref<128xi32, #tpu.memory_space<vmem>>) semaphore(%arg12 : memref<!tpu.dma_semaphore, #tpu.memory_space<semaphore_mem>>)
      %dma_wait3A_159 = arith.constant 4 : i32
      %dma_wait3A_160 = arith.constant 0 : i32
      %dma_wait3A_161 = tpu.memref_slice %arg6[%dma_wait3A_159, %dma_wait3A_160] : memref<8x128xi32, #tpu.memory_space<vmem>> -> memref<1x128xi32, #tpu.memory_space<vmem>>
      %dma_wait3A_162 = tpu.memref_squeeze %dma_wait3A_161 : memref<1x128xi32, #tpu.memory_space<vmem>> -> memref<128xi32, #tpu.memory_space<vmem>>
      %dma_wait3A_163 = arith.constant 0 : i32
      %dma_wait3A_164 = arith.constant 0 : i32
      %dma_wait3A_165 = tpu.memref_slice %arg2[%dma_wait3A_163, %dma_wait3A_164] : memref<10112x128xf32, #tpu.memory_space<hbm>> -> memref<10112x128xf32, #tpu.memory_space<hbm>>
      tpu.wait_indirect_dma semaphore(%arg11 : memref<!tpu.dma_semaphore, #tpu.memory_space<semaphore_mem>>) src(%dma_wait3A_165 : memref<10112x128xf32, #tpu.memory_space<hbm>>) dst(%arg8 : memref<128x128xf32, #tpu.memory_space<vmem>>)
      %dma_start3A_166 = arith.constant 4 : i32
      %dma_start3A_167 = arith.constant 0 : i32
      %dma_start3A_168 = tpu.memref_slice %arg7[%dma_start3A_166, %dma_start3A_167] : memref<8x128xi32, #tpu.memory_space<vmem>> -> memref<1x128xi32, #tpu.memory_space<vmem>>
      %dma_start3A_169 = tpu.memref_squeeze %dma_start3A_168 : memref<1x128xi32, #tpu.memory_space<vmem>> -> memref<128xi32, #tpu.memory_space<vmem>>
      %dma_start3A_170 = arith.constant 0 : i32
      %dma_start3A_171 = arith.constant 0 : i32
      %dma_start3A_172 = tpu.memref_slice %arg10[%dma_start3A_170, %dma_start3A_171] : memref<10112x128xf32, #tpu.memory_space<vmem_shared>> -> memref<10112x128xf32, #tpu.memory_space<vmem_shared>>
      tpu.enqueue_indirect_dma source(%arg8 : memref<128x128xf32, #tpu.memory_space<vmem>>) target(%dma_start3A_172 : memref<10112x128xf32, #tpu.memory_space<vmem_shared>>) offsets(%dma_start3A_169 : memref<128xi32, #tpu.memory_space<vmem>>) semaphore(%arg13 : memref<!tpu.dma_semaphore, #tpu.memory_space<semaphore_mem>>) {add = true}
      %dma_wait3A_173 = arith.constant 4 : i32
      %dma_wait3A_174 = arith.constant 0 : i32
      %dma_wait3A_175 = tpu.memref_slice %arg7[%dma_wait3A_173, %dma_wait3A_174] : memref<8x128xi32, #tpu.memory_space<vmem>> -> memref<1x128xi32, #tpu.memory_space<vmem>>
      %dma_wait3A_176 = tpu.memref_squeeze %dma_wait3A_175 : memref<1x128xi32, #tpu.memory_space<vmem>> -> memref<128xi32, #tpu.memory_space<vmem>>
      %dma_wait3A_177 = arith.constant 0 : i32
      %dma_wait3A_178 = arith.constant 0 : i32
      %dma_wait3A_179 = tpu.memref_slice %arg10[%dma_wait3A_177, %dma_wait3A_178] : memref<10112x128xf32, #tpu.memory_space<vmem_shared>> -> memref<10112x128xf32, #tpu.memory_space<vmem_shared>>
      tpu.wait_indirect_dma semaphore(%arg13 : memref<!tpu.dma_semaphore, #tpu.memory_space<semaphore_mem>>) src(%arg8 : memref<128x128xf32, #tpu.memory_space<vmem>>) dst(%dma_wait3A_179 : memref<10112x128xf32, #tpu.memory_space<vmem_shared>>)
      %dma_start3A_180 = arith.constant 6 : i32
      %dma_start3A_181 = arith.constant 0 : i32
      %dma_start3A_182 = tpu.memref_slice %arg6[%dma_start3A_180, %dma_start3A_181] : memref<8x128xi32, #tpu.memory_space<vmem>> -> memref<1x128xi32, #tpu.memory_space<vmem>>
      %dma_start3A_183 = tpu.memref_squeeze %dma_start3A_182 : memref<1x128xi32, #tpu.memory_space<vmem>> -> memref<128xi32, #tpu.memory_space<vmem>>
      %dma_start3A_184 = arith.constant 0 : i32
      %dma_start3A_185 = arith.constant 0 : i32
      %dma_start3A_186 = tpu.memref_slice %arg2[%dma_start3A_184, %dma_start3A_185] : memref<10112x128xf32, #tpu.memory_space<hbm>> -> memref<10112x128xf32, #tpu.memory_space<hbm>>
      tpu.enqueue_indirect_dma source(%dma_start3A_186 : memref<10112x128xf32, #tpu.memory_space<hbm>>) target(%arg8 : memref<128x128xf32, #tpu.memory_space<vmem>>) offsets(%dma_start3A_183 : memref<128xi32, #tpu.memory_space<vmem>>) semaphore(%arg11 : memref<!tpu.dma_semaphore, #tpu.memory_space<semaphore_mem>>)
      %dma_wait3A_187 = arith.constant 5 : i32
      %dma_wait3A_188 = arith.constant 0 : i32
      %dma_wait3A_189 = tpu.memref_slice %arg6[%dma_wait3A_187, %dma_wait3A_188] : memref<8x128xi32, #tpu.memory_space<vmem>> -> memref<1x128xi32, #tpu.memory_space<vmem>>
      %dma_wait3A_190 = tpu.memref_squeeze %dma_wait3A_189 : memref<1x128xi32, #tpu.memory_space<vmem>> -> memref<128xi32, #tpu.memory_space<vmem>>
      %dma_wait3A_191 = arith.constant 0 : i32
      %dma_wait3A_192 = arith.constant 0 : i32
      %dma_wait3A_193 = tpu.memref_slice %arg2[%dma_wait3A_191, %dma_wait3A_192] : memref<10112x128xf32, #tpu.memory_space<hbm>> -> memref<10112x128xf32, #tpu.memory_space<hbm>>
      tpu.wait_indirect_dma semaphore(%arg12 : memref<!tpu.dma_semaphore, #tpu.memory_space<semaphore_mem>>) src(%dma_wait3A_193 : memref<10112x128xf32, #tpu.memory_space<hbm>>) dst(%arg9 : memref<128x128xf32, #tpu.memory_space<vmem>>)
      %dma_start3A_194 = arith.constant 5 : i32
      %dma_start3A_195 = arith.constant 0 : i32
      %dma_start3A_196 = tpu.memref_slice %arg7[%dma_start3A_194, %dma_start3A_195] : memref<8x128xi32, #tpu.memory_space<vmem>> -> memref<1x128xi32, #tpu.memory_space<vmem>>
      %dma_start3A_197 = tpu.memref_squeeze %dma_start3A_196 : memref<1x128xi32, #tpu.memory_space<vmem>> -> memref<128xi32, #tpu.memory_space<vmem>>
      %dma_start3A_198 = arith.constant 0 : i32
      %dma_start3A_199 = arith.constant 0 : i32
      %dma_start3A_200 = tpu.memref_slice %arg10[%dma_start3A_198, %dma_start3A_199] : memref<10112x128xf32, #tpu.memory_space<vmem_shared>> -> memref<10112x128xf32, #tpu.memory_space<vmem_shared>>
      tpu.enqueue_indirect_dma source(%arg9 : memref<128x128xf32, #tpu.memory_space<vmem>>) target(%dma_start3A_200 : memref<10112x128xf32, #tpu.memory_space<vmem_shared>>) offsets(%dma_start3A_197 : memref<128xi32, #tpu.memory_space<vmem>>) semaphore(%arg14 : memref<!tpu.dma_semaphore, #tpu.memory_space<semaphore_mem>>) {add = true}
      %dma_wait3A_201 = arith.constant 5 : i32
      %dma_wait3A_202 = arith.constant 0 : i32
      %dma_wait3A_203 = tpu.memref_slice %arg7[%dma_wait3A_201, %dma_wait3A_202] : memref<8x128xi32, #tpu.memory_space<vmem>> -> memref<1x128xi32, #tpu.memory_space<vmem>>
      %dma_wait3A_204 = tpu.memref_squeeze %dma_wait3A_203 : memref<1x128xi32, #tpu.memory_space<vmem>> -> memref<128xi32, #tpu.memory_space<vmem>>
      %dma_wait3A_205 = arith.constant 0 : i32
      %dma_wait3A_206 = arith.constant 0 : i32
      %dma_wait3A_207 = tpu.memref_slice %arg10[%dma_wait3A_205, %dma_wait3A_206] : memref<10112x128xf32, #tpu.memory_space<vmem_shared>> -> memref<10112x128xf32, #tpu.memory_space<vmem_shared>>
      tpu.wait_indirect_dma semaphore(%arg14 : memref<!tpu.dma_semaphore, #tpu.memory_space<semaphore_mem>>) src(%arg9 : memref<128x128xf32, #tpu.memory_space<vmem>>) dst(%dma_wait3A_207 : memref<10112x128xf32, #tpu.memory_space<vmem_shared>>)
      %dma_start3A_208 = arith.constant 7 : i32
      %dma_start3A_209 = arith.constant 0 : i32
      %dma_start3A_210 = tpu.memref_slice %arg6[%dma_start3A_208, %dma_start3A_209] : memref<8x128xi32, #tpu.memory_space<vmem>> -> memref<1x128xi32, #tpu.memory_space<vmem>>
      %dma_start3A_211 = tpu.memref_squeeze %dma_start3A_210 : memref<1x128xi32, #tpu.memory_space<vmem>> -> memref<128xi32, #tpu.memory_space<vmem>>
      %dma_start3A_212 = arith.constant 0 : i32
      %dma_start3A_213 = arith.constant 0 : i32
      %dma_start3A_214 = tpu.memref_slice %arg2[%dma_start3A_212, %dma_start3A_213] : memref<10112x128xf32, #tpu.memory_space<hbm>> -> memref<10112x128xf32, #tpu.memory_space<hbm>>
      tpu.enqueue_indirect_dma source(%dma_start3A_214 : memref<10112x128xf32, #tpu.memory_space<hbm>>) target(%arg9 : memref<128x128xf32, #tpu.memory_space<vmem>>) offsets(%dma_start3A_211 : memref<128xi32, #tpu.memory_space<vmem>>) semaphore(%arg12 : memref<!tpu.dma_semaphore, #tpu.memory_space<semaphore_mem>>)
      %dma_wait3A_215 = arith.constant 6 : i32
      %dma_wait3A_216 = arith.constant 0 : i32
      %dma_wait3A_217 = tpu.memref_slice %arg6[%dma_wait3A_215, %dma_wait3A_216] : memref<8x128xi32, #tpu.memory_space<vmem>> -> memref<1x128xi32, #tpu.memory_space<vmem>>
      %dma_wait3A_218 = tpu.memref_squeeze %dma_wait3A_217 : memref<1x128xi32, #tpu.memory_space<vmem>> -> memref<128xi32, #tpu.memory_space<vmem>>
      %dma_wait3A_219 = arith.constant 0 : i32
      %dma_wait3A_220 = arith.constant 0 : i32
      %dma_wait3A_221 = tpu.memref_slice %arg2[%dma_wait3A_219, %dma_wait3A_220] : memref<10112x128xf32, #tpu.memory_space<hbm>> -> memref<10112x128xf32, #tpu.memory_space<hbm>>
      tpu.wait_indirect_dma semaphore(%arg11 : memref<!tpu.dma_semaphore, #tpu.memory_space<semaphore_mem>>) src(%dma_wait3A_221 : memref<10112x128xf32, #tpu.memory_space<hbm>>) dst(%arg8 : memref<128x128xf32, #tpu.memory_space<vmem>>)
      %dma_start3A_222 = arith.constant 6 : i32
      %dma_start3A_223 = arith.constant 0 : i32
      %dma_start3A_224 = tpu.memref_slice %arg7[%dma_start3A_222, %dma_start3A_223] : memref<8x128xi32, #tpu.memory_space<vmem>> -> memref<1x128xi32, #tpu.memory_space<vmem>>
      %dma_start3A_225 = tpu.memref_squeeze %dma_start3A_224 : memref<1x128xi32, #tpu.memory_space<vmem>> -> memref<128xi32, #tpu.memory_space<vmem>>
      %dma_start3A_226 = arith.constant 0 : i32
      %dma_start3A_227 = arith.constant 0 : i32
      %dma_start3A_228 = tpu.memref_slice %arg10[%dma_start3A_226, %dma_start3A_227] : memref<10112x128xf32, #tpu.memory_space<vmem_shared>> -> memref<10112x128xf32, #tpu.memory_space<vmem_shared>>
      tpu.enqueue_indirect_dma source(%arg8 : memref<128x128xf32, #tpu.memory_space<vmem>>) target(%dma_start3A_228 : memref<10112x128xf32, #tpu.memory_space<vmem_shared>>) offsets(%dma_start3A_225 : memref<128xi32, #tpu.memory_space<vmem>>) semaphore(%arg13 : memref<!tpu.dma_semaphore, #tpu.memory_space<semaphore_mem>>) {add = true}
      %dma_wait3A_229 = arith.constant 7 : i32
      %dma_wait3A_230 = arith.constant 0 : i32
      %dma_wait3A_231 = tpu.memref_slice %arg6[%dma_wait3A_229, %dma_wait3A_230] : memref<8x128xi32, #tpu.memory_space<vmem>> -> memref<1x128xi32, #tpu.memory_space<vmem>>
      %dma_wait3A_232 = tpu.memref_squeeze %dma_wait3A_231 : memref<1x128xi32, #tpu.memory_space<vmem>> -> memref<128xi32, #tpu.memory_space<vmem>>
      %dma_wait3A_233 = arith.constant 0 : i32
      %dma_wait3A_234 = arith.constant 0 : i32
      %dma_wait3A_235 = tpu.memref_slice %arg2[%dma_wait3A_233, %dma_wait3A_234] : memref<10112x128xf32, #tpu.memory_space<hbm>> -> memref<10112x128xf32, #tpu.memory_space<hbm>>
      tpu.wait_indirect_dma semaphore(%arg12 : memref<!tpu.dma_semaphore, #tpu.memory_space<semaphore_mem>>) src(%dma_wait3A_235 : memref<10112x128xf32, #tpu.memory_space<hbm>>) dst(%arg9 : memref<128x128xf32, #tpu.memory_space<vmem>>)
      %dma_start3A_236 = arith.constant 7 : i32
      %dma_start3A_237 = arith.constant 0 : i32
      %dma_start3A_238 = tpu.memref_slice %arg7[%dma_start3A_236, %dma_start3A_237] : memref<8x128xi32, #tpu.memory_space<vmem>> -> memref<1x128xi32, #tpu.memory_space<vmem>>
      %dma_start3A_239 = tpu.memref_squeeze %dma_start3A_238 : memref<1x128xi32, #tpu.memory_space<vmem>> -> memref<128xi32, #tpu.memory_space<vmem>>
      %dma_start3A_240 = arith.constant 0 : i32
      %dma_start3A_241 = arith.constant 0 : i32
      %dma_start3A_242 = tpu.memref_slice %arg10[%dma_start3A_240, %dma_start3A_241] : memref<10112x128xf32, #tpu.memory_space<vmem_shared>> -> memref<10112x128xf32, #tpu.memory_space<vmem_shared>>
      tpu.enqueue_indirect_dma source(%arg9 : memref<128x128xf32, #tpu.memory_space<vmem>>) target(%dma_start3A_242 : memref<10112x128xf32, #tpu.memory_space<vmem_shared>>) offsets(%dma_start3A_239 : memref<128xi32, #tpu.memory_space<vmem>>) semaphore(%arg14 : memref<!tpu.dma_semaphore, #tpu.memory_space<semaphore_mem>>) {add = true}
      %dma_wait3A_243 = arith.constant 6 : i32
      %dma_wait3A_244 = arith.constant 0 : i32
      %dma_wait3A_245 = tpu.memref_slice %arg7[%dma_wait3A_243, %dma_wait3A_244] : memref<8x128xi32, #tpu.memory_space<vmem>> -> memref<1x128xi32, #tpu.memory_space<vmem>>
      %dma_wait3A_246 = tpu.memref_squeeze %dma_wait3A_245 : memref<1x128xi32, #tpu.memory_space<vmem>> -> memref<128xi32, #tpu.memory_space<vmem>>
      %dma_wait3A_247 = arith.constant 0 : i32
      %dma_wait3A_248 = arith.constant 0 : i32
      %dma_wait3A_249 = tpu.memref_slice %arg10[%dma_wait3A_247, %dma_wait3A_248] : memref<10112x128xf32, #tpu.memory_space<vmem_shared>> -> memref<10112x128xf32, #tpu.memory_space<vmem_shared>>
      tpu.wait_indirect_dma semaphore(%arg13 : memref<!tpu.dma_semaphore, #tpu.memory_space<semaphore_mem>>) src(%arg8 : memref<128x128xf32, #tpu.memory_space<vmem>>) dst(%dma_wait3A_249 : memref<10112x128xf32, #tpu.memory_space<vmem_shared>>)
      %dma_wait3A_250 = arith.constant 7 : i32
      %dma_wait3A_251 = arith.constant 0 : i32
      %dma_wait3A_252 = tpu.memref_slice %arg7[%dma_wait3A_250, %dma_wait3A_251] : memref<8x128xi32, #tpu.memory_space<vmem>> -> memref<1x128xi32, #tpu.memory_space<vmem>>
      %dma_wait3A_253 = tpu.memref_squeeze %dma_wait3A_252 : memref<1x128xi32, #tpu.memory_space<vmem>> -> memref<128xi32, #tpu.memory_space<vmem>>
      %dma_wait3A_254 = arith.constant 0 : i32
      %dma_wait3A_255 = arith.constant 0 : i32
      %dma_wait3A_256 = tpu.memref_slice %arg10[%dma_wait3A_254, %dma_wait3A_255] : memref<10112x128xf32, #tpu.memory_space<vmem_shared>> -> memref<10112x128xf32, #tpu.memory_space<vmem_shared>>
      tpu.wait_indirect_dma semaphore(%arg14 : memref<!tpu.dma_semaphore, #tpu.memory_space<semaphore_mem>>) src(%arg9 : memref<128x128xf32, #tpu.memory_space<vmem>>) dst(%dma_wait3A_256 : memref<10112x128xf32, #tpu.memory_space<vmem_shared>>)
      %scan3A_257 = arith.constant 1 : i32
    } else {
    }
    %barrier3A_22 = arith.constant 0 : index
    tpu.barrier barrier_id(%barrier3A_22)
    "tpu.region"() ({
      %run_scoped3A = tpu.sem_alloc : memref<!tpu.dma_semaphore, #tpu.memory_space<semaphore_mem>>
      %dma_start3A = arith.constant 0 : i32
      %dma_start3A_23 = tpu.memref_slice %arg5[%arg0, %mul3A_0, %dma_start3A] : memref<2x10112x128xf32, #tpu.memory_space<hbm>> -> memref<1x632x128xf32, #tpu.memory_space<hbm>>
      %dma_start3A_24 = tpu.memref_squeeze %dma_start3A_23 : memref<1x632x128xf32, #tpu.memory_space<hbm>> -> memref<632x128xf32, #tpu.memory_space<hbm>>
      %dma_start3A_25 = arith.constant 0 : i32
      %dma_start3A_26 = tpu.memref_slice %arg10[%mul3A_0, %dma_start3A_25] : memref<10112x128xf32, #tpu.memory_space<vmem_shared>> -> memref<632x128xf32, #tpu.memory_space<vmem_shared>>
      tpu.enqueue_dma source(%dma_start3A_26 : memref<632x128xf32, #tpu.memory_space<vmem_shared>>) target(%dma_start3A_24 : memref<632x128xf32, #tpu.memory_space<hbm>>) target_semaphore(%run_scoped3A : memref<!tpu.dma_semaphore, #tpu.memory_space<semaphore_mem>>)
      %dma_wait3A = arith.constant 0 : i32
      %dma_wait3A_27 = tpu.memref_slice %arg5[%arg0, %mul3A_0, %dma_wait3A] : memref<2x10112x128xf32, #tpu.memory_space<hbm>> -> memref<1x632x128xf32, #tpu.memory_space<hbm>>
      %dma_wait3A_28 = tpu.memref_squeeze %dma_wait3A_27 : memref<1x632x128xf32, #tpu.memory_space<hbm>> -> memref<632x128xf32, #tpu.memory_space<hbm>>
      %dma_wait3A_29 = arith.constant 0 : i32
      %dma_wait3A_30 = tpu.memref_slice %arg10[%mul3A_0, %dma_wait3A_29] : memref<10112x128xf32, #tpu.memory_space<vmem_shared>> -> memref<632x128xf32, #tpu.memory_space<vmem_shared>>
      tpu.wait_dma2 semaphore(%run_scoped3A : memref<!tpu.dma_semaphore, #tpu.memory_space<semaphore_mem>>) src(%dma_wait3A_30 : memref<632x128xf32, #tpu.memory_space<vmem_shared>>) dst(%dma_wait3A_28 : memref<632x128xf32, #tpu.memory_space<hbm>>)
      tpu.yield
    }) : () -> ()
    return
  }
}

module attributes {stable_mosaic.version = 14 : i64} {
  func.func @body(%arg0: i32, %arg1: memref<632x128xf32, #tpu.memory_space<vmem>>, %arg2: memref<632x128xf32, #tpu.memory_space<vmem>>, %arg3: memref<632x128xf32, #tpu.memory_space<vmem>>, %arg4: memref<632x128xf32, #tpu.memory_space<vmem>>, %arg5: memref<632x128xf32, #tpu.memory_space<vmem>>, %arg6: memref<128x128xf32, #tpu.memory_space<vmem>>, %arg7: memref<128x128xf32, #tpu.memory_space<vmem>>, %arg8: memref<1x128xf32, #tpu.memory_space<vmem>>, %arg9: memref<632x128xf32, #tpu.memory_space<vmem>>) attributes {dimension_semantics = [#tpu.dimension_semantics<arbitrary>], iteration_bounds = array<i64: 16>, scalar_prefetch = 0 : i64, scratch_operands = 0 : i64, tpu.core_type = #tpu.core_type<tc>, window_params = [{transform_indices = @transform_0, window_bounds = array<i64: 632, 128>}, {transform_indices = @transform_1, window_bounds = array<i64: 632, 128>}, {transform_indices = @transform_2, window_bounds = array<i64: 632, 128>}, {transform_indices = @transform_3, window_bounds = array<i64: 632, 128>}, {transform_indices = @transform_4, window_bounds = array<i64: 632, 128>}, {pipeline_mode = #tpu.pipeline_mode<synchronous>, transform_indices = @transform_5, window_bounds = array<i64: 128, 128>}, {pipeline_mode = #tpu.pipeline_mode<synchronous>, transform_indices = @transform_6, window_bounds = array<i64: 128, 128>}, {pipeline_mode = #tpu.pipeline_mode<synchronous>, transform_indices = @transform_7, window_bounds = array<i64: 1, 128>}, {transform_indices = @transform_8, window_bounds = array<i64: 632, 128>}]} {
    %get3A = arith.constant 0 : index
    %get3A_0 = arith.constant 0 : index
    %get3A_1 = vector.load %arg4[%get3A, %get3A_0] : memref<632x128xf32, #tpu.memory_space<vmem>>, vector<632x1xf32>
    %get3A_2 = arith.constant 0 : index
    %get3A_3 = arith.constant 0 : index
    %get3A_4 = vector.load %arg5[%get3A_2, %get3A_3] : memref<632x128xf32, #tpu.memory_space<vmem>>, vector<632x1xf32>
    %add3A = arith.addf %get3A_1, %get3A_4 : vector<632x1xf32>
    %max3A = arith.constant 1.000000e+00 : f32
    %max3A_5 = vector.broadcast %max3A : f32 to vector<632x1xf32>
    %max3A_6 = arith.maximumf %add3A, %max3A_5 : vector<632x1xf32>
    %div3A = arith.constant 1.000000e+00 : f32
    %div3A_7 = vector.broadcast %div3A : f32 to vector<632x1xf32>
    %div3A_8 = arith.divf %div3A_7, %max3A_6 : vector<632x1xf32>
    %get3A_9 = arith.constant 0 : index
    %get3A_10 = arith.constant 0 : index
    %get3A_11 = vector.load %arg2[%get3A_9, %get3A_10] : memref<632x128xf32, #tpu.memory_space<vmem>>, vector<632x128xf32>
    %get3A_12 = arith.constant 0 : index
    %get3A_13 = arith.constant 0 : index
    %get3A_14 = vector.load %arg3[%get3A_12, %get3A_13] : memref<632x128xf32, #tpu.memory_space<vmem>>, vector<632x128xf32>
    %add3A_15 = arith.addf %get3A_11, %get3A_14 : vector<632x128xf32>
    %mul3A = vector.broadcast %div3A_8 : vector<632x1xf32> to vector<632x128xf32>
    %mul3A_16 = arith.mulf %add3A_15, %mul3A : vector<632x128xf32>
    %get3A_17 = arith.constant 0 : index
    %get3A_18 = arith.constant 0 : index
    %get3A_19 = vector.load %arg1[%get3A_17, %get3A_18] : memref<632x128xf32, #tpu.memory_space<vmem>>, vector<632x128xf32>
    %get3A_20 = arith.constant 0 : index
    %get3A_21 = arith.constant 0 : index
    %get3A_22 = vector.load %arg6[%get3A_20, %get3A_21] : memref<128x128xf32, #tpu.memory_space<vmem>>, vector<128x128xf32>
    %dot_general3A = arith.constant dense<0.000000e+00> : vector<632x128xf32>
    %dot_general3A_23 = tpu.matmul %get3A_19, %get3A_22, %dot_general3A {dimension_numbers = #tpu.dot_dimension_numbers<[1], [0], [0], [1], [0, 0, 1, 1], [], []>, transpose_lhs_hint = false} : vector<632x128xf32>, vector<128x128xf32>, vector<632x128xf32> -> vector<632x128xf32>
    %get3A_24 = arith.constant 0 : index
    %get3A_25 = arith.constant 0 : index
    %get3A_26 = vector.load %arg7[%get3A_24, %get3A_25] : memref<128x128xf32, #tpu.memory_space<vmem>>, vector<128x128xf32>
    %dot_general3A_27 = arith.constant dense<0.000000e+00> : vector<632x128xf32>
    %dot_general3A_28 = tpu.matmul %mul3A_16, %get3A_26, %dot_general3A_27 {dimension_numbers = #tpu.dot_dimension_numbers<[1], [0], [0], [1], [0, 0, 1, 1], [], []>, transpose_lhs_hint = false} : vector<632x128xf32>, vector<128x128xf32>, vector<632x128xf32> -> vector<632x128xf32>
    %add3A_29 = arith.addf %dot_general3A_23, %dot_general3A_28 : vector<632x128xf32>
    %get3A_30 = arith.constant 0 : index
    %get3A_31 = arith.constant 0 : index
    %get3A_32 = vector.load %arg8[%get3A_30, %get3A_31] : memref<1x128xf32, #tpu.memory_space<vmem>>, vector<1x128xf32>
    %add3A_33 = vector.broadcast %get3A_32 : vector<1x128xf32> to vector<632x128xf32>
    %add3A_34 = arith.addf %add3A_29, %add3A_33 : vector<632x128xf32>
    %ge3A = arith.constant 0.000000e+00 : f32
    %ge3A_35 = vector.broadcast %ge3A : f32 to vector<632x128xf32>
    %ge3A_36 = arith.cmpf oge, %add3A_34, %ge3A_35 : vector<632x128xf32>
    %mul3A_37 = arith.constant 0.00999999977 : f32
    %mul3A_38 = vector.broadcast %mul3A_37 : f32 to vector<632x128xf32>
    %mul3A_39 = arith.mulf %mul3A_38, %add3A_34 : vector<632x128xf32>
    %select_n3A = arith.select %ge3A_36, %add3A_34, %mul3A_39 : vector<632x128xi1>, vector<632x128xf32>
    %swap3A = arith.constant 0 : index
    %swap3A_40 = arith.constant 0 : index
    %swap3A_41 = vector.load %arg9[%swap3A, %swap3A_40] : memref<632x128xf32, #tpu.memory_space<vmem>>, vector<632x128xf32>
    tpu.vector_store %arg9[%swap3A, %swap3A_40], %select_n3A {strides = array<i32>} : memref<632x128xf32, #tpu.memory_space<vmem>>, vector<632x128xf32>,
    return
  }
  func.func @transform_0(%arg0: i32) -> (i32, i32) {
    %c0_i32 = arith.constant 0 : i32
    %c0_i32_0 = arith.constant 0 : i32
    return %arg0, %c0_i32 : i32, i32
  }
  func.func @transform_1(%arg0: i32) -> (i32, i32) {
    %c0_i32 = arith.constant 0 : i32
    %c0_i32_0 = arith.constant 0 : i32
    return %arg0, %c0_i32 : i32, i32
  }
  func.func @transform_2(%arg0: i32) -> (i32, i32) {
    %c0_i32 = arith.constant 0 : i32
    %c0_i32_0 = arith.constant 0 : i32
    return %arg0, %c0_i32 : i32, i32
  }
  func.func @transform_3(%arg0: i32) -> (i32, i32) {
    %c0_i32 = arith.constant 0 : i32
    %c0_i32_0 = arith.constant 0 : i32
    return %arg0, %c0_i32 : i32, i32
  }
  func.func @transform_4(%arg0: i32) -> (i32, i32) {
    %c0_i32 = arith.constant 0 : i32
    %c0_i32_0 = arith.constant 0 : i32
    return %arg0, %c0_i32 : i32, i32
  }
  func.func @transform_5(%arg0: i32) -> (i32, i32) {
    %c0_i32 = arith.constant 0 : i32
    %c0_i32_0 = arith.constant 0 : i32
    %c0_i32_1 = arith.constant 0 : i32
    return %c0_i32, %c0_i32_0 : i32, i32
  }
  func.func @transform_6(%arg0: i32) -> (i32, i32) {
    %c0_i32 = arith.constant 0 : i32
    %c0_i32_0 = arith.constant 0 : i32
    %c0_i32_1 = arith.constant 0 : i32
    return %c0_i32, %c0_i32_0 : i32, i32
  }
  func.func @transform_7(%arg0: i32) -> (i32, i32) {
    %c0_i32 = arith.constant 0 : i32
    %c0_i32_0 = arith.constant 0 : i32
    %c0_i32_1 = arith.constant 0 : i32
    return %c0_i32, %c0_i32_0 : i32, i32
  }
  func.func @transform_8(%arg0: i32) -> (i32, i32) {
    %c0_i32 = arith.constant 0 : i32
    %c0_i32_0 = arith.constant 0 : i32
    return %arg0, %c0_i32 : i32, i32
  }
}

module attributes {stable_mosaic.version = 14 : i64} {
  func.func @body(%arg0: i32, %arg1: memref<632x128xf32, #tpu.memory_space<vmem>>, %arg2: memref<632x128xf32, #tpu.memory_space<vmem>>, %arg3: memref<632x128xf32, #tpu.memory_space<vmem>>, %arg4: memref<632x128xf32, #tpu.memory_space<vmem>>, %arg5: memref<632x128xf32, #tpu.memory_space<vmem>>, %arg6: memref<128x128xf32, #tpu.memory_space<vmem>>, %arg7: memref<128x128xf32, #tpu.memory_space<vmem>>, %arg8: memref<1x128xf32, #tpu.memory_space<vmem>>, %arg9: memref<632x128xf32, #tpu.memory_space<vmem>>) attributes {dimension_semantics = [#tpu.dimension_semantics<arbitrary>], iteration_bounds = array<i64: 16>, scalar_prefetch = 0 : i64, scratch_operands = 0 : i64, tpu.core_type = #tpu.core_type<tc>, window_params = [{transform_indices = @transform_0, window_bounds = array<i64: 632, 128>}, {transform_indices = @transform_1, window_bounds = array<i64: 632, 128>}, {transform_indices = @transform_2, window_bounds = array<i64: 632, 128>}, {transform_indices = @transform_3, window_bounds = array<i64: 632, 128>}, {transform_indices = @transform_4, window_bounds = array<i64: 632, 128>}, {pipeline_mode = #tpu.pipeline_mode<synchronous>, transform_indices = @transform_5, window_bounds = array<i64: 128, 128>}, {pipeline_mode = #tpu.pipeline_mode<synchronous>, transform_indices = @transform_6, window_bounds = array<i64: 128, 128>}, {pipeline_mode = #tpu.pipeline_mode<synchronous>, transform_indices = @transform_7, window_bounds = array<i64: 1, 128>}, {transform_indices = @transform_8, window_bounds = array<i64: 632, 128>}]} {
    %get3A = arith.constant 0 : index
    %get3A_0 = arith.constant 0 : index
    %get3A_1 = vector.load %arg4[%get3A, %get3A_0] : memref<632x128xf32, #tpu.memory_space<vmem>>, vector<632x1xf32>
    %get3A_2 = arith.constant 0 : index
    %get3A_3 = arith.constant 0 : index
    %get3A_4 = vector.load %arg5[%get3A_2, %get3A_3] : memref<632x128xf32, #tpu.memory_space<vmem>>, vector<632x1xf32>
    %add3A = arith.addf %get3A_1, %get3A_4 : vector<632x1xf32>
    %max3A = arith.constant 1.000000e+00 : f32
    %max3A_5 = vector.broadcast %max3A : f32 to vector<632x1xf32>
    %max3A_6 = arith.maximumf %add3A, %max3A_5 : vector<632x1xf32>
    %div3A = arith.constant 1.000000e+00 : f32
    %div3A_7 = vector.broadcast %div3A : f32 to vector<632x1xf32>
    %div3A_8 = arith.divf %div3A_7, %max3A_6 : vector<632x1xf32>
    %get3A_9 = arith.constant 0 : index
    %get3A_10 = arith.constant 0 : index
    %get3A_11 = vector.load %arg2[%get3A_9, %get3A_10] : memref<632x128xf32, #tpu.memory_space<vmem>>, vector<632x128xf32>
    %get3A_12 = arith.constant 0 : index
    %get3A_13 = arith.constant 0 : index
    %get3A_14 = vector.load %arg3[%get3A_12, %get3A_13] : memref<632x128xf32, #tpu.memory_space<vmem>>, vector<632x128xf32>
    %add3A_15 = arith.addf %get3A_11, %get3A_14 : vector<632x128xf32>
    %mul3A = vector.broadcast %div3A_8 : vector<632x1xf32> to vector<632x128xf32>
    %mul3A_16 = arith.mulf %add3A_15, %mul3A : vector<632x128xf32>
    %get3A_17 = arith.constant 0 : index
    %get3A_18 = arith.constant 0 : index
    %get3A_19 = vector.load %arg1[%get3A_17, %get3A_18] : memref<632x128xf32, #tpu.memory_space<vmem>>, vector<632x128xf32>
    %get3A_20 = arith.constant 0 : index
    %get3A_21 = arith.constant 0 : index
    %get3A_22 = vector.load %arg6[%get3A_20, %get3A_21] : memref<128x128xf32, #tpu.memory_space<vmem>>, vector<128x128xf32>
    %dot_general3A = arith.constant dense<0.000000e+00> : vector<632x128xf32>
    %dot_general3A_23 = tpu.matmul %get3A_19, %get3A_22, %dot_general3A {dimension_numbers = #tpu.dot_dimension_numbers<[1], [0], [0], [1], [0, 0, 1, 1], [], []>, transpose_lhs_hint = false} : vector<632x128xf32>, vector<128x128xf32>, vector<632x128xf32> -> vector<632x128xf32>
    %get3A_24 = arith.constant 0 : index
    %get3A_25 = arith.constant 0 : index
    %get3A_26 = vector.load %arg7[%get3A_24, %get3A_25] : memref<128x128xf32, #tpu.memory_space<vmem>>, vector<128x128xf32>
    %dot_general3A_27 = arith.constant dense<0.000000e+00> : vector<632x128xf32>
    %dot_general3A_28 = tpu.matmul %mul3A_16, %get3A_26, %dot_general3A_27 {dimension_numbers = #tpu.dot_dimension_numbers<[1], [0], [0], [1], [0, 0, 1, 1], [], []>, transpose_lhs_hint = false} : vector<632x128xf32>, vector<128x128xf32>, vector<632x128xf32> -> vector<632x128xf32>
    %add3A_29 = arith.addf %dot_general3A_23, %dot_general3A_28 : vector<632x128xf32>
    %get3A_30 = arith.constant 0 : index
    %get3A_31 = arith.constant 0 : index
    %get3A_32 = vector.load %arg8[%get3A_30, %get3A_31] : memref<1x128xf32, #tpu.memory_space<vmem>>, vector<1x128xf32>
    %add3A_33 = vector.broadcast %get3A_32 : vector<1x128xf32> to vector<632x128xf32>
    %add3A_34 = arith.addf %add3A_29, %add3A_33 : vector<632x128xf32>
    %swap3A = arith.constant 0 : index
    %swap3A_35 = arith.constant 0 : index
    %swap3A_36 = vector.load %arg9[%swap3A, %swap3A_35] : memref<632x128xf32, #tpu.memory_space<vmem>>, vector<632x128xf32>
    tpu.vector_store %arg9[%swap3A, %swap3A_35], %add3A_34 {strides = array<i32>} : memref<632x128xf32, #tpu.memory_space<vmem>>, vector<632x128xf32>,
    return
  }
  func.func @transform_0(%arg0: i32) -> (i32, i32) {
    %c0_i32 = arith.constant 0 : i32
    %c0_i32_0 = arith.constant 0 : i32
    return %arg0, %c0_i32 : i32, i32
  }
  func.func @transform_1(%arg0: i32) -> (i32, i32) {
    %c0_i32 = arith.constant 0 : i32
    %c0_i32_0 = arith.constant 0 : i32
    return %arg0, %c0_i32 : i32, i32
  }
  func.func @transform_2(%arg0: i32) -> (i32, i32) {
    %c0_i32 = arith.constant 0 : i32
    %c0_i32_0 = arith.constant 0 : i32
    return %arg0, %c0_i32 : i32, i32
  }
  func.func @transform_3(%arg0: i32) -> (i32, i32) {
    %c0_i32 = arith.constant 0 : i32
    %c0_i32_0 = arith.constant 0 : i32
    return %arg0, %c0_i32 : i32, i32
  }
  func.func @transform_4(%arg0: i32) -> (i32, i32) {
    %c0_i32 = arith.constant 0 : i32
    %c0_i32_0 = arith.constant 0 : i32
    return %arg0, %c0_i32 : i32, i32
  }
  func.func @transform_5(%arg0: i32) -> (i32, i32) {
    %c0_i32 = arith.constant 0 : i32
    %c0_i32_0 = arith.constant 0 : i32
    %c0_i32_1 = arith.constant 0 : i32
    return %c0_i32, %c0_i32_0 : i32, i32
  }
  func.func @transform_6(%arg0: i32) -> (i32, i32) {
    %c0_i32 = arith.constant 0 : i32
    %c0_i32_0 = arith.constant 0 : i32
    %c0_i32_1 = arith.constant 0 : i32
    return %c0_i32, %c0_i32_0 : i32, i32
  }
  func.func @transform_7(%arg0: i32) -> (i32, i32) {
    %c0_i32 = arith.constant 0 : i32
    %c0_i32_0 = arith.constant 0 : i32
    %c0_i32_1 = arith.constant 0 : i32
    return %c0_i32, %c0_i32_0 : i32, i32
  }
  func.func @transform_8(%arg0: i32) -> (i32, i32) {
    %c0_i32 = arith.constant 0 : i32
    %c0_i32_0 = arith.constant 0 : i32
    return %arg0, %c0_i32 : i32, i32
  }
}

</mosaic_0001>

<sc_bundles>
// kernel: kernel.12.cloned.1.call-start
scs
__scs_entry_jumppad:
0x0: {  	(pc) =	sbr.rel $0x88, $3  }
0x1: {  	(tag) =	ssettag $0x0;
	lr =	simm.s32 $0x1  }
0x2: {  	[smem:$0x3F96] =	sst lr;
	_ =	strace $0xD0000000  }
0x3: {  	_ = 	snop  }
0x4: {  	_ = 	snop  }
0x5: {  	_ = 	snop  }
0x6: {  	_ = 	snop  }
0x7: {  	_ = 	snop  }
__scs_overlays_trampoline_lowered:
0x8: {  	[smem:$0x3FA5] =	sst s0  }
0x9: {  	[smem:$0x3FA6] =	sst s1  }
0xa: {  	[smem:$0x3FA7] =	sst s2  }
0xb: {  	[smem:$0x3FA8] =	sst s3  }
0xc: {  	[smem:$0x3FA9] =	sst s4  }
0xd: {  	[smem:$0x3FAA] =	sst s5  }
0xe: {  	[smem:$0x3FAB] =	sst s6  }
0xf: {  	[smem:$0x3FAC] =	sst s7  }
0x10: {  	[smem:$0x3FAD] =	sst s8  }
0x11: {  	[smem:$0x3FAE] =	sst s9;
	s0 =	simm.s32 @!p0 $0x0  }
0x12: {  	s1 =	sld [smem:$0x3F94];
	s0 =	simm.s32 @p0 $0x1  }
0x13: {  	[smem:$0x3FAF] =	sst s0;
	s0 =	simm.s32 @!p1 $0x0  }
0x14: {  	s2 =	sld [smem:$0x3F93];
	s0 =	simm.s32 @p1 $0x1  }
0x15: {  	[smem:$0x3FB0] =	sst s0;
	s0 =	simm.s32 @!p2 $0x0  }
0x16: {  	s3 =	sld [smem:$0x3FDB];
	s0 =	simm.s32 @p2 $0x1  }
0x17: {  	s4 =	simm.s32 $0x1BF5;
	[smem:$0x3FB2] =	sst s0  }
0x18: {  	s0 =	sld [smem:$0x3F95];
	_ =	swait.ge [sflag:s4], $0x0  }
0x19: {  	s7 =	sld [smem:$0x3F96]  }
0x1a: {  	s8 =	sadd.s32 $0xFFFFE003, lr  }
0x1b: {  	s9 =	sadd.s32 $0xFFFFFEF7, lr;
	s5 =	simm.s32 $0xFFFFFFFF;
	p2 =	slt.u32 s8, $0xFFFFF086  }
0x1c: {  	p1 =	slt.u32 s9, $0xF7A;
	s5 =	simm.s32 @!p2 $0x0  }
0x1d: {  	s5 =	simm.s32 @p1 $0x1;
	p0 =	seq.s32 s7, s2  }
0x1e: {  	s7 =	smul.u32 @!p0 $0xF7A, s2;
	p2 =	seq.s32 @!p0 s5, $0x0  }
0x1f: {  	s9 =	smul.u32 $0xF7A, s1;
	s8 =	simm.s32 @!p0 $0x1BF5;
	p2 =	por !p2, p0  }
0x20: {  	[sflag:s8] =	ssyncset.s32 @!p0 $0xFFFFF086;
	s6 =	sadd.s32 @!p0 s3, s7;
	s7 =	simm.s32 @!p0 $0x108  }
0x21: {  	s3 =	sadd.s32 s3, s9;
	s6 =	sadd.s32 @!p0 $0x88, s6;
	s7 =	simm.s32 @p2 $0x1082  }
0x22: {  	[simem:s7], [sflag:s8] =	dma.local @!p0 [hbm:s6], $0xF7A  }
0x23: {  	s9 =	sor.u32 $0xD0000000, s2;
	s6 =	simm.s32 $0x108;
	_ =	swait.ge @!p0 [sflag:s8], $0x0  }
0x24: {  	s3 =	sadd.s32 $0x88, s3;
	s6 =	simm.s32 @!p1 $0x1082;
	[sflag:s4] =	ssyncset.s32 $0xFFFFF086  }
0x25: {  	[simem:s6], [sflag:s4] =	dma.local [hbm:s3], $0xF7A  }
0x26: {  	[smem:$0x3F96] =	sst s1;
	(tag) =	ssettag s2;
	_ =	strace s9  }
0x27: {  	s1 =	sld [smem:$0x3FA6]  }
0x28: {  	s2 =	sld [smem:$0x3FA7]  }
0x29: {  	s4 =	sld [smem:$0x3FA9]  }
0x2a: {  	p0 =	seq.s32 s5, $0x0;
	s5 =	sld [smem:$0x3FAA]  }
0x2b: {  	s6 =	sld [smem:$0x3FAB]  }
0x2c: {  	s7 =	sld [smem:$0x3FAC]  }
0x2d: {  	s3 =	simm.s32 $0x108;
	s8 =	sld [smem:$0x3FAD]  }
0x2e: {  	s3 =	simm.s32 @!p0 $0x1082;
	s9 =	sld [smem:$0x3FAE]  }
0x2f: {  	lr =	sadd.s32 s0, s3;
	s0 =	sld [smem:$0x3FA5]  }
0x30: {  	s3 =	sld [smem:$0x3FA8]  }
0x31: {  	[smem:$0x3FB1] =	sst s10  }
0x32: {  	s10 =	sld [smem:$0x3FAF];
	_ =	sdelay $0x3  }
0x33: {  	p0 =	seq.s32 s10, $0x1;
	s10 =	sld [smem:$0x3FB1];
	_ =	sdelay $0x3  }
0x34: {  	[smem:$0x3FB1] =	sst s10  }
0x35: {  	s10 =	sld [smem:$0x3FB0];
	_ =	sdelay $0x3  }
0x36: {  	p1 =	seq.s32 s10, $0x1;
	s10 =	sld [smem:$0x3FB1];
	_ =	sdelay $0x3  }
0x37: {  	[smem:$0x3FB1] =	sst s10  }
0x38: {  	s10 =	sld [smem:$0x3FB2]  }
0x39: {  	_ = 	snop;
	(pc) =	sbr.ind lr, $3  }
0x3a: {  	_ = 	snop  }
0x3b: {  	_ = 	snop  }
0x3c: {  	p2 =	seq.s32 s10, $0x1;
	s10 =	sld [smem:$0x3FB1]  }
0x3d: {  	_ =	shalt  }
0x3e: {  	_ =	shalt  }
0x3f: {  	_ =	shalt  }
0x40: {  	_ =	shalt  }
0x41: {  	_ =	shalt  }
0x42: {  	_ =	shalt  }
0x43: {  	_ =	shalt  }
0x44: {  	_ =	shalt  }
0x45: {  	_ =	shalt  }
0x46: {  	_ =	shalt  }
0x47: {  	_ =	shalt  }
0x48: {  	_ =	shalt  }
0x49: {  	_ =	shalt  }
0x4a: {  	_ =	shalt  }
0x4b: {  	_ =	shalt  }
0x4c: {  	_ =	shalt  }
0x4d: {  	_ =	shalt  }
0x4e: {  	_ =	shalt  }
0x4f: {  	_ =	shalt  }
0x50: {  	_ =	shalt  }
0x51: {  	_ =	shalt  }
0x52: {  	_ =	shalt  }
0x53: {  	_ =	shalt  }
0x54: {  	_ =	shalt  }
0x55: {  	_ =	shalt  }
0x56: {  	_ =	shalt  }
0x57: {  	_ =	shalt  }
0x58: {  	_ =	shalt  }
0x59: {  	_ =	shalt  }
0x5a: {  	_ =	shalt  }
0x5b: {  	_ =	shalt  }
0x5c: {  	_ =	shalt  }
0x5d: {  	_ =	shalt  }
0x5e: {  	_ =	shalt  }
0x5f: {  	_ =	shalt  }
0x60: {  	_ =	shalt  }
0x61: {  	_ =	shalt  }
0x62: {  	_ =	shalt  }
0x63: {  	_ =	shalt  }
0x64: {  	_ =	shalt  }
0x65: {  	_ =	shalt  }
0x66: {  	_ =	shalt  }
0x67: {  	_ =	shalt  }
0x68: {  	_ =	shalt  }
0x69: {  	_ =	shalt  }
0x6a: {  	_ =	shalt  }
0x6b: {  	_ =	shalt  }
0x6c: {  	_ =	shalt  }
0x6d: {  	_ =	shalt  }
0x6e: {  	_ =	shalt  }
0x6f: {  	_ =	shalt  }
0x70: {  	_ =	shalt  }
0x71: {  	_ =	shalt  }
0x72: {  	_ =	shalt  }
0x73: {  	_ =	shalt  }
0x74: {  	_ =	shalt  }
0x75: {  	_ =	shalt  }
0x76: {  	_ =	shalt  }
0x77: {  	_ =	shalt  }
0x78: {  	_ =	shalt  }
0x79: {  	_ =	shalt  }
0x7a: {  	_ =	shalt  }
0x7b: {  	_ =	shalt  }
0x7c: {  	_ =	shalt  }
0x7d: {  	_ =	shalt  }
0x7e: {  	_ =	shalt  }
0x7f: {  	_ =	shalt  }
0x80: {  	_ =	shalt  }
0x81: {  	_ =	shalt  }
0x82: {  	_ =	shalt  }
0x83: {  	_ =	shalt  }
0x84: {  	_ =	shalt  }
0x85: {  	_ =	shalt  }
0x86: {  	_ =	shalt  }
0x87: {  	_ =	shalt  }
.Lfunc_end0:
.L_simem_size_0:
called_computation.1_lowered:
.L_overlay_start_0:
0x88: {  	s2 =	sld [smem:$0x3FD9]  }
0x89: {  	s3 =	sld [smem:$0x3FFE];
	_ =	sdelay $0x1  }
0x8a: {  	s1 =	srdreg.scid  }
0x8b: {  	s0 =	sand.u32 $0x1, s1  }
0x8c: {  	s17 =	sshll.u32 s0, $0xA;
	s2 =	sadd.s32 s3, s2  }
0x8d: {  	s2 =	sadd.s32 s2, s17  }
0x8e: {  	[smem:$0x3FBD] =	sst s2  }
0x8f: {  	_ = 	snop  }
0x90: {  	s2 =	sld [smem:$0x3FD0];
	(tm) =	ssettm $0x1  }
0x91: {  	s18 =	sld [smem:$0x3FFB];
	_ =	sdelay $0x3  }
0x92: {  	_ =	strace s18  }
0x93: {  	s3 =	sld [smem:$0x3FFC];
	_ =	sdelay $0x3  }
0x94: {  	_ =	strace s3  }
0x95: {  	s3 =	sld [smem:$0x3FFD];
	_ =	sdelay $0x3  }
0x96: {  	_ =	strace s3  }
0x97: {  	_ =	strace $0x8FFFFFFF  }
0x98: {  	s19 =	sld [smem:$0x3FDB];
	_ =	sdelay $0x1  }
0x99: {  	s4 =	simm.s32 $_scs_section_size  }
0x9a: {  	s5 =	simm.s32 $_size__tile_overlayer_lowered;
	s6 =	simm.s32 $_tile_overlayer_lowered  }
0x9b: {  	s22 =	simm.s32 $0x1BFF;
	s21 =	sshll.u32 s6, $0x1;
	s3 =	sadd.s32 s4, s19  }
0x9c: {  	s7 =	simm.s32 $0x0;
	s20 =	sshll.u32 s5, $0x1;
	s5 =	sadd.s32 s21, s3  }
0x9d: {  	[timem:s7], [sflag:s22] =	dma.local [hbm:s5], s20  }
0x9e: {  	_ =	swait.ge [sflag:s22], s20  }
0x9f: {  	s4 =	ssub.s32 $0x0, s20;
	[sflag:s22] =	ssyncset.done $0x0  }
0xa0: {  	[sflag:s22] =	ssyncadd.s32 s4;
	_ =	sdelay $0x1  }
0xa1: {  	s23 =	simm.s32 $0x1B8B  }
0xa2: {  	_ =	swait.ge [sflag:s23], $0x1  }
0xa3: {  	[sflag:s23] =	ssyncset.done $0x0  }
0xa4: {  	s25 =	simm.s32 $0x1B8E;
	s24 =	sld [smem:$0x3FFE];
	[sflag:s23] =	ssyncadd.s32 $0xFFFFFFFF  }
0xa5: {  	s26 =	simm.s32 $execute0_lowered;
	[smem:$0x3FD2] =	sst s25  }
0xa6: {  	s5 =	sshll.u32 s26, $0x1;
	_ =	strace $0x80000046;
	[dreg:$0x1] =	wrdreg $0xFFFFFFFF  }
0xa7: {  	s28 =	simm.s32 $_size_execute0_lowered;
	s3 =	sadd.s32 s3, s5;
	[dreg:$0x0] =	wrdreg $0x0  }
0xa8: {  	s5 =	sshll.u32 s28, $0x1;
	[dreg:$0x2] =	wrdreg s3  }
0xa9: {  	[dreg:$0x3] =	wrdreg s5  }
0xaa: {  	[dreg:$0x4] =	wrdreg $0xC0  }
0xab: {  	_ =	task [dreg:s7], $0x5FFFF  }
0xac: {  	[dreg:$0x1] =	wrdreg $0xFFFFFFFF  }
0xad: {  	[dreg:$0x0] =	wrdreg $0x60  }
0xae: {  	[dreg:$0x2] =	wrdreg s24  }
0xaf: {  	[dreg:$0x3] =	wrdreg s2  }
0xb0: {  	[dreg:$0x4] =	wrdreg $0x88000  }
0xb1: {  	[dreg:$0x5] =	wrdreg $0xA  }
0xb2: {  	_ =	task.clear_ibuf [dreg:s7], $0x6FFFF;
	_ =	strace $0x90000046  }
0xb3: {  	s29 =	simm.s32 $0xA;
	_ =	strace $0x80000048  }
0xb4: {  	_ =	swait.ge [sflag:s29], $0x1  }
0xb5: {  	[sflag:s29] =	ssyncadd.s32 $0xFFFFFFFF  }
0xb6: {  	_ =	strace $0x90000048  }
0xb7: {  	_ =	sfence  }
0xb8: {  	s30 =	sld [smem:$0x0];
	_ =	sdelay $0x2  }
0xb9: {  	s31 =	sshll.u32 s1, $0xD;
	s1 =	sshrl.u32 s1, $0x2  }
0xba: {  	s3 =	sand.u32 $0x4000, s31;
	s1 =	sadd.s32 s1, s30  }
0xbb: {  	s0 =	sor.u32 s3, s0;
	s1 =	sshll.u32 s1, $0x11  }
0xbc: {  	s0 =	sor.u32 s1, s0  }
0xbd: {  	s0 =	sadd.s32 $0x8F2B, s0  }
0xbe: {  	[sflag:s0] =	ssyncadd.remote.s32 $0x1  }
0xbf: {  	_ =	sfence.sel $0xFFFF  }
0xc0: {  	[dreg:$0x0] =	wrdreg $0xFFFFFFFF;
	(pc) =	sbr.abs _section_cstart, $3  }
0xc1: {  	[dreg:$0x1] =	wrdreg $0xFFFFFFFF  }
0xc2: {  	_ =	task.clear_ibuf [dreg:s7], $0x2FFFF;
	_ =	strace $0x9FFFFFFF  }
0xc3: {  	(tm) =	ssettm $0x7FFFFFFF  }
tec
execute0_lowered:
.L_overlay_start_1:
0x0: {  	(tag) =	ssettag $0x1  }
0x1: {  	s0 =	rddreg [dreg:$0x0]  }
0x2: {  	s2 =	rddreg [dreg:$0x1]  }
0x3: {  	s1 =	rddreg [dreg:$0x2];
	s3 =	srdreg.scid  }
0x4: {  	s13 =	stileid.u32;
	s15 =	simm.s32 $0x800;
	s16 =	simm.s32 $0x5  }
0x5: {  	s28 =	simm.s32 $0x500;
	s29 =	simm.s32 $0x200;
	s30 =	simm.s32 $0x580  }
0x6: {  	s31 =	simm.s32 $0x280;
	s11 =	simm.s32 $0x680;
	s7 =	smul.u32 $0x13C00, s13  }
0x7: {  	s6 =	sand.u32 $0x1, s3;
	s3 =	simm.s32 $0x0;
	s8 =	smul.u32 $0x4F000, s13  }
0x8: {  	s4 =	sadd.s32 $0xDC00, s0;
	s9 =	sadd.s32 $0x3C00, s0;
	s22 =	smul.u32 $0x980, s13  }
0x9: {  	s21 =	sshll.u32 s13, $0x7;
	s5 =	smul.u32 $0x13C000, s6;
	[smem:$0x7FF] =	sst s3  }
0xa: {  	s17 =	ssub.s32 $0x2, s6;
	p0 =	seq.s32 s6, $0x1;
	s23 =	sor.u32 $0x9800, s21  }
0xb: {  	s21 =	simm.s32 $0x3;
	s6 =	simm.s32 $0x700;
	_ =	strace $0x80000047  }
0xc: {  	s8 =	sshrl.u32 s8, $0x2;
	s10 =	sshrl.u32 s17, $0x1;
	s24 =	sadd.s32 s9, s23  }
0xd: {  	s25 =	sadd.s32 s2, s23;
	s2 =	sadd.s32 s22, s2;
	s14 =	sadd.s32 s22, s9  }
0xe: {  	s22 =	simm.s32 $0x100;
	s23 =	simm.s32 $0x2;
	[dreg:$0xa] =	wrdreg s24  }
0xf: {  	s5 =	sadd.s32 s7, s5;
	s18 =	sadd.s32 s8, s1;
	[dreg:$0xb] =	wrdreg s25  }
0x10: {  	s7 =	ssub.s32 s17, s10;
	[dreg:$0x4] =	wrdreg s2;
	s17 =	simm.s32 $0x400  }
0x11: {  	s24 =	simm.s32 $0x480;
	s25 =	simm.s32 $0x4;
	s10 =	simm.s32 $0x300  }
0x12: {  	s2 =	simm.s32 $0x380;
	s8 =	sadd.s32 $0x4000, s18;
	[dreg:$0x5] =	wrdreg s18  }
0x13: {  	s5 =	sshrl.u32 s5, $0x3;
	s19 =	sadd.s32 $0x8000, s18;
	[dreg:$0x6] =	wrdreg s8  }
0x14: {  	s20 =	sadd.s32 $0xC000, s18;
	s26 =	smax.u32 s7, $0x1;
	[dreg:$0x7] =	wrdreg s19  }
.Ltmp0:
0x15: {  	s7 =	simm.s32 $0x780;
	[dreg:$0x8] =	wrdreg s20;
	(pc) =	sbr.rel .LBB2_1-.Ltmp0, $4  }
0x16: {  	s0 =	sadd.s32 s5, s0;
	s5 =	sadd.s32 $0x10000, s18;
	[dreg:$0xd] =	wrdreg s26  }
0x17: {  	s18 =	simm.s32 $0x80;
	s19 =	simm.s32 $0x4800;
	s20 =	simm.s32 $0x1  }
0x18: {  	s26 =	simm.s32 $0x180;
	[dreg:$0x9] =	wrdreg s5;
	s0 =	sadd.s32 $0x35400, s0  }
0x19: {  	v0 =	vimm.f32 $0.0e+00;
	s5 =	simm.s32 $0x0;
	[dreg:$0xc] =	wrdreg s0;
	s0 =	simm.s32 $0x600  }
.LBB2_7:
0x1a: {  	s5 =	rddreg [dreg:$0xa]  }
0x1b: {  	[tilespmem:s3], [sflag:$0x5] =	stream.linear.gather [hbm4b:s5+s3], $0x400, $0x38;
	[tilespmem:$0x1C400] =	vst v63  }
0x1c: {  	_ =	swait.ge [sflag:s16], $0x400  }
0x1d: {  	[sflag:s16] =	ssyncset.done $0x0  }
0x1e: {  	s12 =	rddreg [dreg:$0xb];
	[sflag:s16] =	ssyncadd.s32 $0xFFFFFC00  }
0x1f: {  	[tilespmem:s17], [sflag:$0x5] =	stream.linear.gather [hbm4b:s12+s3], $0x400, $0x38;
	[tilespmem:$0x1C400] =	vst v63  }
0x20: {  	_ =	swait.ge [sflag:s16], $0x400  }
0x21: {  	[sflag:s16] =	ssyncset.done $0x0  }
0x22: {  	[sflag:s16] =	ssyncadd.s32 $0xFFFFFC00  }
0x23: {  	[tilespmem:s15], [sflag:$0x1] =	stream.indirect.gather [hbm4b:s4+s18], $0x80, s3, s18, $0xb8;
	[tilespmem:$0x1C400] =	vst v63  }
0x24: {  	_ = 	snop  }
0x25: {  	[tilespmem:s19], [sflag:$0x2] =	stream.indirect.gather [hbm4b:s4+s18], $0x80, s18, s18, $0xb8;
	[tilespmem:$0x1C400] =	vst v63  }
0x26: {  	_ =	swait.ge [sflag:s20], $0x4000  }
0x27: {  	[sflag:s20] =	ssyncset.done $0x0  }
0x28: {  	[sflag:s20] =	ssyncadd.s32 $0xFFFFC000  }
0x29: {  	[spmem:s1] =	stream.indirect.scatter.add.f32 [tilespmem:s15], [sflag:$0x3], $0x80, s17, s18, $0xb8;
	[tilespmem:$0x1C400] =	vst v63  }
0x2a: {  	_ =	swait.ge [sflag:s21], $0x4000  }
0x2b: {  	[sflag:s21] =	ssyncset.done $0x0  }
0x2c: {  	[sflag:s21] =	ssyncadd.s32 $0xFFFFC000  }
0x2d: {  	[tilespmem:s15], [sflag:$0x1] =	stream.indirect.gather [hbm4b:s4+s18], $0x80, s22, s18, $0xb8;
	[tilespmem:$0x1C400] =	vst v63  }
0x2e: {  	_ =	swait.ge [sflag:s23], $0x4000  }
0x2f: {  	[sflag:s23] =	ssyncset.done $0x0  }
0x30: {  	[sflag:s23] =	ssyncadd.s32 $0xFFFFC000  }
0x31: {  	[spmem:s1] =	stream.indirect.scatter.add.f32 [tilespmem:s19], [sflag:$0x4], $0x80, s24, s18, $0xb8;
	[tilespmem:$0x1C400] =	vst v63  }
0x32: {  	_ =	swait.ge [sflag:s25], $0x4000  }
0x33: {  	[sflag:s25] =	ssyncset.done $0x0  }
0x34: {  	[sflag:s25] =	ssyncadd.s32 $0xFFFFC000  }
0x35: {  	[tilespmem:s19], [sflag:$0x2] =	stream.indirect.gather [hbm4b:s4+s18], $0x80, s26, s18, $0xb8;
	[tilespmem:$0x1C400] =	vst v63  }
0x36: {  	_ =	swait.ge [sflag:s20], $0x4000  }
0x37: {  	[sflag:s20] =	ssyncset.done $0x0  }
0x38: {  	[sflag:s20] =	ssyncadd.s32 $0xFFFFC000  }
0x39: {  	[spmem:s1] =	stream.indirect.scatter.add.f32 [tilespmem:s15], [sflag:$0x3], $0x80, s28, s18, $0xb8;
	[tilespmem:$0x1C400] =	vst v63  }
0x3a: {  	_ =	swait.ge [sflag:s21], $0x4000  }
0x3b: {  	[sflag:s21] =	ssyncset.done $0x0  }
0x3c: {  	[sflag:s21] =	ssyncadd.s32 $0xFFFFC000  }
0x3d: {  	[tilespmem:s15], [sflag:$0x1] =	stream.indirect.gather [hbm4b:s4+s18], $0x80, s29, s18, $0xb8;
	[tilespmem:$0x1C400] =	vst v63  }
0x3e: {  	_ =	swait.ge [sflag:s23], $0x4000  }
0x3f: {  	[sflag:s23] =	ssyncset.done $0x0  }
0x40: {  	[sflag:s23] =	ssyncadd.s32 $0xFFFFC000  }
0x41: {  	[spmem:s1] =	stream.indirect.scatter.add.f32 [tilespmem:s19], [sflag:$0x4], $0x80, s30, s18, $0xb8;
	[tilespmem:$0x1C400] =	vst v63  }
0x42: {  	_ =	swait.ge [sflag:s25], $0x4000  }
0x43: {  	[sflag:s25] =	ssyncset.done $0x0  }
0x44: {  	[sflag:s25] =	ssyncadd.s32 $0xFFFFC000  }
0x45: {  	[tilespmem:s19], [sflag:$0x2] =	stream.indirect.gather [hbm4b:s4+s18], $0x80, s31, s18, $0xb8;
	[tilespmem:$0x1C400] =	vst v63  }
0x46: {  	_ =	swait.ge [sflag:s20], $0x4000  }
0x47: {  	[sflag:s20] =	ssyncset.done $0x0  }
0x48: {  	[sflag:s20] =	ssyncadd.s32 $0xFFFFC000  }
0x49: {  	[spmem:s1] =	stream.indirect.scatter.add.f32 [tilespmem:s15], [sflag:$0x3], $0x80, s0, s18, $0xb8;
	[tilespmem:$0x1C400] =	vst v63  }
0x4a: {  	_ =	swait.ge [sflag:s21], $0x4000  }
0x4b: {  	[sflag:s21] =	ssyncset.done $0x0  }
0x4c: {  	[sflag:s21] =	ssyncadd.s32 $0xFFFFC000  }
0x4d: {  	[tilespmem:s15], [sflag:$0x1] =	stream.indirect.gather [hbm4b:s4+s18], $0x80, s10, s18, $0xb8;
	[tilespmem:$0x1C400] =	vst v63  }
0x4e: {  	_ =	swait.ge [sflag:s23], $0x4000  }
0x4f: {  	[sflag:s23] =	ssyncset.done $0x0  }
0x50: {  	[sflag:s23] =	ssyncadd.s32 $0xFFFFC000  }
0x51: {  	[spmem:s1] =	stream.indirect.scatter.add.f32 [tilespmem:s19], [sflag:$0x4], $0x80, s11, s18, $0xb8;
	[tilespmem:$0x1C400] =	vst v63  }
0x52: {  	_ =	swait.ge [sflag:s25], $0x4000  }
0x53: {  	[sflag:s25] =	ssyncset.done $0x0  }
0x54: {  	[sflag:s25] =	ssyncadd.s32 $0xFFFFC000  }
0x55: {  	[tilespmem:s19], [sflag:$0x2] =	stream.indirect.gather [hbm4b:s4+s18], $0x80, s2, s18, $0xb8;
	[tilespmem:$0x1C400] =	vst v63  }
0x56: {  	_ =	swait.ge [sflag:s20], $0x4000  }
0x57: {  	[sflag:s20] =	ssyncset.done $0x0  }
0x58: {  	[sflag:s20] =	ssyncadd.s32 $0xFFFFC000  }
0x59: {  	[spmem:s1] =	stream.indirect.scatter.add.f32 [tilespmem:s15], [sflag:$0x3], $0x80, s6, s18, $0xb8;
	[tilespmem:$0x1C400] =	vst v63  }
0x5a: {  	_ =	swait.ge [sflag:s23], $0x4000  }
0x5b: {  	[sflag:s23] =	ssyncset.done $0x0  }
0x5c: {  	[sflag:s23] =	ssyncadd.s32 $0xFFFFC000  }
0x5d: {  	[spmem:s1] =	stream.indirect.scatter.add.f32 [tilespmem:s19], [sflag:$0x4], $0x80, s7, s18, $0xb8;
	[tilespmem:$0x1C400] =	vst v63  }
0x5e: {  	_ =	swait.ge [sflag:s21], $0x4000  }
0x5f: {  	[sflag:s21] =	ssyncset.done $0x0  }
0x60: {  	[sflag:s21] =	ssyncadd.s32 $0xFFFFC000  }
0x61: {  	_ =	swait.ge [sflag:s25], $0x4000  }
0x62: {  	[sflag:s25] =	ssyncset.done $0x0  }
0x63: {  	s12 =	rddreg [dreg:$0xe];
	[sflag:s25] =	ssyncadd.s32 $0xFFFFC000  }
.LBB2_8:
0x64: {  	[bflag:$0x0] =	sbarrier.arrive $0xFFFF  }
0x65: {  	s5 =	sshll.u32 s13, $0x6;
	s8 =	rddreg [dreg:$0x5]  }
0x66: {  	s5 =	sor.u32 $0x1C05, s5;
	s9 =	rddreg [dreg:$0xc];
	s8 =	sshrl.u32 s8, $0x3  }
0x67: {  	[hbm:s9], [sflag:s5] =	dma.local [spmem:s8], $0x2780  }
0x68: {  	_ =	swait.ge [sflag:s16], $0x2780  }
0x69: {  	s12 =	sadd.s32 $0x1, s12;
	s9 =	rddreg [dreg:$0xd]  }
0x6a: {  	p1 =	sne.s32 s12, s9  }
.Ltmp1:
0x6b: {  	_ = 	snop;
	(pc) =	sbr.rel @!p1 .LBB2_9-.Ltmp1, $3  }
0x6c: {  	_ =	sdelay $0x1  }
0x6d: {  	[sflag:s16] =	ssyncset.done $0x0  }
0x6e: {  	s5 =	smov.u32 s12;
	[sflag:s16] =	ssyncadd.s32 $0xFFFFD880  }
.LBB2_1:
0x6f: {  	s9 =	simm.s32 $0x0;
	s12 =	simm.s32 $0x200  }
.LBB2_2:
0x70: {  	p1 =	sne.s32 s12, $0xFE00;
	[tilespmem:s9+$0x870] =	vst v0  }
0x71: {  	[tilespmem:s9+$0x800] =	vst v0  }
0x72: {  	[tilespmem:s9+$0x810] =	vst v0  }
.Ltmp2:
0x73: {  	[tilespmem:s9+$0x820] =	vst v0;
	(pc) =	sbr.rel @p1 .LBB2_2-.Ltmp2, $4  }
0x74: {  	[tilespmem:s9+$0x830] =	vst v0  }
0x75: {  	[tilespmem:s9+$0x840] =	vst v0  }
0x76: {  	[tilespmem:s9+$0x850] =	vst v0  }
0x77: {  	[tilespmem:s9+$0x860] =	vst v0;
	s9 =	sshra.s32 s12, $0x2;
	s12 =	sadd.s32 $0x200, s12  }
0x78: {  	[tilespmem:s9+$0x870] =	vst v0  }
0x79: {  	[tilespmem:s9+$0x800] =	vst v0  }
0x7a: {  	[tilespmem:s9+$0x810] =	vst v0  }
0x7b: {  	[tilespmem:s9+$0x820] =	vst v0  }
0x7c: {  	[tilespmem:s9+$0x830] =	vst v0  }
0x7d: {  	[tilespmem:s9+$0x840] =	vst v0  }
0x7e: {  	[dreg:$0xe] =	wrdreg s5;
	[tilespmem:s9+$0x850] =	vst v0  }
0x7f: {  	[tilespmem:s9+$0x860] =	vst v0;
	s9 =	rddreg [dreg:$0x5]  }
0x80: {  	[spmem:s9] =	stream.linear.scatter [tilespmem:s15], [sflag:$0x5], $0x4000, $0x38;
	[tilespmem:$0x1C400] =	vst v63  }
0x81: {  	_ =	swait.ge [sflag:s16], $0x4000  }
0x82: {  	[sflag:s16] =	ssyncset.done $0x0  }
0x83: {  	s12 =	rddreg [dreg:$0x6];
	[sflag:s16] =	ssyncadd.s32 $0xFFFFC000  }
0x84: {  	[spmem:s12] =	stream.linear.scatter [tilespmem:s15], [sflag:$0x5], $0x4000, $0x38;
	[tilespmem:$0x1C400] =	vst v63  }
0x85: {  	_ =	swait.ge [sflag:s16], $0x4000  }
0x86: {  	[sflag:s16] =	ssyncset.done $0x0  }
0x87: {  	s8 =	rddreg [dreg:$0x7];
	[sflag:s16] =	ssyncadd.s32 $0xFFFFC000  }
0x88: {  	[spmem:s8] =	stream.linear.scatter [tilespmem:s15], [sflag:$0x5], $0x4000, $0x38;
	[tilespmem:$0x1C400] =	vst v63  }
0x89: {  	_ =	swait.ge [sflag:s16], $0x4000  }
0x8a: {  	[sflag:s16] =	ssyncset.done $0x0  }
0x8b: {  	s9 =	rddreg [dreg:$0x8];
	[sflag:s16] =	ssyncadd.s32 $0xFFFFC000  }
0x8c: {  	[spmem:s9] =	stream.linear.scatter [tilespmem:s15], [sflag:$0x5], $0x4000, $0x38;
	[tilespmem:$0x1C400] =	vst v63  }
0x8d: {  	_ =	swait.ge [sflag:s16], $0x4000  }
0x8e: {  	[sflag:s16] =	ssyncset.done $0x0  }
0x8f: {  	s12 =	rddreg [dreg:$0x9];
	[sflag:s16] =	ssyncadd.s32 $0xFFFFC000  }
0x90: {  	[spmem:s12] =	stream.linear.scatter [tilespmem:s15], [sflag:$0x5], $0x3C00, $0x38;
	[tilespmem:$0x1C400] =	vst v63  }
.Ltmp3:
0x91: {  	_ =	swait.ge [sflag:s16], $0x3C00;
	(pc) =	sbr.rel @p0 .LBB2_7-.Ltmp3, $3  }
0x92: {  	[sflag:s16] =	ssyncset.done $0x0  }
0x93: {  	[sflag:s16] =	ssyncadd.s32 $0xFFFFC400  }
0x94: {  	[bflag:$0x0] =	sbarrier.arrive $0xFFFF;
	_ =	sdelay $0x1  }
0x95: {  	s9 =	sadd.s32 $0x0, s14  }
0x96: {  	[tilespmem:s3], [sflag:$0x5] =	stream.linear.gather [hbm4b:s9+s3], $0x400, $0x38;
	[tilespmem:$0x1C400] =	vst v63  }
0x97: {  	_ =	swait.ge [sflag:s16], $0x400  }
0x98: {  	s13 =	rddreg [dreg:$0x4];
	[sflag:s16] =	ssyncset.done $0x0  }
0x99: {  	[sflag:s16] =	ssyncadd.s32 $0xFFFFFC00;
	s9 =	sadd.s32 $0x0, s13  }
0x9a: {  	[tilespmem:s17], [sflag:$0x5] =	stream.linear.gather [hbm4b:s9+s3], $0x400, $0x38;
	[tilespmem:$0x1C400] =	vst v63  }
0x9b: {  	_ =	swait.ge [sflag:s16], $0x400  }
0x9c: {  	[sflag:s16] =	ssyncset.done $0x0  }
0x9d: {  	[sflag:s16] =	ssyncadd.s32 $0xFFFFFC00  }
0x9e: {  	[tilespmem:s15], [sflag:$0x1] =	stream.indirect.gather [hbm4b:s4+s18], $0x80, s3, s18, $0xb8;
	[tilespmem:$0x1C400] =	vst v63  }
0x9f: {  	_ = 	snop  }
0xa0: {  	[tilespmem:s19], [sflag:$0x2] =	stream.indirect.gather [hbm4b:s4+s18], $0x80, s18, s18, $0xb8;
	[tilespmem:$0x1C400] =	vst v63  }
0xa1: {  	_ =	swait.ge [sflag:s20], $0x4000  }
0xa2: {  	[sflag:s20] =	ssyncset.done $0x0  }
0xa3: {  	[sflag:s20] =	ssyncadd.s32 $0xFFFFC000  }
0xa4: {  	[spmem:s1] =	stream.indirect.scatter.add.f32 [tilespmem:s15], [sflag:$0x3], $0x80, s17, s18, $0xb8;
	[tilespmem:$0x1C400] =	vst v63  }
0xa5: {  	_ =	swait.ge [sflag:s21], $0x4000  }
0xa6: {  	[sflag:s21] =	ssyncset.done $0x0  }
0xa7: {  	[sflag:s21] =	ssyncadd.s32 $0xFFFFC000  }
0xa8: {  	[tilespmem:s15], [sflag:$0x1] =	stream.indirect.gather [hbm4b:s4+s18], $0x80, s22, s18, $0xb8;
	[tilespmem:$0x1C400] =	vst v63  }
0xa9: {  	_ =	swait.ge [sflag:s23], $0x4000  }
0xaa: {  	[sflag:s23] =	ssyncset.done $0x0  }
0xab: {  	[sflag:s23] =	ssyncadd.s32 $0xFFFFC000  }
0xac: {  	[spmem:s1] =	stream.indirect.scatter.add.f32 [tilespmem:s19], [sflag:$0x4], $0x80, s24, s18, $0xb8;
	[tilespmem:$0x1C400] =	vst v63  }
0xad: {  	_ =	swait.ge [sflag:s25], $0x4000  }
0xae: {  	[sflag:s25] =	ssyncset.done $0x0  }
0xaf: {  	[sflag:s25] =	ssyncadd.s32 $0xFFFFC000  }
0xb0: {  	[tilespmem:s19], [sflag:$0x2] =	stream.indirect.gather [hbm4b:s4+s18], $0x80, s26, s18, $0xb8;
	[tilespmem:$0x1C400] =	vst v63  }
0xb1: {  	_ =	swait.ge [sflag:s20], $0x4000  }
0xb2: {  	[sflag:s20] =	ssyncset.done $0x0  }
0xb3: {  	[sflag:s20] =	ssyncadd.s32 $0xFFFFC000  }
0xb4: {  	[spmem:s1] =	stream.indirect.scatter.add.f32 [tilespmem:s15], [sflag:$0x3], $0x80, s28, s18, $0xb8;
	[tilespmem:$0x1C400] =	vst v63  }
0xb5: {  	_ =	swait.ge [sflag:s21], $0x4000  }
0xb6: {  	[sflag:s21] =	ssyncset.done $0x0  }
0xb7: {  	[sflag:s21] =	ssyncadd.s32 $0xFFFFC000  }
0xb8: {  	[tilespmem:s15], [sflag:$0x1] =	stream.indirect.gather [hbm4b:s4+s18], $0x80, s29, s18, $0xb8;
	[tilespmem:$0x1C400] =	vst v63  }
0xb9: {  	_ =	swait.ge [sflag:s23], $0x4000  }
0xba: {  	[sflag:s23] =	ssyncset.done $0x0  }
0xbb: {  	[sflag:s23] =	ssyncadd.s32 $0xFFFFC000  }
0xbc: {  	[spmem:s1] =	stream.indirect.scatter.add.f32 [tilespmem:s19], [sflag:$0x4], $0x80, s30, s18, $0xb8;
	[tilespmem:$0x1C400] =	vst v63  }
0xbd: {  	_ =	swait.ge [sflag:s25], $0x4000  }
0xbe: {  	[sflag:s25] =	ssyncset.done $0x0  }
0xbf: {  	[sflag:s25] =	ssyncadd.s32 $0xFFFFC000  }
0xc0: {  	[tilespmem:s19], [sflag:$0x2] =	stream.indirect.gather [hbm4b:s4+s18], $0x80, s31, s18, $0xb8;
	[tilespmem:$0x1C400] =	vst v63  }
0xc1: {  	_ =	swait.ge [sflag:s20], $0x4000  }
0xc2: {  	[sflag:s20] =	ssyncset.done $0x0  }
0xc3: {  	[sflag:s20] =	ssyncadd.s32 $0xFFFFC000  }
0xc4: {  	[spmem:s1] =	stream.indirect.scatter.add.f32 [tilespmem:s15], [sflag:$0x3], $0x80, s0, s18, $0xb8;
	[tilespmem:$0x1C400] =	vst v63  }
0xc5: {  	_ =	swait.ge [sflag:s21], $0x4000  }
0xc6: {  	[sflag:s21] =	ssyncset.done $0x0  }
0xc7: {  	[sflag:s21] =	ssyncadd.s32 $0xFFFFC000  }
0xc8: {  	[tilespmem:s15], [sflag:$0x1] =	stream.indirect.gather [hbm4b:s4+s18], $0x80, s10, s18, $0xb8;
	[tilespmem:$0x1C400] =	vst v63  }
0xc9: {  	_ =	swait.ge [sflag:s23], $0x4000  }
0xca: {  	[sflag:s23] =	ssyncset.done $0x0  }
0xcb: {  	[sflag:s23] =	ssyncadd.s32 $0xFFFFC000  }
0xcc: {  	[spmem:s1] =	stream.indirect.scatter.add.f32 [tilespmem:s19], [sflag:$0x4], $0x80, s11, s18, $0xb8;
	[tilespmem:$0x1C400] =	vst v63  }
0xcd: {  	_ =	swait.ge [sflag:s25], $0x4000  }
0xce: {  	[sflag:s25] =	ssyncset.done $0x0  }
0xcf: {  	[sflag:s25] =	ssyncadd.s32 $0xFFFFC000  }
0xd0: {  	[tilespmem:s19], [sflag:$0x2] =	stream.indirect.gather [hbm4b:s4+s18], $0x80, s2, s18, $0xb8;
	[tilespmem:$0x1C400] =	vst v63  }
0xd1: {  	_ =	swait.ge [sflag:s20], $0x4000  }
0xd2: {  	[sflag:s20] =	ssyncset.done $0x0  }
0xd3: {  	[sflag:s20] =	ssyncadd.s32 $0xFFFFC000  }
0xd4: {  	[spmem:s1] =	stream.indirect.scatter.add.f32 [tilespmem:s15], [sflag:$0x3], $0x80, s6, s18, $0xb8;
	[tilespmem:$0x1C400] =	vst v63  }
0xd5: {  	_ =	swait.ge [sflag:s23], $0x4000  }
0xd6: {  	[sflag:s23] =	ssyncset.done $0x0  }
0xd7: {  	[sflag:s23] =	ssyncadd.s32 $0xFFFFC000  }
0xd8: {  	[spmem:s1] =	stream.indirect.scatter.add.f32 [tilespmem:s19], [sflag:$0x4], $0x80, s7, s18, $0xb8;
	[tilespmem:$0x1C400] =	vst v63  }
0xd9: {  	_ =	swait.ge [sflag:s21], $0x4000  }
0xda: {  	[sflag:s21] =	ssyncset.done $0x0  }
0xdb: {  	[sflag:s21] =	ssyncadd.s32 $0xFFFFC000  }
0xdc: {  	_ =	swait.ge [sflag:s25], $0x4000  }
0xdd: {  	s12 =	simm.s32 $0x100;
	s9 =	simm.s32 $0x80;
	[sflag:s25] =	ssyncset.done $0x0  }
.LBB2_5:
0xde: {  	s5 =	sadd.s32 s9, s14;
	[sflag:s25] =	ssyncadd.s32 $0xFFFFC000  }
0xdf: {  	[tilespmem:s3], [sflag:$0x5] =	stream.linear.gather [hbm4b:s5+s3], $0x400, $0x38;
	[tilespmem:$0x1C400] =	vst v63  }
0xe0: {  	s8 =	smov.u32 s12;
	s13 =	sadd.s32 $0x80, s12;
	_ =	swait.ge [sflag:s16], $0x400  }
0xe1: {  	p1 =	seq.s32 s12, $0x900;
	s12 =	rddreg [dreg:$0x4];
	[sflag:s16] =	ssyncset.done $0x0  }
0xe2: {  	[sflag:s16] =	ssyncadd.s32 $0xFFFFFC00;
	s5 =	sadd.s32 s9, s12  }
0xe3: {  	[tilespmem:s17], [sflag:$0x5] =	stream.linear.gather [hbm4b:s5+s3], $0x400, $0x38;
	[tilespmem:$0x1C400] =	vst v63  }
0xe4: {  	_ =	swait.ge [sflag:s16], $0x400  }
0xe5: {  	[sflag:s16] =	ssyncset.done $0x0  }
0xe6: {  	[sflag:s16] =	ssyncadd.s32 $0xFFFFFC00  }
0xe7: {  	[tilespmem:s15], [sflag:$0x1] =	stream.indirect.gather [hbm4b:s4+s18], $0x80, s3, s18, $0xb8;
	[tilespmem:$0x1C400] =	vst v63  }
0xe8: {  	_ = 	snop  }
0xe9: {  	[tilespmem:s19], [sflag:$0x2] =	stream.indirect.gather [hbm4b:s4+s18], $0x80, s18, s18, $0xb8;
	[tilespmem:$0x1C400] =	vst v63  }
0xea: {  	_ =	swait.ge [sflag:s20], $0x4000  }
0xeb: {  	[sflag:s20] =	ssyncset.done $0x0  }
0xec: {  	[sflag:s20] =	ssyncadd.s32 $0xFFFFC000  }
0xed: {  	[spmem:s1] =	stream.indirect.scatter.add.f32 [tilespmem:s15], [sflag:$0x3], $0x80, s17, s18, $0xb8;
	[tilespmem:$0x1C400] =	vst v63  }
0xee: {  	_ =	swait.ge [sflag:s21], $0x4000  }
0xef: {  	[sflag:s21] =	ssyncset.done $0x0  }
0xf0: {  	[sflag:s21] =	ssyncadd.s32 $0xFFFFC000  }
0xf1: {  	[tilespmem:s15], [sflag:$0x1] =	stream.indirect.gather [hbm4b:s4+s18], $0x80, s22, s18, $0xb8;
	[tilespmem:$0x1C400] =	vst v63  }
0xf2: {  	_ =	swait.ge [sflag:s23], $0x4000  }
0xf3: {  	[sflag:s23] =	ssyncset.done $0x0  }
0xf4: {  	[sflag:s23] =	ssyncadd.s32 $0xFFFFC000  }
0xf5: {  	[spmem:s1] =	stream.indirect.scatter.add.f32 [tilespmem:s19], [sflag:$0x4], $0x80, s24, s18, $0xb8;
	[tilespmem:$0x1C400] =	vst v63  }
0xf6: {  	_ =	swait.ge [sflag:s25], $0x4000  }
0xf7: {  	[sflag:s25] =	ssyncset.done $0x0  }
0xf8: {  	[sflag:s25] =	ssyncadd.s32 $0xFFFFC000  }
0xf9: {  	[tilespmem:s19], [sflag:$0x2] =	stream.indirect.gather [hbm4b:s4+s18], $0x80, s26, s18, $0xb8;
	[tilespmem:$0x1C400] =	vst v63  }
0xfa: {  	_ =	swait.ge [sflag:s20], $0x4000  }
0xfb: {  	[sflag:s20] =	ssyncset.done $0x0  }
0xfc: {  	[sflag:s20] =	ssyncadd.s32 $0xFFFFC000  }
0xfd: {  	[spmem:s1] =	stream.indirect.scatter.add.f32 [tilespmem:s15], [sflag:$0x3], $0x80, s28, s18, $0xb8;
	[tilespmem:$0x1C400] =	vst v63  }
0xfe: {  	_ =	swait.ge [sflag:s21], $0x4000  }
0xff: {  	[sflag:s21] =	ssyncset.done $0x0  }
0x100: {  	[sflag:s21] =	ssyncadd.s32 $0xFFFFC000  }
0x101: {  	[tilespmem:s15], [sflag:$0x1] =	stream.indirect.gather [hbm4b:s4+s18], $0x80, s29, s18, $0xb8;
	[tilespmem:$0x1C400] =	vst v63  }
0x102: {  	_ =	swait.ge [sflag:s23], $0x4000  }
0x103: {  	[sflag:s23] =	ssyncset.done $0x0  }
0x104: {  	[sflag:s23] =	ssyncadd.s32 $0xFFFFC000  }
0x105: {  	[spmem:s1] =	stream.indirect.scatter.add.f32 [tilespmem:s19], [sflag:$0x4], $0x80, s30, s18, $0xb8;
	[tilespmem:$0x1C400] =	vst v63  }
0x106: {  	_ =	swait.ge [sflag:s25], $0x4000  }
0x107: {  	[sflag:s25] =	ssyncset.done $0x0  }
0x108: {  	[sflag:s25] =	ssyncadd.s32 $0xFFFFC000  }
0x109: {  	[tilespmem:s19], [sflag:$0x2] =	stream.indirect.gather [hbm4b:s4+s18], $0x80, s31, s18, $0xb8;
	[tilespmem:$0x1C400] =	vst v63  }
0x10a: {  	_ =	swait.ge [sflag:s20], $0x4000  }
0x10b: {  	[sflag:s20] =	ssyncset.done $0x0  }
0x10c: {  	[sflag:s20] =	ssyncadd.s32 $0xFFFFC000  }
0x10d: {  	[spmem:s1] =	stream.indirect.scatter.add.f32 [tilespmem:s15], [sflag:$0x3], $0x80, s0, s18, $0xb8;
	[tilespmem:$0x1C400] =	vst v63  }
0x10e: {  	_ =	swait.ge [sflag:s21], $0x4000  }
0x10f: {  	[sflag:s21] =	ssyncset.done $0x0  }
0x110: {  	[sflag:s21] =	ssyncadd.s32 $0xFFFFC000  }
0x111: {  	[tilespmem:s15], [sflag:$0x1] =	stream.indirect.gather [hbm4b:s4+s18], $0x80, s10, s18, $0xb8;
	[tilespmem:$0x1C400] =	vst v63  }
0x112: {  	_ =	swait.ge [sflag:s23], $0x4000  }
0x113: {  	[sflag:s23] =	ssyncset.done $0x0  }
0x114: {  	[sflag:s23] =	ssyncadd.s32 $0xFFFFC000  }
0x115: {  	[spmem:s1] =	stream.indirect.scatter.add.f32 [tilespmem:s19], [sflag:$0x4], $0x80, s11, s18, $0xb8;
	[tilespmem:$0x1C400] =	vst v63  }
0x116: {  	_ =	swait.ge [sflag:s25], $0x4000  }
0x117: {  	[sflag:s25] =	ssyncset.done $0x0  }
0x118: {  	[sflag:s25] =	ssyncadd.s32 $0xFFFFC000  }
0x119: {  	[tilespmem:s19], [sflag:$0x2] =	stream.indirect.gather [hbm4b:s4+s18], $0x80, s2, s18, $0xb8;
	[tilespmem:$0x1C400] =	vst v63  }
0x11a: {  	_ =	swait.ge [sflag:s20], $0x4000  }
0x11b: {  	[sflag:s20] =	ssyncset.done $0x0  }
0x11c: {  	[sflag:s20] =	ssyncadd.s32 $0xFFFFC000  }
0x11d: {  	[spmem:s1] =	stream.indirect.scatter.add.f32 [tilespmem:s15], [sflag:$0x3], $0x80, s6, s18, $0xb8;
	[tilespmem:$0x1C400] =	vst v63  }
0x11e: {  	_ =	swait.ge [sflag:s23], $0x4000  }
0x11f: {  	[sflag:s23] =	ssyncset.done $0x0  }
0x120: {  	[sflag:s23] =	ssyncadd.s32 $0xFFFFC000  }
0x121: {  	[spmem:s1] =	stream.indirect.scatter.add.f32 [tilespmem:s19], [sflag:$0x4], $0x80, s7, s18, $0xb8;
	[tilespmem:$0x1C400] =	vst v63  }
.Ltmp4:
0x122: {  	_ =	swait.ge [sflag:s21], $0x4000;
	(pc) =	sbr.rel @!p1 .LBB2_5-.Ltmp4, $4  }
0x123: {  	[sflag:s21] =	ssyncset.done $0x0  }
0x124: {  	[sflag:s21] =	ssyncadd.s32 $0xFFFFC000  }
0x125: {  	_ =	swait.ge [sflag:s25], $0x4000  }
0x126: {  	s9 =	smov.u32 s8;
	s12 =	smov.u32 s13;
	[sflag:s25] =	ssyncset.done $0x0  }
0x127: {  	s5 =	sadd.s32 s9, s14;
	[sflag:s25] =	ssyncadd.s32 $0xFFFFC000  }
0x128: {  	[tilespmem:s3], [sflag:$0x5] =	stream.linear.gather [hbm4b:s5+s3], $0x400, $0x38;
	[tilespmem:$0x1C400] =	vst v63  }
0x129: {  	_ =	swait.ge [sflag:s16], $0x400  }
0x12a: {  	s13 =	rddreg [dreg:$0x4];
	[sflag:s16] =	ssyncset.done $0x0  }
0x12b: {  	s5 =	sadd.s32 s9, s13;
	[sflag:s16] =	ssyncadd.s32 $0xFFFFFC00  }
0x12c: {  	[tilespmem:s17], [sflag:$0x5] =	stream.linear.gather [hbm4b:s5+s3], $0x400, $0x38;
	[tilespmem:$0x1C400] =	vst v63  }
0x12d: {  	_ =	swait.ge [sflag:s16], $0x400  }
0x12e: {  	[sflag:s16] =	ssyncset.done $0x0  }
0x12f: {  	[sflag:s16] =	ssyncadd.s32 $0xFFFFFC00  }
0x130: {  	[tilespmem:s15], [sflag:$0x1] =	stream.indirect.gather [hbm4b:s4+s18], $0x80, s3, s18, $0xb8;
	[tilespmem:$0x1C400] =	vst v63  }
0x131: {  	_ = 	snop  }
0x132: {  	[tilespmem:s19], [sflag:$0x2] =	stream.indirect.gather [hbm4b:s4+s18], $0x80, s18, s18, $0xb8;
	[tilespmem:$0x1C400] =	vst v63  }
0x133: {  	_ =	swait.ge [sflag:s20], $0x4000  }
0x134: {  	[sflag:s20] =	ssyncset.done $0x0  }
0x135: {  	[sflag:s20] =	ssyncadd.s32 $0xFFFFC000  }
0x136: {  	[spmem:s1] =	stream.indirect.scatter.add.f32 [tilespmem:s15], [sflag:$0x3], $0x80, s17, s18, $0xb8;
	[tilespmem:$0x1C400] =	vst v63  }
0x137: {  	_ =	swait.ge [sflag:s21], $0x4000  }
0x138: {  	[sflag:s21] =	ssyncset.done $0x0  }
0x139: {  	[sflag:s21] =	ssyncadd.s32 $0xFFFFC000  }
0x13a: {  	[tilespmem:s15], [sflag:$0x1] =	stream.indirect.gather [hbm4b:s4+s18], $0x80, s22, s18, $0xb8;
	[tilespmem:$0x1C400] =	vst v63  }
0x13b: {  	_ =	swait.ge [sflag:s23], $0x4000  }
0x13c: {  	[sflag:s23] =	ssyncset.done $0x0  }
0x13d: {  	[sflag:s23] =	ssyncadd.s32 $0xFFFFC000  }
0x13e: {  	[spmem:s1] =	stream.indirect.scatter.add.f32 [tilespmem:s19], [sflag:$0x4], $0x80, s24, s18, $0xb8;
	[tilespmem:$0x1C400] =	vst v63  }
0x13f: {  	_ =	swait.ge [sflag:s25], $0x4000  }
0x140: {  	[sflag:s25] =	ssyncset.done $0x0  }
0x141: {  	[sflag:s25] =	ssyncadd.s32 $0xFFFFC000  }
0x142: {  	[tilespmem:s19], [sflag:$0x2] =	stream.indirect.gather [hbm4b:s4+s18], $0x80, s26, s18, $0xb8;
	[tilespmem:$0x1C400] =	vst v63  }
0x143: {  	_ =	swait.ge [sflag:s20], $0x4000  }
0x144: {  	[sflag:s20] =	ssyncset.done $0x0  }
0x145: {  	[sflag:s20] =	ssyncadd.s32 $0xFFFFC000  }
0x146: {  	[spmem:s1] =	stream.indirect.scatter.add.f32 [tilespmem:s15], [sflag:$0x3], $0x80, s28, s18, $0xb8;
	[tilespmem:$0x1C400] =	vst v63  }
0x147: {  	_ =	swait.ge [sflag:s21], $0x4000  }
0x148: {  	[sflag:s21] =	ssyncset.done $0x0  }
0x149: {  	[sflag:s21] =	ssyncadd.s32 $0xFFFFC000  }
0x14a: {  	[tilespmem:s15], [sflag:$0x1] =	stream.indirect.gather [hbm4b:s4+s18], $0x80, s29, s18, $0xb8;
	[tilespmem:$0x1C400] =	vst v63  }
0x14b: {  	_ =	swait.ge [sflag:s23], $0x4000  }
0x14c: {  	[sflag:s23] =	ssyncset.done $0x0  }
0x14d: {  	[sflag:s23] =	ssyncadd.s32 $0xFFFFC000  }
0x14e: {  	[spmem:s1] =	stream.indirect.scatter.add.f32 [tilespmem:s19], [sflag:$0x4], $0x80, s30, s18, $0xb8;
	[tilespmem:$0x1C400] =	vst v63  }
0x14f: {  	_ =	swait.ge [sflag:s25], $0x4000  }
0x150: {  	[sflag:s25] =	ssyncset.done $0x0  }
0x151: {  	[sflag:s25] =	ssyncadd.s32 $0xFFFFC000  }
0x152: {  	[tilespmem:s19], [sflag:$0x2] =	stream.indirect.gather [hbm4b:s4+s18], $0x80, s31, s18, $0xb8;
	[tilespmem:$0x1C400] =	vst v63  }
0x153: {  	_ =	swait.ge [sflag:s20], $0x4000  }
0x154: {  	[sflag:s20] =	ssyncset.done $0x0  }
0x155: {  	[sflag:s20] =	ssyncadd.s32 $0xFFFFC000  }
0x156: {  	[spmem:s1] =	stream.indirect.scatter.add.f32 [tilespmem:s15], [sflag:$0x3], $0x80, s0, s18, $0xb8;
	[tilespmem:$0x1C400] =	vst v63  }
0x157: {  	_ =	swait.ge [sflag:s21], $0x4000  }
0x158: {  	[sflag:s21] =	ssyncset.done $0x0  }
0x159: {  	[sflag:s21] =	ssyncadd.s32 $0xFFFFC000  }
0x15a: {  	[tilespmem:s15], [sflag:$0x1] =	stream.indirect.gather [hbm4b:s4+s18], $0x80, s10, s18, $0xb8;
	[tilespmem:$0x1C400] =	vst v63  }
0x15b: {  	_ =	swait.ge [sflag:s23], $0x4000  }
0x15c: {  	[sflag:s23] =	ssyncset.done $0x0  }
0x15d: {  	[sflag:s23] =	ssyncadd.s32 $0xFFFFC000  }
0x15e: {  	[spmem:s1] =	stream.indirect.scatter.add.f32 [tilespmem:s19], [sflag:$0x4], $0x80, s11, s18, $0xb8;
	[tilespmem:$0x1C400] =	vst v63  }
0x15f: {  	_ =	swait.ge [sflag:s25], $0x4000  }
0x160: {  	[sflag:s25] =	ssyncset.done $0x0  }
0x161: {  	[sflag:s25] =	ssyncadd.s32 $0xFFFFC000  }
0x162: {  	[tilespmem:s19], [sflag:$0x2] =	stream.indirect.gather [hbm4b:s4+s18], $0x80, s2, s18, $0xb8;
	[tilespmem:$0x1C400] =	vst v63  }
0x163: {  	_ =	swait.ge [sflag:s20], $0x4000  }
0x164: {  	[sflag:s20] =	ssyncset.done $0x0  }
0x165: {  	[sflag:s20] =	ssyncadd.s32 $0xFFFFC000  }
0x166: {  	[spmem:s1] =	stream.indirect.scatter.add.f32 [tilespmem:s15], [sflag:$0x3], $0x80, s6, s18, $0xb8;
	[tilespmem:$0x1C400] =	vst v63  }
0x167: {  	_ =	swait.ge [sflag:s23], $0x4000  }
0x168: {  	[sflag:s23] =	ssyncset.done $0x0  }
0x169: {  	[sflag:s23] =	ssyncadd.s32 $0xFFFFC000  }
0x16a: {  	[spmem:s1] =	stream.indirect.scatter.add.f32 [tilespmem:s19], [sflag:$0x4], $0x80, s7, s18, $0xb8;
	[tilespmem:$0x1C400] =	vst v63  }
0x16b: {  	_ =	swait.ge [sflag:s21], $0x4000  }
.Ltmp5:
0x16c: {  	[sflag:s21] =	ssyncset.done $0x0;
	(pc) =	sbr.rel .LBB2_8-.Ltmp5, $4  }
0x16d: {  	[sflag:s21] =	ssyncadd.s32 $0xFFFFC000  }
0x16e: {  	_ =	swait.ge [sflag:s25], $0x4000  }
0x16f: {  	[sflag:s25] =	ssyncset.done $0x0  }
0x170: {  	s13 =	stileid.u32;
	s12 =	rddreg [dreg:$0xe];
	[sflag:s25] =	ssyncadd.s32 $0xFFFFC000  }
.LBB2_9:
0x171: {  	_ =	sfence.sel $0x180000  }
0x172: {  	[bflag:$0x0] =	sbarrier.arrive $0xFFFF  }
0x173: {  	_ =	strace $0x90000047  }
0x174: {  	[bflag:$0x2] =	sbarrier.arrive $0xFFFF  }
0x175: {  	p0 =	sne.s32 s13, $0x0;
	s0 =	rddreg [dreg:$0x3]  }
0x176: {  	s0 =	sadd.s32 @!p0 $0x100000, s0  }
0x177: {  	[sflag:s0] =	ssyncadd.tile.s32 @!p0 $0x1;
	_ =	shalt  }
.Lfunc_end2:
_tile_overlayer_lowered:
.L_overlay_start_2:
0x178: {  	(tag) =	ssettag $0x2  }
0x179: {  	s0 =	rddreg [dreg:$0x0];
	s2 =	stileid.u32  }
0x17a: {  	s1 =	rddreg [dreg:$0x1];
	p0 =	sne.s32 s2, $0x0  }
0x17b: {  	s3 =	rddreg [dreg:$0x2];
	[bflag:$0x3] =	sbarrier.arrive $0xFFFF;
	s2 =	simm.s32 @!p0 $0x1C05  }
0x17c: {  	[timem:s3], [sflag:s2] =	dma.local @!p0 [hbm:s0], s1  }
0x17d: {  	s0 =	simm.s32 @!p0 $0x5  }
0x17e: {  	_ =	swait.ge @!p0 [sflag:s0], s1  }
0x17f: {  	s1 =	ssub.s32 @!p0 $0x0, s1;
	[sflag:s0] =	ssyncset.done @!p0 $0x0  }
0x180: {  	[sflag:s0] =	ssyncadd.s32 @!p0 s1  }
0x181: {  	[bflag:$0x3] =	sbarrier.arrive $0xFFFF  }
0x182: {  	_ =	shalt  }

// kernel: kernel.15.cloned.1.call-start
scs
__scs_entry_jumppad:
0x0: {  	(pc) =	sbr.rel $0x88, $3  }
0x1: {  	(tag) =	ssettag $0x0;
	lr =	simm.s32 $0x1  }
0x2: {  	[smem:$0x3F96] =	sst lr;
	_ =	strace $0xD0000000  }
0x3: {  	_ = 	snop  }
0x4: {  	_ = 	snop  }
0x5: {  	_ = 	snop  }
0x6: {  	_ = 	snop  }
0x7: {  	_ = 	snop  }
__scs_overlays_trampoline_lowered:
0x8: {  	[smem:$0x3FA5] =	sst s0  }
0x9: {  	[smem:$0x3FA6] =	sst s1  }
0xa: {  	[smem:$0x3FA7] =	sst s2  }
0xb: {  	[smem:$0x3FA8] =	sst s3  }
0xc: {  	[smem:$0x3FA9] =	sst s4  }
0xd: {  	[smem:$0x3FAA] =	sst s5  }
0xe: {  	[smem:$0x3FAB] =	sst s6  }
0xf: {  	[smem:$0x3FAC] =	sst s7  }
0x10: {  	[smem:$0x3FAD] =	sst s8  }
0x11: {  	[smem:$0x3FAE] =	sst s9;
	s0 =	simm.s32 @!p0 $0x0  }
0x12: {  	s1 =	sld [smem:$0x3F94];
	s0 =	simm.s32 @p0 $0x1  }
0x13: {  	[smem:$0x3FAF] =	sst s0;
	s0 =	simm.s32 @!p1 $0x0  }
0x14: {  	s2 =	sld [smem:$0x3F93];
	s0 =	simm.s32 @p1 $0x1  }
0x15: {  	[smem:$0x3FB0] =	sst s0;
	s0 =	simm.s32 @!p2 $0x0  }
0x16: {  	s3 =	sld [smem:$0x3FDB];
	s0 =	simm.s32 @p2 $0x1  }
0x17: {  	s4 =	simm.s32 $0x1BF5;
	[smem:$0x3FB2] =	sst s0  }
0x18: {  	s0 =	sld [smem:$0x3F95];
	_ =	swait.ge [sflag:s4], $0x0  }
0x19: {  	s7 =	sld [smem:$0x3F96]  }
0x1a: {  	s8 =	sadd.s32 $0xFFFFE003, lr  }
0x1b: {  	s9 =	sadd.s32 $0xFFFFFEF7, lr;
	s5 =	simm.s32 $0xFFFFFFFF;
	p2 =	slt.u32 s8, $0xFFFFF086  }
0x1c: {  	p1 =	slt.u32 s9, $0xF7A;
	s5 =	simm.s32 @!p2 $0x0  }
0x1d: {  	s5 =	simm.s32 @p1 $0x1;
	p0 =	seq.s32 s7, s2  }
0x1e: {  	s7 =	smul.u32 @!p0 $0xF7A, s2;
	p2 =	seq.s32 @!p0 s5, $0x0  }
0x1f: {  	s9 =	smul.u32 $0xF7A, s1;
	s8 =	simm.s32 @!p0 $0x1BF5;
	p2 =	por !p2, p0  }
0x20: {  	[sflag:s8] =	ssyncset.s32 @!p0 $0xFFFFF086;
	s6 =	sadd.s32 @!p0 s3, s7;
	s7 =	simm.s32 @!p0 $0x108  }
0x21: {  	s3 =	sadd.s32 s3, s9;
	s6 =	sadd.s32 @!p0 $0x88, s6;
	s7 =	simm.s32 @p2 $0x1082  }
0x22: {  	[simem:s7], [sflag:s8] =	dma.local @!p0 [hbm:s6], $0xF7A  }
0x23: {  	s9 =	sor.u32 $0xD0000000, s2;
	s6 =	simm.s32 $0x108;
	_ =	swait.ge @!p0 [sflag:s8], $0x0  }
0x24: {  	s3 =	sadd.s32 $0x88, s3;
	s6 =	simm.s32 @!p1 $0x1082;
	[sflag:s4] =	ssyncset.s32 $0xFFFFF086  }
0x25: {  	[simem:s6], [sflag:s4] =	dma.local [hbm:s3], $0xF7A  }
0x26: {  	[smem:$0x3F96] =	sst s1;
	(tag) =	ssettag s2;
	_ =	strace s9  }
0x27: {  	s1 =	sld [smem:$0x3FA6]  }
0x28: {  	s2 =	sld [smem:$0x3FA7]  }
0x29: {  	s4 =	sld [smem:$0x3FA9]  }
0x2a: {  	p0 =	seq.s32 s5, $0x0;
	s5 =	sld [smem:$0x3FAA]  }
0x2b: {  	s6 =	sld [smem:$0x3FAB]  }
0x2c: {  	s7 =	sld [smem:$0x3FAC]  }
0x2d: {  	s3 =	simm.s32 $0x108;
	s8 =	sld [smem:$0x3FAD]  }
0x2e: {  	s3 =	simm.s32 @!p0 $0x1082;
	s9 =	sld [smem:$0x3FAE]  }
0x2f: {  	lr =	sadd.s32 s0, s3;
	s0 =	sld [smem:$0x3FA5]  }
0x30: {  	s3 =	sld [smem:$0x3FA8]  }
0x31: {  	[smem:$0x3FB1] =	sst s10  }
0x32: {  	s10 =	sld [smem:$0x3FAF];
	_ =	sdelay $0x3  }
0x33: {  	p0 =	seq.s32 s10, $0x1;
	s10 =	sld [smem:$0x3FB1];
	_ =	sdelay $0x3  }
0x34: {  	[smem:$0x3FB1] =	sst s10  }
0x35: {  	s10 =	sld [smem:$0x3FB0];
	_ =	sdelay $0x3  }
0x36: {  	p1 =	seq.s32 s10, $0x1;
	s10 =	sld [smem:$0x3FB1];
	_ =	sdelay $0x3  }
0x37: {  	[smem:$0x3FB1] =	sst s10  }
0x38: {  	s10 =	sld [smem:$0x3FB2]  }
0x39: {  	_ = 	snop;
	(pc) =	sbr.ind lr, $3  }
0x3a: {  	_ = 	snop  }
0x3b: {  	_ = 	snop  }
0x3c: {  	p2 =	seq.s32 s10, $0x1;
	s10 =	sld [smem:$0x3FB1]  }
0x3d: {  	_ =	shalt  }
0x3e: {  	_ =	shalt  }
0x3f: {  	_ =	shalt  }
0x40: {  	_ =	shalt  }
0x41: {  	_ =	shalt  }
0x42: {  	_ =	shalt  }
0x43: {  	_ =	shalt  }
0x44: {  	_ =	shalt  }
0x45: {  	_ =	shalt  }
0x46: {  	_ =	shalt  }
0x47: {  	_ =	shalt  }
0x48: {  	_ =	shalt  }
0x49: {  	_ =	shalt  }
0x4a: {  	_ =	shalt  }
0x4b: {  	_ =	shalt  }
0x4c: {  	_ =	shalt  }
0x4d: {  	_ =	shalt  }
0x4e: {  	_ =	shalt  }
0x4f: {  	_ =	shalt  }
0x50: {  	_ =	shalt  }
0x51: {  	_ =	shalt  }
0x52: {  	_ =	shalt  }
0x53: {  	_ =	shalt  }
0x54: {  	_ =	shalt  }
0x55: {  	_ =	shalt  }
0x56: {  	_ =	shalt  }
0x57: {  	_ =	shalt  }
0x58: {  	_ =	shalt  }
0x59: {  	_ =	shalt  }
0x5a: {  	_ =	shalt  }
0x5b: {  	_ =	shalt  }
0x5c: {  	_ =	shalt  }
0x5d: {  	_ =	shalt  }
0x5e: {  	_ =	shalt  }
0x5f: {  	_ =	shalt  }
0x60: {  	_ =	shalt  }
0x61: {  	_ =	shalt  }
0x62: {  	_ =	shalt  }
0x63: {  	_ =	shalt  }
0x64: {  	_ =	shalt  }
0x65: {  	_ =	shalt  }
0x66: {  	_ =	shalt  }
0x67: {  	_ =	shalt  }
0x68: {  	_ =	shalt  }
0x69: {  	_ =	shalt  }
0x6a: {  	_ =	shalt  }
0x6b: {  	_ =	shalt  }
0x6c: {  	_ =	shalt  }
0x6d: {  	_ =	shalt  }
0x6e: {  	_ =	shalt  }
0x6f: {  	_ =	shalt  }
0x70: {  	_ =	shalt  }
0x71: {  	_ =	shalt  }
0x72: {  	_ =	shalt  }
0x73: {  	_ =	shalt  }
0x74: {  	_ =	shalt  }
0x75: {  	_ =	shalt  }
0x76: {  	_ =	shalt  }
0x77: {  	_ =	shalt  }
0x78: {  	_ =	shalt  }
0x79: {  	_ =	shalt  }
0x7a: {  	_ =	shalt  }
0x7b: {  	_ =	shalt  }
0x7c: {  	_ =	shalt  }
0x7d: {  	_ =	shalt  }
0x7e: {  	_ =	shalt  }
0x7f: {  	_ =	shalt  }
0x80: {  	_ =	shalt  }
0x81: {  	_ =	shalt  }
0x82: {  	_ =	shalt  }
0x83: {  	_ =	shalt  }
0x84: {  	_ =	shalt  }
0x85: {  	_ =	shalt  }
0x86: {  	_ =	shalt  }
0x87: {  	_ =	shalt  }
.Lfunc_end0:
.L_simem_size_0:
called_computation.2_lowered:
.L_overlay_start_0:
0x88: {  	s2 =	sld [smem:$0x3FD9]  }
0x89: {  	s3 =	sld [smem:$0x3FFE];
	_ =	sdelay $0x1  }
0x8a: {  	s1 =	srdreg.scid  }
0x8b: {  	s0 =	sand.u32 $0x1, s1  }
0x8c: {  	s17 =	sshll.u32 s0, $0xA;
	s2 =	sadd.s32 s3, s2  }
0x8d: {  	s2 =	sadd.s32 s2, s17  }
0x8e: {  	[smem:$0x3FBD] =	sst s2  }
0x8f: {  	_ = 	snop  }
0x90: {  	s2 =	sld [smem:$0x3FD0];
	(tm) =	ssettm $0x1  }
0x91: {  	s18 =	sld [smem:$0x3FFB];
	_ =	sdelay $0x3  }
0x92: {  	_ =	strace s18  }
0x93: {  	s3 =	sld [smem:$0x3FFC];
	_ =	sdelay $0x3  }
0x94: {  	_ =	strace s3  }
0x95: {  	s3 =	sld [smem:$0x3FFD];
	_ =	sdelay $0x3  }
0x96: {  	_ =	strace s3  }
0x97: {  	_ =	strace $0x8FFFFFFF  }
0x98: {  	s19 =	sld [smem:$0x3FDB];
	_ =	sdelay $0x1  }
0x99: {  	s4 =	simm.s32 $_scs_section_size  }
0x9a: {  	s5 =	simm.s32 $_size__tile_overlayer_lowered;
	s6 =	simm.s32 $_tile_overlayer_lowered  }
0x9b: {  	s22 =	simm.s32 $0x1BFF;
	s21 =	sshll.u32 s6, $0x1;
	s3 =	sadd.s32 s4, s19  }
0x9c: {  	s7 =	simm.s32 $0x0;
	s20 =	sshll.u32 s5, $0x1;
	s5 =	sadd.s32 s21, s3  }
0x9d: {  	[timem:s7], [sflag:s22] =	dma.local [hbm:s5], s20  }
0x9e: {  	_ =	swait.ge [sflag:s22], s20  }
0x9f: {  	s4 =	ssub.s32 $0x0, s20;
	[sflag:s22] =	ssyncset.done $0x0  }
0xa0: {  	[sflag:s22] =	ssyncadd.s32 s4;
	_ =	sdelay $0x1  }
0xa1: {  	s23 =	simm.s32 $0x1B8B  }
0xa2: {  	_ =	swait.ge [sflag:s23], $0x1  }
0xa3: {  	[sflag:s23] =	ssyncset.done $0x0  }
0xa4: {  	s25 =	simm.s32 $0x1B8E;
	s24 =	sld [smem:$0x3FFE];
	[sflag:s23] =	ssyncadd.s32 $0xFFFFFFFF  }
0xa5: {  	s26 =	simm.s32 $execute0_lowered;
	[smem:$0x3FD2] =	sst s25  }
0xa6: {  	s5 =	sshll.u32 s26, $0x1;
	_ =	strace $0x8000004C;
	[dreg:$0x1] =	wrdreg $0xFFFFFFFF  }
0xa7: {  	s28 =	simm.s32 $_size_execute0_lowered;
	s3 =	sadd.s32 s3, s5;
	[dreg:$0x0] =	wrdreg $0x0  }
0xa8: {  	s5 =	sshll.u32 s28, $0x1;
	[dreg:$0x2] =	wrdreg s3  }
0xa9: {  	[dreg:$0x3] =	wrdreg s5  }
0xaa: {  	[dreg:$0x4] =	wrdreg $0xC0  }
0xab: {  	_ =	task [dreg:s7], $0x5FFFF  }
0xac: {  	[dreg:$0x1] =	wrdreg $0xFFFFFFFF  }
0xad: {  	[dreg:$0x0] =	wrdreg $0x60  }
0xae: {  	[dreg:$0x2] =	wrdreg s24  }
0xaf: {  	[dreg:$0x3] =	wrdreg s2  }
0xb0: {  	[dreg:$0x4] =	wrdreg $0x88000  }
0xb1: {  	[dreg:$0x5] =	wrdreg $0x9  }
0xb2: {  	_ =	task.clear_ibuf [dreg:s7], $0x6FFFF;
	_ =	strace $0x9000004C  }
0xb3: {  	s29 =	simm.s32 $0x9;
	_ =	strace $0x8000004E  }
0xb4: {  	_ =	swait.ge [sflag:s29], $0x1  }
0xb5: {  	[sflag:s29] =	ssyncadd.s32 $0xFFFFFFFF  }
0xb6: {  	_ =	strace $0x9000004E  }
0xb7: {  	_ =	sfence  }
0xb8: {  	s30 =	sld [smem:$0x0];
	_ =	sdelay $0x2  }
0xb9: {  	s31 =	sshll.u32 s1, $0xD;
	s1 =	sshrl.u32 s1, $0x2  }
0xba: {  	s3 =	sand.u32 $0x4000, s31;
	s1 =	sadd.s32 s1, s30  }
0xbb: {  	s0 =	sor.u32 s3, s0;
	s1 =	sshll.u32 s1, $0x11  }
0xbc: {  	s0 =	sor.u32 s1, s0  }
0xbd: {  	s0 =	sadd.s32 $0x8F2B, s0  }
0xbe: {  	[sflag:s0] =	ssyncadd.remote.s32 $0x1  }
0xbf: {  	_ =	sfence.sel $0xFFFF  }
0xc0: {  	[dreg:$0x0] =	wrdreg $0xFFFFFFFF;
	(pc) =	sbr.abs _section_cstart, $3  }
0xc1: {  	[dreg:$0x1] =	wrdreg $0xFFFFFFFF  }
0xc2: {  	_ =	task.clear_ibuf [dreg:s7], $0x2FFFF;
	_ =	strace $0x9FFFFFFF  }
0xc3: {  	(tm) =	ssettm $0x7FFFFFFF  }
tec
execute0_lowered:
.L_overlay_start_1:
0x0: {  	(tag) =	ssettag $0x1  }
0x1: {  	s0 =	rddreg [dreg:$0x0]  }
0x2: {  	s2 =	rddreg [dreg:$0x1]  }
0x3: {  	s1 =	rddreg [dreg:$0x2];
	s3 =	srdreg.scid  }
0x4: {  	s13 =	stileid.u32;
	s15 =	simm.s32 $0x800;
	s16 =	simm.s32 $0x5  }
0x5: {  	s28 =	simm.s32 $0x500;
	s29 =	simm.s32 $0x200;
	s30 =	simm.s32 $0x580  }
0x6: {  	s31 =	simm.s32 $0x280;
	s11 =	simm.s32 $0x680;
	s7 =	smul.u32 $0x13C00, s13  }
0x7: {  	s6 =	sand.u32 $0x1, s3;
	s3 =	simm.s32 $0x0;
	s8 =	smul.u32 $0x4F000, s13  }
0x8: {  	s4 =	sadd.s32 $0xDC00, s0;
	s9 =	sadd.s32 $0x3C00, s0;
	s22 =	smul.u32 $0x980, s13  }
0x9: {  	s21 =	sshll.u32 s13, $0x7;
	s5 =	smul.u32 $0x13C000, s6;
	[smem:$0x7FF] =	sst s3  }
0xa: {  	s17 =	ssub.s32 $0x2, s6;
	p0 =	seq.s32 s6, $0x1;
	s23 =	sor.u32 $0x9800, s21  }
0xb: {  	s21 =	simm.s32 $0x3;
	s6 =	simm.s32 $0x700;
	_ =	strace $0x8000004D  }
0xc: {  	s8 =	sshrl.u32 s8, $0x2;
	s10 =	sshrl.u32 s17, $0x1;
	s24 =	sadd.s32 s9, s23  }
0xd: {  	s25 =	sadd.s32 s2, s23;
	s2 =	sadd.s32 s22, s2;
	s14 =	sadd.s32 s22, s9  }
0xe: {  	s22 =	simm.s32 $0x100;
	s23 =	simm.s32 $0x2;
	[dreg:$0xa] =	wrdreg s24  }
0xf: {  	s5 =	sadd.s32 s7, s5;
	s18 =	sadd.s32 s8, s1;
	[dreg:$0xb] =	wrdreg s25  }
0x10: {  	s7 =	ssub.s32 s17, s10;
	[dreg:$0x4] =	wrdreg s2;
	s17 =	simm.s32 $0x400  }
0x11: {  	s24 =	simm.s32 $0x480;
	s25 =	simm.s32 $0x4;
	s10 =	simm.s32 $0x300  }
0x12: {  	s2 =	simm.s32 $0x380;
	s8 =	sadd.s32 $0x4000, s18;
	[dreg:$0x5] =	wrdreg s18  }
0x13: {  	s5 =	sshrl.u32 s5, $0x3;
	s19 =	sadd.s32 $0x8000, s18;
	[dreg:$0x6] =	wrdreg s8  }
0x14: {  	s20 =	sadd.s32 $0xC000, s18;
	s26 =	smax.u32 s7, $0x1;
	[dreg:$0x7] =	wrdreg s19  }
.Ltmp0:
0x15: {  	s7 =	simm.s32 $0x780;
	[dreg:$0x8] =	wrdreg s20;
	(pc) =	sbr.rel .LBB2_1-.Ltmp0, $4  }
0x16: {  	s0 =	sadd.s32 s5, s0;
	s5 =	sadd.s32 $0x10000, s18;
	[dreg:$0xd] =	wrdreg s26  }
0x17: {  	s18 =	simm.s32 $0x80;
	s19 =	simm.s32 $0x4800;
	s20 =	simm.s32 $0x1  }
0x18: {  	s26 =	simm.s32 $0x180;
	[dreg:$0x9] =	wrdreg s5;
	s0 =	sadd.s32 $0x84400, s0  }
0x19: {  	v0 =	vimm.f32 $0.0e+00;
	s5 =	simm.s32 $0x0;
	[dreg:$0xc] =	wrdreg s0;
	s0 =	simm.s32 $0x600  }
.LBB2_7:
0x1a: {  	s5 =	rddreg [dreg:$0xa]  }
0x1b: {  	[tilespmem:s3], [sflag:$0x5] =	stream.linear.gather [hbm4b:s5+s3], $0x400, $0x38;
	[tilespmem:$0x1C400] =	vst v63  }
0x1c: {  	_ =	swait.ge [sflag:s16], $0x400  }
0x1d: {  	[sflag:s16] =	ssyncset.done $0x0  }
0x1e: {  	s12 =	rddreg [dreg:$0xb];
	[sflag:s16] =	ssyncadd.s32 $0xFFFFFC00  }
0x1f: {  	[tilespmem:s17], [sflag:$0x5] =	stream.linear.gather [hbm4b:s12+s3], $0x400, $0x38;
	[tilespmem:$0x1C400] =	vst v63  }
0x20: {  	_ =	swait.ge [sflag:s16], $0x400  }
0x21: {  	[sflag:s16] =	ssyncset.done $0x0  }
0x22: {  	[sflag:s16] =	ssyncadd.s32 $0xFFFFFC00  }
0x23: {  	[tilespmem:s15], [sflag:$0x1] =	stream.indirect.gather [hbm4b:s4+s18], $0x80, s3, s18, $0xb8;
	[tilespmem:$0x1C400] =	vst v63  }
0x24: {  	_ = 	snop  }
0x25: {  	[tilespmem:s19], [sflag:$0x2] =	stream.indirect.gather [hbm4b:s4+s18], $0x80, s18, s18, $0xb8;
	[tilespmem:$0x1C400] =	vst v63  }
0x26: {  	_ =	swait.ge [sflag:s20], $0x4000  }
0x27: {  	[sflag:s20] =	ssyncset.done $0x0  }
0x28: {  	[sflag:s20] =	ssyncadd.s32 $0xFFFFC000  }
0x29: {  	[spmem:s1] =	stream.indirect.scatter.add.f32 [tilespmem:s15], [sflag:$0x3], $0x80, s17, s18, $0xb8;
	[tilespmem:$0x1C400] =	vst v63  }
0x2a: {  	_ =	swait.ge [sflag:s21], $0x4000  }
0x2b: {  	[sflag:s21] =	ssyncset.done $0x0  }
0x2c: {  	[sflag:s21] =	ssyncadd.s32 $0xFFFFC000  }
0x2d: {  	[tilespmem:s15], [sflag:$0x1] =	stream.indirect.gather [hbm4b:s4+s18], $0x80, s22, s18, $0xb8;
	[tilespmem:$0x1C400] =	vst v63  }
0x2e: {  	_ =	swait.ge [sflag:s23], $0x4000  }
0x2f: {  	[sflag:s23] =	ssyncset.done $0x0  }
0x30: {  	[sflag:s23] =	ssyncadd.s32 $0xFFFFC000  }
0x31: {  	[spmem:s1] =	stream.indirect.scatter.add.f32 [tilespmem:s19], [sflag:$0x4], $0x80, s24, s18, $0xb8;
	[tilespmem:$0x1C400] =	vst v63  }
0x32: {  	_ =	swait.ge [sflag:s25], $0x4000  }
0x33: {  	[sflag:s25] =	ssyncset.done $0x0  }
0x34: {  	[sflag:s25] =	ssyncadd.s32 $0xFFFFC000  }
0x35: {  	[tilespmem:s19], [sflag:$0x2] =	stream.indirect.gather [hbm4b:s4+s18], $0x80, s26, s18, $0xb8;
	[tilespmem:$0x1C400] =	vst v63  }
0x36: {  	_ =	swait.ge [sflag:s20], $0x4000  }
0x37: {  	[sflag:s20] =	ssyncset.done $0x0  }
0x38: {  	[sflag:s20] =	ssyncadd.s32 $0xFFFFC000  }
0x39: {  	[spmem:s1] =	stream.indirect.scatter.add.f32 [tilespmem:s15], [sflag:$0x3], $0x80, s28, s18, $0xb8;
	[tilespmem:$0x1C400] =	vst v63  }
0x3a: {  	_ =	swait.ge [sflag:s21], $0x4000  }
0x3b: {  	[sflag:s21] =	ssyncset.done $0x0  }
0x3c: {  	[sflag:s21] =	ssyncadd.s32 $0xFFFFC000  }
0x3d: {  	[tilespmem:s15], [sflag:$0x1] =	stream.indirect.gather [hbm4b:s4+s18], $0x80, s29, s18, $0xb8;
	[tilespmem:$0x1C400] =	vst v63  }
0x3e: {  	_ =	swait.ge [sflag:s23], $0x4000  }
0x3f: {  	[sflag:s23] =	ssyncset.done $0x0  }
0x40: {  	[sflag:s23] =	ssyncadd.s32 $0xFFFFC000  }
0x41: {  	[spmem:s1] =	stream.indirect.scatter.add.f32 [tilespmem:s19], [sflag:$0x4], $0x80, s30, s18, $0xb8;
	[tilespmem:$0x1C400] =	vst v63  }
0x42: {  	_ =	swait.ge [sflag:s25], $0x4000  }
0x43: {  	[sflag:s25] =	ssyncset.done $0x0  }
0x44: {  	[sflag:s25] =	ssyncadd.s32 $0xFFFFC000  }
0x45: {  	[tilespmem:s19], [sflag:$0x2] =	stream.indirect.gather [hbm4b:s4+s18], $0x80, s31, s18, $0xb8;
	[tilespmem:$0x1C400] =	vst v63  }
0x46: {  	_ =	swait.ge [sflag:s20], $0x4000  }
0x47: {  	[sflag:s20] =	ssyncset.done $0x0  }
0x48: {  	[sflag:s20] =	ssyncadd.s32 $0xFFFFC000  }
0x49: {  	[spmem:s1] =	stream.indirect.scatter.add.f32 [tilespmem:s15], [sflag:$0x3], $0x80, s0, s18, $0xb8;
	[tilespmem:$0x1C400] =	vst v63  }
0x4a: {  	_ =	swait.ge [sflag:s21], $0x4000  }
0x4b: {  	[sflag:s21] =	ssyncset.done $0x0  }
0x4c: {  	[sflag:s21] =	ssyncadd.s32 $0xFFFFC000  }
0x4d: {  	[tilespmem:s15], [sflag:$0x1] =	stream.indirect.gather [hbm4b:s4+s18], $0x80, s10, s18, $0xb8;
	[tilespmem:$0x1C400] =	vst v63  }
0x4e: {  	_ =	swait.ge [sflag:s23], $0x4000  }
0x4f: {  	[sflag:s23] =	ssyncset.done $0x0  }
0x50: {  	[sflag:s23] =	ssyncadd.s32 $0xFFFFC000  }
0x51: {  	[spmem:s1] =	stream.indirect.scatter.add.f32 [tilespmem:s19], [sflag:$0x4], $0x80, s11, s18, $0xb8;
	[tilespmem:$0x1C400] =	vst v63  }
0x52: {  	_ =	swait.ge [sflag:s25], $0x4000  }
0x53: {  	[sflag:s25] =	ssyncset.done $0x0  }
0x54: {  	[sflag:s25] =	ssyncadd.s32 $0xFFFFC000  }
0x55: {  	[tilespmem:s19], [sflag:$0x2] =	stream.indirect.gather [hbm4b:s4+s18], $0x80, s2, s18, $0xb8;
	[tilespmem:$0x1C400] =	vst v63  }
0x56: {  	_ =	swait.ge [sflag:s20], $0x4000  }
0x57: {  	[sflag:s20] =	ssyncset.done $0x0  }
0x58: {  	[sflag:s20] =	ssyncadd.s32 $0xFFFFC000  }
0x59: {  	[spmem:s1] =	stream.indirect.scatter.add.f32 [tilespmem:s15], [sflag:$0x3], $0x80, s6, s18, $0xb8;
	[tilespmem:$0x1C400] =	vst v63  }
0x5a: {  	_ =	swait.ge [sflag:s23], $0x4000  }
0x5b: {  	[sflag:s23] =	ssyncset.done $0x0  }
0x5c: {  	[sflag:s23] =	ssyncadd.s32 $0xFFFFC000  }
0x5d: {  	[spmem:s1] =	stream.indirect.scatter.add.f32 [tilespmem:s19], [sflag:$0x4], $0x80, s7, s18, $0xb8;
	[tilespmem:$0x1C400] =	vst v63  }
0x5e: {  	_ =	swait.ge [sflag:s21], $0x4000  }
0x5f: {  	[sflag:s21] =	ssyncset.done $0x0  }
0x60: {  	[sflag:s21] =	ssyncadd.s32 $0xFFFFC000  }
0x61: {  	_ =	swait.ge [sflag:s25], $0x4000  }
0x62: {  	[sflag:s25] =	ssyncset.done $0x0  }
0x63: {  	s12 =	rddreg [dreg:$0xe];
	[sflag:s25] =	ssyncadd.s32 $0xFFFFC000  }
.LBB2_8:
0x64: {  	[bflag:$0x0] =	sbarrier.arrive $0xFFFF  }
0x65: {  	s5 =	sshll.u32 s13, $0x6;
	s8 =	rddreg [dreg:$0x5]  }
0x66: {  	s5 =	sor.u32 $0x1C05, s5;
	s9 =	rddreg [dreg:$0xc];
	s8 =	sshrl.u32 s8, $0x3  }
0x67: {  	[hbm:s9], [sflag:s5] =	dma.local [spmem:s8], $0x2780  }
0x68: {  	_ =	swait.ge [sflag:s16], $0x2780  }
0x69: {  	s12 =	sadd.s32 $0x1, s12;
	s9 =	rddreg [dreg:$0xd]  }
0x6a: {  	p1 =	sne.s32 s12, s9  }
.Ltmp1:
0x6b: {  	_ = 	snop;
	(pc) =	sbr.rel @!p1 .LBB2_9-.Ltmp1, $3  }
0x6c: {  	_ =	sdelay $0x1  }
0x6d: {  	[sflag:s16] =	ssyncset.done $0x0  }
0x6e: {  	s5 =	smov.u32 s12;
	[sflag:s16] =	ssyncadd.s32 $0xFFFFD880  }
.LBB2_1:
0x6f: {  	s9 =	simm.s32 $0x0;
	s12 =	simm.s32 $0x200  }
.LBB2_2:
0x70: {  	p1 =	sne.s32 s12, $0xFE00;
	[tilespmem:s9+$0x870] =	vst v0  }
0x71: {  	[tilespmem:s9+$0x800] =	vst v0  }
0x72: {  	[tilespmem:s9+$0x810] =	vst v0  }
.Ltmp2:
0x73: {  	[tilespmem:s9+$0x820] =	vst v0;
	(pc) =	sbr.rel @p1 .LBB2_2-.Ltmp2, $4  }
0x74: {  	[tilespmem:s9+$0x830] =	vst v0  }
0x75: {  	[tilespmem:s9+$0x840] =	vst v0  }
0x76: {  	[tilespmem:s9+$0x850] =	vst v0  }
0x77: {  	[tilespmem:s9+$0x860] =	vst v0;
	s9 =	sshra.s32 s12, $0x2;
	s12 =	sadd.s32 $0x200, s12  }
0x78: {  	[tilespmem:s9+$0x870] =	vst v0  }
0x79: {  	[tilespmem:s9+$0x800] =	vst v0  }
0x7a: {  	[tilespmem:s9+$0x810] =	vst v0  }
0x7b: {  	[tilespmem:s9+$0x820] =	vst v0  }
0x7c: {  	[tilespmem:s9+$0x830] =	vst v0  }
0x7d: {  	[tilespmem:s9+$0x840] =	vst v0  }
0x7e: {  	[dreg:$0xe] =	wrdreg s5;
	[tilespmem:s9+$0x850] =	vst v0  }
0x7f: {  	[tilespmem:s9+$0x860] =	vst v0;
	s9 =	rddreg [dreg:$0x5]  }
0x80: {  	[spmem:s9] =	stream.linear.scatter [tilespmem:s15], [sflag:$0x5], $0x4000, $0x38;
	[tilespmem:$0x1C400] =	vst v63  }
0x81: {  	_ =	swait.ge [sflag:s16], $0x4000  }
0x82: {  	[sflag:s16] =	ssyncset.done $0x0  }
0x83: {  	s12 =	rddreg [dreg:$0x6];
	[sflag:s16] =	ssyncadd.s32 $0xFFFFC000  }
0x84: {  	[spmem:s12] =	stream.linear.scatter [tilespmem:s15], [sflag:$0x5], $0x4000, $0x38;
	[tilespmem:$0x1C400] =	vst v63  }
0x85: {  	_ =	swait.ge [sflag:s16], $0x4000  }
0x86: {  	[sflag:s16] =	ssyncset.done $0x0  }
0x87: {  	s8 =	rddreg [dreg:$0x7];
	[sflag:s16] =	ssyncadd.s32 $0xFFFFC000  }
0x88: {  	[spmem:s8] =	stream.linear.scatter [tilespmem:s15], [sflag:$0x5], $0x4000, $0x38;
	[tilespmem:$0x1C400] =	vst v63  }
0x89: {  	_ =	swait.ge [sflag:s16], $0x4000  }
0x8a: {  	[sflag:s16] =	ssyncset.done $0x0  }
0x8b: {  	s9 =	rddreg [dreg:$0x8];
	[sflag:s16] =	ssyncadd.s32 $0xFFFFC000  }
0x8c: {  	[spmem:s9] =	stream.linear.scatter [tilespmem:s15], [sflag:$0x5], $0x4000, $0x38;
	[tilespmem:$0x1C400] =	vst v63  }
0x8d: {  	_ =	swait.ge [sflag:s16], $0x4000  }
0x8e: {  	[sflag:s16] =	ssyncset.done $0x0  }
0x8f: {  	s12 =	rddreg [dreg:$0x9];
	[sflag:s16] =	ssyncadd.s32 $0xFFFFC000  }
0x90: {  	[spmem:s12] =	stream.linear.scatter [tilespmem:s15], [sflag:$0x5], $0x3C00, $0x38;
	[tilespmem:$0x1C400] =	vst v63  }
.Ltmp3:
0x91: {  	_ =	swait.ge [sflag:s16], $0x3C00;
	(pc) =	sbr.rel @p0 .LBB2_7-.Ltmp3, $3  }
0x92: {  	[sflag:s16] =	ssyncset.done $0x0  }
0x93: {  	[sflag:s16] =	ssyncadd.s32 $0xFFFFC400  }
0x94: {  	[bflag:$0x0] =	sbarrier.arrive $0xFFFF;
	_ =	sdelay $0x1  }
0x95: {  	s9 =	sadd.s32 $0x0, s14  }
0x96: {  	[tilespmem:s3], [sflag:$0x5] =	stream.linear.gather [hbm4b:s9+s3], $0x400, $0x38;
	[tilespmem:$0x1C400] =	vst v63  }
0x97: {  	_ =	swait.ge [sflag:s16], $0x400  }
0x98: {  	s13 =	rddreg [dreg:$0x4];
	[sflag:s16] =	ssyncset.done $0x0  }
0x99: {  	[sflag:s16] =	ssyncadd.s32 $0xFFFFFC00;
	s9 =	sadd.s32 $0x0, s13  }
0x9a: {  	[tilespmem:s17], [sflag:$0x5] =	stream.linear.gather [hbm4b:s9+s3], $0x400, $0x38;
	[tilespmem:$0x1C400] =	vst v63  }
0x9b: {  	_ =	swait.ge [sflag:s16], $0x400  }
0x9c: {  	[sflag:s16] =	ssyncset.done $0x0  }
0x9d: {  	[sflag:s16] =	ssyncadd.s32 $0xFFFFFC00  }
0x9e: {  	[tilespmem:s15], [sflag:$0x1] =	stream.indirect.gather [hbm4b:s4+s18], $0x80, s3, s18, $0xb8;
	[tilespmem:$0x1C400] =	vst v63  }
0x9f: {  	_ = 	snop  }
0xa0: {  	[tilespmem:s19], [sflag:$0x2] =	stream.indirect.gather [hbm4b:s4+s18], $0x80, s18, s18, $0xb8;
	[tilespmem:$0x1C400] =	vst v63  }
0xa1: {  	_ =	swait.ge [sflag:s20], $0x4000  }
0xa2: {  	[sflag:s20] =	ssyncset.done $0x0  }
0xa3: {  	[sflag:s20] =	ssyncadd.s32 $0xFFFFC000  }
0xa4: {  	[spmem:s1] =	stream.indirect.scatter.add.f32 [tilespmem:s15], [sflag:$0x3], $0x80, s17, s18, $0xb8;
	[tilespmem:$0x1C400] =	vst v63  }
0xa5: {  	_ =	swait.ge [sflag:s21], $0x4000  }
0xa6: {  	[sflag:s21] =	ssyncset.done $0x0  }
0xa7: {  	[sflag:s21] =	ssyncadd.s32 $0xFFFFC000  }
0xa8: {  	[tilespmem:s15], [sflag:$0x1] =	stream.indirect.gather [hbm4b:s4+s18], $0x80, s22, s18, $0xb8;
	[tilespmem:$0x1C400] =	vst v63  }
0xa9: {  	_ =	swait.ge [sflag:s23], $0x4000  }
0xaa: {  	[sflag:s23] =	ssyncset.done $0x0  }
0xab: {  	[sflag:s23] =	ssyncadd.s32 $0xFFFFC000  }
0xac: {  	[spmem:s1] =	stream.indirect.scatter.add.f32 [tilespmem:s19], [sflag:$0x4], $0x80, s24, s18, $0xb8;
	[tilespmem:$0x1C400] =	vst v63  }
0xad: {  	_ =	swait.ge [sflag:s25], $0x4000  }
0xae: {  	[sflag:s25] =	ssyncset.done $0x0  }
0xaf: {  	[sflag:s25] =	ssyncadd.s32 $0xFFFFC000  }
0xb0: {  	[tilespmem:s19], [sflag:$0x2] =	stream.indirect.gather [hbm4b:s4+s18], $0x80, s26, s18, $0xb8;
	[tilespmem:$0x1C400] =	vst v63  }
0xb1: {  	_ =	swait.ge [sflag:s20], $0x4000  }
0xb2: {  	[sflag:s20] =	ssyncset.done $0x0  }
0xb3: {  	[sflag:s20] =	ssyncadd.s32 $0xFFFFC000  }
0xb4: {  	[spmem:s1] =	stream.indirect.scatter.add.f32 [tilespmem:s15], [sflag:$0x3], $0x80, s28, s18, $0xb8;
	[tilespmem:$0x1C400] =	vst v63  }
0xb5: {  	_ =	swait.ge [sflag:s21], $0x4000  }
0xb6: {  	[sflag:s21] =	ssyncset.done $0x0  }
0xb7: {  	[sflag:s21] =	ssyncadd.s32 $0xFFFFC000  }
0xb8: {  	[tilespmem:s15], [sflag:$0x1] =	stream.indirect.gather [hbm4b:s4+s18], $0x80, s29, s18, $0xb8;
	[tilespmem:$0x1C400] =	vst v63  }
0xb9: {  	_ =	swait.ge [sflag:s23], $0x4000  }
0xba: {  	[sflag:s23] =	ssyncset.done $0x0  }
0xbb: {  	[sflag:s23] =	ssyncadd.s32 $0xFFFFC000  }
0xbc: {  	[spmem:s1] =	stream.indirect.scatter.add.f32 [tilespmem:s19], [sflag:$0x4], $0x80, s30, s18, $0xb8;
	[tilespmem:$0x1C400] =	vst v63  }
0xbd: {  	_ =	swait.ge [sflag:s25], $0x4000  }
0xbe: {  	[sflag:s25] =	ssyncset.done $0x0  }
0xbf: {  	[sflag:s25] =	ssyncadd.s32 $0xFFFFC000  }
0xc0: {  	[tilespmem:s19], [sflag:$0x2] =	stream.indirect.gather [hbm4b:s4+s18], $0x80, s31, s18, $0xb8;
	[tilespmem:$0x1C400] =	vst v63  }
0xc1: {  	_ =	swait.ge [sflag:s20], $0x4000  }
0xc2: {  	[sflag:s20] =	ssyncset.done $0x0  }
0xc3: {  	[sflag:s20] =	ssyncadd.s32 $0xFFFFC000  }
0xc4: {  	[spmem:s1] =	stream.indirect.scatter.add.f32 [tilespmem:s15], [sflag:$0x3], $0x80, s0, s18, $0xb8;
	[tilespmem:$0x1C400] =	vst v63  }
0xc5: {  	_ =	swait.ge [sflag:s21], $0x4000  }
0xc6: {  	[sflag:s21] =	ssyncset.done $0x0  }
0xc7: {  	[sflag:s21] =	ssyncadd.s32 $0xFFFFC000  }
0xc8: {  	[tilespmem:s15], [sflag:$0x1] =	stream.indirect.gather [hbm4b:s4+s18], $0x80, s10, s18, $0xb8;
	[tilespmem:$0x1C400] =	vst v63  }
0xc9: {  	_ =	swait.ge [sflag:s23], $0x4000  }
0xca: {  	[sflag:s23] =	ssyncset.done $0x0  }
0xcb: {  	[sflag:s23] =	ssyncadd.s32 $0xFFFFC000  }
0xcc: {  	[spmem:s1] =	stream.indirect.scatter.add.f32 [tilespmem:s19], [sflag:$0x4], $0x80, s11, s18, $0xb8;
	[tilespmem:$0x1C400] =	vst v63  }
0xcd: {  	_ =	swait.ge [sflag:s25], $0x4000  }
0xce: {  	[sflag:s25] =	ssyncset.done $0x0  }
0xcf: {  	[sflag:s25] =	ssyncadd.s32 $0xFFFFC000  }
0xd0: {  	[tilespmem:s19], [sflag:$0x2] =	stream.indirect.gather [hbm4b:s4+s18], $0x80, s2, s18, $0xb8;
	[tilespmem:$0x1C400] =	vst v63  }
0xd1: {  	_ =	swait.ge [sflag:s20], $0x4000  }
0xd2: {  	[sflag:s20] =	ssyncset.done $0x0  }
0xd3: {  	[sflag:s20] =	ssyncadd.s32 $0xFFFFC000  }
0xd4: {  	[spmem:s1] =	stream.indirect.scatter.add.f32 [tilespmem:s15], [sflag:$0x3], $0x80, s6, s18, $0xb8;
	[tilespmem:$0x1C400] =	vst v63  }
0xd5: {  	_ =	swait.ge [sflag:s23], $0x4000  }
0xd6: {  	[sflag:s23] =	ssyncset.done $0x0  }
0xd7: {  	[sflag:s23] =	ssyncadd.s32 $0xFFFFC000  }
0xd8: {  	[spmem:s1] =	stream.indirect.scatter.add.f32 [tilespmem:s19], [sflag:$0x4], $0x80, s7, s18, $0xb8;
	[tilespmem:$0x1C400] =	vst v63  }
0xd9: {  	_ =	swait.ge [sflag:s21], $0x4000  }
0xda: {  	[sflag:s21] =	ssyncset.done $0x0  }
0xdb: {  	[sflag:s21] =	ssyncadd.s32 $0xFFFFC000  }
0xdc: {  	_ =	swait.ge [sflag:s25], $0x4000  }
0xdd: {  	s12 =	simm.s32 $0x100;
	s9 =	simm.s32 $0x80;
	[sflag:s25] =	ssyncset.done $0x0  }
.LBB2_5:
0xde: {  	s5 =	sadd.s32 s9, s14;
	[sflag:s25] =	ssyncadd.s32 $0xFFFFC000  }
0xdf: {  	[tilespmem:s3], [sflag:$0x5] =	stream.linear.gather [hbm4b:s5+s3], $0x400, $0x38;
	[tilespmem:$0x1C400] =	vst v63  }
0xe0: {  	s8 =	smov.u32 s12;
	s13 =	sadd.s32 $0x80, s12;
	_ =	swait.ge [sflag:s16], $0x400  }
0xe1: {  	p1 =	seq.s32 s12, $0x900;
	s12 =	rddreg [dreg:$0x4];
	[sflag:s16] =	ssyncset.done $0x0  }
0xe2: {  	[sflag:s16] =	ssyncadd.s32 $0xFFFFFC00;
	s5 =	sadd.s32 s9, s12  }
0xe3: {  	[tilespmem:s17], [sflag:$0x5] =	stream.linear.gather [hbm4b:s5+s3], $0x400, $0x38;
	[tilespmem:$0x1C400] =	vst v63  }
0xe4: {  	_ =	swait.ge [sflag:s16], $0x400  }
0xe5: {  	[sflag:s16] =	ssyncset.done $0x0  }
0xe6: {  	[sflag:s16] =	ssyncadd.s32 $0xFFFFFC00  }
0xe7: {  	[tilespmem:s15], [sflag:$0x1] =	stream.indirect.gather [hbm4b:s4+s18], $0x80, s3, s18, $0xb8;
	[tilespmem:$0x1C400] =	vst v63  }
0xe8: {  	_ = 	snop  }
0xe9: {  	[tilespmem:s19], [sflag:$0x2] =	stream.indirect.gather [hbm4b:s4+s18], $0x80, s18, s18, $0xb8;
	[tilespmem:$0x1C400] =	vst v63  }
0xea: {  	_ =	swait.ge [sflag:s20], $0x4000  }
0xeb: {  	[sflag:s20] =	ssyncset.done $0x0  }
0xec: {  	[sflag:s20] =	ssyncadd.s32 $0xFFFFC000  }
0xed: {  	[spmem:s1] =	stream.indirect.scatter.add.f32 [tilespmem:s15], [sflag:$0x3], $0x80, s17, s18, $0xb8;
	[tilespmem:$0x1C400] =	vst v63  }
0xee: {  	_ =	swait.ge [sflag:s21], $0x4000  }
0xef: {  	[sflag:s21] =	ssyncset.done $0x0  }
0xf0: {  	[sflag:s21] =	ssyncadd.s32 $0xFFFFC000  }
0xf1: {  	[tilespmem:s15], [sflag:$0x1] =	stream.indirect.gather [hbm4b:s4+s18], $0x80, s22, s18, $0xb8;
	[tilespmem:$0x1C400] =	vst v63  }
0xf2: {  	_ =	swait.ge [sflag:s23], $0x4000  }
0xf3: {  	[sflag:s23] =	ssyncset.done $0x0  }
0xf4: {  	[sflag:s23] =	ssyncadd.s32 $0xFFFFC000  }
0xf5: {  	[spmem:s1] =	stream.indirect.scatter.add.f32 [tilespmem:s19], [sflag:$0x4], $0x80, s24, s18, $0xb8;
	[tilespmem:$0x1C400] =	vst v63  }
0xf6: {  	_ =	swait.ge [sflag:s25], $0x4000  }
0xf7: {  	[sflag:s25] =	ssyncset.done $0x0  }
0xf8: {  	[sflag:s25] =	ssyncadd.s32 $0xFFFFC000  }
0xf9: {  	[tilespmem:s19], [sflag:$0x2] =	stream.indirect.gather [hbm4b:s4+s18], $0x80, s26, s18, $0xb8;
	[tilespmem:$0x1C400] =	vst v63  }
0xfa: {  	_ =	swait.ge [sflag:s20], $0x4000  }
0xfb: {  	[sflag:s20] =	ssyncset.done $0x0  }
0xfc: {  	[sflag:s20] =	ssyncadd.s32 $0xFFFFC000  }
0xfd: {  	[spmem:s1] =	stream.indirect.scatter.add.f32 [tilespmem:s15], [sflag:$0x3], $0x80, s28, s18, $0xb8;
	[tilespmem:$0x1C400] =	vst v63  }
0xfe: {  	_ =	swait.ge [sflag:s21], $0x4000  }
0xff: {  	[sflag:s21] =	ssyncset.done $0x0  }
0x100: {  	[sflag:s21] =	ssyncadd.s32 $0xFFFFC000  }
0x101: {  	[tilespmem:s15], [sflag:$0x1] =	stream.indirect.gather [hbm4b:s4+s18], $0x80, s29, s18, $0xb8;
	[tilespmem:$0x1C400] =	vst v63  }
0x102: {  	_ =	swait.ge [sflag:s23], $0x4000  }
0x103: {  	[sflag:s23] =	ssyncset.done $0x0  }
0x104: {  	[sflag:s23] =	ssyncadd.s32 $0xFFFFC000  }
0x105: {  	[spmem:s1] =	stream.indirect.scatter.add.f32 [tilespmem:s19], [sflag:$0x4], $0x80, s30, s18, $0xb8;
	[tilespmem:$0x1C400] =	vst v63  }
0x106: {  	_ =	swait.ge [sflag:s25], $0x4000  }
0x107: {  	[sflag:s25] =	ssyncset.done $0x0  }
0x108: {  	[sflag:s25] =	ssyncadd.s32 $0xFFFFC000  }
0x109: {  	[tilespmem:s19], [sflag:$0x2] =	stream.indirect.gather [hbm4b:s4+s18], $0x80, s31, s18, $0xb8;
	[tilespmem:$0x1C400] =	vst v63  }
0x10a: {  	_ =	swait.ge [sflag:s20], $0x4000  }
0x10b: {  	[sflag:s20] =	ssyncset.done $0x0  }
0x10c: {  	[sflag:s20] =	ssyncadd.s32 $0xFFFFC000  }
0x10d: {  	[spmem:s1] =	stream.indirect.scatter.add.f32 [tilespmem:s15], [sflag:$0x3], $0x80, s0, s18, $0xb8;
	[tilespmem:$0x1C400] =	vst v63  }
0x10e: {  	_ =	swait.ge [sflag:s21], $0x4000  }
0x10f: {  	[sflag:s21] =	ssyncset.done $0x0  }
0x110: {  	[sflag:s21] =	ssyncadd.s32 $0xFFFFC000  }
0x111: {  	[tilespmem:s15], [sflag:$0x1] =	stream.indirect.gather [hbm4b:s4+s18], $0x80, s10, s18, $0xb8;
	[tilespmem:$0x1C400] =	vst v63  }
0x112: {  	_ =	swait.ge [sflag:s23], $0x4000  }
0x113: {  	[sflag:s23] =	ssyncset.done $0x0  }
0x114: {  	[sflag:s23] =	ssyncadd.s32 $0xFFFFC000  }
0x115: {  	[spmem:s1] =	stream.indirect.scatter.add.f32 [tilespmem:s19], [sflag:$0x4], $0x80, s11, s18, $0xb8;
	[tilespmem:$0x1C400] =	vst v63  }
0x116: {  	_ =	swait.ge [sflag:s25], $0x4000  }
0x117: {  	[sflag:s25] =	ssyncset.done $0x0  }
0x118: {  	[sflag:s25] =	ssyncadd.s32 $0xFFFFC000  }
0x119: {  	[tilespmem:s19], [sflag:$0x2] =	stream.indirect.gather [hbm4b:s4+s18], $0x80, s2, s18, $0xb8;
	[tilespmem:$0x1C400] =	vst v63  }
0x11a: {  	_ =	swait.ge [sflag:s20], $0x4000  }
0x11b: {  	[sflag:s20] =	ssyncset.done $0x0  }
0x11c: {  	[sflag:s20] =	ssyncadd.s32 $0xFFFFC000  }
0x11d: {  	[spmem:s1] =	stream.indirect.scatter.add.f32 [tilespmem:s15], [sflag:$0x3], $0x80, s6, s18, $0xb8;
	[tilespmem:$0x1C400] =	vst v63  }
0x11e: {  	_ =	swait.ge [sflag:s23], $0x4000  }
0x11f: {  	[sflag:s23] =	ssyncset.done $0x0  }
0x120: {  	[sflag:s23] =	ssyncadd.s32 $0xFFFFC000  }
0x121: {  	[spmem:s1] =	stream.indirect.scatter.add.f32 [tilespmem:s19], [sflag:$0x4], $0x80, s7, s18, $0xb8;
	[tilespmem:$0x1C400] =	vst v63  }
.Ltmp4:
0x122: {  	_ =	swait.ge [sflag:s21], $0x4000;
	(pc) =	sbr.rel @!p1 .LBB2_5-.Ltmp4, $4  }
0x123: {  	[sflag:s21] =	ssyncset.done $0x0  }
0x124: {  	[sflag:s21] =	ssyncadd.s32 $0xFFFFC000  }
0x125: {  	_ =	swait.ge [sflag:s25], $0x4000  }
0x126: {  	s9 =	smov.u32 s8;
	s12 =	smov.u32 s13;
	[sflag:s25] =	ssyncset.done $0x0  }
0x127: {  	s5 =	sadd.s32 s9, s14;
	[sflag:s25] =	ssyncadd.s32 $0xFFFFC000  }
0x128: {  	[tilespmem:s3], [sflag:$0x5] =	stream.linear.gather [hbm4b:s5+s3], $0x400, $0x38;
	[tilespmem:$0x1C400] =	vst v63  }
0x129: {  	_ =	swait.ge [sflag:s16], $0x400  }
0x12a: {  	s13 =	rddreg [dreg:$0x4];
	[sflag:s16] =	ssyncset.done $0x0  }
0x12b: {  	s5 =	sadd.s32 s9, s13;
	[sflag:s16] =	ssyncadd.s32 $0xFFFFFC00  }
0x12c: {  	[tilespmem:s17], [sflag:$0x5] =	stream.linear.gather [hbm4b:s5+s3], $0x400, $0x38;
	[tilespmem:$0x1C400] =	vst v63  }
0x12d: {  	_ =	swait.ge [sflag:s16], $0x400  }
0x12e: {  	[sflag:s16] =	ssyncset.done $0x0  }
0x12f: {  	[sflag:s16] =	ssyncadd.s32 $0xFFFFFC00  }
0x130: {  	[tilespmem:s15], [sflag:$0x1] =	stream.indirect.gather [hbm4b:s4+s18], $0x80, s3, s18, $0xb8;
	[tilespmem:$0x1C400] =	vst v63  }
0x131: {  	_ = 	snop  }
0x132: {  	[tilespmem:s19], [sflag:$0x2] =	stream.indirect.gather [hbm4b:s4+s18], $0x80, s18, s18, $0xb8;
	[tilespmem:$0x1C400] =	vst v63  }
0x133: {  	_ =	swait.ge [sflag:s20], $0x4000  }
0x134: {  	[sflag:s20] =	ssyncset.done $0x0  }
0x135: {  	[sflag:s20] =	ssyncadd.s32 $0xFFFFC000  }
0x136: {  	[spmem:s1] =	stream.indirect.scatter.add.f32 [tilespmem:s15], [sflag:$0x3], $0x80, s17, s18, $0xb8;
	[tilespmem:$0x1C400] =	vst v63  }
0x137: {  	_ =	swait.ge [sflag:s21], $0x4000  }
0x138: {  	[sflag:s21] =	ssyncset.done $0x0  }
0x139: {  	[sflag:s21] =	ssyncadd.s32 $0xFFFFC000  }
0x13a: {  	[tilespmem:s15], [sflag:$0x1] =	stream.indirect.gather [hbm4b:s4+s18], $0x80, s22, s18, $0xb8;
	[tilespmem:$0x1C400] =	vst v63  }
0x13b: {  	_ =	swait.ge [sflag:s23], $0x4000  }
0x13c: {  	[sflag:s23] =	ssyncset.done $0x0  }
0x13d: {  	[sflag:s23] =	ssyncadd.s32 $0xFFFFC000  }
0x13e: {  	[spmem:s1] =	stream.indirect.scatter.add.f32 [tilespmem:s19], [sflag:$0x4], $0x80, s24, s18, $0xb8;
	[tilespmem:$0x1C400] =	vst v63  }
0x13f: {  	_ =	swait.ge [sflag:s25], $0x4000  }
0x140: {  	[sflag:s25] =	ssyncset.done $0x0  }
0x141: {  	[sflag:s25] =	ssyncadd.s32 $0xFFFFC000  }
0x142: {  	[tilespmem:s19], [sflag:$0x2] =	stream.indirect.gather [hbm4b:s4+s18], $0x80, s26, s18, $0xb8;
	[tilespmem:$0x1C400] =	vst v63  }
0x143: {  	_ =	swait.ge [sflag:s20], $0x4000  }
0x144: {  	[sflag:s20] =	ssyncset.done $0x0  }
0x145: {  	[sflag:s20] =	ssyncadd.s32 $0xFFFFC000  }
0x146: {  	[spmem:s1] =	stream.indirect.scatter.add.f32 [tilespmem:s15], [sflag:$0x3], $0x80, s28, s18, $0xb8;
	[tilespmem:$0x1C400] =	vst v63  }
0x147: {  	_ =	swait.ge [sflag:s21], $0x4000  }
0x148: {  	[sflag:s21] =	ssyncset.done $0x0  }
0x149: {  	[sflag:s21] =	ssyncadd.s32 $0xFFFFC000  }
0x14a: {  	[tilespmem:s15], [sflag:$0x1] =	stream.indirect.gather [hbm4b:s4+s18], $0x80, s29, s18, $0xb8;
	[tilespmem:$0x1C400] =	vst v63  }
0x14b: {  	_ =	swait.ge [sflag:s23], $0x4000  }
0x14c: {  	[sflag:s23] =	ssyncset.done $0x0  }
0x14d: {  	[sflag:s23] =	ssyncadd.s32 $0xFFFFC000  }
0x14e: {  	[spmem:s1] =	stream.indirect.scatter.add.f32 [tilespmem:s19], [sflag:$0x4], $0x80, s30, s18, $0xb8;
	[tilespmem:$0x1C400] =	vst v63  }
0x14f: {  	_ =	swait.ge [sflag:s25], $0x4000  }
0x150: {  	[sflag:s25] =	ssyncset.done $0x0  }
0x151: {  	[sflag:s25] =	ssyncadd.s32 $0xFFFFC000  }
0x152: {  	[tilespmem:s19], [sflag:$0x2] =	stream.indirect.gather [hbm4b:s4+s18], $0x80, s31, s18, $0xb8;
	[tilespmem:$0x1C400] =	vst v63  }
0x153: {  	_ =	swait.ge [sflag:s20], $0x4000  }
0x154: {  	[sflag:s20] =	ssyncset.done $0x0  }
0x155: {  	[sflag:s20] =	ssyncadd.s32 $0xFFFFC000  }
0x156: {  	[spmem:s1] =	stream.indirect.scatter.add.f32 [tilespmem:s15], [sflag:$0x3], $0x80, s0, s18, $0xb8;
	[tilespmem:$0x1C400] =	vst v63  }
0x157: {  	_ =	swait.ge [sflag:s21], $0x4000  }
0x158: {  	[sflag:s21] =	ssyncset.done $0x0  }
0x159: {  	[sflag:s21] =	ssyncadd.s32 $0xFFFFC000  }
0x15a: {  	[tilespmem:s15], [sflag:$0x1] =	stream.indirect.gather [hbm4b:s4+s18], $0x80, s10, s18, $0xb8;
	[tilespmem:$0x1C400] =	vst v63  }
0x15b: {  	_ =	swait.ge [sflag:s23], $0x4000  }
0x15c: {  	[sflag:s23] =	ssyncset.done $0x0  }
0x15d: {  	[sflag:s23] =	ssyncadd.s32 $0xFFFFC000  }
0x15e: {  	[spmem:s1] =	stream.indirect.scatter.add.f32 [tilespmem:s19], [sflag:$0x4], $0x80, s11, s18, $0xb8;
	[tilespmem:$0x1C400] =	vst v63  }
0x15f: {  	_ =	swait.ge [sflag:s25], $0x4000  }
0x160: {  	[sflag:s25] =	ssyncset.done $0x0  }
0x161: {  	[sflag:s25] =	ssyncadd.s32 $0xFFFFC000  }
0x162: {  	[tilespmem:s19], [sflag:$0x2] =	stream.indirect.gather [hbm4b:s4+s18], $0x80, s2, s18, $0xb8;
	[tilespmem:$0x1C400] =	vst v63  }
0x163: {  	_ =	swait.ge [sflag:s20], $0x4000  }
0x164: {  	[sflag:s20] =	ssyncset.done $0x0  }
0x165: {  	[sflag:s20] =	ssyncadd.s32 $0xFFFFC000  }
0x166: {  	[spmem:s1] =	stream.indirect.scatter.add.f32 [tilespmem:s15], [sflag:$0x3], $0x80, s6, s18, $0xb8;
	[tilespmem:$0x1C400] =	vst v63  }
0x167: {  	_ =	swait.ge [sflag:s23], $0x4000  }
0x168: {  	[sflag:s23] =	ssyncset.done $0x0  }
0x169: {  	[sflag:s23] =	ssyncadd.s32 $0xFFFFC000  }
0x16a: {  	[spmem:s1] =	stream.indirect.scatter.add.f32 [tilespmem:s19], [sflag:$0x4], $0x80, s7, s18, $0xb8;
	[tilespmem:$0x1C400] =	vst v63  }
0x16b: {  	_ =	swait.ge [sflag:s21], $0x4000  }
.Ltmp5:
0x16c: {  	[sflag:s21] =	ssyncset.done $0x0;
	(pc) =	sbr.rel .LBB2_8-.Ltmp5, $4  }
0x16d: {  	[sflag:s21] =	ssyncadd.s32 $0xFFFFC000  }
0x16e: {  	_ =	swait.ge [sflag:s25], $0x4000  }
0x16f: {  	[sflag:s25] =	ssyncset.done $0x0  }
0x170: {  	s13 =	stileid.u32;
	s12 =	rddreg [dreg:$0xe];
	[sflag:s25] =	ssyncadd.s32 $0xFFFFC000  }
.LBB2_9:
0x171: {  	_ =	sfence.sel $0x180000  }
0x172: {  	[bflag:$0x0] =	sbarrier.arrive $0xFFFF  }
0x173: {  	_ =	strace $0x9000004D  }
0x174: {  	[bflag:$0x2] =	sbarrier.arrive $0xFFFF  }
0x175: {  	p0 =	sne.s32 s13, $0x0;
	s0 =	rddreg [dreg:$0x3]  }
0x176: {  	s0 =	sadd.s32 @!p0 $0x100000, s0  }
0x177: {  	[sflag:s0] =	ssyncadd.tile.s32 @!p0 $0x1;
	_ =	shalt  }
.Lfunc_end2:
_tile_overlayer_lowered:
.L_overlay_start_2:
0x178: {  	(tag) =	ssettag $0x2  }
0x179: {  	s0 =	rddreg [dreg:$0x0];
	s2 =	stileid.u32  }
0x17a: {  	s1 =	rddreg [dreg:$0x1];
	p0 =	sne.s32 s2, $0x0  }
0x17b: {  	s3 =	rddreg [dreg:$0x2];
	[bflag:$0x3] =	sbarrier.arrive $0xFFFF;
	s2 =	simm.s32 @!p0 $0x1C05  }
0x17c: {  	[timem:s3], [sflag:s2] =	dma.local @!p0 [hbm:s0], s1  }
0x17d: {  	s0 =	simm.s32 @!p0 $0x5  }
0x17e: {  	_ =	swait.ge @!p0 [sflag:s0], s1  }
0x17f: {  	s1 =	ssub.s32 @!p0 $0x0, s1;
	[sflag:s0] =	ssyncset.done @!p0 $0x0  }
0x180: {  	[sflag:s0] =	ssyncadd.s32 @!p0 s1  }
0x181: {  	[bflag:$0x3] =	sbarrier.arrive $0xFFFF  }
0x182: {  	_ =	shalt  }

// kernel: kernel.18.cloned.1.call-start
scs
__scs_entry_jumppad:
0x0: {  	(pc) =	sbr.rel $0x88, $3  }
0x1: {  	(tag) =	ssettag $0x0;
	lr =	simm.s32 $0x1  }
0x2: {  	[smem:$0x3F96] =	sst lr;
	_ =	strace $0xD0000000  }
0x3: {  	_ = 	snop  }
0x4: {  	_ = 	snop  }
0x5: {  	_ = 	snop  }
0x6: {  	_ = 	snop  }
0x7: {  	_ = 	snop  }
__scs_overlays_trampoline_lowered:
0x8: {  	[smem:$0x3FA5] =	sst s0  }
0x9: {  	[smem:$0x3FA6] =	sst s1  }
0xa: {  	[smem:$0x3FA7] =	sst s2  }
0xb: {  	[smem:$0x3FA8] =	sst s3  }
0xc: {  	[smem:$0x3FA9] =	sst s4  }
0xd: {  	[smem:$0x3FAA] =	sst s5  }
0xe: {  	[smem:$0x3FAB] =	sst s6  }
0xf: {  	[smem:$0x3FAC] =	sst s7  }
0x10: {  	[smem:$0x3FAD] =	sst s8  }
0x11: {  	[smem:$0x3FAE] =	sst s9;
	s0 =	simm.s32 @!p0 $0x0  }
0x12: {  	s1 =	sld [smem:$0x3F94];
	s0 =	simm.s32 @p0 $0x1  }
0x13: {  	[smem:$0x3FAF] =	sst s0;
	s0 =	simm.s32 @!p1 $0x0  }
0x14: {  	s2 =	sld [smem:$0x3F93];
	s0 =	simm.s32 @p1 $0x1  }
0x15: {  	[smem:$0x3FB0] =	sst s0;
	s0 =	simm.s32 @!p2 $0x0  }
0x16: {  	s3 =	sld [smem:$0x3FDB];
	s0 =	simm.s32 @p2 $0x1  }
0x17: {  	s4 =	simm.s32 $0x1BF5;
	[smem:$0x3FB2] =	sst s0  }
0x18: {  	s0 =	sld [smem:$0x3F95];
	_ =	swait.ge [sflag:s4], $0x0  }
0x19: {  	s7 =	sld [smem:$0x3F96]  }
0x1a: {  	s8 =	sadd.s32 $0xFFFFE003, lr  }
0x1b: {  	s9 =	sadd.s32 $0xFFFFFEF7, lr;
	s5 =	simm.s32 $0xFFFFFFFF;
	p2 =	slt.u32 s8, $0xFFFFF086  }
0x1c: {  	p1 =	slt.u32 s9, $0xF7A;
	s5 =	simm.s32 @!p2 $0x0  }
0x1d: {  	s5 =	simm.s32 @p1 $0x1;
	p0 =	seq.s32 s7, s2  }
0x1e: {  	s7 =	smul.u32 @!p0 $0xF7A, s2;
	p2 =	seq.s32 @!p0 s5, $0x0  }
0x1f: {  	s9 =	smul.u32 $0xF7A, s1;
	s8 =	simm.s32 @!p0 $0x1BF5;
	p2 =	por !p2, p0  }
0x20: {  	[sflag:s8] =	ssyncset.s32 @!p0 $0xFFFFF086;
	s6 =	sadd.s32 @!p0 s3, s7;
	s7 =	simm.s32 @!p0 $0x108  }
0x21: {  	s3 =	sadd.s32 s3, s9;
	s6 =	sadd.s32 @!p0 $0x88, s6;
	s7 =	simm.s32 @p2 $0x1082  }
0x22: {  	[simem:s7], [sflag:s8] =	dma.local @!p0 [hbm:s6], $0xF7A  }
0x23: {  	s9 =	sor.u32 $0xD0000000, s2;
	s6 =	simm.s32 $0x108;
	_ =	swait.ge @!p0 [sflag:s8], $0x0  }
0x24: {  	s3 =	sadd.s32 $0x88, s3;
	s6 =	simm.s32 @!p1 $0x1082;
	[sflag:s4] =	ssyncset.s32 $0xFFFFF086  }
0x25: {  	[simem:s6], [sflag:s4] =	dma.local [hbm:s3], $0xF7A  }
0x26: {  	[smem:$0x3F96] =	sst s1;
	(tag) =	ssettag s2;
	_ =	strace s9  }
0x27: {  	s1 =	sld [smem:$0x3FA6]  }
0x28: {  	s2 =	sld [smem:$0x3FA7]  }
0x29: {  	s4 =	sld [smem:$0x3FA9]  }
0x2a: {  	p0 =	seq.s32 s5, $0x0;
	s5 =	sld [smem:$0x3FAA]  }
0x2b: {  	s6 =	sld [smem:$0x3FAB]  }
0x2c: {  	s7 =	sld [smem:$0x3FAC]  }
0x2d: {  	s3 =	simm.s32 $0x108;
	s8 =	sld [smem:$0x3FAD]  }
0x2e: {  	s3 =	simm.s32 @!p0 $0x1082;
	s9 =	sld [smem:$0x3FAE]  }
0x2f: {  	lr =	sadd.s32 s0, s3;
	s0 =	sld [smem:$0x3FA5]  }
0x30: {  	s3 =	sld [smem:$0x3FA8]  }
0x31: {  	[smem:$0x3FB1] =	sst s10  }
0x32: {  	s10 =	sld [smem:$0x3FAF];
	_ =	sdelay $0x3  }
0x33: {  	p0 =	seq.s32 s10, $0x1;
	s10 =	sld [smem:$0x3FB1];
	_ =	sdelay $0x3  }
0x34: {  	[smem:$0x3FB1] =	sst s10  }
0x35: {  	s10 =	sld [smem:$0x3FB0];
	_ =	sdelay $0x3  }
0x36: {  	p1 =	seq.s32 s10, $0x1;
	s10 =	sld [smem:$0x3FB1];
	_ =	sdelay $0x3  }
0x37: {  	[smem:$0x3FB1] =	sst s10  }
0x38: {  	s10 =	sld [smem:$0x3FB2]  }
0x39: {  	_ = 	snop;
	(pc) =	sbr.ind lr, $3  }
0x3a: {  	_ = 	snop  }
0x3b: {  	_ = 	snop  }
0x3c: {  	p2 =	seq.s32 s10, $0x1;
	s10 =	sld [smem:$0x3FB1]  }
0x3d: {  	_ =	shalt  }
0x3e: {  	_ =	shalt  }
0x3f: {  	_ =	shalt  }
0x40: {  	_ =	shalt  }
0x41: {  	_ =	shalt  }
0x42: {  	_ =	shalt  }
0x43: {  	_ =	shalt  }
0x44: {  	_ =	shalt  }
0x45: {  	_ =	shalt  }
0x46: {  	_ =	shalt  }
0x47: {  	_ =	shalt  }
0x48: {  	_ =	shalt  }
0x49: {  	_ =	shalt  }
0x4a: {  	_ =	shalt  }
0x4b: {  	_ =	shalt  }
0x4c: {  	_ =	shalt  }
0x4d: {  	_ =	shalt  }
0x4e: {  	_ =	shalt  }
0x4f: {  	_ =	shalt  }
0x50: {  	_ =	shalt  }
0x51: {  	_ =	shalt  }
0x52: {  	_ =	shalt  }
0x53: {  	_ =	shalt  }
0x54: {  	_ =	shalt  }
0x55: {  	_ =	shalt  }
0x56: {  	_ =	shalt  }
0x57: {  	_ =	shalt  }
0x58: {  	_ =	shalt  }
0x59: {  	_ =	shalt  }
0x5a: {  	_ =	shalt  }
0x5b: {  	_ =	shalt  }
0x5c: {  	_ =	shalt  }
0x5d: {  	_ =	shalt  }
0x5e: {  	_ =	shalt  }
0x5f: {  	_ =	shalt  }
0x60: {  	_ =	shalt  }
0x61: {  	_ =	shalt  }
0x62: {  	_ =	shalt  }
0x63: {  	_ =	shalt  }
0x64: {  	_ =	shalt  }
0x65: {  	_ =	shalt  }
0x66: {  	_ =	shalt  }
0x67: {  	_ =	shalt  }
0x68: {  	_ =	shalt  }
0x69: {  	_ =	shalt  }
0x6a: {  	_ =	shalt  }
0x6b: {  	_ =	shalt  }
0x6c: {  	_ =	shalt  }
0x6d: {  	_ =	shalt  }
0x6e: {  	_ =	shalt  }
0x6f: {  	_ =	shalt  }
0x70: {  	_ =	shalt  }
0x71: {  	_ =	shalt  }
0x72: {  	_ =	shalt  }
0x73: {  	_ =	shalt  }
0x74: {  	_ =	shalt  }
0x75: {  	_ =	shalt  }
0x76: {  	_ =	shalt  }
0x77: {  	_ =	shalt  }
0x78: {  	_ =	shalt  }
0x79: {  	_ =	shalt  }
0x7a: {  	_ =	shalt  }
0x7b: {  	_ =	shalt  }
0x7c: {  	_ =	shalt  }
0x7d: {  	_ =	shalt  }
0x7e: {  	_ =	shalt  }
0x7f: {  	_ =	shalt  }
0x80: {  	_ =	shalt  }
0x81: {  	_ =	shalt  }
0x82: {  	_ =	shalt  }
0x83: {  	_ =	shalt  }
0x84: {  	_ =	shalt  }
0x85: {  	_ =	shalt  }
0x86: {  	_ =	shalt  }
0x87: {  	_ =	shalt  }
.Lfunc_end0:
.L_simem_size_0:
called_computation.3_lowered:
.L_overlay_start_0:
0x88: {  	s2 =	sld [smem:$0x3FD9]  }
0x89: {  	s3 =	sld [smem:$0x3FFE];
	_ =	sdelay $0x1  }
0x8a: {  	s1 =	srdreg.scid  }
0x8b: {  	s0 =	sand.u32 $0x1, s1  }
0x8c: {  	s17 =	sshll.u32 s0, $0xA;
	s2 =	sadd.s32 s3, s2  }
0x8d: {  	s2 =	sadd.s32 s2, s17  }
0x8e: {  	[smem:$0x3FBD] =	sst s2  }
0x8f: {  	_ = 	snop  }
0x90: {  	s2 =	sld [smem:$0x3FD0];
	(tm) =	ssettm $0x1  }
0x91: {  	s18 =	sld [smem:$0x3FFB];
	_ =	sdelay $0x3  }
0x92: {  	_ =	strace s18  }
0x93: {  	s3 =	sld [smem:$0x3FFC];
	_ =	sdelay $0x3  }
0x94: {  	_ =	strace s3  }
0x95: {  	s3 =	sld [smem:$0x3FFD];
	_ =	sdelay $0x3  }
0x96: {  	_ =	strace s3  }
0x97: {  	_ =	strace $0x8FFFFFFF  }
0x98: {  	s19 =	sld [smem:$0x3FDB];
	_ =	sdelay $0x1  }
0x99: {  	s4 =	simm.s32 $_scs_section_size  }
0x9a: {  	s5 =	simm.s32 $_size__tile_overlayer_lowered;
	s6 =	simm.s32 $_tile_overlayer_lowered  }
0x9b: {  	s22 =	simm.s32 $0x1BFF;
	s21 =	sshll.u32 s6, $0x1;
	s3 =	sadd.s32 s4, s19  }
0x9c: {  	s7 =	simm.s32 $0x0;
	s20 =	sshll.u32 s5, $0x1;
	s5 =	sadd.s32 s21, s3  }
0x9d: {  	[timem:s7], [sflag:s22] =	dma.local [hbm:s5], s20  }
0x9e: {  	_ =	swait.ge [sflag:s22], s20  }
0x9f: {  	s4 =	ssub.s32 $0x0, s20;
	[sflag:s22] =	ssyncset.done $0x0  }
0xa0: {  	[sflag:s22] =	ssyncadd.s32 s4;
	_ =	sdelay $0x1  }
0xa1: {  	s23 =	simm.s32 $0x1B8B  }
0xa2: {  	_ =	swait.ge [sflag:s23], $0x1  }
0xa3: {  	[sflag:s23] =	ssyncset.done $0x0  }
0xa4: {  	s25 =	simm.s32 $0x1B8E;
	s24 =	sld [smem:$0x3FFE];
	[sflag:s23] =	ssyncadd.s32 $0xFFFFFFFF  }
0xa5: {  	s26 =	simm.s32 $execute0_lowered;
	[smem:$0x3FD2] =	sst s25  }
0xa6: {  	s5 =	sshll.u32 s26, $0x1;
	_ =	strace $0x8000004F;
	[dreg:$0x1] =	wrdreg $0xFFFFFFFF  }
0xa7: {  	s28 =	simm.s32 $_size_execute0_lowered;
	s3 =	sadd.s32 s3, s5;
	[dreg:$0x0] =	wrdreg $0x0  }
0xa8: {  	s5 =	sshll.u32 s28, $0x1;
	[dreg:$0x2] =	wrdreg s3  }
0xa9: {  	[dreg:$0x3] =	wrdreg s5  }
0xaa: {  	[dreg:$0x4] =	wrdreg $0xC0  }
0xab: {  	_ =	task [dreg:s7], $0x5FFFF  }
0xac: {  	[dreg:$0x1] =	wrdreg $0xFFFFFFFF  }
0xad: {  	[dreg:$0x0] =	wrdreg $0x60  }
0xae: {  	[dreg:$0x2] =	wrdreg s24  }
0xaf: {  	[dreg:$0x3] =	wrdreg s2  }
0xb0: {  	[dreg:$0x4] =	wrdreg $0x88000  }
0xb1: {  	[dreg:$0x5] =	wrdreg $0x9  }
0xb2: {  	_ =	task.clear_ibuf [dreg:s7], $0x6FFFF;
	_ =	strace $0x9000004F  }
0xb3: {  	s29 =	simm.s32 $0x9;
	_ =	strace $0x80000051  }
0xb4: {  	_ =	swait.ge [sflag:s29], $0x1  }
0xb5: {  	[sflag:s29] =	ssyncadd.s32 $0xFFFFFFFF  }
0xb6: {  	_ =	strace $0x90000051  }
0xb7: {  	_ =	sfence  }
0xb8: {  	s30 =	sld [smem:$0x0];
	_ =	sdelay $0x2  }
0xb9: {  	s31 =	sshll.u32 s1, $0xD;
	s1 =	sshrl.u32 s1, $0x2  }
0xba: {  	s3 =	sand.u32 $0x4000, s31;
	s1 =	sadd.s32 s1, s30  }
0xbb: {  	s0 =	sor.u32 s3, s0;
	s1 =	sshll.u32 s1, $0x11  }
0xbc: {  	s0 =	sor.u32 s1, s0  }
0xbd: {  	s0 =	sadd.s32 $0x8F2B, s0  }
0xbe: {  	[sflag:s0] =	ssyncadd.remote.s32 $0x1  }
0xbf: {  	_ =	sfence.sel $0xFFFF  }
0xc0: {  	[dreg:$0x0] =	wrdreg $0xFFFFFFFF;
	(pc) =	sbr.abs _section_cstart, $3  }
0xc1: {  	[dreg:$0x1] =	wrdreg $0xFFFFFFFF  }
0xc2: {  	_ =	task.clear_ibuf [dreg:s7], $0x2FFFF;
	_ =	strace $0x9FFFFFFF  }
0xc3: {  	(tm) =	ssettm $0x7FFFFFFF  }
tec
execute0_lowered:
.L_overlay_start_1:
0x0: {  	(tag) =	ssettag $0x1  }
0x1: {  	s0 =	rddreg [dreg:$0x0]  }
0x2: {  	s2 =	rddreg [dreg:$0x1]  }
0x3: {  	s1 =	rddreg [dreg:$0x2];
	s3 =	srdreg.scid  }
0x4: {  	s13 =	stileid.u32;
	s15 =	simm.s32 $0x800;
	s16 =	simm.s32 $0x5  }
0x5: {  	s28 =	simm.s32 $0x500;
	s29 =	simm.s32 $0x200;
	s30 =	simm.s32 $0x580  }
0x6: {  	s31 =	simm.s32 $0x280;
	s11 =	simm.s32 $0x680;
	s7 =	smul.u32 $0x13C00, s13  }
0x7: {  	s6 =	sand.u32 $0x1, s3;
	s3 =	simm.s32 $0x0;
	s8 =	smul.u32 $0x4F000, s13  }
0x8: {  	s4 =	sadd.s32 $0xDC00, s0;
	s9 =	sadd.s32 $0x3C00, s0;
	s22 =	smul.u32 $0x980, s13  }
0x9: {  	s21 =	sshll.u32 s13, $0x7;
	s5 =	smul.u32 $0x13C000, s6;
	[smem:$0x7FF] =	sst s3  }
0xa: {  	s17 =	ssub.s32 $0x2, s6;
	p0 =	seq.s32 s6, $0x1;
	s23 =	sor.u32 $0x9800, s21  }
0xb: {  	s21 =	simm.s32 $0x3;
	s6 =	simm.s32 $0x700;
	_ =	strace $0x80000050  }
0xc: {  	s8 =	sshrl.u32 s8, $0x2;
	s10 =	sshrl.u32 s17, $0x1;
	s24 =	sadd.s32 s9, s23  }
0xd: {  	s25 =	sadd.s32 s2, s23;
	s2 =	sadd.s32 s22, s2;
	s14 =	sadd.s32 s22, s9  }
0xe: {  	s22 =	simm.s32 $0x100;
	s23 =	simm.s32 $0x2;
	[dreg:$0xa] =	wrdreg s24  }
0xf: {  	s5 =	sadd.s32 s7, s5;
	s18 =	sadd.s32 s8, s1;
	[dreg:$0xb] =	wrdreg s25  }
0x10: {  	s7 =	ssub.s32 s17, s10;
	[dreg:$0x4] =	wrdreg s2;
	s17 =	simm.s32 $0x400  }
0x11: {  	s24 =	simm.s32 $0x480;
	s25 =	simm.s32 $0x4;
	s10 =	simm.s32 $0x300  }
0x12: {  	s2 =	simm.s32 $0x380;
	s8 =	sadd.s32 $0x4000, s18;
	[dreg:$0x5] =	wrdreg s18  }
0x13: {  	s5 =	sshrl.u32 s5, $0x3;
	s19 =	sadd.s32 $0x8000, s18;
	[dreg:$0x6] =	wrdreg s8  }
0x14: {  	s20 =	sadd.s32 $0xC000, s18;
	s26 =	smax.u32 s7, $0x1;
	[dreg:$0x7] =	wrdreg s19  }
.Ltmp0:
0x15: {  	s7 =	simm.s32 $0x780;
	[dreg:$0x8] =	wrdreg s20;
	(pc) =	sbr.rel .LBB2_1-.Ltmp0, $4  }
0x16: {  	s0 =	sadd.s32 s5, s0;
	s5 =	sadd.s32 $0x10000, s18;
	[dreg:$0xd] =	wrdreg s26  }
0x17: {  	s18 =	simm.s32 $0x80;
	s19 =	simm.s32 $0x4800;
	s20 =	simm.s32 $0x1  }
0x18: {  	s26 =	simm.s32 $0x180;
	[dreg:$0x9] =	wrdreg s5;
	s0 =	sadd.s32 $0x84400, s0  }
0x19: {  	v0 =	vimm.f32 $0.0e+00;
	s5 =	simm.s32 $0x0;
	[dreg:$0xc] =	wrdreg s0;
	s0 =	simm.s32 $0x600  }
.LBB2_7:
0x1a: {  	s5 =	rddreg [dreg:$0xa]  }
0x1b: {  	[tilespmem:s3], [sflag:$0x5] =	stream.linear.gather [hbm4b:s5+s3], $0x400, $0x38;
	[tilespmem:$0x1C400] =	vst v63  }
0x1c: {  	_ =	swait.ge [sflag:s16], $0x400  }
0x1d: {  	[sflag:s16] =	ssyncset.done $0x0  }
0x1e: {  	s12 =	rddreg [dreg:$0xb];
	[sflag:s16] =	ssyncadd.s32 $0xFFFFFC00  }
0x1f: {  	[tilespmem:s17], [sflag:$0x5] =	stream.linear.gather [hbm4b:s12+s3], $0x400, $0x38;
	[tilespmem:$0x1C400] =	vst v63  }
0x20: {  	_ =	swait.ge [sflag:s16], $0x400  }
0x21: {  	[sflag:s16] =	ssyncset.done $0x0  }
0x22: {  	[sflag:s16] =	ssyncadd.s32 $0xFFFFFC00  }
0x23: {  	[tilespmem:s15], [sflag:$0x1] =	stream.indirect.gather [hbm4b:s4+s18], $0x80, s3, s18, $0xb8;
	[tilespmem:$0x1C400] =	vst v63  }
0x24: {  	_ = 	snop  }
0x25: {  	[tilespmem:s19], [sflag:$0x2] =	stream.indirect.gather [hbm4b:s4+s18], $0x80, s18, s18, $0xb8;
	[tilespmem:$0x1C400] =	vst v63  }
0x26: {  	_ =	swait.ge [sflag:s20], $0x4000  }
0x27: {  	[sflag:s20] =	ssyncset.done $0x0  }
0x28: {  	[sflag:s20] =	ssyncadd.s32 $0xFFFFC000  }
0x29: {  	[spmem:s1] =	stream.indirect.scatter.add.f32 [tilespmem:s15], [sflag:$0x3], $0x80, s17, s18, $0xb8;
	[tilespmem:$0x1C400] =	vst v63  }
0x2a: {  	_ =	swait.ge [sflag:s21], $0x4000  }
0x2b: {  	[sflag:s21] =	ssyncset.done $0x0  }
0x2c: {  	[sflag:s21] =	ssyncadd.s32 $0xFFFFC000  }
0x2d: {  	[tilespmem:s15], [sflag:$0x1] =	stream.indirect.gather [hbm4b:s4+s18], $0x80, s22, s18, $0xb8;
	[tilespmem:$0x1C400] =	vst v63  }
0x2e: {  	_ =	swait.ge [sflag:s23], $0x4000  }
0x2f: {  	[sflag:s23] =	ssyncset.done $0x0  }
0x30: {  	[sflag:s23] =	ssyncadd.s32 $0xFFFFC000  }
0x31: {  	[spmem:s1] =	stream.indirect.scatter.add.f32 [tilespmem:s19], [sflag:$0x4], $0x80, s24, s18, $0xb8;
	[tilespmem:$0x1C400] =	vst v63  }
0x32: {  	_ =	swait.ge [sflag:s25], $0x4000  }
0x33: {  	[sflag:s25] =	ssyncset.done $0x0  }
0x34: {  	[sflag:s25] =	ssyncadd.s32 $0xFFFFC000  }
0x35: {  	[tilespmem:s19], [sflag:$0x2] =	stream.indirect.gather [hbm4b:s4+s18], $0x80, s26, s18, $0xb8;
	[tilespmem:$0x1C400] =	vst v63  }
0x36: {  	_ =	swait.ge [sflag:s20], $0x4000  }
0x37: {  	[sflag:s20] =	ssyncset.done $0x0  }
0x38: {  	[sflag:s20] =	ssyncadd.s32 $0xFFFFC000  }
0x39: {  	[spmem:s1] =	stream.indirect.scatter.add.f32 [tilespmem:s15], [sflag:$0x3], $0x80, s28, s18, $0xb8;
	[tilespmem:$0x1C400] =	vst v63  }
0x3a: {  	_ =	swait.ge [sflag:s21], $0x4000  }
0x3b: {  	[sflag:s21] =	ssyncset.done $0x0  }
0x3c: {  	[sflag:s21] =	ssyncadd.s32 $0xFFFFC000  }
0x3d: {  	[tilespmem:s15], [sflag:$0x1] =	stream.indirect.gather [hbm4b:s4+s18], $0x80, s29, s18, $0xb8;
	[tilespmem:$0x1C400] =	vst v63  }
0x3e: {  	_ =	swait.ge [sflag:s23], $0x4000  }
0x3f: {  	[sflag:s23] =	ssyncset.done $0x0  }
0x40: {  	[sflag:s23] =	ssyncadd.s32 $0xFFFFC000  }
0x41: {  	[spmem:s1] =	stream.indirect.scatter.add.f32 [tilespmem:s19], [sflag:$0x4], $0x80, s30, s18, $0xb8;
	[tilespmem:$0x1C400] =	vst v63  }
0x42: {  	_ =	swait.ge [sflag:s25], $0x4000  }
0x43: {  	[sflag:s25] =	ssyncset.done $0x0  }
0x44: {  	[sflag:s25] =	ssyncadd.s32 $0xFFFFC000  }
0x45: {  	[tilespmem:s19], [sflag:$0x2] =	stream.indirect.gather [hbm4b:s4+s18], $0x80, s31, s18, $0xb8;
	[tilespmem:$0x1C400] =	vst v63  }
0x46: {  	_ =	swait.ge [sflag:s20], $0x4000  }
0x47: {  	[sflag:s20] =	ssyncset.done $0x0  }
0x48: {  	[sflag:s20] =	ssyncadd.s32 $0xFFFFC000  }
0x49: {  	[spmem:s1] =	stream.indirect.scatter.add.f32 [tilespmem:s15], [sflag:$0x3], $0x80, s0, s18, $0xb8;
	[tilespmem:$0x1C400] =	vst v63  }
0x4a: {  	_ =	swait.ge [sflag:s21], $0x4000  }
0x4b: {  	[sflag:s21] =	ssyncset.done $0x0  }
0x4c: {  	[sflag:s21] =	ssyncadd.s32 $0xFFFFC000  }
0x4d: {  	[tilespmem:s15], [sflag:$0x1] =	stream.indirect.gather [hbm4b:s4+s18], $0x80, s10, s18, $0xb8;
	[tilespmem:$0x1C400] =	vst v63  }
0x4e: {  	_ =	swait.ge [sflag:s23], $0x4000  }
0x4f: {  	[sflag:s23] =	ssyncset.done $0x0  }
0x50: {  	[sflag:s23] =	ssyncadd.s32 $0xFFFFC000  }
0x51: {  	[spmem:s1] =	stream.indirect.scatter.add.f32 [tilespmem:s19], [sflag:$0x4], $0x80, s11, s18, $0xb8;
	[tilespmem:$0x1C400] =	vst v63  }
0x52: {  	_ =	swait.ge [sflag:s25], $0x4000  }
0x53: {  	[sflag:s25] =	ssyncset.done $0x0  }
0x54: {  	[sflag:s25] =	ssyncadd.s32 $0xFFFFC000  }
0x55: {  	[tilespmem:s19], [sflag:$0x2] =	stream.indirect.gather [hbm4b:s4+s18], $0x80, s2, s18, $0xb8;
	[tilespmem:$0x1C400] =	vst v63  }
0x56: {  	_ =	swait.ge [sflag:s20], $0x4000  }
0x57: {  	[sflag:s20] =	ssyncset.done $0x0  }
0x58: {  	[sflag:s20] =	ssyncadd.s32 $0xFFFFC000  }
0x59: {  	[spmem:s1] =	stream.indirect.scatter.add.f32 [tilespmem:s15], [sflag:$0x3], $0x80, s6, s18, $0xb8;
	[tilespmem:$0x1C400] =	vst v63  }
0x5a: {  	_ =	swait.ge [sflag:s23], $0x4000  }
0x5b: {  	[sflag:s23] =	ssyncset.done $0x0  }
0x5c: {  	[sflag:s23] =	ssyncadd.s32 $0xFFFFC000  }
0x5d: {  	[spmem:s1] =	stream.indirect.scatter.add.f32 [tilespmem:s19], [sflag:$0x4], $0x80, s7, s18, $0xb8;
	[tilespmem:$0x1C400] =	vst v63  }
0x5e: {  	_ =	swait.ge [sflag:s21], $0x4000  }
0x5f: {  	[sflag:s21] =	ssyncset.done $0x0  }
0x60: {  	[sflag:s21] =	ssyncadd.s32 $0xFFFFC000  }
0x61: {  	_ =	swait.ge [sflag:s25], $0x4000  }
0x62: {  	[sflag:s25] =	ssyncset.done $0x0  }
0x63: {  	s12 =	rddreg [dreg:$0xe];
	[sflag:s25] =	ssyncadd.s32 $0xFFFFC000  }
.LBB2_8:
0x64: {  	[bflag:$0x0] =	sbarrier.arrive $0xFFFF  }
0x65: {  	s5 =	sshll.u32 s13, $0x6;
	s8 =	rddreg [dreg:$0x5]  }
0x66: {  	s5 =	sor.u32 $0x1C05, s5;
	s9 =	rddreg [dreg:$0xc];
	s8 =	sshrl.u32 s8, $0x3  }
0x67: {  	[hbm:s9], [sflag:s5] =	dma.local [spmem:s8], $0x2780  }
0x68: {  	_ =	swait.ge [sflag:s16], $0x2780  }
0x69: {  	s12 =	sadd.s32 $0x1, s12;
	s9 =	rddreg [dreg:$0xd]  }
0x6a: {  	p1 =	sne.s32 s12, s9  }
.Ltmp1:
0x6b: {  	_ = 	snop;
	(pc) =	sbr.rel @!p1 .LBB2_9-.Ltmp1, $3  }
0x6c: {  	_ =	sdelay $0x1  }
0x6d: {  	[sflag:s16] =	ssyncset.done $0x0  }
0x6e: {  	s5 =	smov.u32 s12;
	[sflag:s16] =	ssyncadd.s32 $0xFFFFD880  }
.LBB2_1:
0x6f: {  	s9 =	simm.s32 $0x0;
	s12 =	simm.s32 $0x200  }
.LBB2_2:
0x70: {  	p1 =	sne.s32 s12, $0xFE00;
	[tilespmem:s9+$0x870] =	vst v0  }
0x71: {  	[tilespmem:s9+$0x800] =	vst v0  }
0x72: {  	[tilespmem:s9+$0x810] =	vst v0  }
.Ltmp2:
0x73: {  	[tilespmem:s9+$0x820] =	vst v0;
	(pc) =	sbr.rel @p1 .LBB2_2-.Ltmp2, $4  }
0x74: {  	[tilespmem:s9+$0x830] =	vst v0  }
0x75: {  	[tilespmem:s9+$0x840] =	vst v0  }
0x76: {  	[tilespmem:s9+$0x850] =	vst v0  }
0x77: {  	[tilespmem:s9+$0x860] =	vst v0;
	s9 =	sshra.s32 s12, $0x2;
	s12 =	sadd.s32 $0x200, s12  }
0x78: {  	[tilespmem:s9+$0x870] =	vst v0  }
0x79: {  	[tilespmem:s9+$0x800] =	vst v0  }
0x7a: {  	[tilespmem:s9+$0x810] =	vst v0  }
0x7b: {  	[tilespmem:s9+$0x820] =	vst v0  }
0x7c: {  	[tilespmem:s9+$0x830] =	vst v0  }
0x7d: {  	[tilespmem:s9+$0x840] =	vst v0  }
0x7e: {  	[dreg:$0xe] =	wrdreg s5;
	[tilespmem:s9+$0x850] =	vst v0  }
0x7f: {  	[tilespmem:s9+$0x860] =	vst v0;
	s9 =	rddreg [dreg:$0x5]  }
0x80: {  	[spmem:s9] =	stream.linear.scatter [tilespmem:s15], [sflag:$0x5], $0x4000, $0x38;
	[tilespmem:$0x1C400] =	vst v63  }
0x81: {  	_ =	swait.ge [sflag:s16], $0x4000  }
0x82: {  	[sflag:s16] =	ssyncset.done $0x0  }
0x83: {  	s12 =	rddreg [dreg:$0x6];
	[sflag:s16] =	ssyncadd.s32 $0xFFFFC000  }
0x84: {  	[spmem:s12] =	stream.linear.scatter [tilespmem:s15], [sflag:$0x5], $0x4000, $0x38;
	[tilespmem:$0x1C400] =	vst v63  }
0x85: {  	_ =	swait.ge [sflag:s16], $0x4000  }
0x86: {  	[sflag:s16] =	ssyncset.done $0x0  }
0x87: {  	s8 =	rddreg [dreg:$0x7];
	[sflag:s16] =	ssyncadd.s32 $0xFFFFC000  }
0x88: {  	[spmem:s8] =	stream.linear.scatter [tilespmem:s15], [sflag:$0x5], $0x4000, $0x38;
	[tilespmem:$0x1C400] =	vst v63  }
0x89: {  	_ =	swait.ge [sflag:s16], $0x4000  }
0x8a: {  	[sflag:s16] =	ssyncset.done $0x0  }
0x8b: {  	s9 =	rddreg [dreg:$0x8];
	[sflag:s16] =	ssyncadd.s32 $0xFFFFC000  }
0x8c: {  	[spmem:s9] =	stream.linear.scatter [tilespmem:s15], [sflag:$0x5], $0x4000, $0x38;
	[tilespmem:$0x1C400] =	vst v63  }
0x8d: {  	_ =	swait.ge [sflag:s16], $0x4000  }
0x8e: {  	[sflag:s16] =	ssyncset.done $0x0  }
0x8f: {  	s12 =	rddreg [dreg:$0x9];
	[sflag:s16] =	ssyncadd.s32 $0xFFFFC000  }
0x90: {  	[spmem:s12] =	stream.linear.scatter [tilespmem:s15], [sflag:$0x5], $0x3C00, $0x38;
	[tilespmem:$0x1C400] =	vst v63  }
.Ltmp3:
0x91: {  	_ =	swait.ge [sflag:s16], $0x3C00;
	(pc) =	sbr.rel @p0 .LBB2_7-.Ltmp3, $3  }
0x92: {  	[sflag:s16] =	ssyncset.done $0x0  }
0x93: {  	[sflag:s16] =	ssyncadd.s32 $0xFFFFC400  }
0x94: {  	[bflag:$0x0] =	sbarrier.arrive $0xFFFF;
	_ =	sdelay $0x1  }
0x95: {  	s9 =	sadd.s32 $0x0, s14  }
0x96: {  	[tilespmem:s3], [sflag:$0x5] =	stream.linear.gather [hbm4b:s9+s3], $0x400, $0x38;
	[tilespmem:$0x1C400] =	vst v63  }
0x97: {  	_ =	swait.ge [sflag:s16], $0x400  }
0x98: {  	s13 =	rddreg [dreg:$0x4];
	[sflag:s16] =	ssyncset.done $0x0  }
0x99: {  	[sflag:s16] =	ssyncadd.s32 $0xFFFFFC00;
	s9 =	sadd.s32 $0x0, s13  }
0x9a: {  	[tilespmem:s17], [sflag:$0x5] =	stream.linear.gather [hbm4b:s9+s3], $0x400, $0x38;
	[tilespmem:$0x1C400] =	vst v63  }
0x9b: {  	_ =	swait.ge [sflag:s16], $0x400  }
0x9c: {  	[sflag:s16] =	ssyncset.done $0x0  }
0x9d: {  	[sflag:s16] =	ssyncadd.s32 $0xFFFFFC00  }
0x9e: {  	[tilespmem:s15], [sflag:$0x1] =	stream.indirect.gather [hbm4b:s4+s18], $0x80, s3, s18, $0xb8;
	[tilespmem:$0x1C400] =	vst v63  }
0x9f: {  	_ = 	snop  }
0xa0: {  	[tilespmem:s19], [sflag:$0x2] =	stream.indirect.gather [hbm4b:s4+s18], $0x80, s18, s18, $0xb8;
	[tilespmem:$0x1C400] =	vst v63  }
0xa1: {  	_ =	swait.ge [sflag:s20], $0x4000  }
0xa2: {  	[sflag:s20] =	ssyncset.done $0x0  }
0xa3: {  	[sflag:s20] =	ssyncadd.s32 $0xFFFFC000  }
0xa4: {  	[spmem:s1] =	stream.indirect.scatter.add.f32 [tilespmem:s15], [sflag:$0x3], $0x80, s17, s18, $0xb8;
	[tilespmem:$0x1C400] =	vst v63  }
0xa5: {  	_ =	swait.ge [sflag:s21], $0x4000  }
0xa6: {  	[sflag:s21] =	ssyncset.done $0x0  }
0xa7: {  	[sflag:s21] =	ssyncadd.s32 $0xFFFFC000  }
0xa8: {  	[tilespmem:s15], [sflag:$0x1] =	stream.indirect.gather [hbm4b:s4+s18], $0x80, s22, s18, $0xb8;
	[tilespmem:$0x1C400] =	vst v63  }
0xa9: {  	_ =	swait.ge [sflag:s23], $0x4000  }
0xaa: {  	[sflag:s23] =	ssyncset.done $0x0  }
0xab: {  	[sflag:s23] =	ssyncadd.s32 $0xFFFFC000  }
0xac: {  	[spmem:s1] =	stream.indirect.scatter.add.f32 [tilespmem:s19], [sflag:$0x4], $0x80, s24, s18, $0xb8;
	[tilespmem:$0x1C400] =	vst v63  }
0xad: {  	_ =	swait.ge [sflag:s25], $0x4000  }
0xae: {  	[sflag:s25] =	ssyncset.done $0x0  }
0xaf: {  	[sflag:s25] =	ssyncadd.s32 $0xFFFFC000  }
0xb0: {  	[tilespmem:s19], [sflag:$0x2] =	stream.indirect.gather [hbm4b:s4+s18], $0x80, s26, s18, $0xb8;
	[tilespmem:$0x1C400] =	vst v63  }
0xb1: {  	_ =	swait.ge [sflag:s20], $0x4000  }
0xb2: {  	[sflag:s20] =	ssyncset.done $0x0  }
0xb3: {  	[sflag:s20] =	ssyncadd.s32 $0xFFFFC000  }
0xb4: {  	[spmem:s1] =	stream.indirect.scatter.add.f32 [tilespmem:s15], [sflag:$0x3], $0x80, s28, s18, $0xb8;
	[tilespmem:$0x1C400] =	vst v63  }
0xb5: {  	_ =	swait.ge [sflag:s21], $0x4000  }
0xb6: {  	[sflag:s21] =	ssyncset.done $0x0  }
0xb7: {  	[sflag:s21] =	ssyncadd.s32 $0xFFFFC000  }
0xb8: {  	[tilespmem:s15], [sflag:$0x1] =	stream.indirect.gather [hbm4b:s4+s18], $0x80, s29, s18, $0xb8;
	[tilespmem:$0x1C400] =	vst v63  }
0xb9: {  	_ =	swait.ge [sflag:s23], $0x4000  }
0xba: {  	[sflag:s23] =	ssyncset.done $0x0  }
0xbb: {  	[sflag:s23] =	ssyncadd.s32 $0xFFFFC000  }
0xbc: {  	[spmem:s1] =	stream.indirect.scatter.add.f32 [tilespmem:s19], [sflag:$0x4], $0x80, s30, s18, $0xb8;
	[tilespmem:$0x1C400] =	vst v63  }
0xbd: {  	_ =	swait.ge [sflag:s25], $0x4000  }
0xbe: {  	[sflag:s25] =	ssyncset.done $0x0  }
0xbf: {  	[sflag:s25] =	ssyncadd.s32 $0xFFFFC000  }
0xc0: {  	[tilespmem:s19], [sflag:$0x2] =	stream.indirect.gather [hbm4b:s4+s18], $0x80, s31, s18, $0xb8;
	[tilespmem:$0x1C400] =	vst v63  }
0xc1: {  	_ =	swait.ge [sflag:s20], $0x4000  }
0xc2: {  	[sflag:s20] =	ssyncset.done $0x0  }
0xc3: {  	[sflag:s20] =	ssyncadd.s32 $0xFFFFC000  }
0xc4: {  	[spmem:s1] =	stream.indirect.scatter.add.f32 [tilespmem:s15], [sflag:$0x3], $0x80, s0, s18, $0xb8;
	[tilespmem:$0x1C400] =	vst v63  }
0xc5: {  	_ =	swait.ge [sflag:s21], $0x4000  }
0xc6: {  	[sflag:s21] =	ssyncset.done $0x0  }
0xc7: {  	[sflag:s21] =	ssyncadd.s32 $0xFFFFC000  }
0xc8: {  	[tilespmem:s15], [sflag:$0x1] =	stream.indirect.gather [hbm4b:s4+s18], $0x80, s10, s18, $0xb8;
	[tilespmem:$0x1C400] =	vst v63  }
0xc9: {  	_ =	swait.ge [sflag:s23], $0x4000  }
0xca: {  	[sflag:s23] =	ssyncset.done $0x0  }
0xcb: {  	[sflag:s23] =	ssyncadd.s32 $0xFFFFC000  }
0xcc: {  	[spmem:s1] =	stream.indirect.scatter.add.f32 [tilespmem:s19], [sflag:$0x4], $0x80, s11, s18, $0xb8;
	[tilespmem:$0x1C400] =	vst v63  }
0xcd: {  	_ =	swait.ge [sflag:s25], $0x4000  }
0xce: {  	[sflag:s25] =	ssyncset.done $0x0  }
0xcf: {  	[sflag:s25] =	ssyncadd.s32 $0xFFFFC000  }
0xd0: {  	[tilespmem:s19], [sflag:$0x2] =	stream.indirect.gather [hbm4b:s4+s18], $0x80, s2, s18, $0xb8;
	[tilespmem:$0x1C400] =	vst v63  }
0xd1: {  	_ =	swait.ge [sflag:s20], $0x4000  }
0xd2: {  	[sflag:s20] =	ssyncset.done $0x0  }
0xd3: {  	[sflag:s20] =	ssyncadd.s32 $0xFFFFC000  }
0xd4: {  	[spmem:s1] =	stream.indirect.scatter.add.f32 [tilespmem:s15], [sflag:$0x3], $0x80, s6, s18, $0xb8;
	[tilespmem:$0x1C400] =	vst v63  }
0xd5: {  	_ =	swait.ge [sflag:s23], $0x4000  }
0xd6: {  	[sflag:s23] =	ssyncset.done $0x0  }
0xd7: {  	[sflag:s23] =	ssyncadd.s32 $0xFFFFC000  }
0xd8: {  	[spmem:s1] =	stream.indirect.scatter.add.f32 [tilespmem:s19], [sflag:$0x4], $0x80, s7, s18, $0xb8;
	[tilespmem:$0x1C400] =	vst v63  }
0xd9: {  	_ =	swait.ge [sflag:s21], $0x4000  }
0xda: {  	[sflag:s21] =	ssyncset.done $0x0  }
0xdb: {  	[sflag:s21] =	ssyncadd.s32 $0xFFFFC000  }
0xdc: {  	_ =	swait.ge [sflag:s25], $0x4000  }
0xdd: {  	s12 =	simm.s32 $0x100;
	s9 =	simm.s32 $0x80;
	[sflag:s25] =	ssyncset.done $0x0  }
.LBB2_5:
0xde: {  	s5 =	sadd.s32 s9, s14;
	[sflag:s25] =	ssyncadd.s32 $0xFFFFC000  }
0xdf: {  	[tilespmem:s3], [sflag:$0x5] =	stream.linear.gather [hbm4b:s5+s3], $0x400, $0x38;
	[tilespmem:$0x1C400] =	vst v63  }
0xe0: {  	s8 =	smov.u32 s12;
	s13 =	sadd.s32 $0x80, s12;
	_ =	swait.ge [sflag:s16], $0x400  }
0xe1: {  	p1 =	seq.s32 s12, $0x900;
	s12 =	rddreg [dreg:$0x4];
	[sflag:s16] =	ssyncset.done $0x0  }
0xe2: {  	[sflag:s16] =	ssyncadd.s32 $0xFFFFFC00;
	s5 =	sadd.s32 s9, s12  }
0xe3: {  	[tilespmem:s17], [sflag:$0x5] =	stream.linear.gather [hbm4b:s5+s3], $0x400, $0x38;
	[tilespmem:$0x1C400] =	vst v63  }
0xe4: {  	_ =	swait.ge [sflag:s16], $0x400  }
0xe5: {  	[sflag:s16] =	ssyncset.done $0x0  }
0xe6: {  	[sflag:s16] =	ssyncadd.s32 $0xFFFFFC00  }
0xe7: {  	[tilespmem:s15], [sflag:$0x1] =	stream.indirect.gather [hbm4b:s4+s18], $0x80, s3, s18, $0xb8;
	[tilespmem:$0x1C400] =	vst v63  }
0xe8: {  	_ = 	snop  }
0xe9: {  	[tilespmem:s19], [sflag:$0x2] =	stream.indirect.gather [hbm4b:s4+s18], $0x80, s18, s18, $0xb8;
	[tilespmem:$0x1C400] =	vst v63  }
0xea: {  	_ =	swait.ge [sflag:s20], $0x4000  }
0xeb: {  	[sflag:s20] =	ssyncset.done $0x0  }
0xec: {  	[sflag:s20] =	ssyncadd.s32 $0xFFFFC000  }
0xed: {  	[spmem:s1] =	stream.indirect.scatter.add.f32 [tilespmem:s15], [sflag:$0x3], $0x80, s17, s18, $0xb8;
	[tilespmem:$0x1C400] =	vst v63  }
0xee: {  	_ =	swait.ge [sflag:s21], $0x4000  }
0xef: {  	[sflag:s21] =	ssyncset.done $0x0  }
0xf0: {  	[sflag:s21] =	ssyncadd.s32 $0xFFFFC000  }
0xf1: {  	[tilespmem:s15], [sflag:$0x1] =	stream.indirect.gather [hbm4b:s4+s18], $0x80, s22, s18, $0xb8;
	[tilespmem:$0x1C400] =	vst v63  }
0xf2: {  	_ =	swait.ge [sflag:s23], $0x4000  }
0xf3: {  	[sflag:s23] =	ssyncset.done $0x0  }
0xf4: {  	[sflag:s23] =	ssyncadd.s32 $0xFFFFC000  }
0xf5: {  	[spmem:s1] =	stream.indirect.scatter.add.f32 [tilespmem:s19], [sflag:$0x4], $0x80, s24, s18, $0xb8;
	[tilespmem:$0x1C400] =	vst v63  }
0xf6: {  	_ =	swait.ge [sflag:s25], $0x4000  }
0xf7: {  	[sflag:s25] =	ssyncset.done $0x0  }
0xf8: {  	[sflag:s25] =	ssyncadd.s32 $0xFFFFC000  }
0xf9: {  	[tilespmem:s19], [sflag:$0x2] =	stream.indirect.gather [hbm4b:s4+s18], $0x80, s26, s18, $0xb8;
	[tilespmem:$0x1C400] =	vst v63  }
0xfa: {  	_ =	swait.ge [sflag:s20], $0x4000  }
0xfb: {  	[sflag:s20] =	ssyncset.done $0x0  }
0xfc: {  	[sflag:s20] =	ssyncadd.s32 $0xFFFFC000  }
0xfd: {  	[spmem:s1] =	stream.indirect.scatter.add.f32 [tilespmem:s15], [sflag:$0x3], $0x80, s28, s18, $0xb8;
	[tilespmem:$0x1C400] =	vst v63  }
0xfe: {  	_ =	swait.ge [sflag:s21], $0x4000  }
0xff: {  	[sflag:s21] =	ssyncset.done $0x0  }
0x100: {  	[sflag:s21] =	ssyncadd.s32 $0xFFFFC000  }
0x101: {  	[tilespmem:s15], [sflag:$0x1] =	stream.indirect.gather [hbm4b:s4+s18], $0x80, s29, s18, $0xb8;
	[tilespmem:$0x1C400] =	vst v63  }
0x102: {  	_ =	swait.ge [sflag:s23], $0x4000  }
0x103: {  	[sflag:s23] =	ssyncset.done $0x0  }
0x104: {  	[sflag:s23] =	ssyncadd.s32 $0xFFFFC000  }
0x105: {  	[spmem:s1] =	stream.indirect.scatter.add.f32 [tilespmem:s19], [sflag:$0x4], $0x80, s30, s18, $0xb8;
	[tilespmem:$0x1C400] =	vst v63  }
0x106: {  	_ =	swait.ge [sflag:s25], $0x4000  }
0x107: {  	[sflag:s25] =	ssyncset.done $0x0  }
0x108: {  	[sflag:s25] =	ssyncadd.s32 $0xFFFFC000  }
0x109: {  	[tilespmem:s19], [sflag:$0x2] =	stream.indirect.gather [hbm4b:s4+s18], $0x80, s31, s18, $0xb8;
	[tilespmem:$0x1C400] =	vst v63  }
0x10a: {  	_ =	swait.ge [sflag:s20], $0x4000  }
0x10b: {  	[sflag:s20] =	ssyncset.done $0x0  }
0x10c: {  	[sflag:s20] =	ssyncadd.s32 $0xFFFFC000  }
0x10d: {  	[spmem:s1] =	stream.indirect.scatter.add.f32 [tilespmem:s15], [sflag:$0x3], $0x80, s0, s18, $0xb8;
	[tilespmem:$0x1C400] =	vst v63  }
0x10e: {  	_ =	swait.ge [sflag:s21], $0x4000  }
0x10f: {  	[sflag:s21] =	ssyncset.done $0x0  }
0x110: {  	[sflag:s21] =	ssyncadd.s32 $0xFFFFC000  }
0x111: {  	[tilespmem:s15], [sflag:$0x1] =	stream.indirect.gather [hbm4b:s4+s18], $0x80, s10, s18, $0xb8;
	[tilespmem:$0x1C400] =	vst v63  }
0x112: {  	_ =	swait.ge [sflag:s23], $0x4000  }
0x113: {  	[sflag:s23] =	ssyncset.done $0x0  }
0x114: {  	[sflag:s23] =	ssyncadd.s32 $0xFFFFC000  }
0x115: {  	[spmem:s1] =	stream.indirect.scatter.add.f32 [tilespmem:s19], [sflag:$0x4], $0x80, s11, s18, $0xb8;
	[tilespmem:$0x1C400] =	vst v63  }
0x116: {  	_ =	swait.ge [sflag:s25], $0x4000  }
0x117: {  	[sflag:s25] =	ssyncset.done $0x0  }
0x118: {  	[sflag:s25] =	ssyncadd.s32 $0xFFFFC000  }
0x119: {  	[tilespmem:s19], [sflag:$0x2] =	stream.indirect.gather [hbm4b:s4+s18], $0x80, s2, s18, $0xb8;
	[tilespmem:$0x1C400] =	vst v63  }
0x11a: {  	_ =	swait.ge [sflag:s20], $0x4000  }
0x11b: {  	[sflag:s20] =	ssyncset.done $0x0  }
0x11c: {  	[sflag:s20] =	ssyncadd.s32 $0xFFFFC000  }
0x11d: {  	[spmem:s1] =	stream.indirect.scatter.add.f32 [tilespmem:s15], [sflag:$0x3], $0x80, s6, s18, $0xb8;
	[tilespmem:$0x1C400] =	vst v63  }
0x11e: {  	_ =	swait.ge [sflag:s23], $0x4000  }
0x11f: {  	[sflag:s23] =	ssyncset.done $0x0  }
0x120: {  	[sflag:s23] =	ssyncadd.s32 $0xFFFFC000  }
0x121: {  	[spmem:s1] =	stream.indirect.scatter.add.f32 [tilespmem:s19], [sflag:$0x4], $0x80, s7, s18, $0xb8;
	[tilespmem:$0x1C400] =	vst v63  }
.Ltmp4:
0x122: {  	_ =	swait.ge [sflag:s21], $0x4000;
	(pc) =	sbr.rel @!p1 .LBB2_5-.Ltmp4, $4  }
0x123: {  	[sflag:s21] =	ssyncset.done $0x0  }
0x124: {  	[sflag:s21] =	ssyncadd.s32 $0xFFFFC000  }
0x125: {  	_ =	swait.ge [sflag:s25], $0x4000  }
0x126: {  	s9 =	smov.u32 s8;
	s12 =	smov.u32 s13;
	[sflag:s25] =	ssyncset.done $0x0  }
0x127: {  	s5 =	sadd.s32 s9, s14;
	[sflag:s25] =	ssyncadd.s32 $0xFFFFC000  }
0x128: {  	[tilespmem:s3], [sflag:$0x5] =	stream.linear.gather [hbm4b:s5+s3], $0x400, $0x38;
	[tilespmem:$0x1C400] =	vst v63  }
0x129: {  	_ =	swait.ge [sflag:s16], $0x400  }
0x12a: {  	s13 =	rddreg [dreg:$0x4];
	[sflag:s16] =	ssyncset.done $0x0  }
0x12b: {  	s5 =	sadd.s32 s9, s13;
	[sflag:s16] =	ssyncadd.s32 $0xFFFFFC00  }
0x12c: {  	[tilespmem:s17], [sflag:$0x5] =	stream.linear.gather [hbm4b:s5+s3], $0x400, $0x38;
	[tilespmem:$0x1C400] =	vst v63  }
0x12d: {  	_ =	swait.ge [sflag:s16], $0x400  }
0x12e: {  	[sflag:s16] =	ssyncset.done $0x0  }
0x12f: {  	[sflag:s16] =	ssyncadd.s32 $0xFFFFFC00  }
0x130: {  	[tilespmem:s15], [sflag:$0x1] =	stream.indirect.gather [hbm4b:s4+s18], $0x80, s3, s18, $0xb8;
	[tilespmem:$0x1C400] =	vst v63  }
0x131: {  	_ = 	snop  }
0x132: {  	[tilespmem:s19], [sflag:$0x2] =	stream.indirect.gather [hbm4b:s4+s18], $0x80, s18, s18, $0xb8;
	[tilespmem:$0x1C400] =	vst v63  }
0x133: {  	_ =	swait.ge [sflag:s20], $0x4000  }
0x134: {  	[sflag:s20] =	ssyncset.done $0x0  }
0x135: {  	[sflag:s20] =	ssyncadd.s32 $0xFFFFC000  }
0x136: {  	[spmem:s1] =	stream.indirect.scatter.add.f32 [tilespmem:s15], [sflag:$0x3], $0x80, s17, s18, $0xb8;
	[tilespmem:$0x1C400] =	vst v63  }
0x137: {  	_ =	swait.ge [sflag:s21], $0x4000  }
0x138: {  	[sflag:s21] =	ssyncset.done $0x0  }
0x139: {  	[sflag:s21] =	ssyncadd.s32 $0xFFFFC000  }
0x13a: {  	[tilespmem:s15], [sflag:$0x1] =	stream.indirect.gather [hbm4b:s4+s18], $0x80, s22, s18, $0xb8;
	[tilespmem:$0x1C400] =	vst v63  }
0x13b: {  	_ =	swait.ge [sflag:s23], $0x4000  }
0x13c: {  	[sflag:s23] =	ssyncset.done $0x0  }
0x13d: {  	[sflag:s23] =	ssyncadd.s32 $0xFFFFC000  }
0x13e: {  	[spmem:s1] =	stream.indirect.scatter.add.f32 [tilespmem:s19], [sflag:$0x4], $0x80, s24, s18, $0xb8;
	[tilespmem:$0x1C400] =	vst v63  }
0x13f: {  	_ =	swait.ge [sflag:s25], $0x4000  }
0x140: {  	[sflag:s25] =	ssyncset.done $0x0  }
0x141: {  	[sflag:s25] =	ssyncadd.s32 $0xFFFFC000  }
0x142: {  	[tilespmem:s19], [sflag:$0x2] =	stream.indirect.gather [hbm4b:s4+s18], $0x80, s26, s18, $0xb8;
	[tilespmem:$0x1C400] =	vst v63  }
0x143: {  	_ =	swait.ge [sflag:s20], $0x4000  }
0x144: {  	[sflag:s20] =	ssyncset.done $0x0  }
0x145: {  	[sflag:s20] =	ssyncadd.s32 $0xFFFFC000  }
0x146: {  	[spmem:s1] =	stream.indirect.scatter.add.f32 [tilespmem:s15], [sflag:$0x3], $0x80, s28, s18, $0xb8;
	[tilespmem:$0x1C400] =	vst v63  }
0x147: {  	_ =	swait.ge [sflag:s21], $0x4000  }
0x148: {  	[sflag:s21] =	ssyncset.done $0x0  }
0x149: {  	[sflag:s21] =	ssyncadd.s32 $0xFFFFC000  }
0x14a: {  	[tilespmem:s15], [sflag:$0x1] =	stream.indirect.gather [hbm4b:s4+s18], $0x80, s29, s18, $0xb8;
	[tilespmem:$0x1C400] =	vst v63  }
0x14b: {  	_ =	swait.ge [sflag:s23], $0x4000  }
0x14c: {  	[sflag:s23] =	ssyncset.done $0x0  }
0x14d: {  	[sflag:s23] =	ssyncadd.s32 $0xFFFFC000  }
0x14e: {  	[spmem:s1] =	stream.indirect.scatter.add.f32 [tilespmem:s19], [sflag:$0x4], $0x80, s30, s18, $0xb8;
	[tilespmem:$0x1C400] =	vst v63  }
0x14f: {  	_ =	swait.ge [sflag:s25], $0x4000  }
0x150: {  	[sflag:s25] =	ssyncset.done $0x0  }
0x151: {  	[sflag:s25] =	ssyncadd.s32 $0xFFFFC000  }
0x152: {  	[tilespmem:s19], [sflag:$0x2] =	stream.indirect.gather [hbm4b:s4+s18], $0x80, s31, s18, $0xb8;
	[tilespmem:$0x1C400] =	vst v63  }
0x153: {  	_ =	swait.ge [sflag:s20], $0x4000  }
0x154: {  	[sflag:s20] =	ssyncset.done $0x0  }
0x155: {  	[sflag:s20] =	ssyncadd.s32 $0xFFFFC000  }
0x156: {  	[spmem:s1] =	stream.indirect.scatter.add.f32 [tilespmem:s15], [sflag:$0x3], $0x80, s0, s18, $0xb8;
	[tilespmem:$0x1C400] =	vst v63  }
0x157: {  	_ =	swait.ge [sflag:s21], $0x4000  }
0x158: {  	[sflag:s21] =	ssyncset.done $0x0  }
0x159: {  	[sflag:s21] =	ssyncadd.s32 $0xFFFFC000  }
0x15a: {  	[tilespmem:s15], [sflag:$0x1] =	stream.indirect.gather [hbm4b:s4+s18], $0x80, s10, s18, $0xb8;
	[tilespmem:$0x1C400] =	vst v63  }
0x15b: {  	_ =	swait.ge [sflag:s23], $0x4000  }
0x15c: {  	[sflag:s23] =	ssyncset.done $0x0  }
0x15d: {  	[sflag:s23] =	ssyncadd.s32 $0xFFFFC000  }
0x15e: {  	[spmem:s1] =	stream.indirect.scatter.add.f32 [tilespmem:s19], [sflag:$0x4], $0x80, s11, s18, $0xb8;
	[tilespmem:$0x1C400] =	vst v63  }
0x15f: {  	_ =	swait.ge [sflag:s25], $0x4000  }
0x160: {  	[sflag:s25] =	ssyncset.done $0x0  }
0x161: {  	[sflag:s25] =	ssyncadd.s32 $0xFFFFC000  }
0x162: {  	[tilespmem:s19], [sflag:$0x2] =	stream.indirect.gather [hbm4b:s4+s18], $0x80, s2, s18, $0xb8;
	[tilespmem:$0x1C400] =	vst v63  }
0x163: {  	_ =	swait.ge [sflag:s20], $0x4000  }
0x164: {  	[sflag:s20] =	ssyncset.done $0x0  }
0x165: {  	[sflag:s20] =	ssyncadd.s32 $0xFFFFC000  }
0x166: {  	[spmem:s1] =	stream.indirect.scatter.add.f32 [tilespmem:s15], [sflag:$0x3], $0x80, s6, s18, $0xb8;
	[tilespmem:$0x1C400] =	vst v63  }
0x167: {  	_ =	swait.ge [sflag:s23], $0x4000  }
0x168: {  	[sflag:s23] =	ssyncset.done $0x0  }
0x169: {  	[sflag:s23] =	ssyncadd.s32 $0xFFFFC000  }
0x16a: {  	[spmem:s1] =	stream.indirect.scatter.add.f32 [tilespmem:s19], [sflag:$0x4], $0x80, s7, s18, $0xb8;
	[tilespmem:$0x1C400] =	vst v63  }
0x16b: {  	_ =	swait.ge [sflag:s21], $0x4000  }
.Ltmp5:
0x16c: {  	[sflag:s21] =	ssyncset.done $0x0;
	(pc) =	sbr.rel .LBB2_8-.Ltmp5, $4  }
0x16d: {  	[sflag:s21] =	ssyncadd.s32 $0xFFFFC000  }
0x16e: {  	_ =	swait.ge [sflag:s25], $0x4000  }
0x16f: {  	[sflag:s25] =	ssyncset.done $0x0  }
0x170: {  	s13 =	stileid.u32;
	s12 =	rddreg [dreg:$0xe];
	[sflag:s25] =	ssyncadd.s32 $0xFFFFC000  }
.LBB2_9:
0x171: {  	_ =	sfence.sel $0x180000  }
0x172: {  	[bflag:$0x0] =	sbarrier.arrive $0xFFFF  }
0x173: {  	_ =	strace $0x90000050  }
0x174: {  	[bflag:$0x2] =	sbarrier.arrive $0xFFFF  }
0x175: {  	p0 =	sne.s32 s13, $0x0;
	s0 =	rddreg [dreg:$0x3]  }
0x176: {  	s0 =	sadd.s32 @!p0 $0x100000, s0  }
0x177: {  	[sflag:s0] =	ssyncadd.tile.s32 @!p0 $0x1;
	_ =	shalt  }
.Lfunc_end2:
_tile_overlayer_lowered:
.L_overlay_start_2:
0x178: {  	(tag) =	ssettag $0x2  }
0x179: {  	s0 =	rddreg [dreg:$0x0];
	s2 =	stileid.u32  }
0x17a: {  	s1 =	rddreg [dreg:$0x1];
	p0 =	sne.s32 s2, $0x0  }
0x17b: {  	s3 =	rddreg [dreg:$0x2];
	[bflag:$0x3] =	sbarrier.arrive $0xFFFF;
	s2 =	simm.s32 @!p0 $0x1C05  }
0x17c: {  	[timem:s3], [sflag:s2] =	dma.local @!p0 [hbm:s0], s1  }
0x17d: {  	s0 =	simm.s32 @!p0 $0x5  }
0x17e: {  	_ =	swait.ge @!p0 [sflag:s0], s1  }
0x17f: {  	s1 =	ssub.s32 @!p0 $0x0, s1;
	[sflag:s0] =	ssyncset.done @!p0 $0x0  }
0x180: {  	[sflag:s0] =	ssyncadd.s32 @!p0 s1  }
0x181: {  	[bflag:$0x3] =	sbarrier.arrive $0xFFFF  }
0x182: {  	_ =	shalt  }

// kernel: kernel.9.cloned.1.call-start
scs
__scs_entry_jumppad:
0x0: {  	(pc) =	sbr.rel $0x88, $3  }
0x1: {  	(tag) =	ssettag $0x0;
	lr =	simm.s32 $0x1  }
0x2: {  	[smem:$0x3F96] =	sst lr;
	_ =	strace $0xD0000000  }
0x3: {  	_ = 	snop  }
0x4: {  	_ = 	snop  }
0x5: {  	_ = 	snop  }
0x6: {  	_ = 	snop  }
0x7: {  	_ = 	snop  }
__scs_overlays_trampoline_lowered:
0x8: {  	[smem:$0x3FA5] =	sst s0  }
0x9: {  	[smem:$0x3FA6] =	sst s1  }
0xa: {  	[smem:$0x3FA7] =	sst s2  }
0xb: {  	[smem:$0x3FA8] =	sst s3  }
0xc: {  	[smem:$0x3FA9] =	sst s4  }
0xd: {  	[smem:$0x3FAA] =	sst s5  }
0xe: {  	[smem:$0x3FAB] =	sst s6  }
0xf: {  	[smem:$0x3FAC] =	sst s7  }
0x10: {  	[smem:$0x3FAD] =	sst s8  }
0x11: {  	[smem:$0x3FAE] =	sst s9;
	s0 =	simm.s32 @!p0 $0x0  }
0x12: {  	s1 =	sld [smem:$0x3F94];
	s0 =	simm.s32 @p0 $0x1  }
0x13: {  	[smem:$0x3FAF] =	sst s0;
	s0 =	simm.s32 @!p1 $0x0  }
0x14: {  	s2 =	sld [smem:$0x3F93];
	s0 =	simm.s32 @p1 $0x1  }
0x15: {  	[smem:$0x3FB0] =	sst s0;
	s0 =	simm.s32 @!p2 $0x0  }
0x16: {  	s3 =	sld [smem:$0x3FDB];
	s0 =	simm.s32 @p2 $0x1  }
0x17: {  	s4 =	simm.s32 $0x1BF5;
	[smem:$0x3FB2] =	sst s0  }
0x18: {  	s0 =	sld [smem:$0x3F95];
	_ =	swait.ge [sflag:s4], $0x0  }
0x19: {  	s7 =	sld [smem:$0x3F96]  }
0x1a: {  	s8 =	sadd.s32 $0xFFFFE003, lr  }
0x1b: {  	s9 =	sadd.s32 $0xFFFFFEF7, lr;
	s5 =	simm.s32 $0xFFFFFFFF;
	p2 =	slt.u32 s8, $0xFFFFF086  }
0x1c: {  	p1 =	slt.u32 s9, $0xF7A;
	s5 =	simm.s32 @!p2 $0x0  }
0x1d: {  	s5 =	simm.s32 @p1 $0x1;
	p0 =	seq.s32 s7, s2  }
0x1e: {  	s7 =	smul.u32 @!p0 $0xF7A, s2;
	p2 =	seq.s32 @!p0 s5, $0x0  }
0x1f: {  	s9 =	smul.u32 $0xF7A, s1;
	s8 =	simm.s32 @!p0 $0x1BF5;
	p2 =	por !p2, p0  }
0x20: {  	[sflag:s8] =	ssyncset.s32 @!p0 $0xFFFFF086;
	s6 =	sadd.s32 @!p0 s3, s7;
	s7 =	simm.s32 @!p0 $0x108  }
0x21: {  	s3 =	sadd.s32 s3, s9;
	s6 =	sadd.s32 @!p0 $0x88, s6;
	s7 =	simm.s32 @p2 $0x1082  }
0x22: {  	[simem:s7], [sflag:s8] =	dma.local @!p0 [hbm:s6], $0xF7A  }
0x23: {  	s9 =	sor.u32 $0xD0000000, s2;
	s6 =	simm.s32 $0x108;
	_ =	swait.ge @!p0 [sflag:s8], $0x0  }
0x24: {  	s3 =	sadd.s32 $0x88, s3;
	s6 =	simm.s32 @!p1 $0x1082;
	[sflag:s4] =	ssyncset.s32 $0xFFFFF086  }
0x25: {  	[simem:s6], [sflag:s4] =	dma.local [hbm:s3], $0xF7A  }
0x26: {  	[smem:$0x3F96] =	sst s1;
	(tag) =	ssettag s2;
	_ =	strace s9  }
0x27: {  	s1 =	sld [smem:$0x3FA6]  }
0x28: {  	s2 =	sld [smem:$0x3FA7]  }
0x29: {  	s4 =	sld [smem:$0x3FA9]  }
0x2a: {  	p0 =	seq.s32 s5, $0x0;
	s5 =	sld [smem:$0x3FAA]  }
0x2b: {  	s6 =	sld [smem:$0x3FAB]  }
0x2c: {  	s7 =	sld [smem:$0x3FAC]  }
0x2d: {  	s3 =	simm.s32 $0x108;
	s8 =	sld [smem:$0x3FAD]  }
0x2e: {  	s3 =	simm.s32 @!p0 $0x1082;
	s9 =	sld [smem:$0x3FAE]  }
0x2f: {  	lr =	sadd.s32 s0, s3;
	s0 =	sld [smem:$0x3FA5]  }
0x30: {  	s3 =	sld [smem:$0x3FA8]  }
0x31: {  	[smem:$0x3FB1] =	sst s10  }
0x32: {  	s10 =	sld [smem:$0x3FAF];
	_ =	sdelay $0x3  }
0x33: {  	p0 =	seq.s32 s10, $0x1;
	s10 =	sld [smem:$0x3FB1];
	_ =	sdelay $0x3  }
0x34: {  	[smem:$0x3FB1] =	sst s10  }
0x35: {  	s10 =	sld [smem:$0x3FB0];
	_ =	sdelay $0x3  }
0x36: {  	p1 =	seq.s32 s10, $0x1;
	s10 =	sld [smem:$0x3FB1];
	_ =	sdelay $0x3  }
0x37: {  	[smem:$0x3FB1] =	sst s10  }
0x38: {  	s10 =	sld [smem:$0x3FB2]  }
0x39: {  	_ = 	snop;
	(pc) =	sbr.ind lr, $3  }
0x3a: {  	_ = 	snop  }
0x3b: {  	_ = 	snop  }
0x3c: {  	p2 =	seq.s32 s10, $0x1;
	s10 =	sld [smem:$0x3FB1]  }
0x3d: {  	_ =	shalt  }
0x3e: {  	_ =	shalt  }
0x3f: {  	_ =	shalt  }
0x40: {  	_ =	shalt  }
0x41: {  	_ =	shalt  }
0x42: {  	_ =	shalt  }
0x43: {  	_ =	shalt  }
0x44: {  	_ =	shalt  }
0x45: {  	_ =	shalt  }
0x46: {  	_ =	shalt  }
0x47: {  	_ =	shalt  }
0x48: {  	_ =	shalt  }
0x49: {  	_ =	shalt  }
0x4a: {  	_ =	shalt  }
0x4b: {  	_ =	shalt  }
0x4c: {  	_ =	shalt  }
0x4d: {  	_ =	shalt  }
0x4e: {  	_ =	shalt  }
0x4f: {  	_ =	shalt  }
0x50: {  	_ =	shalt  }
0x51: {  	_ =	shalt  }
0x52: {  	_ =	shalt  }
0x53: {  	_ =	shalt  }
0x54: {  	_ =	shalt  }
0x55: {  	_ =	shalt  }
0x56: {  	_ =	shalt  }
0x57: {  	_ =	shalt  }
0x58: {  	_ =	shalt  }
0x59: {  	_ =	shalt  }
0x5a: {  	_ =	shalt  }
0x5b: {  	_ =	shalt  }
0x5c: {  	_ =	shalt  }
0x5d: {  	_ =	shalt  }
0x5e: {  	_ =	shalt  }
0x5f: {  	_ =	shalt  }
0x60: {  	_ =	shalt  }
0x61: {  	_ =	shalt  }
0x62: {  	_ =	shalt  }
0x63: {  	_ =	shalt  }
0x64: {  	_ =	shalt  }
0x65: {  	_ =	shalt  }
0x66: {  	_ =	shalt  }
0x67: {  	_ =	shalt  }
0x68: {  	_ =	shalt  }
0x69: {  	_ =	shalt  }
0x6a: {  	_ =	shalt  }
0x6b: {  	_ =	shalt  }
0x6c: {  	_ =	shalt  }
0x6d: {  	_ =	shalt  }
0x6e: {  	_ =	shalt  }
0x6f: {  	_ =	shalt  }
0x70: {  	_ =	shalt  }
0x71: {  	_ =	shalt  }
0x72: {  	_ =	shalt  }
0x73: {  	_ =	shalt  }
0x74: {  	_ =	shalt  }
0x75: {  	_ =	shalt  }
0x76: {  	_ =	shalt  }
0x77: {  	_ =	shalt  }
0x78: {  	_ =	shalt  }
0x79: {  	_ =	shalt  }
0x7a: {  	_ =	shalt  }
0x7b: {  	_ =	shalt  }
0x7c: {  	_ =	shalt  }
0x7d: {  	_ =	shalt  }
0x7e: {  	_ =	shalt  }
0x7f: {  	_ =	shalt  }
0x80: {  	_ =	shalt  }
0x81: {  	_ =	shalt  }
0x82: {  	_ =	shalt  }
0x83: {  	_ =	shalt  }
0x84: {  	_ =	shalt  }
0x85: {  	_ =	shalt  }
0x86: {  	_ =	shalt  }
0x87: {  	_ =	shalt  }
.Lfunc_end0:
.L_simem_size_0:
called_computation_lowered:
.L_overlay_start_0:
0x88: {  	s2 =	sld [smem:$0x3FD9]  }
0x89: {  	s3 =	sld [smem:$0x3FFE];
	_ =	sdelay $0x1  }
0x8a: {  	s1 =	srdreg.scid  }
0x8b: {  	s0 =	sand.u32 $0x1, s1  }
0x8c: {  	s17 =	sshll.u32 s0, $0xA;
	s2 =	sadd.s32 s3, s2  }
0x8d: {  	s2 =	sadd.s32 s2, s17  }
0x8e: {  	[smem:$0x3FBD] =	sst s2  }
0x8f: {  	_ = 	snop  }
0x90: {  	s18 =	sld [smem:$0x3FD0];
	(tm) =	ssettm $0x1  }
0x91: {  	s19 =	sld [smem:$0x3FFB];
	_ =	sdelay $0x3  }
0x92: {  	_ =	strace s19  }
0x93: {  	s2 =	sld [smem:$0x3FFC];
	_ =	sdelay $0x3  }
0x94: {  	_ =	strace s2  }
0x95: {  	s2 =	sld [smem:$0x3FFD];
	_ =	sdelay $0x3  }
0x96: {  	_ =	strace s2  }
0x97: {  	_ =	strace $0x8FFFFFFF  }
0x98: {  	s20 =	sld [smem:$0x3FDB];
	_ =	sdelay $0x1  }
0x99: {  	s4 =	simm.s32 $_scs_section_size  }
0x9a: {  	s5 =	simm.s32 $_size__tile_overlayer_lowered;
	s6 =	simm.s32 $_tile_overlayer_lowered  }
0x9b: {  	s7 =	simm.s32 $0x1BFF;
	s21 =	sshll.u32 s6, $0x1;
	s4 =	sadd.s32 s4, s20  }
0x9c: {  	s22 =	simm.s32 $0x0;
	s5 =	sshll.u32 s5, $0x1;
	s6 =	sadd.s32 s21, s4  }
0x9d: {  	[timem:s22], [sflag:s7] =	dma.local [hbm:s6], s5  }
0x9e: {  	_ =	swait.ge [sflag:s7], s5  }
0x9f: {  	s5 =	ssub.s32 $0x0, s5;
	[sflag:s7] =	ssyncset.done $0x0  }
0xa0: {  	[sflag:s7] =	ssyncadd.s32 s5;
	_ =	sdelay $0x1  }
0xa1: {  	s23 =	simm.s32 $0x1B8B  }
0xa2: {  	_ =	swait.ge [sflag:s23], $0x1  }
0xa3: {  	[sflag:s23] =	ssyncset.done $0x0  }
0xa4: {  	[sflag:s23] =	ssyncadd.s32 $0xFFFFFFFF  }
0xa5: {  	s5 =	sld [smem:$0x0]  }
0xa6: {  	s6 =	sand.u32 $0xFFFFFFFE, s1  }
0xa7: {  	p0 =	sne.s32 s1, s6  }
0xa8: {  	s6 =	sshll.u32 @p0 s6, $0xE  }
0xa9: {  	s6 =	sadd.s32 @p0 $0x11B8D, s6;
	s7 =	sshll.u32 @p0 s5, $0x11  }
0xaa: {  	s6 =	sor.u32 @p0 s7, s6  }
0xab: {  	[sflag:s6] =	ssyncadd.remote.s32 @p0 $0x1;
	_ =	sdelay $0x1  }
0xac: {  	s6 =	simm.s32 @p0 $0x1B8D  }
0xad: {  	_ =	swait.eq @p0 [sflag:s6], $0x1  }
0xae: {  	[sflag:s6] =	ssyncadd.s32 @p0 $0xFFFFFFFF  }
0xaf: {  	s7 =	sshll.u32 @!p0 s1, $0xE  }
0xb0: {  	s7 =	sor.u32 @!p0 $0x4000, s7;
	s6 =	simm.s32 @!p0 $0x1B8D  }
0xb1: {  	s5 =	sshll.u32 @!p0 s5, $0x11;
	s7 =	sadd.s32 @!p0 $0x11B8D, s7;
	_ =	swait.eq @!p0 [sflag:s6], $0x1  }
0xb2: {  	s5 =	sor.u32 @!p0 s5, s7;
	[sflag:s6] =	ssyncadd.s32 @!p0 $0xFFFFFFFF  }
0xb3: {  	s25 =	simm.s32 $0x1B8E;
	s24 =	sld [smem:$0x3FFE];
	[sflag:s5] =	ssyncadd.remote.s32 @!p0 $0x1  }
0xb4: {  	s26 =	simm.s32 $execute0_lowered;
	[smem:$0x3FD2] =	sst s25  }
0xb5: {  	s6 =	sshll.u32 s26, $0x1;
	_ =	strace $0x80000049;
	[dreg:$0x1] =	wrdreg $0xFFFFFFFF  }
0xb6: {  	s28 =	simm.s32 $_size_execute0_lowered;
	s4 =	sadd.s32 s4, s6;
	[dreg:$0x0] =	wrdreg $0x0  }
0xb7: {  	s6 =	sshll.u32 s28, $0x1;
	[dreg:$0x2] =	wrdreg s4  }
0xb8: {  	[dreg:$0x3] =	wrdreg s6  }
0xb9: {  	[dreg:$0x4] =	wrdreg $0xC0  }
0xba: {  	_ =	task [dreg:s22], $0x5FFFF  }
0xbb: {  	[dreg:$0x1] =	wrdreg $0xFFFFFFFF  }
0xbc: {  	[dreg:$0x0] =	wrdreg $0x60  }
0xbd: {  	[dreg:$0x2] =	wrdreg s18  }
0xbe: {  	[dreg:$0x3] =	wrdreg s24  }
0xbf: {  	[dreg:$0x4] =	wrdreg $0x44000  }
0xc0: {  	[dreg:$0x5] =	wrdreg $0x9  }
0xc1: {  	_ =	task.clear_ibuf [dreg:s22], $0x6FFFF;
	_ =	strace $0x90000049  }
0xc2: {  	s29 =	simm.s32 $0x9;
	_ =	strace $0x8000004B  }
0xc3: {  	_ =	swait.ge [sflag:s29], $0x1  }
0xc4: {  	[sflag:s29] =	ssyncadd.s32 $0xFFFFFFFF  }
0xc5: {  	_ =	strace $0x9000004B  }
0xc6: {  	_ =	sfence  }
0xc7: {  	s30 =	sld [smem:$0x0];
	_ =	sdelay $0x2  }
0xc8: {  	s31 =	sshll.u32 s1, $0xD;
	s1 =	sshrl.u32 s1, $0x2  }
0xc9: {  	s4 =	sand.u32 $0x4000, s31;
	s1 =	sadd.s32 s1, s30  }
0xca: {  	s0 =	sor.u32 s4, s0;
	s1 =	sshll.u32 s1, $0x11  }
0xcb: {  	s0 =	sor.u32 s1, s0  }
0xcc: {  	s0 =	sadd.s32 $0x8F2B, s0  }
0xcd: {  	[sflag:s0] =	ssyncadd.remote.s32 $0x1  }
0xce: {  	_ =	sfence.sel $0xFFFF  }
0xcf: {  	[dreg:$0x0] =	wrdreg $0xFFFFFFFF;
	(pc) =	sbr.abs _section_cstart, $3  }
0xd0: {  	[dreg:$0x1] =	wrdreg $0xFFFFFFFF  }
0xd1: {  	_ =	task.clear_ibuf [dreg:s22], $0x2FFFF;
	_ =	strace $0x9FFFFFFF  }
0xd2: {  	(tm) =	ssettm $0x7FFFFFFF  }
0xd3: {  	_ =	shalt  }
tec
execute0_lowered:
.L_overlay_start_1:
0x0: {  	(tag) =	ssettag $0x1  }
0x1: {  	s10 =	rddreg [dreg:$0x0]  }
0x2: {  	s4 =	rddreg [dreg:$0x1];
	s0 =	srdreg.scid  }
0x3: {  	s2 =	rddreg [dreg:$0x2];
	s1 =	stileid.u32  }
0x4: {  	s3 =	simm.s32 $0x0;
	s14 =	simm.s32 $0x80;
	s15 =	simm.s32 $0x100  }
0x5: {  	s16 =	simm.s32 $0x180;
	s17 =	simm.s32 $0x200;
	s18 =	simm.s32 $0x280  }
0x6: {  	s19 =	simm.s32 $0x300;
	s20 =	simm.s32 $0x380;
	s7 =	smul.u32 $0x13C00, s1  }
0x7: {  	s6 =	sand.u32 $0x1, s0;
	s0 =	rddreg [dreg:$0x3];
	s8 =	smul.u32 $0x4F000, s1  }
0x8: {  	s23 =	simm.s32 $0x0;
	[smem:$0x7FF] =	sst s3;
	s13 =	smul.u32 $0x500, s1  }
0x9: {  	s21 =	sshll.u32 s1, $0x6;
	s5 =	smul.u32 $0x13C000, s6;
	_ =	strace $0x8000004A  }
0xa: {  	s30 =	ssub.s32 $0x2, s6;
	s12 =	smul.u32 $0x5000, s6;
	s21 =	sor.u32 $0x1C01, s21  }
0xb: {  	s8 =	sshrl.u32 s8, $0x2;
	s31 =	sshrl.u32 s30, $0x1;
	s5 =	sadd.s32 s7, s5  }
0xc: {  	s11 =	ssub.s32 s30, s31;
	s12 =	sadd.s32 s12, s10;
	s5 =	sshrl.u32 s5, $0x3  }
0xd: {  	s10 =	smax.u32 s11, $0x1;
	s11 =	sadd.s32 s13, s12;
	s12 =	simm.s32 $0x400  }
0xe: {  	s13 =	simm.s32 $0x1;
	s9 =	sadd.s32 s5, s4;
	s4 =	sadd.s32 s8, s2  }
0xf: {  	s5 =	sadd.s32 $0x4000, s4;
	s6 =	sadd.s32 $0x8000, s4;
	s7 =	sadd.s32 $0xC000, s4  }
0x10: {  	v0 =	vimm.f32 $0.0e+00;
	v1 =	vimm.f32 $1.000000000e+00;
	s8 =	sadd.s32 $0x10000, s4;
	s9 =	sadd.s32 $0x84400, s9;
	s22 =	sshrl.u32 s4, $0x3  }
.LBB2_1:
0x11: {  	s24 =	simm.s32 $0x0;
	s25 =	simm.s32 $0x200  }
.LBB2_2:
0x12: {  	p0 =	sne.s32 s25, $0xFE00;
	[tilespmem:s24+$0x470] =	vst v0  }
0x13: {  	[tilespmem:s24+$0x400] =	vst v0  }
0x14: {  	[tilespmem:s24+$0x410] =	vst v0  }
.Ltmp0:
0x15: {  	[tilespmem:s24+$0x420] =	vst v0;
	(pc) =	sbr.rel @p0 .LBB2_2-.Ltmp0, $4  }
0x16: {  	[tilespmem:s24+$0x430] =	vst v0  }
0x17: {  	[tilespmem:s24+$0x440] =	vst v0  }
0x18: {  	[tilespmem:s24+$0x450] =	vst v0  }
0x19: {  	[tilespmem:s24+$0x460] =	vst v0;
	s24 =	sshra.s32 s25, $0x2;
	s25 =	sadd.s32 $0x200, s25  }
0x1a: {  	[tilespmem:s24+$0x470] =	vst v0  }
0x1b: {  	[tilespmem:s24+$0x400] =	vst v0  }
0x1c: {  	[tilespmem:s24+$0x410] =	vst v0  }
0x1d: {  	[tilespmem:s24+$0x420] =	vst v0  }
0x1e: {  	[tilespmem:s24+$0x430] =	vst v0  }
0x1f: {  	[tilespmem:s24+$0x440] =	vst v0  }
0x20: {  	[tilespmem:s24+$0x450] =	vst v0  }
0x21: {  	[tilespmem:s24+$0x460] =	vst v0  }
0x22: {  	[spmem:s4] =	stream.linear.scatter [tilespmem:s12], [sflag:$0x1], $0x4000, $0x38;
	[tilespmem:$0x18000] =	vst v63  }
0x23: {  	_ =	swait.ge [sflag:s13], $0x4000  }
0x24: {  	[sflag:s13] =	ssyncset.done $0x0  }
0x25: {  	[sflag:s13] =	ssyncadd.s32 $0xFFFFC000  }
0x26: {  	[spmem:s5] =	stream.linear.scatter [tilespmem:s12], [sflag:$0x1], $0x4000, $0x38;
	[tilespmem:$0x18000] =	vst v63  }
0x27: {  	_ =	swait.ge [sflag:s13], $0x4000  }
0x28: {  	[sflag:s13] =	ssyncset.done $0x0  }
0x29: {  	[sflag:s13] =	ssyncadd.s32 $0xFFFFC000  }
0x2a: {  	[spmem:s6] =	stream.linear.scatter [tilespmem:s12], [sflag:$0x1], $0x4000, $0x38;
	[tilespmem:$0x18000] =	vst v63  }
0x2b: {  	_ =	swait.ge [sflag:s13], $0x4000  }
0x2c: {  	[sflag:s13] =	ssyncset.done $0x0  }
0x2d: {  	[sflag:s13] =	ssyncadd.s32 $0xFFFFC000  }
0x2e: {  	[spmem:s7] =	stream.linear.scatter [tilespmem:s12], [sflag:$0x1], $0x4000, $0x38;
	[tilespmem:$0x18000] =	vst v63  }
0x2f: {  	_ =	swait.ge [sflag:s13], $0x4000  }
0x30: {  	[sflag:s13] =	ssyncset.done $0x0  }
0x31: {  	[sflag:s13] =	ssyncadd.s32 $0xFFFFC000  }
0x32: {  	[spmem:s8] =	stream.linear.scatter [tilespmem:s12], [sflag:$0x1], $0x3C00, $0x38;
	[tilespmem:$0x18000] =	vst v63  }
0x33: {  	_ =	swait.ge [sflag:s13], $0x3C00  }
0x34: {  	[sflag:s13] =	ssyncset.done $0x0  }
0x35: {  	s24 =	simm.s32 $0x0;
	s25 =	simm.s32 $0x200;
	[sflag:s13] =	ssyncadd.s32 $0xFFFFC400  }
.LBB2_4:
0x36: {  	p0 =	sne.s32 s25, $0xFE00;
	[tilespmem:s24+$0x470] =	vst v1  }
0x37: {  	[tilespmem:s24+$0x400] =	vst v1  }
0x38: {  	[tilespmem:s24+$0x410] =	vst v1  }
.Ltmp1:
0x39: {  	[tilespmem:s24+$0x420] =	vst v1;
	(pc) =	sbr.rel @p0 .LBB2_4-.Ltmp1, $4  }
0x3a: {  	[tilespmem:s24+$0x430] =	vst v1  }
0x3b: {  	[tilespmem:s24+$0x440] =	vst v1  }
0x3c: {  	[tilespmem:s24+$0x450] =	vst v1  }
0x3d: {  	[tilespmem:s24+$0x460] =	vst v1;
	s24 =	sshra.s32 s25, $0x2;
	s25 =	sadd.s32 $0x200, s25  }
0x3e: {  	[tilespmem:s24+$0x470] =	vst v1  }
0x3f: {  	[tilespmem:s24+$0x400] =	vst v1  }
0x40: {  	[tilespmem:s24+$0x410] =	vst v1  }
0x41: {  	[tilespmem:s24+$0x420] =	vst v1  }
0x42: {  	[tilespmem:s24+$0x430] =	vst v1  }
0x43: {  	[tilespmem:s24+$0x440] =	vst v1  }
0x44: {  	[tilespmem:s24+$0x450] =	vst v1  }
0x45: {  	[tilespmem:s24+$0x460] =	vst v1  }
0x46: {  	s31 =	sadd.s32 $0x0, s11;
	[bflag:$0x0] =	sbarrier.arrive $0xFFFF  }
0x47: {  	[tilespmem:s3], [sflag:$0x1] =	stream.linear.gather [hbm4b:s31+s3], $0x400, $0x38;
	[tilespmem:$0x18000] =	vst v63  }
0x48: {  	_ =	swait.ge [sflag:s13], $0x400  }
0x49: {  	[sflag:s13] =	ssyncset.done $0x0  }
0x4a: {  	[sflag:s13] =	ssyncadd.s32 $0xFFFFFC00  }
0x4b: {  	[spmem:s2] =	stream.indirect.scatter.add.f32 [tilespmem:s12], [sflag:$0x1], $0x80, s3, s14, $0xb8;
	[tilespmem:$0x18000] =	vst v63  }
0x4c: {  	_ =	swait.ge [sflag:s13], $0x4000  }
0x4d: {  	[sflag:s13] =	ssyncset.done $0x0  }
0x4e: {  	[sflag:s13] =	ssyncadd.s32 $0xFFFFC000  }
0x4f: {  	[spmem:s2] =	stream.indirect.scatter.add.f32 [tilespmem:s12], [sflag:$0x1], $0x80, s14, s14, $0xb8;
	[tilespmem:$0x18000] =	vst v63  }
0x50: {  	_ =	swait.ge [sflag:s13], $0x4000  }
0x51: {  	[sflag:s13] =	ssyncset.done $0x0  }
0x52: {  	[sflag:s13] =	ssyncadd.s32 $0xFFFFC000  }
0x53: {  	[spmem:s2] =	stream.indirect.scatter.add.f32 [tilespmem:s12], [sflag:$0x1], $0x80, s15, s14, $0xb8;
	[tilespmem:$0x18000] =	vst v63  }
0x54: {  	_ =	swait.ge [sflag:s13], $0x4000  }
0x55: {  	[sflag:s13] =	ssyncset.done $0x0  }
0x56: {  	[sflag:s13] =	ssyncadd.s32 $0xFFFFC000  }
0x57: {  	[spmem:s2] =	stream.indirect.scatter.add.f32 [tilespmem:s12], [sflag:$0x1], $0x80, s16, s14, $0xb8;
	[tilespmem:$0x18000] =	vst v63  }
0x58: {  	_ =	swait.ge [sflag:s13], $0x4000  }
0x59: {  	[sflag:s13] =	ssyncset.done $0x0  }
0x5a: {  	[sflag:s13] =	ssyncadd.s32 $0xFFFFC000  }
0x5b: {  	[spmem:s2] =	stream.indirect.scatter.add.f32 [tilespmem:s12], [sflag:$0x1], $0x80, s17, s14, $0xb8;
	[tilespmem:$0x18000] =	vst v63  }
0x5c: {  	_ =	swait.ge [sflag:s13], $0x4000  }
0x5d: {  	[sflag:s13] =	ssyncset.done $0x0  }
0x5e: {  	[sflag:s13] =	ssyncadd.s32 $0xFFFFC000  }
0x5f: {  	[spmem:s2] =	stream.indirect.scatter.add.f32 [tilespmem:s12], [sflag:$0x1], $0x80, s18, s14, $0xb8;
	[tilespmem:$0x18000] =	vst v63  }
0x60: {  	_ =	swait.ge [sflag:s13], $0x4000  }
0x61: {  	[sflag:s13] =	ssyncset.done $0x0  }
0x62: {  	[sflag:s13] =	ssyncadd.s32 $0xFFFFC000  }
0x63: {  	[spmem:s2] =	stream.indirect.scatter.add.f32 [tilespmem:s12], [sflag:$0x1], $0x80, s19, s14, $0xb8;
	[tilespmem:$0x18000] =	vst v63  }
0x64: {  	_ =	swait.ge [sflag:s13], $0x4000  }
0x65: {  	[sflag:s13] =	ssyncset.done $0x0  }
0x66: {  	[sflag:s13] =	ssyncadd.s32 $0xFFFFC000  }
0x67: {  	[spmem:s2] =	stream.indirect.scatter.add.f32 [tilespmem:s12], [sflag:$0x1], $0x80, s20, s14, $0xb8;
	[tilespmem:$0x18000] =	vst v63  }
0x68: {  	_ =	swait.ge [sflag:s13], $0x4000  }
0x69: {  	s24 =	simm.s32 $0x80;
	s26 =	simm.s32 $0x100;
	[sflag:s13] =	ssyncset.done $0x0  }
.LBB2_6:
0x6a: {  	s28 =	sadd.s32 s24, s11  }
0x6b: {  	[sflag:s13] =	ssyncadd.s32 $0xFFFFC000;
	s24 =	smov.u32 s26;
	s25 =	sadd.s32 $0x80, s26  }
0x6c: {  	[tilespmem:s3], [sflag:$0x1] =	stream.linear.gather [hbm4b:s28+s3], $0x400, $0x38;
	[tilespmem:$0x18000] =	vst v63  }
0x6d: {  	p0 =	sne.s32 s26, $0x480;
	_ =	swait.ge [sflag:s13], $0x400  }
0x6e: {  	[sflag:s13] =	ssyncset.done $0x0  }
0x6f: {  	[sflag:s13] =	ssyncadd.s32 $0xFFFFFC00  }
0x70: {  	[spmem:s2] =	stream.indirect.scatter.add.f32 [tilespmem:s12], [sflag:$0x1], $0x80, s3, s14, $0xb8;
	[tilespmem:$0x18000] =	vst v63  }
0x71: {  	_ =	swait.ge [sflag:s13], $0x4000  }
0x72: {  	[sflag:s13] =	ssyncset.done $0x0  }
0x73: {  	[sflag:s13] =	ssyncadd.s32 $0xFFFFC000  }
0x74: {  	[spmem:s2] =	stream.indirect.scatter.add.f32 [tilespmem:s12], [sflag:$0x1], $0x80, s14, s14, $0xb8;
	[tilespmem:$0x18000] =	vst v63  }
0x75: {  	_ =	swait.ge [sflag:s13], $0x4000  }
0x76: {  	[sflag:s13] =	ssyncset.done $0x0  }
0x77: {  	[sflag:s13] =	ssyncadd.s32 $0xFFFFC000  }
0x78: {  	[spmem:s2] =	stream.indirect.scatter.add.f32 [tilespmem:s12], [sflag:$0x1], $0x80, s15, s14, $0xb8;
	[tilespmem:$0x18000] =	vst v63  }
0x79: {  	_ =	swait.ge [sflag:s13], $0x4000  }
0x7a: {  	[sflag:s13] =	ssyncset.done $0x0  }
0x7b: {  	[sflag:s13] =	ssyncadd.s32 $0xFFFFC000  }
0x7c: {  	[spmem:s2] =	stream.indirect.scatter.add.f32 [tilespmem:s12], [sflag:$0x1], $0x80, s16, s14, $0xb8;
	[tilespmem:$0x18000] =	vst v63  }
0x7d: {  	_ =	swait.ge [sflag:s13], $0x4000  }
0x7e: {  	[sflag:s13] =	ssyncset.done $0x0  }
0x7f: {  	[sflag:s13] =	ssyncadd.s32 $0xFFFFC000  }
0x80: {  	[spmem:s2] =	stream.indirect.scatter.add.f32 [tilespmem:s12], [sflag:$0x1], $0x80, s17, s14, $0xb8;
	[tilespmem:$0x18000] =	vst v63  }
0x81: {  	_ =	swait.ge [sflag:s13], $0x4000  }
0x82: {  	[sflag:s13] =	ssyncset.done $0x0  }
0x83: {  	[sflag:s13] =	ssyncadd.s32 $0xFFFFC000  }
0x84: {  	[spmem:s2] =	stream.indirect.scatter.add.f32 [tilespmem:s12], [sflag:$0x1], $0x80, s18, s14, $0xb8;
	[tilespmem:$0x18000] =	vst v63  }
0x85: {  	_ =	swait.ge [sflag:s13], $0x4000  }
0x86: {  	[sflag:s13] =	ssyncset.done $0x0  }
0x87: {  	[sflag:s13] =	ssyncadd.s32 $0xFFFFC000  }
0x88: {  	[spmem:s2] =	stream.indirect.scatter.add.f32 [tilespmem:s12], [sflag:$0x1], $0x80, s19, s14, $0xb8;
	[tilespmem:$0x18000] =	vst v63  }
0x89: {  	_ =	swait.ge [sflag:s13], $0x4000  }
.Ltmp2:
0x8a: {  	[sflag:s13] =	ssyncset.done $0x0;
	(pc) =	sbr.rel @p0 .LBB2_6-.Ltmp2, $4  }
0x8b: {  	[sflag:s13] =	ssyncadd.s32 $0xFFFFC000  }
0x8c: {  	[spmem:s2] =	stream.indirect.scatter.add.f32 [tilespmem:s12], [sflag:$0x1], $0x80, s20, s14, $0xb8;
	[tilespmem:$0x18000] =	vst v63  }
0x8d: {  	_ =	swait.ge [sflag:s13], $0x4000  }
0x8e: {  	s26 =	smov.u32 s25;
	[sflag:s13] =	ssyncset.done $0x0  }
0x8f: {  	s24 =	sadd.s32 s24, s11;
	[sflag:s13] =	ssyncadd.s32 $0xFFFFC000  }
0x90: {  	[tilespmem:s3], [sflag:$0x1] =	stream.linear.gather [hbm4b:s24+s3], $0x400, $0x38;
	[tilespmem:$0x18000] =	vst v63  }
0x91: {  	_ =	swait.ge [sflag:s13], $0x400  }
0x92: {  	[sflag:s13] =	ssyncset.done $0x0  }
0x93: {  	[sflag:s13] =	ssyncadd.s32 $0xFFFFFC00  }
0x94: {  	[spmem:s2] =	stream.indirect.scatter.add.f32 [tilespmem:s12], [sflag:$0x1], $0x80, s3, s14, $0xb8;
	[tilespmem:$0x18000] =	vst v63  }
0x95: {  	_ =	swait.ge [sflag:s13], $0x4000  }
0x96: {  	[sflag:s13] =	ssyncset.done $0x0  }
0x97: {  	[sflag:s13] =	ssyncadd.s32 $0xFFFFC000  }
0x98: {  	[spmem:s2] =	stream.indirect.scatter.add.f32 [tilespmem:s12], [sflag:$0x1], $0x80, s14, s14, $0xb8;
	[tilespmem:$0x18000] =	vst v63  }
0x99: {  	_ =	swait.ge [sflag:s13], $0x4000  }
0x9a: {  	[sflag:s13] =	ssyncset.done $0x0  }
0x9b: {  	[sflag:s13] =	ssyncadd.s32 $0xFFFFC000  }
0x9c: {  	[spmem:s2] =	stream.indirect.scatter.add.f32 [tilespmem:s12], [sflag:$0x1], $0x80, s15, s14, $0xb8;
	[tilespmem:$0x18000] =	vst v63  }
0x9d: {  	_ =	swait.ge [sflag:s13], $0x4000  }
0x9e: {  	[sflag:s13] =	ssyncset.done $0x0  }
0x9f: {  	[sflag:s13] =	ssyncadd.s32 $0xFFFFC000  }
0xa0: {  	[spmem:s2] =	stream.indirect.scatter.add.f32 [tilespmem:s12], [sflag:$0x1], $0x80, s16, s14, $0xb8;
	[tilespmem:$0x18000] =	vst v63  }
0xa1: {  	_ =	swait.ge [sflag:s13], $0x4000  }
0xa2: {  	[sflag:s13] =	ssyncset.done $0x0  }
0xa3: {  	[sflag:s13] =	ssyncadd.s32 $0xFFFFC000  }
0xa4: {  	[spmem:s2] =	stream.indirect.scatter.add.f32 [tilespmem:s12], [sflag:$0x1], $0x80, s17, s14, $0xb8;
	[tilespmem:$0x18000] =	vst v63  }
0xa5: {  	_ =	swait.ge [sflag:s13], $0x4000  }
0xa6: {  	[sflag:s13] =	ssyncset.done $0x0  }
0xa7: {  	[sflag:s13] =	ssyncadd.s32 $0xFFFFC000  }
0xa8: {  	[spmem:s2] =	stream.indirect.scatter.add.f32 [tilespmem:s12], [sflag:$0x1], $0x80, s18, s14, $0xb8;
	[tilespmem:$0x18000] =	vst v63  }
0xa9: {  	_ =	swait.ge [sflag:s13], $0x4000  }
0xaa: {  	[sflag:s13] =	ssyncset.done $0x0  }
0xab: {  	[sflag:s13] =	ssyncadd.s32 $0xFFFFC000  }
0xac: {  	[spmem:s2] =	stream.indirect.scatter.add.f32 [tilespmem:s12], [sflag:$0x1], $0x80, s19, s14, $0xb8;
	[tilespmem:$0x18000] =	vst v63  }
0xad: {  	_ =	swait.ge [sflag:s13], $0x4000  }
0xae: {  	[sflag:s13] =	ssyncset.done $0x0  }
0xaf: {  	[sflag:s13] =	ssyncadd.s32 $0xFFFFC000  }
0xb0: {  	[spmem:s2] =	stream.indirect.scatter.add.f32 [tilespmem:s12], [sflag:$0x1], $0x80, s20, s14, $0xb8;
	[tilespmem:$0x18000] =	vst v63  }
0xb1: {  	_ =	swait.ge [sflag:s13], $0x4000  }
0xb2: {  	s23 =	sadd.s32 $0x1, s23;
	[sflag:s13] =	ssyncset.done $0x0  }
0xb3: {  	p0 =	sne.s32 s23, s10;
	[sflag:s13] =	ssyncadd.s32 $0xFFFFC000  }
.Ltmp3:
0xb4: {  	[bflag:$0x0] =	sbarrier.arrive $0xFFFF;
	(pc) =	sbr.rel @p0 .LBB2_1-.Ltmp3, $4  }
0xb5: {  	[hbm:s9], [sflag:s21] =	dma.local [spmem:s22], $0x2780  }
0xb6: {  	_ =	swait.ge [sflag:s13], $0x2780  }
0xb7: {  	[sflag:s13] =	ssyncset.done $0x0  }
0xb8: {  	[sflag:s13] =	ssyncadd.s32 $0xFFFFD880  }
0xb9: {  	_ =	sfence.sel $0x180000  }
0xba: {  	[bflag:$0x0] =	sbarrier.arrive $0xFFFF  }
0xbb: {  	p0 =	sne.s32 s1, $0x0;
	_ =	strace $0x9000004A  }
0xbc: {  	s0 =	sadd.s32 @!p0 $0x100000, s0;
	[bflag:$0x2] =	sbarrier.arrive $0xFFFF  }
0xbd: {  	[sflag:s0] =	ssyncadd.tile.s32 @!p0 $0x1;
	_ =	shalt  }
.Lfunc_end2:
_tile_overlayer_lowered:
.L_overlay_start_2:
0xbe: {  	(tag) =	ssettag $0x2  }
0xbf: {  	s0 =	rddreg [dreg:$0x0];
	s2 =	stileid.u32  }
0xc0: {  	s1 =	rddreg [dreg:$0x1];
	p0 =	sne.s32 s2, $0x0  }
0xc1: {  	s3 =	rddreg [dreg:$0x2];
	[bflag:$0x3] =	sbarrier.arrive $0xFFFF;
	s2 =	simm.s32 @!p0 $0x1C01  }
0xc2: {  	[timem:s3], [sflag:s2] =	dma.local @!p0 [hbm:s0], s1  }
0xc3: {  	s0 =	simm.s32 @!p0 $0x1  }
0xc4: {  	_ =	swait.ge @!p0 [sflag:s0], s1  }
0xc5: {  	s1 =	ssub.s32 @!p0 $0x0, s1;
	[sflag:s0] =	ssyncset.done @!p0 $0x0  }
0xc6: {  	[sflag:s0] =	ssyncadd.s32 @!p0 s1  }
0xc7: {  	[bflag:$0x3] =	sbarrier.arrive $0xFFFF  }
0xc8: {  	_ =	shalt  }

</sc_bundles>
